<compile_context>
chip_gen: v7x
topology: tpu7x:2x2x1
jax: 0.10.2.dev20260603
libtpu: 0.0.44.dev20260713+nightly
codegen_flags: <defaults>
</compile_context>

<pallas_src>
import functools

import jax
import jax.numpy as jnp
from jax.experimental import pallas as pl
from jax.experimental.pallas import tpu as pltpu
from jax.experimental.pallas import tpu_sc as plsc

_NC = 2
_NS = 16


def _pick_edge_window(e):
    for w in (80, 64, 40, 32, 16, 8):
        if e % (_NC * _NS * w) == 0:
            return w, 0
    w = 64
    epad = ((e + _NC * _NS * w - 1) // (_NC * _NS * w)) * (_NC * _NS * w)
    return w, epad - e


def _pick_deg_window(e_padded):
    for w in (200, 160, 128, 80, 64, 40, 32, 16, 8):
        if e_padded % (_NC * _NS * w) == 0:
            return w
    return 8


def _zero_split(nacc):
    for k in range(_NS, 0, -1):
        if nacc % k == 0 and (nacc // k) % 8 == 0:
            return k, nacc // k
    return 1, nacc


_NBUF = 3


def _sc_degree(dst, ones_w, zeros_acc):
    (e,) = dst.shape
    nacc = zeros_acc.shape[0]
    w = ones_w.shape[0]
    chunk = e // (_NC * _NS)
    nwin = chunk // w
    assert nwin >= _NBUF
    nz, rows_per = _zero_split(nacc)

    ni = 6
    assert nwin >= ni

    @functools.partial(
        pl.kernel,
        out_type=jax.ShapeDtypeStruct((_NC, nacc, 128), jnp.float32),
        mesh=plsc.VectorSubcoreMesh(core_axis_name="c", subcore_axis_name="s"),
        scratch_types=[
            [pltpu.VMEM((w,), jnp.int32) for _ in range(ni)],
            pltpu.VMEM((w, 128), jnp.float32),
            pltpu.VMEM_SHARED((nacc, 128), jnp.float32),
            [pltpu.SemaphoreType.DMA for _ in range(ni)],
            [pltpu.SemaphoreType.DMA for _ in range(ni)],
        ],
    )
    def deg_kernel(dst_hbm, ones_hbm, z_hbm, out_hbm, dbuf, ones_v, acc, isem, ssem):
        cid = jax.lax.axis_index("c")
        sid = jax.lax.axis_index("s")
        wid = sid * _NC + cid
        pltpu.sync_copy(ones_hbm, ones_v)

        @pl.when(sid < nz)
        def _():
            pltpu.sync_copy(
                z_hbm.at[pl.ds(sid * rows_per, rows_per)],
                acc.at[pl.ds(sid * rows_per, rows_per)],
            )

        plsc.subcore_barrier()
        base0 = wid * chunk

        def issue_idx(j, b):
            pltpu.async_copy(dst_hbm.at[pl.ds(base0 + j * w, w)], dbuf[b], isem[b])

        def wait_idx(j, b):
            pltpu.make_async_copy(dst_hbm.at[pl.ds(base0 + j * w, w)], dbuf[b], isem[b]).wait()

        def issue_scatter(b):
            pltpu.async_copy(ones_v, acc.at[dbuf[b]], ssem[b], add=True)

        def wait_scatter(b):
            pltpu.make_async_copy(ones_v, acc.at[dbuf[b]], ssem[b]).wait()

        for b in range(ni - 1):
            issue_idx(b, b)

        nouter = -(-nwin // ni) * ni

        @pl.loop(0, nouter, step=ni)
        def _(j0):
            for u in range(ni):
                j = j0 + u

                @pl.when(j < nwin)
                def _():
                    wait_idx(j, u)
                    issue_scatter(u)

                @pl.when(j + ni - 1 < nwin)
                def _():
                    u5 = (u + ni - 1) % ni

                    @pl.when(j >= 1)
                    def _():
                        wait_scatter(u5)

                    issue_idx(j + ni - 1, u5)

        for k in range(nwin - ni, nwin):
            wait_scatter(k % ni)

        plsc.subcore_barrier()

        @pl.when(sid < nz)
        def _():
            pltpu.sync_copy(
                acc.at[pl.ds(sid * rows_per, rows_per)],
                out_hbm.at[cid, pl.ds(sid * rows_per, rows_per)],
            )

    return deg_kernel(dst, ones_w, zeros_acc)


def _sc_edge_agg(g, src, dst, zeros_acc):
    n, h = zeros_acc.shape
    (e,) = src.shape
    w, _ = _pick_edge_window(e)
    chunk = e // (_NC * _NS)
    nwin = chunk // w
    nz, rows_per = _zero_split(n)
    half = n // 2

    ni = 2 * _NBUF
    assert nwin >= ni

    @functools.partial(
        pl.kernel,
        out_type=jax.ShapeDtypeStruct((_NC, n, h), jnp.float32),
        mesh=plsc.VectorSubcoreMesh(core_axis_name="c", subcore_axis_name="s"),
        scratch_types=[
            [pltpu.VMEM((w,), jnp.int32) for _ in range(ni)],
            [pltpu.VMEM((w,), jnp.int32) for _ in range(ni)],
            [pltpu.VMEM((w, h), jnp.float32) for _ in range(_NBUF)],
            pltpu.VMEM_SHARED((n, h), jnp.float32),
            [pltpu.SemaphoreType.DMA for _ in range(ni)],
            [pltpu.SemaphoreType.DMA for _ in range(_NBUF)],
            [pltpu.SemaphoreType.DMA for _ in range(_NBUF)],
        ],
    )
    def agg_kernel(g_hbm, src_hbm, dst_hbm, z_hbm, out_hbm, sbuf, dbuf, rbuf, acc, isem, gsem, ssem):
        cid = jax.lax.axis_index("c")
        sid = jax.lax.axis_index("s")
        wid = sid * _NC + cid

        @pl.when(sid < nz)
        def _():
            pltpu.sync_copy(
                z_hbm.at[pl.ds(sid * rows_per, rows_per)],
                acc.at[pl.ds(sid * rows_per, rows_per)],
            )

        plsc.subcore_barrier()
        base0 = wid * chunk

        def issue_idx(j, b):
            pltpu.async_copy(src_hbm.at[pl.ds(base0 + j * w, w)], sbuf[b], isem[b])
            pltpu.async_copy(dst_hbm.at[pl.ds(base0 + j * w, w)], dbuf[b], isem[b])

        def wait_idx(j, b):
            pltpu.make_async_copy(src_hbm.at[pl.ds(base0 + j * w, w)], sbuf[b], isem[b]).wait()
            pltpu.make_async_copy(dst_hbm.at[pl.ds(base0 + j * w, w)], dbuf[b], isem[b]).wait()

        def issue_gather(bi, br):
            pltpu.async_copy(g_hbm.at[sbuf[bi]], rbuf[br], gsem[br])

        def wait_gather(bi, br):
            pltpu.make_async_copy(g_hbm.at[sbuf[bi]], rbuf[br], gsem[br]).wait()

        def issue_scatter(bi, br):
            pltpu.async_copy(rbuf[br], acc.at[dbuf[bi]], ssem[br], add=True)

        def wait_scatter(bi, br):
            pltpu.make_async_copy(rbuf[br], acc.at[dbuf[bi]], ssem[br]).wait()

        lead = ni - 3
        for b in range(lead):
            issue_idx(b, b)
        for b in range(2):
            wait_idx(b, b)
            issue_gather(b, b)

        nouter = -(-nwin // ni) * ni

        @pl.loop(0, nouter, step=ni)
        def _(j0):
            for u in range(ni):
                j = j0 + u
                br = u % _NBUF

                @pl.when(j < nwin)
                def _():
                    wait_gather(u, br)
                    issue_scatter(u, br)

                @pl.when(j + 2 < nwin)
                def _():
                    u2 = (u + 2) % ni

                    @pl.when(j >= _NBUF - 2)
                    def _():
                        wait_scatter((u + ni + 2 - _NBUF) % ni, (u + 2) % _NBUF)

                    wait_idx(j + 2, u2)
                    issue_gather(u2, (u + 2) % _NBUF)

                @pl.when(j + lead < nwin)
                def _():
                    issue_idx(j + lead, (u + lead) % ni)

        for k in range(nwin - _NBUF, nwin):
            wait_scatter(k % ni, k % _NBUF)

        plsc.subcore_barrier()

        @pl.when(sid < nz)
        def _():
            pltpu.sync_copy(
                acc.at[pl.ds(sid * rows_per, rows_per)],
                out_hbm.at[cid, pl.ds(sid * rows_per, rows_per)],
            )

    return agg_kernel(g, src, dst, zeros_acc)


def _dinv_block(da, db):
    return jax.lax.rsqrt(1.0 + da[:, :1] + db[:, :1])


def _pick_node_block(n):
    for nb in (1000, 2000, 500, 1250, 200, 8):
        if n % nb == 0 and nb % 8 == 0:
            return nb
    return n


def _tc_k0(x, w0, b0, w1, b1, gw1):
    n, h = x.shape
    nb = _pick_node_block(n)

    def body(x_r, w0_r, b0_r, w1_r, b1_r, gw_r, o_r):
        a = jnp.maximum(jnp.dot(x_r[...], w0_r[...], preferred_element_type=jnp.float32) + b0_r[...], 0.0)
        h0 = jnp.dot(a, w1_r[...], preferred_element_type=jnp.float32) + b1_r[...]
        o_r[...] = jnp.dot(h0, gw_r[...], preferred_element_type=jnp.float32)

    full = lambda i: (0, 0)
    row = lambda i: (i, 0)
    return pl.pallas_call(
        body,
        grid=(n // nb,),
        in_specs=[
            pl.BlockSpec((nb, h), row),
            pl.BlockSpec((h, h), full), pl.BlockSpec((1, h), full),
            pl.BlockSpec((h, h), full), pl.BlockSpec((1, h), full),
            pl.BlockSpec((h, h), full),
        ],
        out_specs=pl.BlockSpec((nb, h), row),
        out_shape=jax.ShapeDtypeStruct((n, h), jnp.float32),
        compiler_params=pltpu.CompilerParams(dimension_semantics=("parallel",)),
    )(x, w0, b0.reshape(1, h), w1, b1.reshape(1, h), gw1)


def _tc_scale(u, dega, degb):
    n, h = u.shape
    nb = _pick_node_block(n)

    def body(u_r, da_r, db_r, o_r):
        o_r[...] = _dinv_block(da_r[...], db_r[...]) * u_r[...]

    row = lambda i: (i, 0)
    return pl.pallas_call(
        body,
        grid=(n // nb,),
        in_specs=[
            pl.BlockSpec((nb, h), row),
            pl.BlockSpec((nb, 128), row), pl.BlockSpec((nb, 128), row),
        ],
        out_specs=pl.BlockSpec((nb, h), row),
        out_shape=jax.ShapeDtypeStruct((n, h), jnp.float32),
        compiler_params=pltpu.CompilerParams(dimension_semantics=("parallel",)),
    )(u, dega, degb)


def _tc_layer(agga, aggb, g_prev, b_prev, w_next, dega, degb):
    n, h = g_prev.shape
    nb = _pick_node_block(n)

    def body(aa_r, ab_r, g_r, b_r, w_r, da_r, db_r, o_r):
        dinv = _dinv_block(da_r[...], db_r[...])
        hcur = jnp.maximum(dinv * (aa_r[...] + ab_r[...] + g_r[...]) + b_r[...], 0.0)
        u = jnp.dot(hcur, w_r[...], preferred_element_type=jnp.float32)
        o_r[...] = dinv * u

    full = lambda i: (0, 0)
    row = lambda i: (i, 0)
    return pl.pallas_call(
        body,
        grid=(n // nb,),
        in_specs=[
            pl.BlockSpec((nb, h), row), pl.BlockSpec((nb, h), row),
            pl.BlockSpec((nb, h), row), pl.BlockSpec((1, h), full),
            pl.BlockSpec((h, h), full),
            pl.BlockSpec((nb, 128), row), pl.BlockSpec((nb, 128), row),
        ],
        out_specs=pl.BlockSpec((nb, h), row),
        out_shape=jax.ShapeDtypeStruct((n, h), jnp.float32),
        compiler_params=pltpu.CompilerParams(dimension_semantics=("parallel",)),
    )(agga, aggb, g_prev, b_prev.reshape(1, h), w_next, dega, degb)


def _tc_readout(agga, aggb, g3, gb3, dega, degb, l1w, l1b, l2row, l2b, batch, num_graphs):
    n, h = g3.shape
    h2 = l1w.shape[1]
    nb = _pick_node_block(n)
    grid = n // nb
    batch3 = batch.reshape(grid, 1, nb)

    def body(aa_r, ab_r, g_r, b_r, da_r, db_r, l1w_r, l1b_r, l2_r, l2b_r, bm_r, o_r):
        i = pl.program_id(0)
        dinv = _dinv_block(da_r[...], db_r[...])
        hcur = jnp.maximum(dinv * (aa_r[...] + ab_r[...] + g_r[...]) + b_r[...], 0.0)
        z1 = jnp.maximum(jnp.dot(hcur, l1w_r[...], preferred_element_type=jnp.float32) + l1b_r[...], 0.0)
        z2 = jnp.sum(z1 * l2_r[...], axis=1) + l2b_r[0, 0]
        bm = bm_r[0, 0, :]
        gids = jax.lax.broadcasted_iota(jnp.int32, (num_graphs, nb), 0)
        onehot = (gids == bm[None, :]).astype(jnp.float32)
        seg = jnp.sum(onehot * z2[None, :], axis=1)

        @pl.when(i == 0)
        def _():
            o_r[...] = jnp.zeros_like(o_r)

        o_r[...] = o_r[...] + seg[:, None]

    full = lambda i: (0, 0)
    row = lambda i: (i, 0)
    return pl.pallas_call(
        body,
        grid=(grid,),
        in_specs=[
            pl.BlockSpec((nb, h), row), pl.BlockSpec((nb, h), row),
            pl.BlockSpec((nb, h), row), pl.BlockSpec((1, h), full),
            pl.BlockSpec((nb, 128), row), pl.BlockSpec((nb, 128), row),
            pl.BlockSpec((h, h2), full), pl.BlockSpec((1, h2), full),
            pl.BlockSpec((1, h2), full), pl.BlockSpec((1, 1), full),
            pl.BlockSpec((1, 1, nb), lambda i: (i, 0, 0)),
        ],
        out_specs=pl.BlockSpec((num_graphs, 128), full),
        out_shape=jax.ShapeDtypeStruct((num_graphs, 128), jnp.float32),
        compiler_params=pltpu.CompilerParams(dimension_semantics=("arbitrary",)),
    )(agga, aggb, g3, gb3.reshape(1, h), dega, degb, l1w, l1b.reshape(1, h2),
      l2row, l2b.reshape(1, 1), batch3)


def kernel(x, pos, edge_index, batch, W0, b0, W1, b1, gW1, gb1, gW2, gb2, gW3, gb3, l1W, l1b, l2W, l2b):
    n, h = x.shape
    e = edge_index.shape[1]
    num_graphs = 64

    src = edge_index[0].astype(jnp.int32)
    dst = edge_index[1].astype(jnp.int32)
    w, pad = _pick_edge_window(e)
    npad = 16 if pad else 0
    if pad:
        src = jnp.concatenate([src, jnp.full((pad,), n, jnp.int32)])
        dst_deg = jnp.concatenate([dst, jnp.full((pad,), n, jnp.int32)])
        dst = jnp.concatenate([dst, jnp.zeros((pad,), jnp.int32)])
    else:
        dst_deg = dst

    ones_w = jnp.ones((_pick_deg_window(e + pad), 128), jnp.float32)
    zeros_deg = jnp.zeros((n + npad, 128), jnp.float32)
    zeros_acc = jnp.zeros((n, h), jnp.float32)
    zrows = jnp.zeros((npad, h), jnp.float32)

    deg_parts = _sc_degree(dst_deg, ones_w, zeros_deg)
    dega = deg_parts[0, :n, :]
    degb = deg_parts[1, :n, :]

    g = _tc_scale(_tc_k0(x, W0, b0, W1, b1, gW1), dega, degb)
    for b_prev, w_next in ((gb1, gW2), (gb2, gW3)):
        gf = jnp.concatenate([g, zrows], axis=0) if pad else g
        agg = _sc_edge_agg(gf, src, dst, zeros_acc)
        g = _tc_layer(agg[0], agg[1], g, b_prev, w_next, dega, degb)

    gf = jnp.concatenate([g, zrows], axis=0) if pad else g
    agg = _sc_edge_agg(gf, src, dst, zeros_acc)
    out = _tc_readout(agg[0], agg[1], g, gb3, dega, degb, l1W, l1b,
                      l2W.reshape(1, -1), l2b, batch.astype(jnp.int32), num_graphs)
    return out[:, :1]

# --- scband reference (transcript-rebuilt; emitter-appended) ---
"""Pipeline reference for scband-gcnnet-30442728194281 (READ-ONLY COPY).

The authoritative reference and input builder live on the scoring server;
editing this copy changes nothing except your own understanding.
"""

import jax, jax.numpy as jnp
import numpy as np

N = 10000
E = 320000
H = 128
G = 64

def _glorot(k, shape):
    lim = (6.0 / (shape[0] + shape[1])) ** 0.5
    return jax.random.uniform(k, shape, jnp.float32, -lim, lim)

def setup_inputs(seed: int = 0):
    key = jax.random.key(seed)
    ks = jax.random.split(key, 16)
    inp = {}
    inp['x'] = jax.random.normal(ks[0], (N, H), jnp.float32)
    inp['pos'] = jax.random.normal(ks[1], (N, 3), jnp.float32)
    inp['edge_index'] = jax.random.randint(ks[2], (2, E), 0, N)
    inp['batch'] = jnp.sort(jax.random.randint(ks[3], (N,), 0, G))
    inp['W0'] = _glorot(ks[4], (H, H)); inp['b0'] = jnp.zeros((H,), jnp.float32)
    inp['W1'] = _glorot(ks[5], (H, H)); inp['b1'] = jnp.zeros((H,), jnp.float32)
    inp['gW1'] = _glorot(ks[6], (H, H)); inp['gb1'] = jnp.zeros((H,), jnp.float32)
    inp['gW2'] = _glorot(ks[7], (H, H)); inp['gb2'] = jnp.zeros((H,), jnp.float32)
    inp['gW3'] = _glorot(ks[8], (H, H)); inp['gb3'] = jnp.zeros((H,), jnp.float32)
    inp['l1W'] = _glorot(ks[9], (H, H // 2)); inp['l1b'] = jnp.zeros((H // 2,), jnp.float32)
    inp['l2W'] = _glorot(ks[10], (H // 2, 1)); inp['l2b'] = jnp.zeros((1,), jnp.float32)
    return inp

def _gcn_conv(h, src, dst, n, W, b):
    # GCNConv: x' = D^{-1/2} (A + I) D^{-1/2} X W + b (self-loops already in src/dst)
    deg = jnp.zeros((n,), h.dtype).at[dst].add(jnp.ones(src.shape[0], dtype=h.dtype))
    dinv = jnp.where(deg > 0, jax.lax.rsqrt(jnp.maximum(deg, 1e-12)), 0.0)
    norm = dinv[src] * dinv[dst]
    hw = h @ W
    msg = hw[src] * norm[:, None]
    out = jnp.zeros_like(hw).at[dst].add(msg)
    return out + b

def reference(x, pos, edge_index, batch, W0, b0, W1, b1, gW1, gb1, gW2, gb2, gW3, gb3, l1W, l1b, l2W, l2b):
    n = x.shape[0]
    loop = jnp.arange(n, dtype=edge_index.dtype)
    src = jnp.concatenate([edge_index[0], loop])
    dst = jnp.concatenate([edge_index[1], loop])
    # node_lin: Linear -> ReLU -> Linear
    h = jax.nn.relu(x @ W0 + b0) @ W1 + b1
    for W, b in ((gW1, gb1), (gW2, gb2), (gW3, gb3)):
        h = jax.nn.relu(_gcn_conv(h, src, dst, n, W, b))
    h = jax.nn.relu(h @ l1W + l1b)
    h = h @ l2W + l2b
    out = jax.ops.segment_sum(h, batch, num_segments=G)
    return out

if __name__ == "__main__":
    import jax
    _d = setup_inputs()
    print(jax.jit(kernel)(*tuple(_d.values())))

</pallas_src>

<mosaic_0001>
#map = affine_map<(d0, d1) -> (0, 0)>
#map1 = affine_map<(d0, d1) -> (0)>
#map2 = affine_map<(d0, d1) -> (0, 0, 0)>
module attributes {stable_mosaic.version = 14 : i64} {
  func.func @agg_kernel(%arg0: i32, %arg1: i32, %arg2: memref<10000x128xf32, #tpu.memory_space<hbm>>, %arg3: memref<320000xi32, #tpu.memory_space<hbm>>, %arg4: memref<320000xi32, #tpu.memory_space<hbm>>, %arg5: memref<10000x128xf32, #tpu.memory_space<hbm>>, %arg6: memref<2x10000x128xf32, #tpu.memory_space<hbm>>, %arg7: memref<80xi32, #tpu.memory_space<vmem>>, %arg8: memref<80xi32, #tpu.memory_space<vmem>>, %arg9: memref<80xi32, #tpu.memory_space<vmem>>, %arg10: memref<80xi32, #tpu.memory_space<vmem>>, %arg11: memref<80xi32, #tpu.memory_space<vmem>>, %arg12: memref<80xi32, #tpu.memory_space<vmem>>, %arg13: memref<80xi32, #tpu.memory_space<vmem>>, %arg14: memref<80xi32, #tpu.memory_space<vmem>>, %arg15: memref<80xi32, #tpu.memory_space<vmem>>, %arg16: memref<80xi32, #tpu.memory_space<vmem>>, %arg17: memref<80xi32, #tpu.memory_space<vmem>>, %arg18: memref<80xi32, #tpu.memory_space<vmem>>, %arg19: memref<80x128xf32, #tpu.memory_space<vmem>>, %arg20: memref<80x128xf32, #tpu.memory_space<vmem>>, %arg21: memref<80x128xf32, #tpu.memory_space<vmem>>, %arg22: memref<10000x128xf32, #tpu.memory_space<vmem_shared>>, %arg23: memref<!tpu.dma_semaphore, #tpu.memory_space<semaphore_mem>>, %arg24: memref<!tpu.dma_semaphore, #tpu.memory_space<semaphore_mem>>, %arg25: memref<!tpu.dma_semaphore, #tpu.memory_space<semaphore_mem>>, %arg26: memref<!tpu.dma_semaphore, #tpu.memory_space<semaphore_mem>>, %arg27: memref<!tpu.dma_semaphore, #tpu.memory_space<semaphore_mem>>, %arg28: memref<!tpu.dma_semaphore, #tpu.memory_space<semaphore_mem>>, %arg29: memref<!tpu.dma_semaphore, #tpu.memory_space<semaphore_mem>>, %arg30: memref<!tpu.dma_semaphore, #tpu.memory_space<semaphore_mem>>, %arg31: memref<!tpu.dma_semaphore, #tpu.memory_space<semaphore_mem>>, %arg32: memref<!tpu.dma_semaphore, #tpu.memory_space<semaphore_mem>>, %arg33: memref<!tpu.dma_semaphore, #tpu.memory_space<semaphore_mem>>, %arg34: memref<!tpu.dma_semaphore, #tpu.memory_space<semaphore_mem>>) attributes {dimension_semantics = [#tpu.dimension_semantics<core_parallel>, #tpu.dimension_semantics<subcore_parallel>], iteration_bounds = array<i64: 2, 16>, scalar_prefetch = 0 : i64, scratch_operands = 28 : i64, tpu.core_type = #tpu.core_type<sc_vector_subcore>, window_params = [{transform_indices = #map}, {transform_indices = #map1}, {transform_indices = #map1}, {transform_indices = #map}, {transform_indices = #map2}]} {
    %mul3A = arith.constant 2 : i32
    %mul3A_0 = arith.muli %arg1, %mul3A : i32
    %add3A = arith.addi %mul3A_0, %arg0 : i32
    %lt3A = arith.constant 10 : i32
    %lt3A_1 = arith.cmpi slt, %arg1, %lt3A : i32
    %convert_element_type3A = arith.extui %lt3A_1 : i1 to i32
    %cond3A = arith.constant 0 : i32
    %cond3A_2 = arith.cmpi ne, %convert_element_type3A, %cond3A : i32
    scf.if %cond3A_2 {
      %mul3A_68 = arith.constant 1000 : i32
      %mul3A_69 = arith.muli %arg1, %mul3A_68 : i32
      %mul3A_70 = arith.constant 1000 : i32
      %mul3A_71 = arith.muli %arg1, %mul3A_70 : i32
      "tpu.region"() ({
        %run_scoped3A = tpu.sem_alloc : memref<!tpu.dma_semaphore, #tpu.memory_space<semaphore_mem>>
        %dma_start3A_72 = arith.constant 0 : i32
        %dma_start3A_73 = tpu.memref_slice %arg22[%mul3A_71, %dma_start3A_72] : memref<10000x128xf32, #tpu.memory_space<vmem_shared>> -> memref<1000x128xf32, #tpu.memory_space<vmem_shared>>
        %dma_start3A_74 = arith.constant 0 : i32
        %dma_start3A_75 = tpu.memref_slice %arg5[%mul3A_69, %dma_start3A_74] : memref<10000x128xf32, #tpu.memory_space<hbm>> -> memref<1000x128xf32, #tpu.memory_space<hbm>>
        tpu.enqueue_dma source(%dma_start3A_75 : memref<1000x128xf32, #tpu.memory_space<hbm>>) target(%dma_start3A_73 : memref<1000x128xf32, #tpu.memory_space<vmem_shared>>) target_semaphore(%run_scoped3A : memref<!tpu.dma_semaphore, #tpu.memory_space<semaphore_mem>>)
        %dma_wait3A_76 = arith.constant 0 : i32
        %dma_wait3A_77 = tpu.memref_slice %arg22[%mul3A_71, %dma_wait3A_76] : memref<10000x128xf32, #tpu.memory_space<vmem_shared>> -> memref<1000x128xf32, #tpu.memory_space<vmem_shared>>
        %dma_wait3A_78 = arith.constant 0 : i32
        %dma_wait3A_79 = tpu.memref_slice %arg5[%mul3A_69, %dma_wait3A_78] : memref<10000x128xf32, #tpu.memory_space<hbm>> -> memref<1000x128xf32, #tpu.memory_space<hbm>>
        tpu.wait_dma2 semaphore(%run_scoped3A : memref<!tpu.dma_semaphore, #tpu.memory_space<semaphore_mem>>) src(%dma_wait3A_79 : memref<1000x128xf32, #tpu.memory_space<hbm>>) dst(%dma_wait3A_77 : memref<1000x128xf32, #tpu.memory_space<vmem_shared>>)
        tpu.yield
      }) : () -> ()
    } else {
    }
    %barrier3A = arith.constant 0 : index
    tpu.barrier barrier_id(%barrier3A)
    %mul3A_3 = arith.constant 10000 : i32
    %mul3A_4 = arith.muli %add3A, %mul3A_3 : i32
    %add3A_5 = arith.constant 0 : i32
    %add3A_6 = arith.addi %mul3A_4, %add3A_5 : i32
    %dma_start3A = tpu.memref_slice %arg3[%add3A_6] : memref<320000xi32, #tpu.memory_space<hbm>> -> memref<80xi32, #tpu.memory_space<hbm>>
    %dma_start3A_7 = tpu.memref_slice %arg3[%add3A_6] : memref<320000xi32, #tpu.memory_space<hbm>> -> memref<80xi32, #tpu.memory_space<hbm>>
    tpu.enqueue_dma source(%dma_start3A_7 : memref<80xi32, #tpu.memory_space<hbm>>) target(%arg7 : memref<80xi32, #tpu.memory_space<vmem>>) target_semaphore(%arg23 : memref<!tpu.dma_semaphore, #tpu.memory_space<semaphore_mem>>)
    %add3A_8 = arith.constant 0 : i32
    %add3A_9 = arith.addi %mul3A_4, %add3A_8 : i32
    %dma_start3A_10 = tpu.memref_slice %arg4[%add3A_9] : memref<320000xi32, #tpu.memory_space<hbm>> -> memref<80xi32, #tpu.memory_space<hbm>>
    %dma_start3A_11 = tpu.memref_slice %arg4[%add3A_9] : memref<320000xi32, #tpu.memory_space<hbm>> -> memref<80xi32, #tpu.memory_space<hbm>>
    tpu.enqueue_dma source(%dma_start3A_11 : memref<80xi32, #tpu.memory_space<hbm>>) target(%arg13 : memref<80xi32, #tpu.memory_space<vmem>>) target_semaphore(%arg23 : memref<!tpu.dma_semaphore, #tpu.memory_space<semaphore_mem>>)
    %add3A_12 = arith.constant 80 : i32
    %add3A_13 = arith.addi %mul3A_4, %add3A_12 : i32
    %dma_start3A_14 = tpu.memref_slice %arg3[%add3A_13] : memref<320000xi32, #tpu.memory_space<hbm>> -> memref<80xi32, #tpu.memory_space<hbm>>
    %dma_start3A_15 = tpu.memref_slice %arg3[%add3A_13] : memref<320000xi32, #tpu.memory_space<hbm>> -> memref<80xi32, #tpu.memory_space<hbm>>
    tpu.enqueue_dma source(%dma_start3A_15 : memref<80xi32, #tpu.memory_space<hbm>>) target(%arg8 : memref<80xi32, #tpu.memory_space<vmem>>) target_semaphore(%arg24 : memref<!tpu.dma_semaphore, #tpu.memory_space<semaphore_mem>>)
    %add3A_16 = arith.constant 80 : i32
    %add3A_17 = arith.addi %mul3A_4, %add3A_16 : i32
    %dma_start3A_18 = tpu.memref_slice %arg4[%add3A_17] : memref<320000xi32, #tpu.memory_space<hbm>> -> memref<80xi32, #tpu.memory_space<hbm>>
    %dma_start3A_19 = tpu.memref_slice %arg4[%add3A_17] : memref<320000xi32, #tpu.memory_space<hbm>> -> memref<80xi32, #tpu.memory_space<hbm>>
    tpu.enqueue_dma source(%dma_start3A_19 : memref<80xi32, #tpu.memory_space<hbm>>) target(%arg14 : memref<80xi32, #tpu.memory_space<vmem>>) target_semaphore(%arg24 : memref<!tpu.dma_semaphore, #tpu.memory_space<semaphore_mem>>)
    %add3A_20 = arith.constant 160 : i32
    %add3A_21 = arith.addi %mul3A_4, %add3A_20 : i32
    %dma_start3A_22 = tpu.memref_slice %arg3[%add3A_21] : memref<320000xi32, #tpu.memory_space<hbm>> -> memref<80xi32, #tpu.memory_space<hbm>>
    %dma_start3A_23 = tpu.memref_slice %arg3[%add3A_21] : memref<320000xi32, #tpu.memory_space<hbm>> -> memref<80xi32, #tpu.memory_space<hbm>>
    tpu.enqueue_dma source(%dma_start3A_23 : memref<80xi32, #tpu.memory_space<hbm>>) target(%arg9 : memref<80xi32, #tpu.memory_space<vmem>>) target_semaphore(%arg25 : memref<!tpu.dma_semaphore, #tpu.memory_space<semaphore_mem>>)
    %add3A_24 = arith.constant 160 : i32
    %add3A_25 = arith.addi %mul3A_4, %add3A_24 : i32
    %dma_start3A_26 = tpu.memref_slice %arg4[%add3A_25] : memref<320000xi32, #tpu.memory_space<hbm>> -> memref<80xi32, #tpu.memory_space<hbm>>
    %dma_start3A_27 = tpu.memref_slice %arg4[%add3A_25] : memref<320000xi32, #tpu.memory_space<hbm>> -> memref<80xi32, #tpu.memory_space<hbm>>
    tpu.enqueue_dma source(%dma_start3A_27 : memref<80xi32, #tpu.memory_space<hbm>>) target(%arg15 : memref<80xi32, #tpu.memory_space<vmem>>) target_semaphore(%arg25 : memref<!tpu.dma_semaphore, #tpu.memory_space<semaphore_mem>>)
    %add3A_28 = arith.constant 0 : i32
    %add3A_29 = arith.addi %mul3A_4, %add3A_28 : i32
    %dma_wait3A = tpu.memref_slice %arg3[%add3A_29] : memref<320000xi32, #tpu.memory_space<hbm>> -> memref<80xi32, #tpu.memory_space<hbm>>
    %dma_wait3A_30 = tpu.memref_slice %arg3[%add3A_29] : memref<320000xi32, #tpu.memory_space<hbm>> -> memref<80xi32, #tpu.memory_space<hbm>>
    tpu.wait_dma2 semaphore(%arg23 : memref<!tpu.dma_semaphore, #tpu.memory_space<semaphore_mem>>) src(%dma_wait3A_30 : memref<80xi32, #tpu.memory_space<hbm>>) dst(%arg7 : memref<80xi32, #tpu.memory_space<vmem>>)
    %add3A_31 = arith.constant 0 : i32
    %add3A_32 = arith.addi %mul3A_4, %add3A_31 : i32
    %dma_wait3A_33 = tpu.memref_slice %arg4[%add3A_32] : memref<320000xi32, #tpu.memory_space<hbm>> -> memref<80xi32, #tpu.memory_space<hbm>>
    %dma_wait3A_34 = tpu.memref_slice %arg4[%add3A_32] : memref<320000xi32, #tpu.memory_space<hbm>> -> memref<80xi32, #tpu.memory_space<hbm>>
    tpu.wait_dma2 semaphore(%arg23 : memref<!tpu.dma_semaphore, #tpu.memory_space<semaphore_mem>>) src(%dma_wait3A_34 : memref<80xi32, #tpu.memory_space<hbm>>) dst(%arg13 : memref<80xi32, #tpu.memory_space<vmem>>)
    %dma_start3A_35 = arith.constant 0 : i32
    %dma_start3A_36 = arith.constant 0 : i32
    %dma_start3A_37 = tpu.memref_slice %arg2[%dma_start3A_35, %dma_start3A_36] : memref<10000x128xf32, #tpu.memory_space<hbm>> -> memref<10000x128xf32, #tpu.memory_space<hbm>>
    tpu.enqueue_indirect_dma source(%dma_start3A_37 : memref<10000x128xf32, #tpu.memory_space<hbm>>) target(%arg19 : memref<80x128xf32, #tpu.memory_space<vmem>>) offsets(%arg7 : memref<80xi32, #tpu.memory_space<vmem>>) semaphore(%arg29 : memref<!tpu.dma_semaphore, #tpu.memory_space<semaphore_mem>>)
    %add3A_38 = arith.constant 80 : i32
    %add3A_39 = arith.addi %mul3A_4, %add3A_38 : i32
    %dma_wait3A_40 = tpu.memref_slice %arg3[%add3A_39] : memref<320000xi32, #tpu.memory_space<hbm>> -> memref<80xi32, #tpu.memory_space<hbm>>
    %dma_wait3A_41 = tpu.memref_slice %arg3[%add3A_39] : memref<320000xi32, #tpu.memory_space<hbm>> -> memref<80xi32, #tpu.memory_space<hbm>>
    tpu.wait_dma2 semaphore(%arg24 : memref<!tpu.dma_semaphore, #tpu.memory_space<semaphore_mem>>) src(%dma_wait3A_41 : memref<80xi32, #tpu.memory_space<hbm>>) dst(%arg8 : memref<80xi32, #tpu.memory_space<vmem>>)
    %add3A_42 = arith.constant 80 : i32
    %add3A_43 = arith.addi %mul3A_4, %add3A_42 : i32
    %dma_wait3A_44 = tpu.memref_slice %arg4[%add3A_43] : memref<320000xi32, #tpu.memory_space<hbm>> -> memref<80xi32, #tpu.memory_space<hbm>>
    %dma_wait3A_45 = tpu.memref_slice %arg4[%add3A_43] : memref<320000xi32, #tpu.memory_space<hbm>> -> memref<80xi32, #tpu.memory_space<hbm>>
    tpu.wait_dma2 semaphore(%arg24 : memref<!tpu.dma_semaphore, #tpu.memory_space<semaphore_mem>>) src(%dma_wait3A_45 : memref<80xi32, #tpu.memory_space<hbm>>) dst(%arg14 : memref<80xi32, #tpu.memory_space<vmem>>)
    %dma_start3A_46 = arith.constant 0 : i32
    %dma_start3A_47 = arith.constant 0 : i32
    %dma_start3A_48 = tpu.memref_slice %arg2[%dma_start3A_46, %dma_start3A_47] : memref<10000x128xf32, #tpu.memory_space<hbm>> -> memref<10000x128xf32, #tpu.memory_space<hbm>>
    tpu.enqueue_indirect_dma source(%dma_start3A_48 : memref<10000x128xf32, #tpu.memory_space<hbm>>) target(%arg20 : memref<80x128xf32, #tpu.memory_space<vmem>>) offsets(%arg8 : memref<80xi32, #tpu.memory_space<vmem>>) semaphore(%arg30 : memref<!tpu.dma_semaphore, #tpu.memory_space<semaphore_mem>>)
    %scan3A = arith.constant 0 : i32
    %scan3A_49 = arith.constant 21 : i32
    %scan3A_50 = arith.addi %scan3A, %scan3A_49 : i32
    %scan3A_51 = arith.constant 1 : i32
    scf.for %scan3A_68 = %scan3A to %scan3A_50 step %scan3A_51  : i32 {
      %mul3A_69 = arith.constant 6 : i32
      %mul3A_70 = arith.muli %scan3A_68, %mul3A_69 : i32
      %add3A_71 = arith.constant 0 : i32
      %add3A_72 = arith.addi %add3A_71, %mul3A_70 : i32
      %add3A_73 = arith.constant 0 : i32
      %add3A_74 = arith.addi %add3A_72, %add3A_73 : i32
      %lt3A_75 = arith.constant 125 : i32
      %lt3A_76 = arith.cmpi slt, %add3A_74, %lt3A_75 : i32
      %convert_element_type3A_77 = arith.extui %lt3A_76 : i1 to i32
      %cond3A_78 = arith.constant 0 : i32
      %cond3A_79 = arith.cmpi ne, %convert_element_type3A_77, %cond3A_78 : i32
      scf.if %cond3A_79 {
        %dma_wait3A_199 = arith.constant 0 : i32
        %dma_wait3A_200 = arith.constant 0 : i32
        %dma_wait3A_201 = tpu.memref_slice %arg2[%dma_wait3A_199, %dma_wait3A_200] : memref<10000x128xf32, #tpu.memory_space<hbm>> -> memref<10000x128xf32, #tpu.memory_space<hbm>>
        tpu.wait_indirect_dma semaphore(%arg29 : memref<!tpu.dma_semaphore, #tpu.memory_space<semaphore_mem>>) src(%dma_wait3A_201 : memref<10000x128xf32, #tpu.memory_space<hbm>>) dst(%arg19 : memref<80x128xf32, #tpu.memory_space<vmem>>)
        %dma_start3A_202 = arith.constant 0 : i32
        %dma_start3A_203 = arith.constant 0 : i32
        %dma_start3A_204 = tpu.memref_slice %arg22[%dma_start3A_202, %dma_start3A_203] : memref<10000x128xf32, #tpu.memory_space<vmem_shared>> -> memref<10000x128xf32, #tpu.memory_space<vmem_shared>>
        tpu.enqueue_indirect_dma source(%arg19 : memref<80x128xf32, #tpu.memory_space<vmem>>) target(%dma_start3A_204 : memref<10000x128xf32, #tpu.memory_space<vmem_shared>>) offsets(%arg13 : memref<80xi32, #tpu.memory_space<vmem>>) semaphore(%arg32 : memref<!tpu.dma_semaphore, #tpu.memory_space<semaphore_mem>>) {add = true}
      } else {
      }
      %add3A_80 = arith.constant 2 : i32
      %add3A_81 = arith.addi %add3A_74, %add3A_80 : i32
      %lt3A_82 = arith.constant 125 : i32
      %lt3A_83 = arith.cmpi slt, %add3A_81, %lt3A_82 : i32
      %convert_element_type3A_84 = arith.extui %lt3A_83 : i1 to i32
      %cond3A_85 = arith.constant 0 : i32
      %cond3A_86 = arith.cmpi ne, %convert_element_type3A_84, %cond3A_85 : i32
      scf.if %cond3A_86 {
        %ge3A = arith.constant 1 : i32
        %ge3A_199 = arith.cmpi sge, %add3A_74, %ge3A : i32
        %convert_element_type3A_200 = arith.extui %ge3A_199 : i1 to i32
        %cond3A_201 = arith.constant 0 : i32
        %cond3A_202 = arith.cmpi ne, %convert_element_type3A_200, %cond3A_201 : i32
        scf.if %cond3A_202 {
          %dma_wait3A_218 = arith.constant 0 : i32
          %dma_wait3A_219 = arith.constant 0 : i32
          %dma_wait3A_220 = tpu.memref_slice %arg22[%dma_wait3A_218, %dma_wait3A_219] : memref<10000x128xf32, #tpu.memory_space<vmem_shared>> -> memref<10000x128xf32, #tpu.memory_space<vmem_shared>>
          tpu.wait_indirect_dma semaphore(%arg34 : memref<!tpu.dma_semaphore, #tpu.memory_space<semaphore_mem>>) src(%arg21 : memref<80x128xf32, #tpu.memory_space<vmem>>) dst(%dma_wait3A_220 : memref<10000x128xf32, #tpu.memory_space<vmem_shared>>)
        } else {
        }
        %add3A_203 = arith.constant 2 : i32
        %add3A_204 = arith.addi %add3A_74, %add3A_203 : i32
        %mul3A_205 = arith.constant 80 : i32
        %mul3A_206 = arith.muli %add3A_204, %mul3A_205 : i32
        %add3A_207 = arith.addi %mul3A_4, %mul3A_206 : i32
        %dma_wait3A_208 = tpu.memref_slice %arg3[%add3A_207] : memref<320000xi32, #tpu.memory_space<hbm>> -> memref<80xi32, #tpu.memory_space<hbm>>
        %dma_wait3A_209 = tpu.memref_slice %arg3[%add3A_207] : memref<320000xi32, #tpu.memory_space<hbm>> -> memref<80xi32, #tpu.memory_space<hbm>>
        tpu.wait_dma2 semaphore(%arg25 : memref<!tpu.dma_semaphore, #tpu.memory_space<semaphore_mem>>) src(%dma_wait3A_209 : memref<80xi32, #tpu.memory_space<hbm>>) dst(%arg9 : memref<80xi32, #tpu.memory_space<vmem>>)
        %mul3A_210 = arith.constant 80 : i32
        %mul3A_211 = arith.muli %add3A_204, %mul3A_210 : i32
        %add3A_212 = arith.addi %mul3A_4, %mul3A_211 : i32
        %dma_wait3A_213 = tpu.memref_slice %arg4[%add3A_212] : memref<320000xi32, #tpu.memory_space<hbm>> -> memref<80xi32, #tpu.memory_space<hbm>>
        %dma_wait3A_214 = tpu.memref_slice %arg4[%add3A_212] : memref<320000xi32, #tpu.memory_space<hbm>> -> memref<80xi32, #tpu.memory_space<hbm>>
        tpu.wait_dma2 semaphore(%arg25 : memref<!tpu.dma_semaphore, #tpu.memory_space<semaphore_mem>>) src(%dma_wait3A_214 : memref<80xi32, #tpu.memory_space<hbm>>) dst(%arg15 : memref<80xi32, #tpu.memory_space<vmem>>)
        %dma_start3A_215 = arith.constant 0 : i32
        %dma_start3A_216 = arith.constant 0 : i32
        %dma_start3A_217 = tpu.memref_slice %arg2[%dma_start3A_215, %dma_start3A_216] : memref<10000x128xf32, #tpu.memory_space<hbm>> -> memref<10000x128xf32, #tpu.memory_space<hbm>>
        tpu.enqueue_indirect_dma source(%dma_start3A_217 : memref<10000x128xf32, #tpu.memory_space<hbm>>) target(%arg21 : memref<80x128xf32, #tpu.memory_space<vmem>>) offsets(%arg9 : memref<80xi32, #tpu.memory_space<vmem>>) semaphore(%arg31 : memref<!tpu.dma_semaphore, #tpu.memory_space<semaphore_mem>>)
      } else {
      }
      %add3A_87 = arith.constant 3 : i32
      %add3A_88 = arith.addi %add3A_74, %add3A_87 : i32
      %lt3A_89 = arith.constant 125 : i32
      %lt3A_90 = arith.cmpi slt, %add3A_88, %lt3A_89 : i32
      %convert_element_type3A_91 = arith.extui %lt3A_90 : i1 to i32
      %cond3A_92 = arith.constant 0 : i32
      %cond3A_93 = arith.cmpi ne, %convert_element_type3A_91, %cond3A_92 : i32
      scf.if %cond3A_93 {
        %add3A_199 = arith.constant 3 : i32
        %add3A_200 = arith.addi %add3A_74, %add3A_199 : i32
        %mul3A_201 = arith.constant 80 : i32
        %mul3A_202 = arith.muli %add3A_200, %mul3A_201 : i32
        %add3A_203 = arith.addi %mul3A_4, %mul3A_202 : i32
        %dma_start3A_204 = tpu.memref_slice %arg3[%add3A_203] : memref<320000xi32, #tpu.memory_space<hbm>> -> memref<80xi32, #tpu.memory_space<hbm>>
        %dma_start3A_205 = tpu.memref_slice %arg3[%add3A_203] : memref<320000xi32, #tpu.memory_space<hbm>> -> memref<80xi32, #tpu.memory_space<hbm>>
        tpu.enqueue_dma source(%dma_start3A_205 : memref<80xi32, #tpu.memory_space<hbm>>) target(%arg10 : memref<80xi32, #tpu.memory_space<vmem>>) target_semaphore(%arg26 : memref<!tpu.dma_semaphore, #tpu.memory_space<semaphore_mem>>)
        %mul3A_206 = arith.constant 80 : i32
        %mul3A_207 = arith.muli %add3A_200, %mul3A_206 : i32
        %add3A_208 = arith.addi %mul3A_4, %mul3A_207 : i32
        %dma_start3A_209 = tpu.memref_slice %arg4[%add3A_208] : memref<320000xi32, #tpu.memory_space<hbm>> -> memref<80xi32, #tpu.memory_space<hbm>>
        %dma_start3A_210 = tpu.memref_slice %arg4[%add3A_208] : memref<320000xi32, #tpu.memory_space<hbm>> -> memref<80xi32, #tpu.memory_space<hbm>>
        tpu.enqueue_dma source(%dma_start3A_210 : memref<80xi32, #tpu.memory_space<hbm>>) target(%arg16 : memref<80xi32, #tpu.memory_space<vmem>>) target_semaphore(%arg26 : memref<!tpu.dma_semaphore, #tpu.memory_space<semaphore_mem>>)
      } else {
      }
      %add3A_94 = arith.constant 1 : i32
      %add3A_95 = arith.addi %add3A_72, %add3A_94 : i32
      %lt3A_96 = arith.constant 125 : i32
      %lt3A_97 = arith.cmpi slt, %add3A_95, %lt3A_96 : i32
      %convert_element_type3A_98 = arith.extui %lt3A_97 : i1 to i32
      %cond3A_99 = arith.constant 0 : i32
      %cond3A_100 = arith.cmpi ne, %convert_element_type3A_98, %cond3A_99 : i32
      scf.if %cond3A_100 {
        %dma_wait3A_199 = arith.constant 0 : i32
        %dma_wait3A_200 = arith.constant 0 : i32
        %dma_wait3A_201 = tpu.memref_slice %arg2[%dma_wait3A_199, %dma_wait3A_200] : memref<10000x128xf32, #tpu.memory_space<hbm>> -> memref<10000x128xf32, #tpu.memory_space<hbm>>
        tpu.wait_indirect_dma semaphore(%arg30 : memref<!tpu.dma_semaphore, #tpu.memory_space<semaphore_mem>>) src(%dma_wait3A_201 : memref<10000x128xf32, #tpu.memory_space<hbm>>) dst(%arg20 : memref<80x128xf32, #tpu.memory_space<vmem>>)
        %dma_start3A_202 = arith.constant 0 : i32
        %dma_start3A_203 = arith.constant 0 : i32
        %dma_start3A_204 = tpu.memref_slice %arg22[%dma_start3A_202, %dma_start3A_203] : memref<10000x128xf32, #tpu.memory_space<vmem_shared>> -> memref<10000x128xf32, #tpu.memory_space<vmem_shared>>
        tpu.enqueue_indirect_dma source(%arg20 : memref<80x128xf32, #tpu.memory_space<vmem>>) target(%dma_start3A_204 : memref<10000x128xf32, #tpu.memory_space<vmem_shared>>) offsets(%arg14 : memref<80xi32, #tpu.memory_space<vmem>>) semaphore(%arg33 : memref<!tpu.dma_semaphore, #tpu.memory_space<semaphore_mem>>) {add = true}
      } else {
      }
      %add3A_101 = arith.constant 2 : i32
      %add3A_102 = arith.addi %add3A_95, %add3A_101 : i32
      %lt3A_103 = arith.constant 125 : i32
      %lt3A_104 = arith.cmpi slt, %add3A_102, %lt3A_103 : i32
      %convert_element_type3A_105 = arith.extui %lt3A_104 : i1 to i32
      %cond3A_106 = arith.constant 0 : i32
      %cond3A_107 = arith.cmpi ne, %convert_element_type3A_105, %cond3A_106 : i32
      scf.if %cond3A_107 {
        %ge3A = arith.constant 1 : i32
        %ge3A_199 = arith.cmpi sge, %add3A_95, %ge3A : i32
        %convert_element_type3A_200 = arith.extui %ge3A_199 : i1 to i32
        %cond3A_201 = arith.constant 0 : i32
        %cond3A_202 = arith.cmpi ne, %convert_element_type3A_200, %cond3A_201 : i32
        scf.if %cond3A_202 {
          %dma_wait3A_218 = arith.constant 0 : i32
          %dma_wait3A_219 = arith.constant 0 : i32
          %dma_wait3A_220 = tpu.memref_slice %arg22[%dma_wait3A_218, %dma_wait3A_219] : memref<10000x128xf32, #tpu.memory_space<vmem_shared>> -> memref<10000x128xf32, #tpu.memory_space<vmem_shared>>
          tpu.wait_indirect_dma semaphore(%arg32 : memref<!tpu.dma_semaphore, #tpu.memory_space<semaphore_mem>>) src(%arg19 : memref<80x128xf32, #tpu.memory_space<vmem>>) dst(%dma_wait3A_220 : memref<10000x128xf32, #tpu.memory_space<vmem_shared>>)
        } else {
        }
        %add3A_203 = arith.constant 2 : i32
        %add3A_204 = arith.addi %add3A_95, %add3A_203 : i32
        %mul3A_205 = arith.constant 80 : i32
        %mul3A_206 = arith.muli %add3A_204, %mul3A_205 : i32
        %add3A_207 = arith.addi %mul3A_4, %mul3A_206 : i32
        %dma_wait3A_208 = tpu.memref_slice %arg3[%add3A_207] : memref<320000xi32, #tpu.memory_space<hbm>> -> memref<80xi32, #tpu.memory_space<hbm>>
        %dma_wait3A_209 = tpu.memref_slice %arg3[%add3A_207] : memref<320000xi32, #tpu.memory_space<hbm>> -> memref<80xi32, #tpu.memory_space<hbm>>
        tpu.wait_dma2 semaphore(%arg26 : memref<!tpu.dma_semaphore, #tpu.memory_space<semaphore_mem>>) src(%dma_wait3A_209 : memref<80xi32, #tpu.memory_space<hbm>>) dst(%arg10 : memref<80xi32, #tpu.memory_space<vmem>>)
        %mul3A_210 = arith.constant 80 : i32
        %mul3A_211 = arith.muli %add3A_204, %mul3A_210 : i32
        %add3A_212 = arith.addi %mul3A_4, %mul3A_211 : i32
        %dma_wait3A_213 = tpu.memref_slice %arg4[%add3A_212] : memref<320000xi32, #tpu.memory_space<hbm>> -> memref<80xi32, #tpu.memory_space<hbm>>
        %dma_wait3A_214 = tpu.memref_slice %arg4[%add3A_212] : memref<320000xi32, #tpu.memory_space<hbm>> -> memref<80xi32, #tpu.memory_space<hbm>>
        tpu.wait_dma2 semaphore(%arg26 : memref<!tpu.dma_semaphore, #tpu.memory_space<semaphore_mem>>) src(%dma_wait3A_214 : memref<80xi32, #tpu.memory_space<hbm>>) dst(%arg16 : memref<80xi32, #tpu.memory_space<vmem>>)
        %dma_start3A_215 = arith.constant 0 : i32
        %dma_start3A_216 = arith.constant 0 : i32
        %dma_start3A_217 = tpu.memref_slice %arg2[%dma_start3A_215, %dma_start3A_216] : memref<10000x128xf32, #tpu.memory_space<hbm>> -> memref<10000x128xf32, #tpu.memory_space<hbm>>
        tpu.enqueue_indirect_dma source(%dma_start3A_217 : memref<10000x128xf32, #tpu.memory_space<hbm>>) target(%arg19 : memref<80x128xf32, #tpu.memory_space<vmem>>) offsets(%arg10 : memref<80xi32, #tpu.memory_space<vmem>>) semaphore(%arg29 : memref<!tpu.dma_semaphore, #tpu.memory_space<semaphore_mem>>)
      } else {
      }
      %add3A_108 = arith.constant 3 : i32
      %add3A_109 = arith.addi %add3A_95, %add3A_108 : i32
      %lt3A_110 = arith.constant 125 : i32
      %lt3A_111 = arith.cmpi slt, %add3A_109, %lt3A_110 : i32
      %convert_element_type3A_112 = arith.extui %lt3A_111 : i1 to i32
      %cond3A_113 = arith.constant 0 : i32
      %cond3A_114 = arith.cmpi ne, %convert_element_type3A_112, %cond3A_113 : i32
      scf.if %cond3A_114 {
        %add3A_199 = arith.constant 3 : i32
        %add3A_200 = arith.addi %add3A_95, %add3A_199 : i32
        %mul3A_201 = arith.constant 80 : i32
        %mul3A_202 = arith.muli %add3A_200, %mul3A_201 : i32
        %add3A_203 = arith.addi %mul3A_4, %mul3A_202 : i32
        %dma_start3A_204 = tpu.memref_slice %arg3[%add3A_203] : memref<320000xi32, #tpu.memory_space<hbm>> -> memref<80xi32, #tpu.memory_space<hbm>>
        %dma_start3A_205 = tpu.memref_slice %arg3[%add3A_203] : memref<320000xi32, #tpu.memory_space<hbm>> -> memref<80xi32, #tpu.memory_space<hbm>>
        tpu.enqueue_dma source(%dma_start3A_205 : memref<80xi32, #tpu.memory_space<hbm>>) target(%arg11 : memref<80xi32, #tpu.memory_space<vmem>>) target_semaphore(%arg27 : memref<!tpu.dma_semaphore, #tpu.memory_space<semaphore_mem>>)
        %mul3A_206 = arith.constant 80 : i32
        %mul3A_207 = arith.muli %add3A_200, %mul3A_206 : i32
        %add3A_208 = arith.addi %mul3A_4, %mul3A_207 : i32
        %dma_start3A_209 = tpu.memref_slice %arg4[%add3A_208] : memref<320000xi32, #tpu.memory_space<hbm>> -> memref<80xi32, #tpu.memory_space<hbm>>
        %dma_start3A_210 = tpu.memref_slice %arg4[%add3A_208] : memref<320000xi32, #tpu.memory_space<hbm>> -> memref<80xi32, #tpu.memory_space<hbm>>
        tpu.enqueue_dma source(%dma_start3A_210 : memref<80xi32, #tpu.memory_space<hbm>>) target(%arg17 : memref<80xi32, #tpu.memory_space<vmem>>) target_semaphore(%arg27 : memref<!tpu.dma_semaphore, #tpu.memory_space<semaphore_mem>>)
      } else {
      }
      %add3A_115 = arith.constant 2 : i32
      %add3A_116 = arith.addi %add3A_72, %add3A_115 : i32
      %lt3A_117 = arith.constant 125 : i32
      %lt3A_118 = arith.cmpi slt, %add3A_116, %lt3A_117 : i32
      %convert_element_type3A_119 = arith.extui %lt3A_118 : i1 to i32
      %cond3A_120 = arith.constant 0 : i32
      %cond3A_121 = arith.cmpi ne, %convert_element_type3A_119, %cond3A_120 : i32
      scf.if %cond3A_121 {
        %dma_wait3A_199 = arith.constant 0 : i32
        %dma_wait3A_200 = arith.constant 0 : i32
        %dma_wait3A_201 = tpu.memref_slice %arg2[%dma_wait3A_199, %dma_wait3A_200] : memref<10000x128xf32, #tpu.memory_space<hbm>> -> memref<10000x128xf32, #tpu.memory_space<hbm>>
        tpu.wait_indirect_dma semaphore(%arg31 : memref<!tpu.dma_semaphore, #tpu.memory_space<semaphore_mem>>) src(%dma_wait3A_201 : memref<10000x128xf32, #tpu.memory_space<hbm>>) dst(%arg21 : memref<80x128xf32, #tpu.memory_space<vmem>>)
        %dma_start3A_202 = arith.constant 0 : i32
        %dma_start3A_203 = arith.constant 0 : i32
        %dma_start3A_204 = tpu.memref_slice %arg22[%dma_start3A_202, %dma_start3A_203] : memref<10000x128xf32, #tpu.memory_space<vmem_shared>> -> memref<10000x128xf32, #tpu.memory_space<vmem_shared>>
        tpu.enqueue_indirect_dma source(%arg21 : memref<80x128xf32, #tpu.memory_space<vmem>>) target(%dma_start3A_204 : memref<10000x128xf32, #tpu.memory_space<vmem_shared>>) offsets(%arg15 : memref<80xi32, #tpu.memory_space<vmem>>) semaphore(%arg34 : memref<!tpu.dma_semaphore, #tpu.memory_space<semaphore_mem>>) {add = true}
      } else {
      }
      %add3A_122 = arith.constant 2 : i32
      %add3A_123 = arith.addi %add3A_116, %add3A_122 : i32
      %lt3A_124 = arith.constant 125 : i32
      %lt3A_125 = arith.cmpi slt, %add3A_123, %lt3A_124 : i32
      %convert_element_type3A_126 = arith.extui %lt3A_125 : i1 to i32
      %cond3A_127 = arith.constant 0 : i32
      %cond3A_128 = arith.cmpi ne, %convert_element_type3A_126, %cond3A_127 : i32
      scf.if %cond3A_128 {
        %ge3A = arith.constant 1 : i32
        %ge3A_199 = arith.cmpi sge, %add3A_116, %ge3A : i32
        %convert_element_type3A_200 = arith.extui %ge3A_199 : i1 to i32
        %cond3A_201 = arith.constant 0 : i32
        %cond3A_202 = arith.cmpi ne, %convert_element_type3A_200, %cond3A_201 : i32
        scf.if %cond3A_202 {
          %dma_wait3A_218 = arith.constant 0 : i32
          %dma_wait3A_219 = arith.constant 0 : i32
          %dma_wait3A_220 = tpu.memref_slice %arg22[%dma_wait3A_218, %dma_wait3A_219] : memref<10000x128xf32, #tpu.memory_space<vmem_shared>> -> memref<10000x128xf32, #tpu.memory_space<vmem_shared>>
          tpu.wait_indirect_dma semaphore(%arg33 : memref<!tpu.dma_semaphore, #tpu.memory_space<semaphore_mem>>) src(%arg20 : memref<80x128xf32, #tpu.memory_space<vmem>>) dst(%dma_wait3A_220 : memref<10000x128xf32, #tpu.memory_space<vmem_shared>>)
        } else {
        }
        %add3A_203 = arith.constant 2 : i32
        %add3A_204 = arith.addi %add3A_116, %add3A_203 : i32
        %mul3A_205 = arith.constant 80 : i32
        %mul3A_206 = arith.muli %add3A_204, %mul3A_205 : i32
        %add3A_207 = arith.addi %mul3A_4, %mul3A_206 : i32
        %dma_wait3A_208 = tpu.memref_slice %arg3[%add3A_207] : memref<320000xi32, #tpu.memory_space<hbm>> -> memref<80xi32, #tpu.memory_space<hbm>>
        %dma_wait3A_209 = tpu.memref_slice %arg3[%add3A_207] : memref<320000xi32, #tpu.memory_space<hbm>> -> memref<80xi32, #tpu.memory_space<hbm>>
        tpu.wait_dma2 semaphore(%arg27 : memref<!tpu.dma_semaphore, #tpu.memory_space<semaphore_mem>>) src(%dma_wait3A_209 : memref<80xi32, #tpu.memory_space<hbm>>) dst(%arg11 : memref<80xi32, #tpu.memory_space<vmem>>)
        %mul3A_210 = arith.constant 80 : i32
        %mul3A_211 = arith.muli %add3A_204, %mul3A_210 : i32
        %add3A_212 = arith.addi %mul3A_4, %mul3A_211 : i32
        %dma_wait3A_213 = tpu.memref_slice %arg4[%add3A_212] : memref<320000xi32, #tpu.memory_space<hbm>> -> memref<80xi32, #tpu.memory_space<hbm>>
        %dma_wait3A_214 = tpu.memref_slice %arg4[%add3A_212] : memref<320000xi32, #tpu.memory_space<hbm>> -> memref<80xi32, #tpu.memory_space<hbm>>
        tpu.wait_dma2 semaphore(%arg27 : memref<!tpu.dma_semaphore, #tpu.memory_space<semaphore_mem>>) src(%dma_wait3A_214 : memref<80xi32, #tpu.memory_space<hbm>>) dst(%arg17 : memref<80xi32, #tpu.memory_space<vmem>>)
        %dma_start3A_215 = arith.constant 0 : i32
        %dma_start3A_216 = arith.constant 0 : i32
        %dma_start3A_217 = tpu.memref_slice %arg2[%dma_start3A_215, %dma_start3A_216] : memref<10000x128xf32, #tpu.memory_space<hbm>> -> memref<10000x128xf32, #tpu.memory_space<hbm>>
        tpu.enqueue_indirect_dma source(%dma_start3A_217 : memref<10000x128xf32, #tpu.memory_space<hbm>>) target(%arg20 : memref<80x128xf32, #tpu.memory_space<vmem>>) offsets(%arg11 : memref<80xi32, #tpu.memory_space<vmem>>) semaphore(%arg30 : memref<!tpu.dma_semaphore, #tpu.memory_space<semaphore_mem>>)
      } else {
      }
      %add3A_129 = arith.constant 3 : i32
      %add3A_130 = arith.addi %add3A_116, %add3A_129 : i32
      %lt3A_131 = arith.constant 125 : i32
      %lt3A_132 = arith.cmpi slt, %add3A_130, %lt3A_131 : i32
      %convert_element_type3A_133 = arith.extui %lt3A_132 : i1 to i32
      %cond3A_134 = arith.constant 0 : i32
      %cond3A_135 = arith.cmpi ne, %convert_element_type3A_133, %cond3A_134 : i32
      scf.if %cond3A_135 {
        %add3A_199 = arith.constant 3 : i32
        %add3A_200 = arith.addi %add3A_116, %add3A_199 : i32
        %mul3A_201 = arith.constant 80 : i32
        %mul3A_202 = arith.muli %add3A_200, %mul3A_201 : i32
        %add3A_203 = arith.addi %mul3A_4, %mul3A_202 : i32
        %dma_start3A_204 = tpu.memref_slice %arg3[%add3A_203] : memref<320000xi32, #tpu.memory_space<hbm>> -> memref<80xi32, #tpu.memory_space<hbm>>
        %dma_start3A_205 = tpu.memref_slice %arg3[%add3A_203] : memref<320000xi32, #tpu.memory_space<hbm>> -> memref<80xi32, #tpu.memory_space<hbm>>
        tpu.enqueue_dma source(%dma_start3A_205 : memref<80xi32, #tpu.memory_space<hbm>>) target(%arg12 : memref<80xi32, #tpu.memory_space<vmem>>) target_semaphore(%arg28 : memref<!tpu.dma_semaphore, #tpu.memory_space<semaphore_mem>>)
        %mul3A_206 = arith.constant 80 : i32
        %mul3A_207 = arith.muli %add3A_200, %mul3A_206 : i32
        %add3A_208 = arith.addi %mul3A_4, %mul3A_207 : i32
        %dma_start3A_209 = tpu.memref_slice %arg4[%add3A_208] : memref<320000xi32, #tpu.memory_space<hbm>> -> memref<80xi32, #tpu.memory_space<hbm>>
        %dma_start3A_210 = tpu.memref_slice %arg4[%add3A_208] : memref<320000xi32, #tpu.memory_space<hbm>> -> memref<80xi32, #tpu.memory_space<hbm>>
        tpu.enqueue_dma source(%dma_start3A_210 : memref<80xi32, #tpu.memory_space<hbm>>) target(%arg18 : memref<80xi32, #tpu.memory_space<vmem>>) target_semaphore(%arg28 : memref<!tpu.dma_semaphore, #tpu.memory_space<semaphore_mem>>)
      } else {
      }
      %add3A_136 = arith.constant 3 : i32
      %add3A_137 = arith.addi %add3A_72, %add3A_136 : i32
      %lt3A_138 = arith.constant 125 : i32
      %lt3A_139 = arith.cmpi slt, %add3A_137, %lt3A_138 : i32
      %convert_element_type3A_140 = arith.extui %lt3A_139 : i1 to i32
      %cond3A_141 = arith.constant 0 : i32
      %cond3A_142 = arith.cmpi ne, %convert_element_type3A_140, %cond3A_141 : i32
      scf.if %cond3A_142 {
        %dma_wait3A_199 = arith.constant 0 : i32
        %dma_wait3A_200 = arith.constant 0 : i32
        %dma_wait3A_201 = tpu.memref_slice %arg2[%dma_wait3A_199, %dma_wait3A_200] : memref<10000x128xf32, #tpu.memory_space<hbm>> -> memref<10000x128xf32, #tpu.memory_space<hbm>>
        tpu.wait_indirect_dma semaphore(%arg29 : memref<!tpu.dma_semaphore, #tpu.memory_space<semaphore_mem>>) src(%dma_wait3A_201 : memref<10000x128xf32, #tpu.memory_space<hbm>>) dst(%arg19 : memref<80x128xf32, #tpu.memory_space<vmem>>)
        %dma_start3A_202 = arith.constant 0 : i32
        %dma_start3A_203 = arith.constant 0 : i32
        %dma_start3A_204 = tpu.memref_slice %arg22[%dma_start3A_202, %dma_start3A_203] : memref<10000x128xf32, #tpu.memory_space<vmem_shared>> -> memref<10000x128xf32, #tpu.memory_space<vmem_shared>>
        tpu.enqueue_indirect_dma source(%arg19 : memref<80x128xf32, #tpu.memory_space<vmem>>) target(%dma_start3A_204 : memref<10000x128xf32, #tpu.memory_space<vmem_shared>>) offsets(%arg16 : memref<80xi32, #tpu.memory_space<vmem>>) semaphore(%arg32 : memref<!tpu.dma_semaphore, #tpu.memory_space<semaphore_mem>>) {add = true}
      } else {
      }
      %add3A_143 = arith.constant 2 : i32
      %add3A_144 = arith.addi %add3A_137, %add3A_143 : i32
      %lt3A_145 = arith.constant 125 : i32
      %lt3A_146 = arith.cmpi slt, %add3A_144, %lt3A_145 : i32
      %convert_element_type3A_147 = arith.extui %lt3A_146 : i1 to i32
      %cond3A_148 = arith.constant 0 : i32
      %cond3A_149 = arith.cmpi ne, %convert_element_type3A_147, %cond3A_148 : i32
      scf.if %cond3A_149 {
        %ge3A = arith.constant 1 : i32
        %ge3A_199 = arith.cmpi sge, %add3A_137, %ge3A : i32
        %convert_element_type3A_200 = arith.extui %ge3A_199 : i1 to i32
        %cond3A_201 = arith.constant 0 : i32
        %cond3A_202 = arith.cmpi ne, %convert_element_type3A_200, %cond3A_201 : i32
        scf.if %cond3A_202 {
          %dma_wait3A_218 = arith.constant 0 : i32
          %dma_wait3A_219 = arith.constant 0 : i32
          %dma_wait3A_220 = tpu.memref_slice %arg22[%dma_wait3A_218, %dma_wait3A_219] : memref<10000x128xf32, #tpu.memory_space<vmem_shared>> -> memref<10000x128xf32, #tpu.memory_space<vmem_shared>>
          tpu.wait_indirect_dma semaphore(%arg34 : memref<!tpu.dma_semaphore, #tpu.memory_space<semaphore_mem>>) src(%arg21 : memref<80x128xf32, #tpu.memory_space<vmem>>) dst(%dma_wait3A_220 : memref<10000x128xf32, #tpu.memory_space<vmem_shared>>)
        } else {
        }
        %add3A_203 = arith.constant 2 : i32
        %add3A_204 = arith.addi %add3A_137, %add3A_203 : i32
        %mul3A_205 = arith.constant 80 : i32
        %mul3A_206 = arith.muli %add3A_204, %mul3A_205 : i32
        %add3A_207 = arith.addi %mul3A_4, %mul3A_206 : i32
        %dma_wait3A_208 = tpu.memref_slice %arg3[%add3A_207] : memref<320000xi32, #tpu.memory_space<hbm>> -> memref<80xi32, #tpu.memory_space<hbm>>
        %dma_wait3A_209 = tpu.memref_slice %arg3[%add3A_207] : memref<320000xi32, #tpu.memory_space<hbm>> -> memref<80xi32, #tpu.memory_space<hbm>>
        tpu.wait_dma2 semaphore(%arg28 : memref<!tpu.dma_semaphore, #tpu.memory_space<semaphore_mem>>) src(%dma_wait3A_209 : memref<80xi32, #tpu.memory_space<hbm>>) dst(%arg12 : memref<80xi32, #tpu.memory_space<vmem>>)
        %mul3A_210 = arith.constant 80 : i32
        %mul3A_211 = arith.muli %add3A_204, %mul3A_210 : i32
        %add3A_212 = arith.addi %mul3A_4, %mul3A_211 : i32
        %dma_wait3A_213 = tpu.memref_slice %arg4[%add3A_212] : memref<320000xi32, #tpu.memory_space<hbm>> -> memref<80xi32, #tpu.memory_space<hbm>>
        %dma_wait3A_214 = tpu.memref_slice %arg4[%add3A_212] : memref<320000xi32, #tpu.memory_space<hbm>> -> memref<80xi32, #tpu.memory_space<hbm>>
        tpu.wait_dma2 semaphore(%arg28 : memref<!tpu.dma_semaphore, #tpu.memory_space<semaphore_mem>>) src(%dma_wait3A_214 : memref<80xi32, #tpu.memory_space<hbm>>) dst(%arg18 : memref<80xi32, #tpu.memory_space<vmem>>)
        %dma_start3A_215 = arith.constant 0 : i32
        %dma_start3A_216 = arith.constant 0 : i32
        %dma_start3A_217 = tpu.memref_slice %arg2[%dma_start3A_215, %dma_start3A_216] : memref<10000x128xf32, #tpu.memory_space<hbm>> -> memref<10000x128xf32, #tpu.memory_space<hbm>>
        tpu.enqueue_indirect_dma source(%dma_start3A_217 : memref<10000x128xf32, #tpu.memory_space<hbm>>) target(%arg21 : memref<80x128xf32, #tpu.memory_space<vmem>>) offsets(%arg12 : memref<80xi32, #tpu.memory_space<vmem>>) semaphore(%arg31 : memref<!tpu.dma_semaphore, #tpu.memory_space<semaphore_mem>>)
      } else {
      }
      %add3A_150 = arith.constant 3 : i32
      %add3A_151 = arith.addi %add3A_137, %add3A_150 : i32
      %lt3A_152 = arith.constant 125 : i32
      %lt3A_153 = arith.cmpi slt, %add3A_151, %lt3A_152 : i32
      %convert_element_type3A_154 = arith.extui %lt3A_153 : i1 to i32
      %cond3A_155 = arith.constant 0 : i32
      %cond3A_156 = arith.cmpi ne, %convert_element_type3A_154, %cond3A_155 : i32
      scf.if %cond3A_156 {
        %add3A_199 = arith.constant 3 : i32
        %add3A_200 = arith.addi %add3A_137, %add3A_199 : i32
        %mul3A_201 = arith.constant 80 : i32
        %mul3A_202 = arith.muli %add3A_200, %mul3A_201 : i32
        %add3A_203 = arith.addi %mul3A_4, %mul3A_202 : i32
        %dma_start3A_204 = tpu.memref_slice %arg3[%add3A_203] : memref<320000xi32, #tpu.memory_space<hbm>> -> memref<80xi32, #tpu.memory_space<hbm>>
        %dma_start3A_205 = tpu.memref_slice %arg3[%add3A_203] : memref<320000xi32, #tpu.memory_space<hbm>> -> memref<80xi32, #tpu.memory_space<hbm>>
        tpu.enqueue_dma source(%dma_start3A_205 : memref<80xi32, #tpu.memory_space<hbm>>) target(%arg7 : memref<80xi32, #tpu.memory_space<vmem>>) target_semaphore(%arg23 : memref<!tpu.dma_semaphore, #tpu.memory_space<semaphore_mem>>)
        %mul3A_206 = arith.constant 80 : i32
        %mul3A_207 = arith.muli %add3A_200, %mul3A_206 : i32
        %add3A_208 = arith.addi %mul3A_4, %mul3A_207 : i32
        %dma_start3A_209 = tpu.memref_slice %arg4[%add3A_208] : memref<320000xi32, #tpu.memory_space<hbm>> -> memref<80xi32, #tpu.memory_space<hbm>>
        %dma_start3A_210 = tpu.memref_slice %arg4[%add3A_208] : memref<320000xi32, #tpu.memory_space<hbm>> -> memref<80xi32, #tpu.memory_space<hbm>>
        tpu.enqueue_dma source(%dma_start3A_210 : memref<80xi32, #tpu.memory_space<hbm>>) target(%arg13 : memref<80xi32, #tpu.memory_space<vmem>>) target_semaphore(%arg23 : memref<!tpu.dma_semaphore, #tpu.memory_space<semaphore_mem>>)
      } else {
      }
      %add3A_157 = arith.constant 4 : i32
      %add3A_158 = arith.addi %add3A_72, %add3A_157 : i32
      %lt3A_159 = arith.constant 125 : i32
      %lt3A_160 = arith.cmpi slt, %add3A_158, %lt3A_159 : i32
      %convert_element_type3A_161 = arith.extui %lt3A_160 : i1 to i32
      %cond3A_162 = arith.constant 0 : i32
      %cond3A_163 = arith.cmpi ne, %convert_element_type3A_161, %cond3A_162 : i32
      scf.if %cond3A_163 {
        %dma_wait3A_199 = arith.constant 0 : i32
        %dma_wait3A_200 = arith.constant 0 : i32
        %dma_wait3A_201 = tpu.memref_slice %arg2[%dma_wait3A_199, %dma_wait3A_200] : memref<10000x128xf32, #tpu.memory_space<hbm>> -> memref<10000x128xf32, #tpu.memory_space<hbm>>
        tpu.wait_indirect_dma semaphore(%arg30 : memref<!tpu.dma_semaphore, #tpu.memory_space<semaphore_mem>>) src(%dma_wait3A_201 : memref<10000x128xf32, #tpu.memory_space<hbm>>) dst(%arg20 : memref<80x128xf32, #tpu.memory_space<vmem>>)
        %dma_start3A_202 = arith.constant 0 : i32
        %dma_start3A_203 = arith.constant 0 : i32
        %dma_start3A_204 = tpu.memref_slice %arg22[%dma_start3A_202, %dma_start3A_203] : memref<10000x128xf32, #tpu.memory_space<vmem_shared>> -> memref<10000x128xf32, #tpu.memory_space<vmem_shared>>
        tpu.enqueue_indirect_dma source(%arg20 : memref<80x128xf32, #tpu.memory_space<vmem>>) target(%dma_start3A_204 : memref<10000x128xf32, #tpu.memory_space<vmem_shared>>) offsets(%arg17 : memref<80xi32, #tpu.memory_space<vmem>>) semaphore(%arg33 : memref<!tpu.dma_semaphore, #tpu.memory_space<semaphore_mem>>) {add = true}
      } else {
      }
      %add3A_164 = arith.constant 2 : i32
      %add3A_165 = arith.addi %add3A_158, %add3A_164 : i32
      %lt3A_166 = arith.constant 125 : i32
      %lt3A_167 = arith.cmpi slt, %add3A_165, %lt3A_166 : i32
      %convert_element_type3A_168 = arith.extui %lt3A_167 : i1 to i32
      %cond3A_169 = arith.constant 0 : i32
      %cond3A_170 = arith.cmpi ne, %convert_element_type3A_168, %cond3A_169 : i32
      scf.if %cond3A_170 {
        %ge3A = arith.constant 1 : i32
        %ge3A_199 = arith.cmpi sge, %add3A_158, %ge3A : i32
        %convert_element_type3A_200 = arith.extui %ge3A_199 : i1 to i32
        %cond3A_201 = arith.constant 0 : i32
        %cond3A_202 = arith.cmpi ne, %convert_element_type3A_200, %cond3A_201 : i32
        scf.if %cond3A_202 {
          %dma_wait3A_218 = arith.constant 0 : i32
          %dma_wait3A_219 = arith.constant 0 : i32
          %dma_wait3A_220 = tpu.memref_slice %arg22[%dma_wait3A_218, %dma_wait3A_219] : memref<10000x128xf32, #tpu.memory_space<vmem_shared>> -> memref<10000x128xf32, #tpu.memory_space<vmem_shared>>
          tpu.wait_indirect_dma semaphore(%arg32 : memref<!tpu.dma_semaphore, #tpu.memory_space<semaphore_mem>>) src(%arg19 : memref<80x128xf32, #tpu.memory_space<vmem>>) dst(%dma_wait3A_220 : memref<10000x128xf32, #tpu.memory_space<vmem_shared>>)
        } else {
        }
        %add3A_203 = arith.constant 2 : i32
        %add3A_204 = arith.addi %add3A_158, %add3A_203 : i32
        %mul3A_205 = arith.constant 80 : i32
        %mul3A_206 = arith.muli %add3A_204, %mul3A_205 : i32
        %add3A_207 = arith.addi %mul3A_4, %mul3A_206 : i32
        %dma_wait3A_208 = tpu.memref_slice %arg3[%add3A_207] : memref<320000xi32, #tpu.memory_space<hbm>> -> memref<80xi32, #tpu.memory_space<hbm>>
        %dma_wait3A_209 = tpu.memref_slice %arg3[%add3A_207] : memref<320000xi32, #tpu.memory_space<hbm>> -> memref<80xi32, #tpu.memory_space<hbm>>
        tpu.wait_dma2 semaphore(%arg23 : memref<!tpu.dma_semaphore, #tpu.memory_space<semaphore_mem>>) src(%dma_wait3A_209 : memref<80xi32, #tpu.memory_space<hbm>>) dst(%arg7 : memref<80xi32, #tpu.memory_space<vmem>>)
        %mul3A_210 = arith.constant 80 : i32
        %mul3A_211 = arith.muli %add3A_204, %mul3A_210 : i32
        %add3A_212 = arith.addi %mul3A_4, %mul3A_211 : i32
        %dma_wait3A_213 = tpu.memref_slice %arg4[%add3A_212] : memref<320000xi32, #tpu.memory_space<hbm>> -> memref<80xi32, #tpu.memory_space<hbm>>
        %dma_wait3A_214 = tpu.memref_slice %arg4[%add3A_212] : memref<320000xi32, #tpu.memory_space<hbm>> -> memref<80xi32, #tpu.memory_space<hbm>>
        tpu.wait_dma2 semaphore(%arg23 : memref<!tpu.dma_semaphore, #tpu.memory_space<semaphore_mem>>) src(%dma_wait3A_214 : memref<80xi32, #tpu.memory_space<hbm>>) dst(%arg13 : memref<80xi32, #tpu.memory_space<vmem>>)
        %dma_start3A_215 = arith.constant 0 : i32
        %dma_start3A_216 = arith.constant 0 : i32
        %dma_start3A_217 = tpu.memref_slice %arg2[%dma_start3A_215, %dma_start3A_216] : memref<10000x128xf32, #tpu.memory_space<hbm>> -> memref<10000x128xf32, #tpu.memory_space<hbm>>
        tpu.enqueue_indirect_dma source(%dma_start3A_217 : memref<10000x128xf32, #tpu.memory_space<hbm>>) target(%arg19 : memref<80x128xf32, #tpu.memory_space<vmem>>) offsets(%arg7 : memref<80xi32, #tpu.memory_space<vmem>>) semaphore(%arg29 : memref<!tpu.dma_semaphore, #tpu.memory_space<semaphore_mem>>)
      } else {
      }
      %add3A_171 = arith.constant 3 : i32
      %add3A_172 = arith.addi %add3A_158, %add3A_171 : i32
      %lt3A_173 = arith.constant 125 : i32
      %lt3A_174 = arith.cmpi slt, %add3A_172, %lt3A_173 : i32
      %convert_element_type3A_175 = arith.extui %lt3A_174 : i1 to i32
      %cond3A_176 = arith.constant 0 : i32
      %cond3A_177 = arith.cmpi ne, %convert_element_type3A_175, %cond3A_176 : i32
      scf.if %cond3A_177 {
        %add3A_199 = arith.constant 3 : i32
        %add3A_200 = arith.addi %add3A_158, %add3A_199 : i32
        %mul3A_201 = arith.constant 80 : i32
        %mul3A_202 = arith.muli %add3A_200, %mul3A_201 : i32
        %add3A_203 = arith.addi %mul3A_4, %mul3A_202 : i32
        %dma_start3A_204 = tpu.memref_slice %arg3[%add3A_203] : memref<320000xi32, #tpu.memory_space<hbm>> -> memref<80xi32, #tpu.memory_space<hbm>>
        %dma_start3A_205 = tpu.memref_slice %arg3[%add3A_203] : memref<320000xi32, #tpu.memory_space<hbm>> -> memref<80xi32, #tpu.memory_space<hbm>>
        tpu.enqueue_dma source(%dma_start3A_205 : memref<80xi32, #tpu.memory_space<hbm>>) target(%arg8 : memref<80xi32, #tpu.memory_space<vmem>>) target_semaphore(%arg24 : memref<!tpu.dma_semaphore, #tpu.memory_space<semaphore_mem>>)
        %mul3A_206 = arith.constant 80 : i32
        %mul3A_207 = arith.muli %add3A_200, %mul3A_206 : i32
        %add3A_208 = arith.addi %mul3A_4, %mul3A_207 : i32
        %dma_start3A_209 = tpu.memref_slice %arg4[%add3A_208] : memref<320000xi32, #tpu.memory_space<hbm>> -> memref<80xi32, #tpu.memory_space<hbm>>
        %dma_start3A_210 = tpu.memref_slice %arg4[%add3A_208] : memref<320000xi32, #tpu.memory_space<hbm>> -> memref<80xi32, #tpu.memory_space<hbm>>
        tpu.enqueue_dma source(%dma_start3A_210 : memref<80xi32, #tpu.memory_space<hbm>>) target(%arg14 : memref<80xi32, #tpu.memory_space<vmem>>) target_semaphore(%arg24 : memref<!tpu.dma_semaphore, #tpu.memory_space<semaphore_mem>>)
      } else {
      }
      %add3A_178 = arith.constant 5 : i32
      %add3A_179 = arith.addi %add3A_72, %add3A_178 : i32
      %lt3A_180 = arith.constant 125 : i32
      %lt3A_181 = arith.cmpi slt, %add3A_179, %lt3A_180 : i32
      %convert_element_type3A_182 = arith.extui %lt3A_181 : i1 to i32
      %cond3A_183 = arith.constant 0 : i32
      %cond3A_184 = arith.cmpi ne, %convert_element_type3A_182, %cond3A_183 : i32
      scf.if %cond3A_184 {
        %dma_wait3A_199 = arith.constant 0 : i32
        %dma_wait3A_200 = arith.constant 0 : i32
        %dma_wait3A_201 = tpu.memref_slice %arg2[%dma_wait3A_199, %dma_wait3A_200] : memref<10000x128xf32, #tpu.memory_space<hbm>> -> memref<10000x128xf32, #tpu.memory_space<hbm>>
        tpu.wait_indirect_dma semaphore(%arg31 : memref<!tpu.dma_semaphore, #tpu.memory_space<semaphore_mem>>) src(%dma_wait3A_201 : memref<10000x128xf32, #tpu.memory_space<hbm>>) dst(%arg21 : memref<80x128xf32, #tpu.memory_space<vmem>>)
        %dma_start3A_202 = arith.constant 0 : i32
        %dma_start3A_203 = arith.constant 0 : i32
        %dma_start3A_204 = tpu.memref_slice %arg22[%dma_start3A_202, %dma_start3A_203] : memref<10000x128xf32, #tpu.memory_space<vmem_shared>> -> memref<10000x128xf32, #tpu.memory_space<vmem_shared>>
        tpu.enqueue_indirect_dma source(%arg21 : memref<80x128xf32, #tpu.memory_space<vmem>>) target(%dma_start3A_204 : memref<10000x128xf32, #tpu.memory_space<vmem_shared>>) offsets(%arg18 : memref<80xi32, #tpu.memory_space<vmem>>) semaphore(%arg34 : memref<!tpu.dma_semaphore, #tpu.memory_space<semaphore_mem>>) {add = true}
      } else {
      }
      %add3A_185 = arith.constant 2 : i32
      %add3A_186 = arith.addi %add3A_179, %add3A_185 : i32
      %lt3A_187 = arith.constant 125 : i32
      %lt3A_188 = arith.cmpi slt, %add3A_186, %lt3A_187 : i32
      %convert_element_type3A_189 = arith.extui %lt3A_188 : i1 to i32
      %cond3A_190 = arith.constant 0 : i32
      %cond3A_191 = arith.cmpi ne, %convert_element_type3A_189, %cond3A_190 : i32
      scf.if %cond3A_191 {
        %ge3A = arith.constant 1 : i32
        %ge3A_199 = arith.cmpi sge, %add3A_179, %ge3A : i32
        %convert_element_type3A_200 = arith.extui %ge3A_199 : i1 to i32
        %cond3A_201 = arith.constant 0 : i32
        %cond3A_202 = arith.cmpi ne, %convert_element_type3A_200, %cond3A_201 : i32
        scf.if %cond3A_202 {
          %dma_wait3A_218 = arith.constant 0 : i32
          %dma_wait3A_219 = arith.constant 0 : i32
          %dma_wait3A_220 = tpu.memref_slice %arg22[%dma_wait3A_218, %dma_wait3A_219] : memref<10000x128xf32, #tpu.memory_space<vmem_shared>> -> memref<10000x128xf32, #tpu.memory_space<vmem_shared>>
          tpu.wait_indirect_dma semaphore(%arg33 : memref<!tpu.dma_semaphore, #tpu.memory_space<semaphore_mem>>) src(%arg20 : memref<80x128xf32, #tpu.memory_space<vmem>>) dst(%dma_wait3A_220 : memref<10000x128xf32, #tpu.memory_space<vmem_shared>>)
        } else {
        }
        %add3A_203 = arith.constant 2 : i32
        %add3A_204 = arith.addi %add3A_179, %add3A_203 : i32
        %mul3A_205 = arith.constant 80 : i32
        %mul3A_206 = arith.muli %add3A_204, %mul3A_205 : i32
        %add3A_207 = arith.addi %mul3A_4, %mul3A_206 : i32
        %dma_wait3A_208 = tpu.memref_slice %arg3[%add3A_207] : memref<320000xi32, #tpu.memory_space<hbm>> -> memref<80xi32, #tpu.memory_space<hbm>>
        %dma_wait3A_209 = tpu.memref_slice %arg3[%add3A_207] : memref<320000xi32, #tpu.memory_space<hbm>> -> memref<80xi32, #tpu.memory_space<hbm>>
        tpu.wait_dma2 semaphore(%arg24 : memref<!tpu.dma_semaphore, #tpu.memory_space<semaphore_mem>>) src(%dma_wait3A_209 : memref<80xi32, #tpu.memory_space<hbm>>) dst(%arg8 : memref<80xi32, #tpu.memory_space<vmem>>)
        %mul3A_210 = arith.constant 80 : i32
        %mul3A_211 = arith.muli %add3A_204, %mul3A_210 : i32
        %add3A_212 = arith.addi %mul3A_4, %mul3A_211 : i32
        %dma_wait3A_213 = tpu.memref_slice %arg4[%add3A_212] : memref<320000xi32, #tpu.memory_space<hbm>> -> memref<80xi32, #tpu.memory_space<hbm>>
        %dma_wait3A_214 = tpu.memref_slice %arg4[%add3A_212] : memref<320000xi32, #tpu.memory_space<hbm>> -> memref<80xi32, #tpu.memory_space<hbm>>
        tpu.wait_dma2 semaphore(%arg24 : memref<!tpu.dma_semaphore, #tpu.memory_space<semaphore_mem>>) src(%dma_wait3A_214 : memref<80xi32, #tpu.memory_space<hbm>>) dst(%arg14 : memref<80xi32, #tpu.memory_space<vmem>>)
        %dma_start3A_215 = arith.constant 0 : i32
        %dma_start3A_216 = arith.constant 0 : i32
        %dma_start3A_217 = tpu.memref_slice %arg2[%dma_start3A_215, %dma_start3A_216] : memref<10000x128xf32, #tpu.memory_space<hbm>> -> memref<10000x128xf32, #tpu.memory_space<hbm>>
        tpu.enqueue_indirect_dma source(%dma_start3A_217 : memref<10000x128xf32, #tpu.memory_space<hbm>>) target(%arg20 : memref<80x128xf32, #tpu.memory_space<vmem>>) offsets(%arg8 : memref<80xi32, #tpu.memory_space<vmem>>) semaphore(%arg30 : memref<!tpu.dma_semaphore, #tpu.memory_space<semaphore_mem>>)
      } else {
      }
      %add3A_192 = arith.constant 3 : i32
      %add3A_193 = arith.addi %add3A_179, %add3A_192 : i32
      %lt3A_194 = arith.constant 125 : i32
      %lt3A_195 = arith.cmpi slt, %add3A_193, %lt3A_194 : i32
      %convert_element_type3A_196 = arith.extui %lt3A_195 : i1 to i32
      %cond3A_197 = arith.constant 0 : i32
      %cond3A_198 = arith.cmpi ne, %convert_element_type3A_196, %cond3A_197 : i32
      scf.if %cond3A_198 {
        %add3A_199 = arith.constant 3 : i32
        %add3A_200 = arith.addi %add3A_179, %add3A_199 : i32
        %mul3A_201 = arith.constant 80 : i32
        %mul3A_202 = arith.muli %add3A_200, %mul3A_201 : i32
        %add3A_203 = arith.addi %mul3A_4, %mul3A_202 : i32
        %dma_start3A_204 = tpu.memref_slice %arg3[%add3A_203] : memref<320000xi32, #tpu.memory_space<hbm>> -> memref<80xi32, #tpu.memory_space<hbm>>
        %dma_start3A_205 = tpu.memref_slice %arg3[%add3A_203] : memref<320000xi32, #tpu.memory_space<hbm>> -> memref<80xi32, #tpu.memory_space<hbm>>
        tpu.enqueue_dma source(%dma_start3A_205 : memref<80xi32, #tpu.memory_space<hbm>>) target(%arg9 : memref<80xi32, #tpu.memory_space<vmem>>) target_semaphore(%arg25 : memref<!tpu.dma_semaphore, #tpu.memory_space<semaphore_mem>>)
        %mul3A_206 = arith.constant 80 : i32
        %mul3A_207 = arith.muli %add3A_200, %mul3A_206 : i32
        %add3A_208 = arith.addi %mul3A_4, %mul3A_207 : i32
        %dma_start3A_209 = tpu.memref_slice %arg4[%add3A_208] : memref<320000xi32, #tpu.memory_space<hbm>> -> memref<80xi32, #tpu.memory_space<hbm>>
        %dma_start3A_210 = tpu.memref_slice %arg4[%add3A_208] : memref<320000xi32, #tpu.memory_space<hbm>> -> memref<80xi32, #tpu.memory_space<hbm>>
        tpu.enqueue_dma source(%dma_start3A_210 : memref<80xi32, #tpu.memory_space<hbm>>) target(%arg15 : memref<80xi32, #tpu.memory_space<vmem>>) target_semaphore(%arg25 : memref<!tpu.dma_semaphore, #tpu.memory_space<semaphore_mem>>)
      } else {
      }
    }
    %scan3A_52 = arith.constant 21 : i32
    %dma_wait3A_53 = arith.constant 0 : i32
    %dma_wait3A_54 = arith.constant 0 : i32
    %dma_wait3A_55 = tpu.memref_slice %arg22[%dma_wait3A_53, %dma_wait3A_54] : memref<10000x128xf32, #tpu.memory_space<vmem_shared>> -> memref<10000x128xf32, #tpu.memory_space<vmem_shared>>
    tpu.wait_indirect_dma semaphore(%arg34 : memref<!tpu.dma_semaphore, #tpu.memory_space<semaphore_mem>>) src(%arg21 : memref<80x128xf32, #tpu.memory_space<vmem>>) dst(%dma_wait3A_55 : memref<10000x128xf32, #tpu.memory_space<vmem_shared>>)
    %dma_wait3A_56 = arith.constant 0 : i32
    %dma_wait3A_57 = arith.constant 0 : i32
    %dma_wait3A_58 = tpu.memref_slice %arg22[%dma_wait3A_56, %dma_wait3A_57] : memref<10000x128xf32, #tpu.memory_space<vmem_shared>> -> memref<10000x128xf32, #tpu.memory_space<vmem_shared>>
    tpu.wait_indirect_dma semaphore(%arg32 : memref<!tpu.dma_semaphore, #tpu.memory_space<semaphore_mem>>) src(%arg19 : memref<80x128xf32, #tpu.memory_space<vmem>>) dst(%dma_wait3A_58 : memref<10000x128xf32, #tpu.memory_space<vmem_shared>>)
    %dma_wait3A_59 = arith.constant 0 : i32
    %dma_wait3A_60 = arith.constant 0 : i32
    %dma_wait3A_61 = tpu.memref_slice %arg22[%dma_wait3A_59, %dma_wait3A_60] : memref<10000x128xf32, #tpu.memory_space<vmem_shared>> -> memref<10000x128xf32, #tpu.memory_space<vmem_shared>>
    tpu.wait_indirect_dma semaphore(%arg33 : memref<!tpu.dma_semaphore, #tpu.memory_space<semaphore_mem>>) src(%arg20 : memref<80x128xf32, #tpu.memory_space<vmem>>) dst(%dma_wait3A_61 : memref<10000x128xf32, #tpu.memory_space<vmem_shared>>)
    %barrier3A_62 = arith.constant 0 : index
    tpu.barrier barrier_id(%barrier3A_62)
    %lt3A_63 = arith.constant 10 : i32
    %lt3A_64 = arith.cmpi slt, %arg1, %lt3A_63 : i32
    %convert_element_type3A_65 = arith.extui %lt3A_64 : i1 to i32
    %cond3A_66 = arith.constant 0 : i32
    %cond3A_67 = arith.cmpi ne, %convert_element_type3A_65, %cond3A_66 : i32
    scf.if %cond3A_67 {
      %mul3A_68 = arith.constant 1000 : i32
      %mul3A_69 = arith.muli %arg1, %mul3A_68 : i32
      %mul3A_70 = arith.constant 1000 : i32
      %mul3A_71 = arith.muli %arg1, %mul3A_70 : i32
      "tpu.region"() ({
        %run_scoped3A = tpu.sem_alloc : memref<!tpu.dma_semaphore, #tpu.memory_space<semaphore_mem>>
        %dma_start3A_72 = arith.constant 0 : i32
        %dma_start3A_73 = tpu.memref_slice %arg6[%arg0, %mul3A_71, %dma_start3A_72] : memref<2x10000x128xf32, #tpu.memory_space<hbm>> -> memref<1x1000x128xf32, #tpu.memory_space<hbm>>
        %dma_start3A_74 = tpu.memref_squeeze %dma_start3A_73 : memref<1x1000x128xf32, #tpu.memory_space<hbm>> -> memref<1000x128xf32, #tpu.memory_space<hbm>>
        %dma_start3A_75 = arith.constant 0 : i32
        %dma_start3A_76 = tpu.memref_slice %arg22[%mul3A_69, %dma_start3A_75] : memref<10000x128xf32, #tpu.memory_space<vmem_shared>> -> memref<1000x128xf32, #tpu.memory_space<vmem_shared>>
        tpu.enqueue_dma source(%dma_start3A_76 : memref<1000x128xf32, #tpu.memory_space<vmem_shared>>) target(%dma_start3A_74 : memref<1000x128xf32, #tpu.memory_space<hbm>>) target_semaphore(%run_scoped3A : memref<!tpu.dma_semaphore, #tpu.memory_space<semaphore_mem>>)
        %dma_wait3A_77 = arith.constant 0 : i32
        %dma_wait3A_78 = tpu.memref_slice %arg6[%arg0, %mul3A_71, %dma_wait3A_77] : memref<2x10000x128xf32, #tpu.memory_space<hbm>> -> memref<1x1000x128xf32, #tpu.memory_space<hbm>>
        %dma_wait3A_79 = tpu.memref_squeeze %dma_wait3A_78 : memref<1x1000x128xf32, #tpu.memory_space<hbm>> -> memref<1000x128xf32, #tpu.memory_space<hbm>>
        %dma_wait3A_80 = arith.constant 0 : i32
        %dma_wait3A_81 = tpu.memref_slice %arg22[%mul3A_69, %dma_wait3A_80] : memref<10000x128xf32, #tpu.memory_space<vmem_shared>> -> memref<1000x128xf32, #tpu.memory_space<vmem_shared>>
        tpu.wait_dma2 semaphore(%run_scoped3A : memref<!tpu.dma_semaphore, #tpu.memory_space<semaphore_mem>>) src(%dma_wait3A_81 : memref<1000x128xf32, #tpu.memory_space<vmem_shared>>) dst(%dma_wait3A_79 : memref<1000x128xf32, #tpu.memory_space<hbm>>)
        tpu.yield
      }) : () -> ()
    } else {
    }
    return
  }
}

#map = affine_map<(d0, d1) -> (0)>
#map1 = affine_map<(d0, d1) -> (0, 0)>
#map2 = affine_map<(d0, d1) -> (0, 0, 0)>
module attributes {stable_mosaic.version = 14 : i64} {
  func.func @deg_kernel(%arg0: i32, %arg1: i32, %arg2: memref<320000xi32, #tpu.memory_space<hbm>>, %arg3: memref<200x128xf32, #tpu.memory_space<hbm>>, %arg4: memref<10000x128xf32, #tpu.memory_space<hbm>>, %arg5: memref<2x10000x128xf32, #tpu.memory_space<hbm>>, %arg6: memref<200xi32, #tpu.memory_space<vmem>>, %arg7: memref<200xi32, #tpu.memory_space<vmem>>, %arg8: memref<200xi32, #tpu.memory_space<vmem>>, %arg9: memref<200xi32, #tpu.memory_space<vmem>>, %arg10: memref<200xi32, #tpu.memory_space<vmem>>, %arg11: memref<200xi32, #tpu.memory_space<vmem>>, %arg12: memref<200x128xf32, #tpu.memory_space<vmem>>, %arg13: memref<10000x128xf32, #tpu.memory_space<vmem_shared>>, %arg14: memref<!tpu.dma_semaphore, #tpu.memory_space<semaphore_mem>>, %arg15: memref<!tpu.dma_semaphore, #tpu.memory_space<semaphore_mem>>, %arg16: memref<!tpu.dma_semaphore, #tpu.memory_space<semaphore_mem>>, %arg17: memref<!tpu.dma_semaphore, #tpu.memory_space<semaphore_mem>>, %arg18: memref<!tpu.dma_semaphore, #tpu.memory_space<semaphore_mem>>, %arg19: memref<!tpu.dma_semaphore, #tpu.memory_space<semaphore_mem>>, %arg20: memref<!tpu.dma_semaphore, #tpu.memory_space<semaphore_mem>>, %arg21: memref<!tpu.dma_semaphore, #tpu.memory_space<semaphore_mem>>, %arg22: memref<!tpu.dma_semaphore, #tpu.memory_space<semaphore_mem>>, %arg23: memref<!tpu.dma_semaphore, #tpu.memory_space<semaphore_mem>>, %arg24: memref<!tpu.dma_semaphore, #tpu.memory_space<semaphore_mem>>, %arg25: memref<!tpu.dma_semaphore, #tpu.memory_space<semaphore_mem>>) attributes {dimension_semantics = [#tpu.dimension_semantics<core_parallel>, #tpu.dimension_semantics<subcore_parallel>], iteration_bounds = array<i64: 2, 16>, scalar_prefetch = 0 : i64, scratch_operands = 20 : i64, tpu.core_type = #tpu.core_type<sc_vector_subcore>, window_params = [{transform_indices = #map}, {transform_indices = #map1}, {transform_indices = #map1}, {transform_indices = #map2}]} {
    %mul3A = arith.constant 2 : i32
    %mul3A_0 = arith.muli %arg1, %mul3A : i32
    %add3A = arith.addi %mul3A_0, %arg0 : i32
    "tpu.region"() ({
      %run_scoped3A = tpu.sem_alloc : memref<!tpu.dma_semaphore, #tpu.memory_space<semaphore_mem>>
      tpu.enqueue_dma source(%arg3 : memref<200x128xf32, #tpu.memory_space<hbm>>) target(%arg12 : memref<200x128xf32, #tpu.memory_space<vmem>>) target_semaphore(%run_scoped3A : memref<!tpu.dma_semaphore, #tpu.memory_space<semaphore_mem>>)
      tpu.wait_dma2 semaphore(%run_scoped3A : memref<!tpu.dma_semaphore, #tpu.memory_space<semaphore_mem>>) src(%arg3 : memref<200x128xf32, #tpu.memory_space<hbm>>) dst(%arg12 : memref<200x128xf32, #tpu.memory_space<vmem>>)
      tpu.yield
    }) : () -> ()
    %lt3A = arith.constant 10 : i32
    %lt3A_1 = arith.cmpi slt, %arg1, %lt3A : i32
    %convert_element_type3A = arith.extui %lt3A_1 : i1 to i32
    %cond3A = arith.constant 0 : i32
    %cond3A_2 = arith.cmpi ne, %convert_element_type3A, %cond3A : i32
    scf.if %cond3A_2 {
      %mul3A_51 = arith.constant 1000 : i32
      %mul3A_52 = arith.muli %arg1, %mul3A_51 : i32
      %mul3A_53 = arith.constant 1000 : i32
      %mul3A_54 = arith.muli %arg1, %mul3A_53 : i32
      "tpu.region"() ({
        %run_scoped3A = tpu.sem_alloc : memref<!tpu.dma_semaphore, #tpu.memory_space<semaphore_mem>>
        %dma_start3A_55 = arith.constant 0 : i32
        %dma_start3A_56 = tpu.memref_slice %arg13[%mul3A_54, %dma_start3A_55] : memref<10000x128xf32, #tpu.memory_space<vmem_shared>> -> memref<1000x128xf32, #tpu.memory_space<vmem_shared>>
        %dma_start3A_57 = arith.constant 0 : i32
        %dma_start3A_58 = tpu.memref_slice %arg4[%mul3A_52, %dma_start3A_57] : memref<10000x128xf32, #tpu.memory_space<hbm>> -> memref<1000x128xf32, #tpu.memory_space<hbm>>
        tpu.enqueue_dma source(%dma_start3A_58 : memref<1000x128xf32, #tpu.memory_space<hbm>>) target(%dma_start3A_56 : memref<1000x128xf32, #tpu.memory_space<vmem_shared>>) target_semaphore(%run_scoped3A : memref<!tpu.dma_semaphore, #tpu.memory_space<semaphore_mem>>)
        %dma_wait3A_59 = arith.constant 0 : i32
        %dma_wait3A_60 = tpu.memref_slice %arg13[%mul3A_54, %dma_wait3A_59] : memref<10000x128xf32, #tpu.memory_space<vmem_shared>> -> memref<1000x128xf32, #tpu.memory_space<vmem_shared>>
        %dma_wait3A_61 = arith.constant 0 : i32
        %dma_wait3A_62 = tpu.memref_slice %arg4[%mul3A_52, %dma_wait3A_61] : memref<10000x128xf32, #tpu.memory_space<hbm>> -> memref<1000x128xf32, #tpu.memory_space<hbm>>
        tpu.wait_dma2 semaphore(%run_scoped3A : memref<!tpu.dma_semaphore, #tpu.memory_space<semaphore_mem>>) src(%dma_wait3A_62 : memref<1000x128xf32, #tpu.memory_space<hbm>>) dst(%dma_wait3A_60 : memref<1000x128xf32, #tpu.memory_space<vmem_shared>>)
        tpu.yield
      }) : () -> ()
    } else {
    }
    %barrier3A = arith.constant 0 : index
    tpu.barrier barrier_id(%barrier3A)
    %mul3A_3 = arith.constant 10000 : i32
    %mul3A_4 = arith.muli %add3A, %mul3A_3 : i32
    %add3A_5 = arith.constant 0 : i32
    %add3A_6 = arith.addi %mul3A_4, %add3A_5 : i32
    %dma_start3A = tpu.memref_slice %arg2[%add3A_6] : memref<320000xi32, #tpu.memory_space<hbm>> -> memref<200xi32, #tpu.memory_space<hbm>>
    %dma_start3A_7 = tpu.memref_slice %arg2[%add3A_6] : memref<320000xi32, #tpu.memory_space<hbm>> -> memref<200xi32, #tpu.memory_space<hbm>>
    tpu.enqueue_dma source(%dma_start3A_7 : memref<200xi32, #tpu.memory_space<hbm>>) target(%arg6 : memref<200xi32, #tpu.memory_space<vmem>>) target_semaphore(%arg14 : memref<!tpu.dma_semaphore, #tpu.memory_space<semaphore_mem>>)
    %add3A_8 = arith.constant 200 : i32
    %add3A_9 = arith.addi %mul3A_4, %add3A_8 : i32
    %dma_start3A_10 = tpu.memref_slice %arg2[%add3A_9] : memref<320000xi32, #tpu.memory_space<hbm>> -> memref<200xi32, #tpu.memory_space<hbm>>
    %dma_start3A_11 = tpu.memref_slice %arg2[%add3A_9] : memref<320000xi32, #tpu.memory_space<hbm>> -> memref<200xi32, #tpu.memory_space<hbm>>
    tpu.enqueue_dma source(%dma_start3A_11 : memref<200xi32, #tpu.memory_space<hbm>>) target(%arg7 : memref<200xi32, #tpu.memory_space<vmem>>) target_semaphore(%arg15 : memref<!tpu.dma_semaphore, #tpu.memory_space<semaphore_mem>>)
    %add3A_12 = arith.constant 400 : i32
    %add3A_13 = arith.addi %mul3A_4, %add3A_12 : i32
    %dma_start3A_14 = tpu.memref_slice %arg2[%add3A_13] : memref<320000xi32, #tpu.memory_space<hbm>> -> memref<200xi32, #tpu.memory_space<hbm>>
    %dma_start3A_15 = tpu.memref_slice %arg2[%add3A_13] : memref<320000xi32, #tpu.memory_space<hbm>> -> memref<200xi32, #tpu.memory_space<hbm>>
    tpu.enqueue_dma source(%dma_start3A_15 : memref<200xi32, #tpu.memory_space<hbm>>) target(%arg8 : memref<200xi32, #tpu.memory_space<vmem>>) target_semaphore(%arg16 : memref<!tpu.dma_semaphore, #tpu.memory_space<semaphore_mem>>)
    %add3A_16 = arith.constant 600 : i32
    %add3A_17 = arith.addi %mul3A_4, %add3A_16 : i32
    %dma_start3A_18 = tpu.memref_slice %arg2[%add3A_17] : memref<320000xi32, #tpu.memory_space<hbm>> -> memref<200xi32, #tpu.memory_space<hbm>>
    %dma_start3A_19 = tpu.memref_slice %arg2[%add3A_17] : memref<320000xi32, #tpu.memory_space<hbm>> -> memref<200xi32, #tpu.memory_space<hbm>>
    tpu.enqueue_dma source(%dma_start3A_19 : memref<200xi32, #tpu.memory_space<hbm>>) target(%arg9 : memref<200xi32, #tpu.memory_space<vmem>>) target_semaphore(%arg17 : memref<!tpu.dma_semaphore, #tpu.memory_space<semaphore_mem>>)
    %add3A_20 = arith.constant 800 : i32
    %add3A_21 = arith.addi %mul3A_4, %add3A_20 : i32
    %dma_start3A_22 = tpu.memref_slice %arg2[%add3A_21] : memref<320000xi32, #tpu.memory_space<hbm>> -> memref<200xi32, #tpu.memory_space<hbm>>
    %dma_start3A_23 = tpu.memref_slice %arg2[%add3A_21] : memref<320000xi32, #tpu.memory_space<hbm>> -> memref<200xi32, #tpu.memory_space<hbm>>
    tpu.enqueue_dma source(%dma_start3A_23 : memref<200xi32, #tpu.memory_space<hbm>>) target(%arg10 : memref<200xi32, #tpu.memory_space<vmem>>) target_semaphore(%arg18 : memref<!tpu.dma_semaphore, #tpu.memory_space<semaphore_mem>>)
    %scan3A = arith.constant 0 : i32
    %scan3A_24 = arith.constant 9 : i32
    %scan3A_25 = arith.addi %scan3A, %scan3A_24 : i32
    %scan3A_26 = arith.constant 1 : i32
    scf.for %scan3A_51 = %scan3A to %scan3A_25 step %scan3A_26  : i32 {
      %mul3A_52 = arith.constant 6 : i32
      %mul3A_53 = arith.muli %scan3A_51, %mul3A_52 : i32
      %add3A_54 = arith.constant 0 : i32
      %add3A_55 = arith.addi %add3A_54, %mul3A_53 : i32
      %add3A_56 = arith.constant 0 : i32
      %add3A_57 = arith.addi %add3A_55, %add3A_56 : i32
      %lt3A_58 = arith.constant 50 : i32
      %lt3A_59 = arith.cmpi slt, %add3A_57, %lt3A_58 : i32
      %convert_element_type3A_60 = arith.extui %lt3A_59 : i1 to i32
      %cond3A_61 = arith.constant 0 : i32
      %cond3A_62 = arith.cmpi ne, %convert_element_type3A_60, %cond3A_61 : i32
      scf.if %cond3A_62 {
        %mul3A_151 = arith.constant 200 : i32
        %mul3A_152 = arith.muli %add3A_57, %mul3A_151 : i32
        %add3A_153 = arith.addi %mul3A_4, %mul3A_152 : i32
        %dma_wait3A_154 = tpu.memref_slice %arg2[%add3A_153] : memref<320000xi32, #tpu.memory_space<hbm>> -> memref<200xi32, #tpu.memory_space<hbm>>
        %dma_wait3A_155 = tpu.memref_slice %arg2[%add3A_153] : memref<320000xi32, #tpu.memory_space<hbm>> -> memref<200xi32, #tpu.memory_space<hbm>>
        tpu.wait_dma2 semaphore(%arg14 : memref<!tpu.dma_semaphore, #tpu.memory_space<semaphore_mem>>) src(%dma_wait3A_155 : memref<200xi32, #tpu.memory_space<hbm>>) dst(%arg6 : memref<200xi32, #tpu.memory_space<vmem>>)
        %dma_start3A_156 = arith.constant 0 : i32
        %dma_start3A_157 = arith.constant 0 : i32
        %dma_start3A_158 = tpu.memref_slice %arg13[%dma_start3A_156, %dma_start3A_157] : memref<10000x128xf32, #tpu.memory_space<vmem_shared>> -> memref<10000x128xf32, #tpu.memory_space<vmem_shared>>
        tpu.enqueue_indirect_dma source(%arg12 : memref<200x128xf32, #tpu.memory_space<vmem>>) target(%dma_start3A_158 : memref<10000x128xf32, #tpu.memory_space<vmem_shared>>) offsets(%arg6 : memref<200xi32, #tpu.memory_space<vmem>>) semaphore(%arg20 : memref<!tpu.dma_semaphore, #tpu.memory_space<semaphore_mem>>) {add = true}
      } else {
      }
      %add3A_63 = arith.constant 6 : i32
      %add3A_64 = arith.addi %add3A_57, %add3A_63 : i32
      %sub3A = arith.constant 1 : i32
      %sub3A_65 = arith.subi %add3A_64, %sub3A : i32
      %lt3A_66 = arith.constant 50 : i32
      %lt3A_67 = arith.cmpi slt, %sub3A_65, %lt3A_66 : i32
      %convert_element_type3A_68 = arith.extui %lt3A_67 : i1 to i32
      %cond3A_69 = arith.constant 0 : i32
      %cond3A_70 = arith.cmpi ne, %convert_element_type3A_68, %cond3A_69 : i32
      scf.if %cond3A_70 {
        %ge3A = arith.constant 1 : i32
        %ge3A_151 = arith.cmpi sge, %add3A_57, %ge3A : i32
        %convert_element_type3A_152 = arith.extui %ge3A_151 : i1 to i32
        %cond3A_153 = arith.constant 0 : i32
        %cond3A_154 = arith.cmpi ne, %convert_element_type3A_152, %cond3A_153 : i32
        scf.if %cond3A_154 {
          %dma_wait3A_164 = arith.constant 0 : i32
          %dma_wait3A_165 = arith.constant 0 : i32
          %dma_wait3A_166 = tpu.memref_slice %arg13[%dma_wait3A_164, %dma_wait3A_165] : memref<10000x128xf32, #tpu.memory_space<vmem_shared>> -> memref<10000x128xf32, #tpu.memory_space<vmem_shared>>
          tpu.wait_indirect_dma semaphore(%arg25 : memref<!tpu.dma_semaphore, #tpu.memory_space<semaphore_mem>>) src(%arg12 : memref<200x128xf32, #tpu.memory_space<vmem>>) dst(%dma_wait3A_166 : memref<10000x128xf32, #tpu.memory_space<vmem_shared>>)
        } else {
        }
        %add3A_155 = arith.constant 6 : i32
        %add3A_156 = arith.addi %add3A_57, %add3A_155 : i32
        %sub3A_157 = arith.constant 1 : i32
        %sub3A_158 = arith.subi %add3A_156, %sub3A_157 : i32
        %mul3A_159 = arith.constant 200 : i32
        %mul3A_160 = arith.muli %sub3A_158, %mul3A_159 : i32
        %add3A_161 = arith.addi %mul3A_4, %mul3A_160 : i32
        %dma_start3A_162 = tpu.memref_slice %arg2[%add3A_161] : memref<320000xi32, #tpu.memory_space<hbm>> -> memref<200xi32, #tpu.memory_space<hbm>>
        %dma_start3A_163 = tpu.memref_slice %arg2[%add3A_161] : memref<320000xi32, #tpu.memory_space<hbm>> -> memref<200xi32, #tpu.memory_space<hbm>>
        tpu.enqueue_dma source(%dma_start3A_163 : memref<200xi32, #tpu.memory_space<hbm>>) target(%arg11 : memref<200xi32, #tpu.memory_space<vmem>>) target_semaphore(%arg19 : memref<!tpu.dma_semaphore, #tpu.memory_space<semaphore_mem>>)
      } else {
      }
      %add3A_71 = arith.constant 1 : i32
      %add3A_72 = arith.addi %add3A_55, %add3A_71 : i32
      %lt3A_73 = arith.constant 50 : i32
      %lt3A_74 = arith.cmpi slt, %add3A_72, %lt3A_73 : i32
      %convert_element_type3A_75 = arith.extui %lt3A_74 : i1 to i32
      %cond3A_76 = arith.constant 0 : i32
      %cond3A_77 = arith.cmpi ne, %convert_element_type3A_75, %cond3A_76 : i32
      scf.if %cond3A_77 {
        %mul3A_151 = arith.constant 200 : i32
        %mul3A_152 = arith.muli %add3A_72, %mul3A_151 : i32
        %add3A_153 = arith.addi %mul3A_4, %mul3A_152 : i32
        %dma_wait3A_154 = tpu.memref_slice %arg2[%add3A_153] : memref<320000xi32, #tpu.memory_space<hbm>> -> memref<200xi32, #tpu.memory_space<hbm>>
        %dma_wait3A_155 = tpu.memref_slice %arg2[%add3A_153] : memref<320000xi32, #tpu.memory_space<hbm>> -> memref<200xi32, #tpu.memory_space<hbm>>
        tpu.wait_dma2 semaphore(%arg15 : memref<!tpu.dma_semaphore, #tpu.memory_space<semaphore_mem>>) src(%dma_wait3A_155 : memref<200xi32, #tpu.memory_space<hbm>>) dst(%arg7 : memref<200xi32, #tpu.memory_space<vmem>>)
        %dma_start3A_156 = arith.constant 0 : i32
        %dma_start3A_157 = arith.constant 0 : i32
        %dma_start3A_158 = tpu.memref_slice %arg13[%dma_start3A_156, %dma_start3A_157] : memref<10000x128xf32, #tpu.memory_space<vmem_shared>> -> memref<10000x128xf32, #tpu.memory_space<vmem_shared>>
        tpu.enqueue_indirect_dma source(%arg12 : memref<200x128xf32, #tpu.memory_space<vmem>>) target(%dma_start3A_158 : memref<10000x128xf32, #tpu.memory_space<vmem_shared>>) offsets(%arg7 : memref<200xi32, #tpu.memory_space<vmem>>) semaphore(%arg21 : memref<!tpu.dma_semaphore, #tpu.memory_space<semaphore_mem>>) {add = true}
      } else {
      }
      %add3A_78 = arith.constant 6 : i32
      %add3A_79 = arith.addi %add3A_72, %add3A_78 : i32
      %sub3A_80 = arith.constant 1 : i32
      %sub3A_81 = arith.subi %add3A_79, %sub3A_80 : i32
      %lt3A_82 = arith.constant 50 : i32
      %lt3A_83 = arith.cmpi slt, %sub3A_81, %lt3A_82 : i32
      %convert_element_type3A_84 = arith.extui %lt3A_83 : i1 to i32
      %cond3A_85 = arith.constant 0 : i32
      %cond3A_86 = arith.cmpi ne, %convert_element_type3A_84, %cond3A_85 : i32
      scf.if %cond3A_86 {
        %ge3A = arith.constant 1 : i32
        %ge3A_151 = arith.cmpi sge, %add3A_72, %ge3A : i32
        %convert_element_type3A_152 = arith.extui %ge3A_151 : i1 to i32
        %cond3A_153 = arith.constant 0 : i32
        %cond3A_154 = arith.cmpi ne, %convert_element_type3A_152, %cond3A_153 : i32
        scf.if %cond3A_154 {
          %dma_wait3A_164 = arith.constant 0 : i32
          %dma_wait3A_165 = arith.constant 0 : i32
          %dma_wait3A_166 = tpu.memref_slice %arg13[%dma_wait3A_164, %dma_wait3A_165] : memref<10000x128xf32, #tpu.memory_space<vmem_shared>> -> memref<10000x128xf32, #tpu.memory_space<vmem_shared>>
          tpu.wait_indirect_dma semaphore(%arg20 : memref<!tpu.dma_semaphore, #tpu.memory_space<semaphore_mem>>) src(%arg12 : memref<200x128xf32, #tpu.memory_space<vmem>>) dst(%dma_wait3A_166 : memref<10000x128xf32, #tpu.memory_space<vmem_shared>>)
        } else {
        }
        %add3A_155 = arith.constant 6 : i32
        %add3A_156 = arith.addi %add3A_72, %add3A_155 : i32
        %sub3A_157 = arith.constant 1 : i32
        %sub3A_158 = arith.subi %add3A_156, %sub3A_157 : i32
        %mul3A_159 = arith.constant 200 : i32
        %mul3A_160 = arith.muli %sub3A_158, %mul3A_159 : i32
        %add3A_161 = arith.addi %mul3A_4, %mul3A_160 : i32
        %dma_start3A_162 = tpu.memref_slice %arg2[%add3A_161] : memref<320000xi32, #tpu.memory_space<hbm>> -> memref<200xi32, #tpu.memory_space<hbm>>
        %dma_start3A_163 = tpu.memref_slice %arg2[%add3A_161] : memref<320000xi32, #tpu.memory_space<hbm>> -> memref<200xi32, #tpu.memory_space<hbm>>
        tpu.enqueue_dma source(%dma_start3A_163 : memref<200xi32, #tpu.memory_space<hbm>>) target(%arg6 : memref<200xi32, #tpu.memory_space<vmem>>) target_semaphore(%arg14 : memref<!tpu.dma_semaphore, #tpu.memory_space<semaphore_mem>>)
      } else {
      }
      %add3A_87 = arith.constant 2 : i32
      %add3A_88 = arith.addi %add3A_55, %add3A_87 : i32
      %lt3A_89 = arith.constant 50 : i32
      %lt3A_90 = arith.cmpi slt, %add3A_88, %lt3A_89 : i32
      %convert_element_type3A_91 = arith.extui %lt3A_90 : i1 to i32
      %cond3A_92 = arith.constant 0 : i32
      %cond3A_93 = arith.cmpi ne, %convert_element_type3A_91, %cond3A_92 : i32
      scf.if %cond3A_93 {
        %mul3A_151 = arith.constant 200 : i32
        %mul3A_152 = arith.muli %add3A_88, %mul3A_151 : i32
        %add3A_153 = arith.addi %mul3A_4, %mul3A_152 : i32
        %dma_wait3A_154 = tpu.memref_slice %arg2[%add3A_153] : memref<320000xi32, #tpu.memory_space<hbm>> -> memref<200xi32, #tpu.memory_space<hbm>>
        %dma_wait3A_155 = tpu.memref_slice %arg2[%add3A_153] : memref<320000xi32, #tpu.memory_space<hbm>> -> memref<200xi32, #tpu.memory_space<hbm>>
        tpu.wait_dma2 semaphore(%arg16 : memref<!tpu.dma_semaphore, #tpu.memory_space<semaphore_mem>>) src(%dma_wait3A_155 : memref<200xi32, #tpu.memory_space<hbm>>) dst(%arg8 : memref<200xi32, #tpu.memory_space<vmem>>)
        %dma_start3A_156 = arith.constant 0 : i32
        %dma_start3A_157 = arith.constant 0 : i32
        %dma_start3A_158 = tpu.memref_slice %arg13[%dma_start3A_156, %dma_start3A_157] : memref<10000x128xf32, #tpu.memory_space<vmem_shared>> -> memref<10000x128xf32, #tpu.memory_space<vmem_shared>>
        tpu.enqueue_indirect_dma source(%arg12 : memref<200x128xf32, #tpu.memory_space<vmem>>) target(%dma_start3A_158 : memref<10000x128xf32, #tpu.memory_space<vmem_shared>>) offsets(%arg8 : memref<200xi32, #tpu.memory_space<vmem>>) semaphore(%arg22 : memref<!tpu.dma_semaphore, #tpu.memory_space<semaphore_mem>>) {add = true}
      } else {
      }
      %add3A_94 = arith.constant 6 : i32
      %add3A_95 = arith.addi %add3A_88, %add3A_94 : i32
      %sub3A_96 = arith.constant 1 : i32
      %sub3A_97 = arith.subi %add3A_95, %sub3A_96 : i32
      %lt3A_98 = arith.constant 50 : i32
      %lt3A_99 = arith.cmpi slt, %sub3A_97, %lt3A_98 : i32
      %convert_element_type3A_100 = arith.extui %lt3A_99 : i1 to i32
      %cond3A_101 = arith.constant 0 : i32
      %cond3A_102 = arith.cmpi ne, %convert_element_type3A_100, %cond3A_101 : i32
      scf.if %cond3A_102 {
        %ge3A = arith.constant 1 : i32
        %ge3A_151 = arith.cmpi sge, %add3A_88, %ge3A : i32
        %convert_element_type3A_152 = arith.extui %ge3A_151 : i1 to i32
        %cond3A_153 = arith.constant 0 : i32
        %cond3A_154 = arith.cmpi ne, %convert_element_type3A_152, %cond3A_153 : i32
        scf.if %cond3A_154 {
          %dma_wait3A_164 = arith.constant 0 : i32
          %dma_wait3A_165 = arith.constant 0 : i32
          %dma_wait3A_166 = tpu.memref_slice %arg13[%dma_wait3A_164, %dma_wait3A_165] : memref<10000x128xf32, #tpu.memory_space<vmem_shared>> -> memref<10000x128xf32, #tpu.memory_space<vmem_shared>>
          tpu.wait_indirect_dma semaphore(%arg21 : memref<!tpu.dma_semaphore, #tpu.memory_space<semaphore_mem>>) src(%arg12 : memref<200x128xf32, #tpu.memory_space<vmem>>) dst(%dma_wait3A_166 : memref<10000x128xf32, #tpu.memory_space<vmem_shared>>)
        } else {
        }
        %add3A_155 = arith.constant 6 : i32
        %add3A_156 = arith.addi %add3A_88, %add3A_155 : i32
        %sub3A_157 = arith.constant 1 : i32
        %sub3A_158 = arith.subi %add3A_156, %sub3A_157 : i32
        %mul3A_159 = arith.constant 200 : i32
        %mul3A_160 = arith.muli %sub3A_158, %mul3A_159 : i32
        %add3A_161 = arith.addi %mul3A_4, %mul3A_160 : i32
        %dma_start3A_162 = tpu.memref_slice %arg2[%add3A_161] : memref<320000xi32, #tpu.memory_space<hbm>> -> memref<200xi32, #tpu.memory_space<hbm>>
        %dma_start3A_163 = tpu.memref_slice %arg2[%add3A_161] : memref<320000xi32, #tpu.memory_space<hbm>> -> memref<200xi32, #tpu.memory_space<hbm>>
        tpu.enqueue_dma source(%dma_start3A_163 : memref<200xi32, #tpu.memory_space<hbm>>) target(%arg7 : memref<200xi32, #tpu.memory_space<vmem>>) target_semaphore(%arg15 : memref<!tpu.dma_semaphore, #tpu.memory_space<semaphore_mem>>)
      } else {
      }
      %add3A_103 = arith.constant 3 : i32
      %add3A_104 = arith.addi %add3A_55, %add3A_103 : i32
      %lt3A_105 = arith.constant 50 : i32
      %lt3A_106 = arith.cmpi slt, %add3A_104, %lt3A_105 : i32
      %convert_element_type3A_107 = arith.extui %lt3A_106 : i1 to i32
      %cond3A_108 = arith.constant 0 : i32
      %cond3A_109 = arith.cmpi ne, %convert_element_type3A_107, %cond3A_108 : i32
      scf.if %cond3A_109 {
        %mul3A_151 = arith.constant 200 : i32
        %mul3A_152 = arith.muli %add3A_104, %mul3A_151 : i32
        %add3A_153 = arith.addi %mul3A_4, %mul3A_152 : i32
        %dma_wait3A_154 = tpu.memref_slice %arg2[%add3A_153] : memref<320000xi32, #tpu.memory_space<hbm>> -> memref<200xi32, #tpu.memory_space<hbm>>
        %dma_wait3A_155 = tpu.memref_slice %arg2[%add3A_153] : memref<320000xi32, #tpu.memory_space<hbm>> -> memref<200xi32, #tpu.memory_space<hbm>>
        tpu.wait_dma2 semaphore(%arg17 : memref<!tpu.dma_semaphore, #tpu.memory_space<semaphore_mem>>) src(%dma_wait3A_155 : memref<200xi32, #tpu.memory_space<hbm>>) dst(%arg9 : memref<200xi32, #tpu.memory_space<vmem>>)
        %dma_start3A_156 = arith.constant 0 : i32
        %dma_start3A_157 = arith.constant 0 : i32
        %dma_start3A_158 = tpu.memref_slice %arg13[%dma_start3A_156, %dma_start3A_157] : memref<10000x128xf32, #tpu.memory_space<vmem_shared>> -> memref<10000x128xf32, #tpu.memory_space<vmem_shared>>
        tpu.enqueue_indirect_dma source(%arg12 : memref<200x128xf32, #tpu.memory_space<vmem>>) target(%dma_start3A_158 : memref<10000x128xf32, #tpu.memory_space<vmem_shared>>) offsets(%arg9 : memref<200xi32, #tpu.memory_space<vmem>>) semaphore(%arg23 : memref<!tpu.dma_semaphore, #tpu.memory_space<semaphore_mem>>) {add = true}
      } else {
      }
      %add3A_110 = arith.constant 6 : i32
      %add3A_111 = arith.addi %add3A_104, %add3A_110 : i32
      %sub3A_112 = arith.constant 1 : i32
      %sub3A_113 = arith.subi %add3A_111, %sub3A_112 : i32
      %lt3A_114 = arith.constant 50 : i32
      %lt3A_115 = arith.cmpi slt, %sub3A_113, %lt3A_114 : i32
      %convert_element_type3A_116 = arith.extui %lt3A_115 : i1 to i32
      %cond3A_117 = arith.constant 0 : i32
      %cond3A_118 = arith.cmpi ne, %convert_element_type3A_116, %cond3A_117 : i32
      scf.if %cond3A_118 {
        %ge3A = arith.constant 1 : i32
        %ge3A_151 = arith.cmpi sge, %add3A_104, %ge3A : i32
        %convert_element_type3A_152 = arith.extui %ge3A_151 : i1 to i32
        %cond3A_153 = arith.constant 0 : i32
        %cond3A_154 = arith.cmpi ne, %convert_element_type3A_152, %cond3A_153 : i32
        scf.if %cond3A_154 {
          %dma_wait3A_164 = arith.constant 0 : i32
          %dma_wait3A_165 = arith.constant 0 : i32
          %dma_wait3A_166 = tpu.memref_slice %arg13[%dma_wait3A_164, %dma_wait3A_165] : memref<10000x128xf32, #tpu.memory_space<vmem_shared>> -> memref<10000x128xf32, #tpu.memory_space<vmem_shared>>
          tpu.wait_indirect_dma semaphore(%arg22 : memref<!tpu.dma_semaphore, #tpu.memory_space<semaphore_mem>>) src(%arg12 : memref<200x128xf32, #tpu.memory_space<vmem>>) dst(%dma_wait3A_166 : memref<10000x128xf32, #tpu.memory_space<vmem_shared>>)
        } else {
        }
        %add3A_155 = arith.constant 6 : i32
        %add3A_156 = arith.addi %add3A_104, %add3A_155 : i32
        %sub3A_157 = arith.constant 1 : i32
        %sub3A_158 = arith.subi %add3A_156, %sub3A_157 : i32
        %mul3A_159 = arith.constant 200 : i32
        %mul3A_160 = arith.muli %sub3A_158, %mul3A_159 : i32
        %add3A_161 = arith.addi %mul3A_4, %mul3A_160 : i32
        %dma_start3A_162 = tpu.memref_slice %arg2[%add3A_161] : memref<320000xi32, #tpu.memory_space<hbm>> -> memref<200xi32, #tpu.memory_space<hbm>>
        %dma_start3A_163 = tpu.memref_slice %arg2[%add3A_161] : memref<320000xi32, #tpu.memory_space<hbm>> -> memref<200xi32, #tpu.memory_space<hbm>>
        tpu.enqueue_dma source(%dma_start3A_163 : memref<200xi32, #tpu.memory_space<hbm>>) target(%arg8 : memref<200xi32, #tpu.memory_space<vmem>>) target_semaphore(%arg16 : memref<!tpu.dma_semaphore, #tpu.memory_space<semaphore_mem>>)
      } else {
      }
      %add3A_119 = arith.constant 4 : i32
      %add3A_120 = arith.addi %add3A_55, %add3A_119 : i32
      %lt3A_121 = arith.constant 50 : i32
      %lt3A_122 = arith.cmpi slt, %add3A_120, %lt3A_121 : i32
      %convert_element_type3A_123 = arith.extui %lt3A_122 : i1 to i32
      %cond3A_124 = arith.constant 0 : i32
      %cond3A_125 = arith.cmpi ne, %convert_element_type3A_123, %cond3A_124 : i32
      scf.if %cond3A_125 {
        %mul3A_151 = arith.constant 200 : i32
        %mul3A_152 = arith.muli %add3A_120, %mul3A_151 : i32
        %add3A_153 = arith.addi %mul3A_4, %mul3A_152 : i32
        %dma_wait3A_154 = tpu.memref_slice %arg2[%add3A_153] : memref<320000xi32, #tpu.memory_space<hbm>> -> memref<200xi32, #tpu.memory_space<hbm>>
        %dma_wait3A_155 = tpu.memref_slice %arg2[%add3A_153] : memref<320000xi32, #tpu.memory_space<hbm>> -> memref<200xi32, #tpu.memory_space<hbm>>
        tpu.wait_dma2 semaphore(%arg18 : memref<!tpu.dma_semaphore, #tpu.memory_space<semaphore_mem>>) src(%dma_wait3A_155 : memref<200xi32, #tpu.memory_space<hbm>>) dst(%arg10 : memref<200xi32, #tpu.memory_space<vmem>>)
        %dma_start3A_156 = arith.constant 0 : i32
        %dma_start3A_157 = arith.constant 0 : i32
        %dma_start3A_158 = tpu.memref_slice %arg13[%dma_start3A_156, %dma_start3A_157] : memref<10000x128xf32, #tpu.memory_space<vmem_shared>> -> memref<10000x128xf32, #tpu.memory_space<vmem_shared>>
        tpu.enqueue_indirect_dma source(%arg12 : memref<200x128xf32, #tpu.memory_space<vmem>>) target(%dma_start3A_158 : memref<10000x128xf32, #tpu.memory_space<vmem_shared>>) offsets(%arg10 : memref<200xi32, #tpu.memory_space<vmem>>) semaphore(%arg24 : memref<!tpu.dma_semaphore, #tpu.memory_space<semaphore_mem>>) {add = true}
      } else {
      }
      %add3A_126 = arith.constant 6 : i32
      %add3A_127 = arith.addi %add3A_120, %add3A_126 : i32
      %sub3A_128 = arith.constant 1 : i32
      %sub3A_129 = arith.subi %add3A_127, %sub3A_128 : i32
      %lt3A_130 = arith.constant 50 : i32
      %lt3A_131 = arith.cmpi slt, %sub3A_129, %lt3A_130 : i32
      %convert_element_type3A_132 = arith.extui %lt3A_131 : i1 to i32
      %cond3A_133 = arith.constant 0 : i32
      %cond3A_134 = arith.cmpi ne, %convert_element_type3A_132, %cond3A_133 : i32
      scf.if %cond3A_134 {
        %ge3A = arith.constant 1 : i32
        %ge3A_151 = arith.cmpi sge, %add3A_120, %ge3A : i32
        %convert_element_type3A_152 = arith.extui %ge3A_151 : i1 to i32
        %cond3A_153 = arith.constant 0 : i32
        %cond3A_154 = arith.cmpi ne, %convert_element_type3A_152, %cond3A_153 : i32
        scf.if %cond3A_154 {
          %dma_wait3A_164 = arith.constant 0 : i32
          %dma_wait3A_165 = arith.constant 0 : i32
          %dma_wait3A_166 = tpu.memref_slice %arg13[%dma_wait3A_164, %dma_wait3A_165] : memref<10000x128xf32, #tpu.memory_space<vmem_shared>> -> memref<10000x128xf32, #tpu.memory_space<vmem_shared>>
          tpu.wait_indirect_dma semaphore(%arg23 : memref<!tpu.dma_semaphore, #tpu.memory_space<semaphore_mem>>) src(%arg12 : memref<200x128xf32, #tpu.memory_space<vmem>>) dst(%dma_wait3A_166 : memref<10000x128xf32, #tpu.memory_space<vmem_shared>>)
        } else {
        }
        %add3A_155 = arith.constant 6 : i32
        %add3A_156 = arith.addi %add3A_120, %add3A_155 : i32
        %sub3A_157 = arith.constant 1 : i32
        %sub3A_158 = arith.subi %add3A_156, %sub3A_157 : i32
        %mul3A_159 = arith.constant 200 : i32
        %mul3A_160 = arith.muli %sub3A_158, %mul3A_159 : i32
        %add3A_161 = arith.addi %mul3A_4, %mul3A_160 : i32
        %dma_start3A_162 = tpu.memref_slice %arg2[%add3A_161] : memref<320000xi32, #tpu.memory_space<hbm>> -> memref<200xi32, #tpu.memory_space<hbm>>
        %dma_start3A_163 = tpu.memref_slice %arg2[%add3A_161] : memref<320000xi32, #tpu.memory_space<hbm>> -> memref<200xi32, #tpu.memory_space<hbm>>
        tpu.enqueue_dma source(%dma_start3A_163 : memref<200xi32, #tpu.memory_space<hbm>>) target(%arg9 : memref<200xi32, #tpu.memory_space<vmem>>) target_semaphore(%arg17 : memref<!tpu.dma_semaphore, #tpu.memory_space<semaphore_mem>>)
      } else {
      }
      %add3A_135 = arith.constant 5 : i32
      %add3A_136 = arith.addi %add3A_55, %add3A_135 : i32
      %lt3A_137 = arith.constant 50 : i32
      %lt3A_138 = arith.cmpi slt, %add3A_136, %lt3A_137 : i32
      %convert_element_type3A_139 = arith.extui %lt3A_138 : i1 to i32
      %cond3A_140 = arith.constant 0 : i32
      %cond3A_141 = arith.cmpi ne, %convert_element_type3A_139, %cond3A_140 : i32
      scf.if %cond3A_141 {
        %mul3A_151 = arith.constant 200 : i32
        %mul3A_152 = arith.muli %add3A_136, %mul3A_151 : i32
        %add3A_153 = arith.addi %mul3A_4, %mul3A_152 : i32
        %dma_wait3A_154 = tpu.memref_slice %arg2[%add3A_153] : memref<320000xi32, #tpu.memory_space<hbm>> -> memref<200xi32, #tpu.memory_space<hbm>>
        %dma_wait3A_155 = tpu.memref_slice %arg2[%add3A_153] : memref<320000xi32, #tpu.memory_space<hbm>> -> memref<200xi32, #tpu.memory_space<hbm>>
        tpu.wait_dma2 semaphore(%arg19 : memref<!tpu.dma_semaphore, #tpu.memory_space<semaphore_mem>>) src(%dma_wait3A_155 : memref<200xi32, #tpu.memory_space<hbm>>) dst(%arg11 : memref<200xi32, #tpu.memory_space<vmem>>)
        %dma_start3A_156 = arith.constant 0 : i32
        %dma_start3A_157 = arith.constant 0 : i32
        %dma_start3A_158 = tpu.memref_slice %arg13[%dma_start3A_156, %dma_start3A_157] : memref<10000x128xf32, #tpu.memory_space<vmem_shared>> -> memref<10000x128xf32, #tpu.memory_space<vmem_shared>>
        tpu.enqueue_indirect_dma source(%arg12 : memref<200x128xf32, #tpu.memory_space<vmem>>) target(%dma_start3A_158 : memref<10000x128xf32, #tpu.memory_space<vmem_shared>>) offsets(%arg11 : memref<200xi32, #tpu.memory_space<vmem>>) semaphore(%arg25 : memref<!tpu.dma_semaphore, #tpu.memory_space<semaphore_mem>>) {add = true}
      } else {
      }
      %add3A_142 = arith.constant 6 : i32
      %add3A_143 = arith.addi %add3A_136, %add3A_142 : i32
      %sub3A_144 = arith.constant 1 : i32
      %sub3A_145 = arith.subi %add3A_143, %sub3A_144 : i32
      %lt3A_146 = arith.constant 50 : i32
      %lt3A_147 = arith.cmpi slt, %sub3A_145, %lt3A_146 : i32
      %convert_element_type3A_148 = arith.extui %lt3A_147 : i1 to i32
      %cond3A_149 = arith.constant 0 : i32
      %cond3A_150 = arith.cmpi ne, %convert_element_type3A_148, %cond3A_149 : i32
      scf.if %cond3A_150 {
        %ge3A = arith.constant 1 : i32
        %ge3A_151 = arith.cmpi sge, %add3A_136, %ge3A : i32
        %convert_element_type3A_152 = arith.extui %ge3A_151 : i1 to i32
        %cond3A_153 = arith.constant 0 : i32
        %cond3A_154 = arith.cmpi ne, %convert_element_type3A_152, %cond3A_153 : i32
        scf.if %cond3A_154 {
          %dma_wait3A_164 = arith.constant 0 : i32
          %dma_wait3A_165 = arith.constant 0 : i32
          %dma_wait3A_166 = tpu.memref_slice %arg13[%dma_wait3A_164, %dma_wait3A_165] : memref<10000x128xf32, #tpu.memory_space<vmem_shared>> -> memref<10000x128xf32, #tpu.memory_space<vmem_shared>>
          tpu.wait_indirect_dma semaphore(%arg24 : memref<!tpu.dma_semaphore, #tpu.memory_space<semaphore_mem>>) src(%arg12 : memref<200x128xf32, #tpu.memory_space<vmem>>) dst(%dma_wait3A_166 : memref<10000x128xf32, #tpu.memory_space<vmem_shared>>)
        } else {
        }
        %add3A_155 = arith.constant 6 : i32
        %add3A_156 = arith.addi %add3A_136, %add3A_155 : i32
        %sub3A_157 = arith.constant 1 : i32
        %sub3A_158 = arith.subi %add3A_156, %sub3A_157 : i32
        %mul3A_159 = arith.constant 200 : i32
        %mul3A_160 = arith.muli %sub3A_158, %mul3A_159 : i32
        %add3A_161 = arith.addi %mul3A_4, %mul3A_160 : i32
        %dma_start3A_162 = tpu.memref_slice %arg2[%add3A_161] : memref<320000xi32, #tpu.memory_space<hbm>> -> memref<200xi32, #tpu.memory_space<hbm>>
        %dma_start3A_163 = tpu.memref_slice %arg2[%add3A_161] : memref<320000xi32, #tpu.memory_space<hbm>> -> memref<200xi32, #tpu.memory_space<hbm>>
        tpu.enqueue_dma source(%dma_start3A_163 : memref<200xi32, #tpu.memory_space<hbm>>) target(%arg10 : memref<200xi32, #tpu.memory_space<vmem>>) target_semaphore(%arg18 : memref<!tpu.dma_semaphore, #tpu.memory_space<semaphore_mem>>)
      } else {
      }
    }
    %scan3A_27 = arith.constant 9 : i32
    %dma_wait3A = arith.constant 0 : i32
    %dma_wait3A_28 = arith.constant 0 : i32
    %dma_wait3A_29 = tpu.memref_slice %arg13[%dma_wait3A, %dma_wait3A_28] : memref<10000x128xf32, #tpu.memory_space<vmem_shared>> -> memref<10000x128xf32, #tpu.memory_space<vmem_shared>>
    tpu.wait_indirect_dma semaphore(%arg22 : memref<!tpu.dma_semaphore, #tpu.memory_space<semaphore_mem>>) src(%arg12 : memref<200x128xf32, #tpu.memory_space<vmem>>) dst(%dma_wait3A_29 : memref<10000x128xf32, #tpu.memory_space<vmem_shared>>)
    %dma_wait3A_30 = arith.constant 0 : i32
    %dma_wait3A_31 = arith.constant 0 : i32
    %dma_wait3A_32 = tpu.memref_slice %arg13[%dma_wait3A_30, %dma_wait3A_31] : memref<10000x128xf32, #tpu.memory_space<vmem_shared>> -> memref<10000x128xf32, #tpu.memory_space<vmem_shared>>
    tpu.wait_indirect_dma semaphore(%arg23 : memref<!tpu.dma_semaphore, #tpu.memory_space<semaphore_mem>>) src(%arg12 : memref<200x128xf32, #tpu.memory_space<vmem>>) dst(%dma_wait3A_32 : memref<10000x128xf32, #tpu.memory_space<vmem_shared>>)
    %dma_wait3A_33 = arith.constant 0 : i32
    %dma_wait3A_34 = arith.constant 0 : i32
    %dma_wait3A_35 = tpu.memref_slice %arg13[%dma_wait3A_33, %dma_wait3A_34] : memref<10000x128xf32, #tpu.memory_space<vmem_shared>> -> memref<10000x128xf32, #tpu.memory_space<vmem_shared>>
    tpu.wait_indirect_dma semaphore(%arg24 : memref<!tpu.dma_semaphore, #tpu.memory_space<semaphore_mem>>) src(%arg12 : memref<200x128xf32, #tpu.memory_space<vmem>>) dst(%dma_wait3A_35 : memref<10000x128xf32, #tpu.memory_space<vmem_shared>>)
    %dma_wait3A_36 = arith.constant 0 : i32
    %dma_wait3A_37 = arith.constant 0 : i32
    %dma_wait3A_38 = tpu.memref_slice %arg13[%dma_wait3A_36, %dma_wait3A_37] : memref<10000x128xf32, #tpu.memory_space<vmem_shared>> -> memref<10000x128xf32, #tpu.memory_space<vmem_shared>>
    tpu.wait_indirect_dma semaphore(%arg25 : memref<!tpu.dma_semaphore, #tpu.memory_space<semaphore_mem>>) src(%arg12 : memref<200x128xf32, #tpu.memory_space<vmem>>) dst(%dma_wait3A_38 : memref<10000x128xf32, #tpu.memory_space<vmem_shared>>)
    %dma_wait3A_39 = arith.constant 0 : i32
    %dma_wait3A_40 = arith.constant 0 : i32
    %dma_wait3A_41 = tpu.memref_slice %arg13[%dma_wait3A_39, %dma_wait3A_40] : memref<10000x128xf32, #tpu.memory_space<vmem_shared>> -> memref<10000x128xf32, #tpu.memory_space<vmem_shared>>
    tpu.wait_indirect_dma semaphore(%arg20 : memref<!tpu.dma_semaphore, #tpu.memory_space<semaphore_mem>>) src(%arg12 : memref<200x128xf32, #tpu.memory_space<vmem>>) dst(%dma_wait3A_41 : memref<10000x128xf32, #tpu.memory_space<vmem_shared>>)
    %dma_wait3A_42 = arith.constant 0 : i32
    %dma_wait3A_43 = arith.constant 0 : i32
    %dma_wait3A_44 = tpu.memref_slice %arg13[%dma_wait3A_42, %dma_wait3A_43] : memref<10000x128xf32, #tpu.memory_space<vmem_shared>> -> memref<10000x128xf32, #tpu.memory_space<vmem_shared>>
    tpu.wait_indirect_dma semaphore(%arg21 : memref<!tpu.dma_semaphore, #tpu.memory_space<semaphore_mem>>) src(%arg12 : memref<200x128xf32, #tpu.memory_space<vmem>>) dst(%dma_wait3A_44 : memref<10000x128xf32, #tpu.memory_space<vmem_shared>>)
    %barrier3A_45 = arith.constant 0 : index
    tpu.barrier barrier_id(%barrier3A_45)
    %lt3A_46 = arith.constant 10 : i32
    %lt3A_47 = arith.cmpi slt, %arg1, %lt3A_46 : i32
    %convert_element_type3A_48 = arith.extui %lt3A_47 : i1 to i32
    %cond3A_49 = arith.constant 0 : i32
    %cond3A_50 = arith.cmpi ne, %convert_element_type3A_48, %cond3A_49 : i32
    scf.if %cond3A_50 {
      %mul3A_51 = arith.constant 1000 : i32
      %mul3A_52 = arith.muli %arg1, %mul3A_51 : i32
      %mul3A_53 = arith.constant 1000 : i32
      %mul3A_54 = arith.muli %arg1, %mul3A_53 : i32
      "tpu.region"() ({
        %run_scoped3A = tpu.sem_alloc : memref<!tpu.dma_semaphore, #tpu.memory_space<semaphore_mem>>
        %dma_start3A_55 = arith.constant 0 : i32
        %dma_start3A_56 = tpu.memref_slice %arg5[%arg0, %mul3A_54, %dma_start3A_55] : memref<2x10000x128xf32, #tpu.memory_space<hbm>> -> memref<1x1000x128xf32, #tpu.memory_space<hbm>>
        %dma_start3A_57 = tpu.memref_squeeze %dma_start3A_56 : memref<1x1000x128xf32, #tpu.memory_space<hbm>> -> memref<1000x128xf32, #tpu.memory_space<hbm>>
        %dma_start3A_58 = arith.constant 0 : i32
        %dma_start3A_59 = tpu.memref_slice %arg13[%mul3A_52, %dma_start3A_58] : memref<10000x128xf32, #tpu.memory_space<vmem_shared>> -> memref<1000x128xf32, #tpu.memory_space<vmem_shared>>
        tpu.enqueue_dma source(%dma_start3A_59 : memref<1000x128xf32, #tpu.memory_space<vmem_shared>>) target(%dma_start3A_57 : memref<1000x128xf32, #tpu.memory_space<hbm>>) target_semaphore(%run_scoped3A : memref<!tpu.dma_semaphore, #tpu.memory_space<semaphore_mem>>)
        %dma_wait3A_60 = arith.constant 0 : i32
        %dma_wait3A_61 = tpu.memref_slice %arg5[%arg0, %mul3A_54, %dma_wait3A_60] : memref<2x10000x128xf32, #tpu.memory_space<hbm>> -> memref<1x1000x128xf32, #tpu.memory_space<hbm>>
        %dma_wait3A_62 = tpu.memref_squeeze %dma_wait3A_61 : memref<1x1000x128xf32, #tpu.memory_space<hbm>> -> memref<1000x128xf32, #tpu.memory_space<hbm>>
        %dma_wait3A_63 = arith.constant 0 : i32
        %dma_wait3A_64 = tpu.memref_slice %arg13[%mul3A_52, %dma_wait3A_63] : memref<10000x128xf32, #tpu.memory_space<vmem_shared>> -> memref<1000x128xf32, #tpu.memory_space<vmem_shared>>
        tpu.wait_dma2 semaphore(%run_scoped3A : memref<!tpu.dma_semaphore, #tpu.memory_space<semaphore_mem>>) src(%dma_wait3A_64 : memref<1000x128xf32, #tpu.memory_space<vmem_shared>>) dst(%dma_wait3A_62 : memref<1000x128xf32, #tpu.memory_space<hbm>>)
        tpu.yield
      }) : () -> ()
    } else {
    }
    return
  }
}

#map = affine_map<(d0, d1) -> (0, 0)>
#map1 = affine_map<(d0, d1) -> (0)>
#map2 = affine_map<(d0, d1) -> (0, 0, 0)>
module attributes {stable_mosaic.version = 14 : i64} {
  func.func @agg_kernel(%arg0: i32, %arg1: i32, %arg2: memref<10000x128xf32, #tpu.memory_space<hbm>>, %arg3: memref<320000xi32, #tpu.memory_space<hbm>>, %arg4: memref<320000xi32, #tpu.memory_space<hbm>>, %arg5: memref<10000x128xf32, #tpu.memory_space<hbm>>, %arg6: memref<2x10000x128xf32, #tpu.memory_space<hbm>>, %arg7: memref<80xi32, #tpu.memory_space<vmem>>, %arg8: memref<80xi32, #tpu.memory_space<vmem>>, %arg9: memref<80xi32, #tpu.memory_space<vmem>>, %arg10: memref<80xi32, #tpu.memory_space<vmem>>, %arg11: memref<80xi32, #tpu.memory_space<vmem>>, %arg12: memref<80xi32, #tpu.memory_space<vmem>>, %arg13: memref<80xi32, #tpu.memory_space<vmem>>, %arg14: memref<80xi32, #tpu.memory_space<vmem>>, %arg15: memref<80xi32, #tpu.memory_space<vmem>>, %arg16: memref<80xi32, #tpu.memory_space<vmem>>, %arg17: memref<80xi32, #tpu.memory_space<vmem>>, %arg18: memref<80xi32, #tpu.memory_space<vmem>>, %arg19: memref<80x128xf32, #tpu.memory_space<vmem>>, %arg20: memref<80x128xf32, #tpu.memory_space<vmem>>, %arg21: memref<80x128xf32, #tpu.memory_space<vmem>>, %arg22: memref<10000x128xf32, #tpu.memory_space<vmem_shared>>, %arg23: memref<!tpu.dma_semaphore, #tpu.memory_space<semaphore_mem>>, %arg24: memref<!tpu.dma_semaphore, #tpu.memory_space<semaphore_mem>>, %arg25: memref<!tpu.dma_semaphore, #tpu.memory_space<semaphore_mem>>, %arg26: memref<!tpu.dma_semaphore, #tpu.memory_space<semaphore_mem>>, %arg27: memref<!tpu.dma_semaphore, #tpu.memory_space<semaphore_mem>>, %arg28: memref<!tpu.dma_semaphore, #tpu.memory_space<semaphore_mem>>, %arg29: memref<!tpu.dma_semaphore, #tpu.memory_space<semaphore_mem>>, %arg30: memref<!tpu.dma_semaphore, #tpu.memory_space<semaphore_mem>>, %arg31: memref<!tpu.dma_semaphore, #tpu.memory_space<semaphore_mem>>, %arg32: memref<!tpu.dma_semaphore, #tpu.memory_space<semaphore_mem>>, %arg33: memref<!tpu.dma_semaphore, #tpu.memory_space<semaphore_mem>>, %arg34: memref<!tpu.dma_semaphore, #tpu.memory_space<semaphore_mem>>) attributes {dimension_semantics = [#tpu.dimension_semantics<core_parallel>, #tpu.dimension_semantics<subcore_parallel>], iteration_bounds = array<i64: 2, 16>, scalar_prefetch = 0 : i64, scratch_operands = 28 : i64, tpu.core_type = #tpu.core_type<sc_vector_subcore>, window_params = [{transform_indices = #map}, {transform_indices = #map1}, {transform_indices = #map1}, {transform_indices = #map}, {transform_indices = #map2}]} {
    %mul3A = arith.constant 2 : i32
    %mul3A_0 = arith.muli %arg1, %mul3A : i32
    %add3A = arith.addi %mul3A_0, %arg0 : i32
    %lt3A = arith.constant 10 : i32
    %lt3A_1 = arith.cmpi slt, %arg1, %lt3A : i32
    %convert_element_type3A = arith.extui %lt3A_1 : i1 to i32
    %cond3A = arith.constant 0 : i32
    %cond3A_2 = arith.cmpi ne, %convert_element_type3A, %cond3A : i32
    scf.if %cond3A_2 {
      %mul3A_68 = arith.constant 1000 : i32
      %mul3A_69 = arith.muli %arg1, %mul3A_68 : i32
      %mul3A_70 = arith.constant 1000 : i32
      %mul3A_71 = arith.muli %arg1, %mul3A_70 : i32
      "tpu.region"() ({
        %run_scoped3A = tpu.sem_alloc : memref<!tpu.dma_semaphore, #tpu.memory_space<semaphore_mem>>
        %dma_start3A_72 = arith.constant 0 : i32
        %dma_start3A_73 = tpu.memref_slice %arg22[%mul3A_71, %dma_start3A_72] : memref<10000x128xf32, #tpu.memory_space<vmem_shared>> -> memref<1000x128xf32, #tpu.memory_space<vmem_shared>>
        %dma_start3A_74 = arith.constant 0 : i32
        %dma_start3A_75 = tpu.memref_slice %arg5[%mul3A_69, %dma_start3A_74] : memref<10000x128xf32, #tpu.memory_space<hbm>> -> memref<1000x128xf32, #tpu.memory_space<hbm>>
        tpu.enqueue_dma source(%dma_start3A_75 : memref<1000x128xf32, #tpu.memory_space<hbm>>) target(%dma_start3A_73 : memref<1000x128xf32, #tpu.memory_space<vmem_shared>>) target_semaphore(%run_scoped3A : memref<!tpu.dma_semaphore, #tpu.memory_space<semaphore_mem>>)
        %dma_wait3A_76 = arith.constant 0 : i32
        %dma_wait3A_77 = tpu.memref_slice %arg22[%mul3A_71, %dma_wait3A_76] : memref<10000x128xf32, #tpu.memory_space<vmem_shared>> -> memref<1000x128xf32, #tpu.memory_space<vmem_shared>>
        %dma_wait3A_78 = arith.constant 0 : i32
        %dma_wait3A_79 = tpu.memref_slice %arg5[%mul3A_69, %dma_wait3A_78] : memref<10000x128xf32, #tpu.memory_space<hbm>> -> memref<1000x128xf32, #tpu.memory_space<hbm>>
        tpu.wait_dma2 semaphore(%run_scoped3A : memref<!tpu.dma_semaphore, #tpu.memory_space<semaphore_mem>>) src(%dma_wait3A_79 : memref<1000x128xf32, #tpu.memory_space<hbm>>) dst(%dma_wait3A_77 : memref<1000x128xf32, #tpu.memory_space<vmem_shared>>)
        tpu.yield
      }) : () -> ()
    } else {
    }
    %barrier3A = arith.constant 0 : index
    tpu.barrier barrier_id(%barrier3A)
    %mul3A_3 = arith.constant 10000 : i32
    %mul3A_4 = arith.muli %add3A, %mul3A_3 : i32
    %add3A_5 = arith.constant 0 : i32
    %add3A_6 = arith.addi %mul3A_4, %add3A_5 : i32
    %dma_start3A = tpu.memref_slice %arg3[%add3A_6] : memref<320000xi32, #tpu.memory_space<hbm>> -> memref<80xi32, #tpu.memory_space<hbm>>
    %dma_start3A_7 = tpu.memref_slice %arg3[%add3A_6] : memref<320000xi32, #tpu.memory_space<hbm>> -> memref<80xi32, #tpu.memory_space<hbm>>
    tpu.enqueue_dma source(%dma_start3A_7 : memref<80xi32, #tpu.memory_space<hbm>>) target(%arg7 : memref<80xi32, #tpu.memory_space<vmem>>) target_semaphore(%arg23 : memref<!tpu.dma_semaphore, #tpu.memory_space<semaphore_mem>>)
    %add3A_8 = arith.constant 0 : i32
    %add3A_9 = arith.addi %mul3A_4, %add3A_8 : i32
    %dma_start3A_10 = tpu.memref_slice %arg4[%add3A_9] : memref<320000xi32, #tpu.memory_space<hbm>> -> memref<80xi32, #tpu.memory_space<hbm>>
    %dma_start3A_11 = tpu.memref_slice %arg4[%add3A_9] : memref<320000xi32, #tpu.memory_space<hbm>> -> memref<80xi32, #tpu.memory_space<hbm>>
    tpu.enqueue_dma source(%dma_start3A_11 : memref<80xi32, #tpu.memory_space<hbm>>) target(%arg13 : memref<80xi32, #tpu.memory_space<vmem>>) target_semaphore(%arg23 : memref<!tpu.dma_semaphore, #tpu.memory_space<semaphore_mem>>)
    %add3A_12 = arith.constant 80 : i32
    %add3A_13 = arith.addi %mul3A_4, %add3A_12 : i32
    %dma_start3A_14 = tpu.memref_slice %arg3[%add3A_13] : memref<320000xi32, #tpu.memory_space<hbm>> -> memref<80xi32, #tpu.memory_space<hbm>>
    %dma_start3A_15 = tpu.memref_slice %arg3[%add3A_13] : memref<320000xi32, #tpu.memory_space<hbm>> -> memref<80xi32, #tpu.memory_space<hbm>>
    tpu.enqueue_dma source(%dma_start3A_15 : memref<80xi32, #tpu.memory_space<hbm>>) target(%arg8 : memref<80xi32, #tpu.memory_space<vmem>>) target_semaphore(%arg24 : memref<!tpu.dma_semaphore, #tpu.memory_space<semaphore_mem>>)
    %add3A_16 = arith.constant 80 : i32
    %add3A_17 = arith.addi %mul3A_4, %add3A_16 : i32
    %dma_start3A_18 = tpu.memref_slice %arg4[%add3A_17] : memref<320000xi32, #tpu.memory_space<hbm>> -> memref<80xi32, #tpu.memory_space<hbm>>
    %dma_start3A_19 = tpu.memref_slice %arg4[%add3A_17] : memref<320000xi32, #tpu.memory_space<hbm>> -> memref<80xi32, #tpu.memory_space<hbm>>
    tpu.enqueue_dma source(%dma_start3A_19 : memref<80xi32, #tpu.memory_space<hbm>>) target(%arg14 : memref<80xi32, #tpu.memory_space<vmem>>) target_semaphore(%arg24 : memref<!tpu.dma_semaphore, #tpu.memory_space<semaphore_mem>>)
    %add3A_20 = arith.constant 160 : i32
    %add3A_21 = arith.addi %mul3A_4, %add3A_20 : i32
    %dma_start3A_22 = tpu.memref_slice %arg3[%add3A_21] : memref<320000xi32, #tpu.memory_space<hbm>> -> memref<80xi32, #tpu.memory_space<hbm>>
    %dma_start3A_23 = tpu.memref_slice %arg3[%add3A_21] : memref<320000xi32, #tpu.memory_space<hbm>> -> memref<80xi32, #tpu.memory_space<hbm>>
    tpu.enqueue_dma source(%dma_start3A_23 : memref<80xi32, #tpu.memory_space<hbm>>) target(%arg9 : memref<80xi32, #tpu.memory_space<vmem>>) target_semaphore(%arg25 : memref<!tpu.dma_semaphore, #tpu.memory_space<semaphore_mem>>)
    %add3A_24 = arith.constant 160 : i32
    %add3A_25 = arith.addi %mul3A_4, %add3A_24 : i32
    %dma_start3A_26 = tpu.memref_slice %arg4[%add3A_25] : memref<320000xi32, #tpu.memory_space<hbm>> -> memref<80xi32, #tpu.memory_space<hbm>>
    %dma_start3A_27 = tpu.memref_slice %arg4[%add3A_25] : memref<320000xi32, #tpu.memory_space<hbm>> -> memref<80xi32, #tpu.memory_space<hbm>>
    tpu.enqueue_dma source(%dma_start3A_27 : memref<80xi32, #tpu.memory_space<hbm>>) target(%arg15 : memref<80xi32, #tpu.memory_space<vmem>>) target_semaphore(%arg25 : memref<!tpu.dma_semaphore, #tpu.memory_space<semaphore_mem>>)
    %add3A_28 = arith.constant 0 : i32
    %add3A_29 = arith.addi %mul3A_4, %add3A_28 : i32
    %dma_wait3A = tpu.memref_slice %arg3[%add3A_29] : memref<320000xi32, #tpu.memory_space<hbm>> -> memref<80xi32, #tpu.memory_space<hbm>>
    %dma_wait3A_30 = tpu.memref_slice %arg3[%add3A_29] : memref<320000xi32, #tpu.memory_space<hbm>> -> memref<80xi32, #tpu.memory_space<hbm>>
    tpu.wait_dma2 semaphore(%arg23 : memref<!tpu.dma_semaphore, #tpu.memory_space<semaphore_mem>>) src(%dma_wait3A_30 : memref<80xi32, #tpu.memory_space<hbm>>) dst(%arg7 : memref<80xi32, #tpu.memory_space<vmem>>)
    %add3A_31 = arith.constant 0 : i32
    %add3A_32 = arith.addi %mul3A_4, %add3A_31 : i32
    %dma_wait3A_33 = tpu.memref_slice %arg4[%add3A_32] : memref<320000xi32, #tpu.memory_space<hbm>> -> memref<80xi32, #tpu.memory_space<hbm>>
    %dma_wait3A_34 = tpu.memref_slice %arg4[%add3A_32] : memref<320000xi32, #tpu.memory_space<hbm>> -> memref<80xi32, #tpu.memory_space<hbm>>
    tpu.wait_dma2 semaphore(%arg23 : memref<!tpu.dma_semaphore, #tpu.memory_space<semaphore_mem>>) src(%dma_wait3A_34 : memref<80xi32, #tpu.memory_space<hbm>>) dst(%arg13 : memref<80xi32, #tpu.memory_space<vmem>>)
    %dma_start3A_35 = arith.constant 0 : i32
    %dma_start3A_36 = arith.constant 0 : i32
    %dma_start3A_37 = tpu.memref_slice %arg2[%dma_start3A_35, %dma_start3A_36] : memref<10000x128xf32, #tpu.memory_space<hbm>> -> memref<10000x128xf32, #tpu.memory_space<hbm>>
    tpu.enqueue_indirect_dma source(%dma_start3A_37 : memref<10000x128xf32, #tpu.memory_space<hbm>>) target(%arg19 : memref<80x128xf32, #tpu.memory_space<vmem>>) offsets(%arg7 : memref<80xi32, #tpu.memory_space<vmem>>) semaphore(%arg29 : memref<!tpu.dma_semaphore, #tpu.memory_space<semaphore_mem>>)
    %add3A_38 = arith.constant 80 : i32
    %add3A_39 = arith.addi %mul3A_4, %add3A_38 : i32
    %dma_wait3A_40 = tpu.memref_slice %arg3[%add3A_39] : memref<320000xi32, #tpu.memory_space<hbm>> -> memref<80xi32, #tpu.memory_space<hbm>>
    %dma_wait3A_41 = tpu.memref_slice %arg3[%add3A_39] : memref<320000xi32, #tpu.memory_space<hbm>> -> memref<80xi32, #tpu.memory_space<hbm>>
    tpu.wait_dma2 semaphore(%arg24 : memref<!tpu.dma_semaphore, #tpu.memory_space<semaphore_mem>>) src(%dma_wait3A_41 : memref<80xi32, #tpu.memory_space<hbm>>) dst(%arg8 : memref<80xi32, #tpu.memory_space<vmem>>)
    %add3A_42 = arith.constant 80 : i32
    %add3A_43 = arith.addi %mul3A_4, %add3A_42 : i32
    %dma_wait3A_44 = tpu.memref_slice %arg4[%add3A_43] : memref<320000xi32, #tpu.memory_space<hbm>> -> memref<80xi32, #tpu.memory_space<hbm>>
    %dma_wait3A_45 = tpu.memref_slice %arg4[%add3A_43] : memref<320000xi32, #tpu.memory_space<hbm>> -> memref<80xi32, #tpu.memory_space<hbm>>
    tpu.wait_dma2 semaphore(%arg24 : memref<!tpu.dma_semaphore, #tpu.memory_space<semaphore_mem>>) src(%dma_wait3A_45 : memref<80xi32, #tpu.memory_space<hbm>>) dst(%arg14 : memref<80xi32, #tpu.memory_space<vmem>>)
    %dma_start3A_46 = arith.constant 0 : i32
    %dma_start3A_47 = arith.constant 0 : i32
    %dma_start3A_48 = tpu.memref_slice %arg2[%dma_start3A_46, %dma_start3A_47] : memref<10000x128xf32, #tpu.memory_space<hbm>> -> memref<10000x128xf32, #tpu.memory_space<hbm>>
    tpu.enqueue_indirect_dma source(%dma_start3A_48 : memref<10000x128xf32, #tpu.memory_space<hbm>>) target(%arg20 : memref<80x128xf32, #tpu.memory_space<vmem>>) offsets(%arg8 : memref<80xi32, #tpu.memory_space<vmem>>) semaphore(%arg30 : memref<!tpu.dma_semaphore, #tpu.memory_space<semaphore_mem>>)
    %scan3A = arith.constant 0 : i32
    %scan3A_49 = arith.constant 21 : i32
    %scan3A_50 = arith.addi %scan3A, %scan3A_49 : i32
    %scan3A_51 = arith.constant 1 : i32
    scf.for %scan3A_68 = %scan3A to %scan3A_50 step %scan3A_51  : i32 {
      %mul3A_69 = arith.constant 6 : i32
      %mul3A_70 = arith.muli %scan3A_68, %mul3A_69 : i32
      %add3A_71 = arith.constant 0 : i32
      %add3A_72 = arith.addi %add3A_71, %mul3A_70 : i32
      %add3A_73 = arith.constant 0 : i32
      %add3A_74 = arith.addi %add3A_72, %add3A_73 : i32
      %lt3A_75 = arith.constant 125 : i32
      %lt3A_76 = arith.cmpi slt, %add3A_74, %lt3A_75 : i32
      %convert_element_type3A_77 = arith.extui %lt3A_76 : i1 to i32
      %cond3A_78 = arith.constant 0 : i32
      %cond3A_79 = arith.cmpi ne, %convert_element_type3A_77, %cond3A_78 : i32
      scf.if %cond3A_79 {
        %dma_wait3A_199 = arith.constant 0 : i32
        %dma_wait3A_200 = arith.constant 0 : i32
        %dma_wait3A_201 = tpu.memref_slice %arg2[%dma_wait3A_199, %dma_wait3A_200] : memref<10000x128xf32, #tpu.memory_space<hbm>> -> memref<10000x128xf32, #tpu.memory_space<hbm>>
        tpu.wait_indirect_dma semaphore(%arg29 : memref<!tpu.dma_semaphore, #tpu.memory_space<semaphore_mem>>) src(%dma_wait3A_201 : memref<10000x128xf32, #tpu.memory_space<hbm>>) dst(%arg19 : memref<80x128xf32, #tpu.memory_space<vmem>>)
        %dma_start3A_202 = arith.constant 0 : i32
        %dma_start3A_203 = arith.constant 0 : i32
        %dma_start3A_204 = tpu.memref_slice %arg22[%dma_start3A_202, %dma_start3A_203] : memref<10000x128xf32, #tpu.memory_space<vmem_shared>> -> memref<10000x128xf32, #tpu.memory_space<vmem_shared>>
        tpu.enqueue_indirect_dma source(%arg19 : memref<80x128xf32, #tpu.memory_space<vmem>>) target(%dma_start3A_204 : memref<10000x128xf32, #tpu.memory_space<vmem_shared>>) offsets(%arg13 : memref<80xi32, #tpu.memory_space<vmem>>) semaphore(%arg32 : memref<!tpu.dma_semaphore, #tpu.memory_space<semaphore_mem>>) {add = true}
      } else {
      }
      %add3A_80 = arith.constant 2 : i32
      %add3A_81 = arith.addi %add3A_74, %add3A_80 : i32
      %lt3A_82 = arith.constant 125 : i32
      %lt3A_83 = arith.cmpi slt, %add3A_81, %lt3A_82 : i32
      %convert_element_type3A_84 = arith.extui %lt3A_83 : i1 to i32
      %cond3A_85 = arith.constant 0 : i32
      %cond3A_86 = arith.cmpi ne, %convert_element_type3A_84, %cond3A_85 : i32
      scf.if %cond3A_86 {
        %ge3A = arith.constant 1 : i32
        %ge3A_199 = arith.cmpi sge, %add3A_74, %ge3A : i32
        %convert_element_type3A_200 = arith.extui %ge3A_199 : i1 to i32
        %cond3A_201 = arith.constant 0 : i32
        %cond3A_202 = arith.cmpi ne, %convert_element_type3A_200, %cond3A_201 : i32
        scf.if %cond3A_202 {
          %dma_wait3A_218 = arith.constant 0 : i32
          %dma_wait3A_219 = arith.constant 0 : i32
          %dma_wait3A_220 = tpu.memref_slice %arg22[%dma_wait3A_218, %dma_wait3A_219] : memref<10000x128xf32, #tpu.memory_space<vmem_shared>> -> memref<10000x128xf32, #tpu.memory_space<vmem_shared>>
          tpu.wait_indirect_dma semaphore(%arg34 : memref<!tpu.dma_semaphore, #tpu.memory_space<semaphore_mem>>) src(%arg21 : memref<80x128xf32, #tpu.memory_space<vmem>>) dst(%dma_wait3A_220 : memref<10000x128xf32, #tpu.memory_space<vmem_shared>>)
        } else {
        }
        %add3A_203 = arith.constant 2 : i32
        %add3A_204 = arith.addi %add3A_74, %add3A_203 : i32
        %mul3A_205 = arith.constant 80 : i32
        %mul3A_206 = arith.muli %add3A_204, %mul3A_205 : i32
        %add3A_207 = arith.addi %mul3A_4, %mul3A_206 : i32
        %dma_wait3A_208 = tpu.memref_slice %arg3[%add3A_207] : memref<320000xi32, #tpu.memory_space<hbm>> -> memref<80xi32, #tpu.memory_space<hbm>>
        %dma_wait3A_209 = tpu.memref_slice %arg3[%add3A_207] : memref<320000xi32, #tpu.memory_space<hbm>> -> memref<80xi32, #tpu.memory_space<hbm>>
        tpu.wait_dma2 semaphore(%arg25 : memref<!tpu.dma_semaphore, #tpu.memory_space<semaphore_mem>>) src(%dma_wait3A_209 : memref<80xi32, #tpu.memory_space<hbm>>) dst(%arg9 : memref<80xi32, #tpu.memory_space<vmem>>)
        %mul3A_210 = arith.constant 80 : i32
        %mul3A_211 = arith.muli %add3A_204, %mul3A_210 : i32
        %add3A_212 = arith.addi %mul3A_4, %mul3A_211 : i32
        %dma_wait3A_213 = tpu.memref_slice %arg4[%add3A_212] : memref<320000xi32, #tpu.memory_space<hbm>> -> memref<80xi32, #tpu.memory_space<hbm>>
        %dma_wait3A_214 = tpu.memref_slice %arg4[%add3A_212] : memref<320000xi32, #tpu.memory_space<hbm>> -> memref<80xi32, #tpu.memory_space<hbm>>
        tpu.wait_dma2 semaphore(%arg25 : memref<!tpu.dma_semaphore, #tpu.memory_space<semaphore_mem>>) src(%dma_wait3A_214 : memref<80xi32, #tpu.memory_space<hbm>>) dst(%arg15 : memref<80xi32, #tpu.memory_space<vmem>>)
        %dma_start3A_215 = arith.constant 0 : i32
        %dma_start3A_216 = arith.constant 0 : i32
        %dma_start3A_217 = tpu.memref_slice %arg2[%dma_start3A_215, %dma_start3A_216] : memref<10000x128xf32, #tpu.memory_space<hbm>> -> memref<10000x128xf32, #tpu.memory_space<hbm>>
        tpu.enqueue_indirect_dma source(%dma_start3A_217 : memref<10000x128xf32, #tpu.memory_space<hbm>>) target(%arg21 : memref<80x128xf32, #tpu.memory_space<vmem>>) offsets(%arg9 : memref<80xi32, #tpu.memory_space<vmem>>) semaphore(%arg31 : memref<!tpu.dma_semaphore, #tpu.memory_space<semaphore_mem>>)
      } else {
      }
      %add3A_87 = arith.constant 3 : i32
      %add3A_88 = arith.addi %add3A_74, %add3A_87 : i32
      %lt3A_89 = arith.constant 125 : i32
      %lt3A_90 = arith.cmpi slt, %add3A_88, %lt3A_89 : i32
      %convert_element_type3A_91 = arith.extui %lt3A_90 : i1 to i32
      %cond3A_92 = arith.constant 0 : i32
      %cond3A_93 = arith.cmpi ne, %convert_element_type3A_91, %cond3A_92 : i32
      scf.if %cond3A_93 {
        %add3A_199 = arith.constant 3 : i32
        %add3A_200 = arith.addi %add3A_74, %add3A_199 : i32
        %mul3A_201 = arith.constant 80 : i32
        %mul3A_202 = arith.muli %add3A_200, %mul3A_201 : i32
        %add3A_203 = arith.addi %mul3A_4, %mul3A_202 : i32
        %dma_start3A_204 = tpu.memref_slice %arg3[%add3A_203] : memref<320000xi32, #tpu.memory_space<hbm>> -> memref<80xi32, #tpu.memory_space<hbm>>
        %dma_start3A_205 = tpu.memref_slice %arg3[%add3A_203] : memref<320000xi32, #tpu.memory_space<hbm>> -> memref<80xi32, #tpu.memory_space<hbm>>
        tpu.enqueue_dma source(%dma_start3A_205 : memref<80xi32, #tpu.memory_space<hbm>>) target(%arg10 : memref<80xi32, #tpu.memory_space<vmem>>) target_semaphore(%arg26 : memref<!tpu.dma_semaphore, #tpu.memory_space<semaphore_mem>>)
        %mul3A_206 = arith.constant 80 : i32
        %mul3A_207 = arith.muli %add3A_200, %mul3A_206 : i32
        %add3A_208 = arith.addi %mul3A_4, %mul3A_207 : i32
        %dma_start3A_209 = tpu.memref_slice %arg4[%add3A_208] : memref<320000xi32, #tpu.memory_space<hbm>> -> memref<80xi32, #tpu.memory_space<hbm>>
        %dma_start3A_210 = tpu.memref_slice %arg4[%add3A_208] : memref<320000xi32, #tpu.memory_space<hbm>> -> memref<80xi32, #tpu.memory_space<hbm>>
        tpu.enqueue_dma source(%dma_start3A_210 : memref<80xi32, #tpu.memory_space<hbm>>) target(%arg16 : memref<80xi32, #tpu.memory_space<vmem>>) target_semaphore(%arg26 : memref<!tpu.dma_semaphore, #tpu.memory_space<semaphore_mem>>)
      } else {
      }
      %add3A_94 = arith.constant 1 : i32
      %add3A_95 = arith.addi %add3A_72, %add3A_94 : i32
      %lt3A_96 = arith.constant 125 : i32
      %lt3A_97 = arith.cmpi slt, %add3A_95, %lt3A_96 : i32
      %convert_element_type3A_98 = arith.extui %lt3A_97 : i1 to i32
      %cond3A_99 = arith.constant 0 : i32
      %cond3A_100 = arith.cmpi ne, %convert_element_type3A_98, %cond3A_99 : i32
      scf.if %cond3A_100 {
        %dma_wait3A_199 = arith.constant 0 : i32
        %dma_wait3A_200 = arith.constant 0 : i32
        %dma_wait3A_201 = tpu.memref_slice %arg2[%dma_wait3A_199, %dma_wait3A_200] : memref<10000x128xf32, #tpu.memory_space<hbm>> -> memref<10000x128xf32, #tpu.memory_space<hbm>>
        tpu.wait_indirect_dma semaphore(%arg30 : memref<!tpu.dma_semaphore, #tpu.memory_space<semaphore_mem>>) src(%dma_wait3A_201 : memref<10000x128xf32, #tpu.memory_space<hbm>>) dst(%arg20 : memref<80x128xf32, #tpu.memory_space<vmem>>)
        %dma_start3A_202 = arith.constant 0 : i32
        %dma_start3A_203 = arith.constant 0 : i32
        %dma_start3A_204 = tpu.memref_slice %arg22[%dma_start3A_202, %dma_start3A_203] : memref<10000x128xf32, #tpu.memory_space<vmem_shared>> -> memref<10000x128xf32, #tpu.memory_space<vmem_shared>>
        tpu.enqueue_indirect_dma source(%arg20 : memref<80x128xf32, #tpu.memory_space<vmem>>) target(%dma_start3A_204 : memref<10000x128xf32, #tpu.memory_space<vmem_shared>>) offsets(%arg14 : memref<80xi32, #tpu.memory_space<vmem>>) semaphore(%arg33 : memref<!tpu.dma_semaphore, #tpu.memory_space<semaphore_mem>>) {add = true}
      } else {
      }
      %add3A_101 = arith.constant 2 : i32
      %add3A_102 = arith.addi %add3A_95, %add3A_101 : i32
      %lt3A_103 = arith.constant 125 : i32
      %lt3A_104 = arith.cmpi slt, %add3A_102, %lt3A_103 : i32
      %convert_element_type3A_105 = arith.extui %lt3A_104 : i1 to i32
      %cond3A_106 = arith.constant 0 : i32
      %cond3A_107 = arith.cmpi ne, %convert_element_type3A_105, %cond3A_106 : i32
      scf.if %cond3A_107 {
        %ge3A = arith.constant 1 : i32
        %ge3A_199 = arith.cmpi sge, %add3A_95, %ge3A : i32
        %convert_element_type3A_200 = arith.extui %ge3A_199 : i1 to i32
        %cond3A_201 = arith.constant 0 : i32
        %cond3A_202 = arith.cmpi ne, %convert_element_type3A_200, %cond3A_201 : i32
        scf.if %cond3A_202 {
          %dma_wait3A_218 = arith.constant 0 : i32
          %dma_wait3A_219 = arith.constant 0 : i32
          %dma_wait3A_220 = tpu.memref_slice %arg22[%dma_wait3A_218, %dma_wait3A_219] : memref<10000x128xf32, #tpu.memory_space<vmem_shared>> -> memref<10000x128xf32, #tpu.memory_space<vmem_shared>>
          tpu.wait_indirect_dma semaphore(%arg32 : memref<!tpu.dma_semaphore, #tpu.memory_space<semaphore_mem>>) src(%arg19 : memref<80x128xf32, #tpu.memory_space<vmem>>) dst(%dma_wait3A_220 : memref<10000x128xf32, #tpu.memory_space<vmem_shared>>)
        } else {
        }
        %add3A_203 = arith.constant 2 : i32
        %add3A_204 = arith.addi %add3A_95, %add3A_203 : i32
        %mul3A_205 = arith.constant 80 : i32
        %mul3A_206 = arith.muli %add3A_204, %mul3A_205 : i32
        %add3A_207 = arith.addi %mul3A_4, %mul3A_206 : i32
        %dma_wait3A_208 = tpu.memref_slice %arg3[%add3A_207] : memref<320000xi32, #tpu.memory_space<hbm>> -> memref<80xi32, #tpu.memory_space<hbm>>
        %dma_wait3A_209 = tpu.memref_slice %arg3[%add3A_207] : memref<320000xi32, #tpu.memory_space<hbm>> -> memref<80xi32, #tpu.memory_space<hbm>>
        tpu.wait_dma2 semaphore(%arg26 : memref<!tpu.dma_semaphore, #tpu.memory_space<semaphore_mem>>) src(%dma_wait3A_209 : memref<80xi32, #tpu.memory_space<hbm>>) dst(%arg10 : memref<80xi32, #tpu.memory_space<vmem>>)
        %mul3A_210 = arith.constant 80 : i32
        %mul3A_211 = arith.muli %add3A_204, %mul3A_210 : i32
        %add3A_212 = arith.addi %mul3A_4, %mul3A_211 : i32
        %dma_wait3A_213 = tpu.memref_slice %arg4[%add3A_212] : memref<320000xi32, #tpu.memory_space<hbm>> -> memref<80xi32, #tpu.memory_space<hbm>>
        %dma_wait3A_214 = tpu.memref_slice %arg4[%add3A_212] : memref<320000xi32, #tpu.memory_space<hbm>> -> memref<80xi32, #tpu.memory_space<hbm>>
        tpu.wait_dma2 semaphore(%arg26 : memref<!tpu.dma_semaphore, #tpu.memory_space<semaphore_mem>>) src(%dma_wait3A_214 : memref<80xi32, #tpu.memory_space<hbm>>) dst(%arg16 : memref<80xi32, #tpu.memory_space<vmem>>)
        %dma_start3A_215 = arith.constant 0 : i32
        %dma_start3A_216 = arith.constant 0 : i32
        %dma_start3A_217 = tpu.memref_slice %arg2[%dma_start3A_215, %dma_start3A_216] : memref<10000x128xf32, #tpu.memory_space<hbm>> -> memref<10000x128xf32, #tpu.memory_space<hbm>>
        tpu.enqueue_indirect_dma source(%dma_start3A_217 : memref<10000x128xf32, #tpu.memory_space<hbm>>) target(%arg19 : memref<80x128xf32, #tpu.memory_space<vmem>>) offsets(%arg10 : memref<80xi32, #tpu.memory_space<vmem>>) semaphore(%arg29 : memref<!tpu.dma_semaphore, #tpu.memory_space<semaphore_mem>>)
      } else {
      }
      %add3A_108 = arith.constant 3 : i32
      %add3A_109 = arith.addi %add3A_95, %add3A_108 : i32
      %lt3A_110 = arith.constant 125 : i32
      %lt3A_111 = arith.cmpi slt, %add3A_109, %lt3A_110 : i32
      %convert_element_type3A_112 = arith.extui %lt3A_111 : i1 to i32
      %cond3A_113 = arith.constant 0 : i32
      %cond3A_114 = arith.cmpi ne, %convert_element_type3A_112, %cond3A_113 : i32
      scf.if %cond3A_114 {
        %add3A_199 = arith.constant 3 : i32
        %add3A_200 = arith.addi %add3A_95, %add3A_199 : i32
        %mul3A_201 = arith.constant 80 : i32
        %mul3A_202 = arith.muli %add3A_200, %mul3A_201 : i32
        %add3A_203 = arith.addi %mul3A_4, %mul3A_202 : i32
        %dma_start3A_204 = tpu.memref_slice %arg3[%add3A_203] : memref<320000xi32, #tpu.memory_space<hbm>> -> memref<80xi32, #tpu.memory_space<hbm>>
        %dma_start3A_205 = tpu.memref_slice %arg3[%add3A_203] : memref<320000xi32, #tpu.memory_space<hbm>> -> memref<80xi32, #tpu.memory_space<hbm>>
        tpu.enqueue_dma source(%dma_start3A_205 : memref<80xi32, #tpu.memory_space<hbm>>) target(%arg11 : memref<80xi32, #tpu.memory_space<vmem>>) target_semaphore(%arg27 : memref<!tpu.dma_semaphore, #tpu.memory_space<semaphore_mem>>)
        %mul3A_206 = arith.constant 80 : i32
        %mul3A_207 = arith.muli %add3A_200, %mul3A_206 : i32
        %add3A_208 = arith.addi %mul3A_4, %mul3A_207 : i32
        %dma_start3A_209 = tpu.memref_slice %arg4[%add3A_208] : memref<320000xi32, #tpu.memory_space<hbm>> -> memref<80xi32, #tpu.memory_space<hbm>>
        %dma_start3A_210 = tpu.memref_slice %arg4[%add3A_208] : memref<320000xi32, #tpu.memory_space<hbm>> -> memref<80xi32, #tpu.memory_space<hbm>>
        tpu.enqueue_dma source(%dma_start3A_210 : memref<80xi32, #tpu.memory_space<hbm>>) target(%arg17 : memref<80xi32, #tpu.memory_space<vmem>>) target_semaphore(%arg27 : memref<!tpu.dma_semaphore, #tpu.memory_space<semaphore_mem>>)
      } else {
      }
      %add3A_115 = arith.constant 2 : i32
      %add3A_116 = arith.addi %add3A_72, %add3A_115 : i32
      %lt3A_117 = arith.constant 125 : i32
      %lt3A_118 = arith.cmpi slt, %add3A_116, %lt3A_117 : i32
      %convert_element_type3A_119 = arith.extui %lt3A_118 : i1 to i32
      %cond3A_120 = arith.constant 0 : i32
      %cond3A_121 = arith.cmpi ne, %convert_element_type3A_119, %cond3A_120 : i32
      scf.if %cond3A_121 {
        %dma_wait3A_199 = arith.constant 0 : i32
        %dma_wait3A_200 = arith.constant 0 : i32
        %dma_wait3A_201 = tpu.memref_slice %arg2[%dma_wait3A_199, %dma_wait3A_200] : memref<10000x128xf32, #tpu.memory_space<hbm>> -> memref<10000x128xf32, #tpu.memory_space<hbm>>
        tpu.wait_indirect_dma semaphore(%arg31 : memref<!tpu.dma_semaphore, #tpu.memory_space<semaphore_mem>>) src(%dma_wait3A_201 : memref<10000x128xf32, #tpu.memory_space<hbm>>) dst(%arg21 : memref<80x128xf32, #tpu.memory_space<vmem>>)
        %dma_start3A_202 = arith.constant 0 : i32
        %dma_start3A_203 = arith.constant 0 : i32
        %dma_start3A_204 = tpu.memref_slice %arg22[%dma_start3A_202, %dma_start3A_203] : memref<10000x128xf32, #tpu.memory_space<vmem_shared>> -> memref<10000x128xf32, #tpu.memory_space<vmem_shared>>
        tpu.enqueue_indirect_dma source(%arg21 : memref<80x128xf32, #tpu.memory_space<vmem>>) target(%dma_start3A_204 : memref<10000x128xf32, #tpu.memory_space<vmem_shared>>) offsets(%arg15 : memref<80xi32, #tpu.memory_space<vmem>>) semaphore(%arg34 : memref<!tpu.dma_semaphore, #tpu.memory_space<semaphore_mem>>) {add = true}
      } else {
      }
      %add3A_122 = arith.constant 2 : i32
      %add3A_123 = arith.addi %add3A_116, %add3A_122 : i32
      %lt3A_124 = arith.constant 125 : i32
      %lt3A_125 = arith.cmpi slt, %add3A_123, %lt3A_124 : i32
      %convert_element_type3A_126 = arith.extui %lt3A_125 : i1 to i32
      %cond3A_127 = arith.constant 0 : i32
      %cond3A_128 = arith.cmpi ne, %convert_element_type3A_126, %cond3A_127 : i32
      scf.if %cond3A_128 {
        %ge3A = arith.constant 1 : i32
        %ge3A_199 = arith.cmpi sge, %add3A_116, %ge3A : i32
        %convert_element_type3A_200 = arith.extui %ge3A_199 : i1 to i32
        %cond3A_201 = arith.constant 0 : i32
        %cond3A_202 = arith.cmpi ne, %convert_element_type3A_200, %cond3A_201 : i32
        scf.if %cond3A_202 {
          %dma_wait3A_218 = arith.constant 0 : i32
          %dma_wait3A_219 = arith.constant 0 : i32
          %dma_wait3A_220 = tpu.memref_slice %arg22[%dma_wait3A_218, %dma_wait3A_219] : memref<10000x128xf32, #tpu.memory_space<vmem_shared>> -> memref<10000x128xf32, #tpu.memory_space<vmem_shared>>
          tpu.wait_indirect_dma semaphore(%arg33 : memref<!tpu.dma_semaphore, #tpu.memory_space<semaphore_mem>>) src(%arg20 : memref<80x128xf32, #tpu.memory_space<vmem>>) dst(%dma_wait3A_220 : memref<10000x128xf32, #tpu.memory_space<vmem_shared>>)
        } else {
        }
        %add3A_203 = arith.constant 2 : i32
        %add3A_204 = arith.addi %add3A_116, %add3A_203 : i32
        %mul3A_205 = arith.constant 80 : i32
        %mul3A_206 = arith.muli %add3A_204, %mul3A_205 : i32
        %add3A_207 = arith.addi %mul3A_4, %mul3A_206 : i32
        %dma_wait3A_208 = tpu.memref_slice %arg3[%add3A_207] : memref<320000xi32, #tpu.memory_space<hbm>> -> memref<80xi32, #tpu.memory_space<hbm>>
        %dma_wait3A_209 = tpu.memref_slice %arg3[%add3A_207] : memref<320000xi32, #tpu.memory_space<hbm>> -> memref<80xi32, #tpu.memory_space<hbm>>
        tpu.wait_dma2 semaphore(%arg27 : memref<!tpu.dma_semaphore, #tpu.memory_space<semaphore_mem>>) src(%dma_wait3A_209 : memref<80xi32, #tpu.memory_space<hbm>>) dst(%arg11 : memref<80xi32, #tpu.memory_space<vmem>>)
        %mul3A_210 = arith.constant 80 : i32
        %mul3A_211 = arith.muli %add3A_204, %mul3A_210 : i32
        %add3A_212 = arith.addi %mul3A_4, %mul3A_211 : i32
        %dma_wait3A_213 = tpu.memref_slice %arg4[%add3A_212] : memref<320000xi32, #tpu.memory_space<hbm>> -> memref<80xi32, #tpu.memory_space<hbm>>
        %dma_wait3A_214 = tpu.memref_slice %arg4[%add3A_212] : memref<320000xi32, #tpu.memory_space<hbm>> -> memref<80xi32, #tpu.memory_space<hbm>>
        tpu.wait_dma2 semaphore(%arg27 : memref<!tpu.dma_semaphore, #tpu.memory_space<semaphore_mem>>) src(%dma_wait3A_214 : memref<80xi32, #tpu.memory_space<hbm>>) dst(%arg17 : memref<80xi32, #tpu.memory_space<vmem>>)
        %dma_start3A_215 = arith.constant 0 : i32
        %dma_start3A_216 = arith.constant 0 : i32
        %dma_start3A_217 = tpu.memref_slice %arg2[%dma_start3A_215, %dma_start3A_216] : memref<10000x128xf32, #tpu.memory_space<hbm>> -> memref<10000x128xf32, #tpu.memory_space<hbm>>
        tpu.enqueue_indirect_dma source(%dma_start3A_217 : memref<10000x128xf32, #tpu.memory_space<hbm>>) target(%arg20 : memref<80x128xf32, #tpu.memory_space<vmem>>) offsets(%arg11 : memref<80xi32, #tpu.memory_space<vmem>>) semaphore(%arg30 : memref<!tpu.dma_semaphore, #tpu.memory_space<semaphore_mem>>)
      } else {
      }
      %add3A_129 = arith.constant 3 : i32
      %add3A_130 = arith.addi %add3A_116, %add3A_129 : i32
      %lt3A_131 = arith.constant 125 : i32
      %lt3A_132 = arith.cmpi slt, %add3A_130, %lt3A_131 : i32
      %convert_element_type3A_133 = arith.extui %lt3A_132 : i1 to i32
      %cond3A_134 = arith.constant 0 : i32
      %cond3A_135 = arith.cmpi ne, %convert_element_type3A_133, %cond3A_134 : i32
      scf.if %cond3A_135 {
        %add3A_199 = arith.constant 3 : i32
        %add3A_200 = arith.addi %add3A_116, %add3A_199 : i32
        %mul3A_201 = arith.constant 80 : i32
        %mul3A_202 = arith.muli %add3A_200, %mul3A_201 : i32
        %add3A_203 = arith.addi %mul3A_4, %mul3A_202 : i32
        %dma_start3A_204 = tpu.memref_slice %arg3[%add3A_203] : memref<320000xi32, #tpu.memory_space<hbm>> -> memref<80xi32, #tpu.memory_space<hbm>>
        %dma_start3A_205 = tpu.memref_slice %arg3[%add3A_203] : memref<320000xi32, #tpu.memory_space<hbm>> -> memref<80xi32, #tpu.memory_space<hbm>>
        tpu.enqueue_dma source(%dma_start3A_205 : memref<80xi32, #tpu.memory_space<hbm>>) target(%arg12 : memref<80xi32, #tpu.memory_space<vmem>>) target_semaphore(%arg28 : memref<!tpu.dma_semaphore, #tpu.memory_space<semaphore_mem>>)
        %mul3A_206 = arith.constant 80 : i32
        %mul3A_207 = arith.muli %add3A_200, %mul3A_206 : i32
        %add3A_208 = arith.addi %mul3A_4, %mul3A_207 : i32
        %dma_start3A_209 = tpu.memref_slice %arg4[%add3A_208] : memref<320000xi32, #tpu.memory_space<hbm>> -> memref<80xi32, #tpu.memory_space<hbm>>
        %dma_start3A_210 = tpu.memref_slice %arg4[%add3A_208] : memref<320000xi32, #tpu.memory_space<hbm>> -> memref<80xi32, #tpu.memory_space<hbm>>
        tpu.enqueue_dma source(%dma_start3A_210 : memref<80xi32, #tpu.memory_space<hbm>>) target(%arg18 : memref<80xi32, #tpu.memory_space<vmem>>) target_semaphore(%arg28 : memref<!tpu.dma_semaphore, #tpu.memory_space<semaphore_mem>>)
      } else {
      }
      %add3A_136 = arith.constant 3 : i32
      %add3A_137 = arith.addi %add3A_72, %add3A_136 : i32
      %lt3A_138 = arith.constant 125 : i32
      %lt3A_139 = arith.cmpi slt, %add3A_137, %lt3A_138 : i32
      %convert_element_type3A_140 = arith.extui %lt3A_139 : i1 to i32
      %cond3A_141 = arith.constant 0 : i32
      %cond3A_142 = arith.cmpi ne, %convert_element_type3A_140, %cond3A_141 : i32
      scf.if %cond3A_142 {
        %dma_wait3A_199 = arith.constant 0 : i32
        %dma_wait3A_200 = arith.constant 0 : i32
        %dma_wait3A_201 = tpu.memref_slice %arg2[%dma_wait3A_199, %dma_wait3A_200] : memref<10000x128xf32, #tpu.memory_space<hbm>> -> memref<10000x128xf32, #tpu.memory_space<hbm>>
        tpu.wait_indirect_dma semaphore(%arg29 : memref<!tpu.dma_semaphore, #tpu.memory_space<semaphore_mem>>) src(%dma_wait3A_201 : memref<10000x128xf32, #tpu.memory_space<hbm>>) dst(%arg19 : memref<80x128xf32, #tpu.memory_space<vmem>>)
        %dma_start3A_202 = arith.constant 0 : i32
        %dma_start3A_203 = arith.constant 0 : i32
        %dma_start3A_204 = tpu.memref_slice %arg22[%dma_start3A_202, %dma_start3A_203] : memref<10000x128xf32, #tpu.memory_space<vmem_shared>> -> memref<10000x128xf32, #tpu.memory_space<vmem_shared>>
        tpu.enqueue_indirect_dma source(%arg19 : memref<80x128xf32, #tpu.memory_space<vmem>>) target(%dma_start3A_204 : memref<10000x128xf32, #tpu.memory_space<vmem_shared>>) offsets(%arg16 : memref<80xi32, #tpu.memory_space<vmem>>) semaphore(%arg32 : memref<!tpu.dma_semaphore, #tpu.memory_space<semaphore_mem>>) {add = true}
      } else {
      }
      %add3A_143 = arith.constant 2 : i32
      %add3A_144 = arith.addi %add3A_137, %add3A_143 : i32
      %lt3A_145 = arith.constant 125 : i32
      %lt3A_146 = arith.cmpi slt, %add3A_144, %lt3A_145 : i32
      %convert_element_type3A_147 = arith.extui %lt3A_146 : i1 to i32
      %cond3A_148 = arith.constant 0 : i32
      %cond3A_149 = arith.cmpi ne, %convert_element_type3A_147, %cond3A_148 : i32
      scf.if %cond3A_149 {
        %ge3A = arith.constant 1 : i32
        %ge3A_199 = arith.cmpi sge, %add3A_137, %ge3A : i32
        %convert_element_type3A_200 = arith.extui %ge3A_199 : i1 to i32
        %cond3A_201 = arith.constant 0 : i32
        %cond3A_202 = arith.cmpi ne, %convert_element_type3A_200, %cond3A_201 : i32
        scf.if %cond3A_202 {
          %dma_wait3A_218 = arith.constant 0 : i32
          %dma_wait3A_219 = arith.constant 0 : i32
          %dma_wait3A_220 = tpu.memref_slice %arg22[%dma_wait3A_218, %dma_wait3A_219] : memref<10000x128xf32, #tpu.memory_space<vmem_shared>> -> memref<10000x128xf32, #tpu.memory_space<vmem_shared>>
          tpu.wait_indirect_dma semaphore(%arg34 : memref<!tpu.dma_semaphore, #tpu.memory_space<semaphore_mem>>) src(%arg21 : memref<80x128xf32, #tpu.memory_space<vmem>>) dst(%dma_wait3A_220 : memref<10000x128xf32, #tpu.memory_space<vmem_shared>>)
        } else {
        }
        %add3A_203 = arith.constant 2 : i32
        %add3A_204 = arith.addi %add3A_137, %add3A_203 : i32
        %mul3A_205 = arith.constant 80 : i32
        %mul3A_206 = arith.muli %add3A_204, %mul3A_205 : i32
        %add3A_207 = arith.addi %mul3A_4, %mul3A_206 : i32
        %dma_wait3A_208 = tpu.memref_slice %arg3[%add3A_207] : memref<320000xi32, #tpu.memory_space<hbm>> -> memref<80xi32, #tpu.memory_space<hbm>>
        %dma_wait3A_209 = tpu.memref_slice %arg3[%add3A_207] : memref<320000xi32, #tpu.memory_space<hbm>> -> memref<80xi32, #tpu.memory_space<hbm>>
        tpu.wait_dma2 semaphore(%arg28 : memref<!tpu.dma_semaphore, #tpu.memory_space<semaphore_mem>>) src(%dma_wait3A_209 : memref<80xi32, #tpu.memory_space<hbm>>) dst(%arg12 : memref<80xi32, #tpu.memory_space<vmem>>)
        %mul3A_210 = arith.constant 80 : i32
        %mul3A_211 = arith.muli %add3A_204, %mul3A_210 : i32
        %add3A_212 = arith.addi %mul3A_4, %mul3A_211 : i32
        %dma_wait3A_213 = tpu.memref_slice %arg4[%add3A_212] : memref<320000xi32, #tpu.memory_space<hbm>> -> memref<80xi32, #tpu.memory_space<hbm>>
        %dma_wait3A_214 = tpu.memref_slice %arg4[%add3A_212] : memref<320000xi32, #tpu.memory_space<hbm>> -> memref<80xi32, #tpu.memory_space<hbm>>
        tpu.wait_dma2 semaphore(%arg28 : memref<!tpu.dma_semaphore, #tpu.memory_space<semaphore_mem>>) src(%dma_wait3A_214 : memref<80xi32, #tpu.memory_space<hbm>>) dst(%arg18 : memref<80xi32, #tpu.memory_space<vmem>>)
        %dma_start3A_215 = arith.constant 0 : i32
        %dma_start3A_216 = arith.constant 0 : i32
        %dma_start3A_217 = tpu.memref_slice %arg2[%dma_start3A_215, %dma_start3A_216] : memref<10000x128xf32, #tpu.memory_space<hbm>> -> memref<10000x128xf32, #tpu.memory_space<hbm>>
        tpu.enqueue_indirect_dma source(%dma_start3A_217 : memref<10000x128xf32, #tpu.memory_space<hbm>>) target(%arg21 : memref<80x128xf32, #tpu.memory_space<vmem>>) offsets(%arg12 : memref<80xi32, #tpu.memory_space<vmem>>) semaphore(%arg31 : memref<!tpu.dma_semaphore, #tpu.memory_space<semaphore_mem>>)
      } else {
      }
      %add3A_150 = arith.constant 3 : i32
      %add3A_151 = arith.addi %add3A_137, %add3A_150 : i32
      %lt3A_152 = arith.constant 125 : i32
      %lt3A_153 = arith.cmpi slt, %add3A_151, %lt3A_152 : i32
      %convert_element_type3A_154 = arith.extui %lt3A_153 : i1 to i32
      %cond3A_155 = arith.constant 0 : i32
      %cond3A_156 = arith.cmpi ne, %convert_element_type3A_154, %cond3A_155 : i32
      scf.if %cond3A_156 {
        %add3A_199 = arith.constant 3 : i32
        %add3A_200 = arith.addi %add3A_137, %add3A_199 : i32
        %mul3A_201 = arith.constant 80 : i32
        %mul3A_202 = arith.muli %add3A_200, %mul3A_201 : i32
        %add3A_203 = arith.addi %mul3A_4, %mul3A_202 : i32
        %dma_start3A_204 = tpu.memref_slice %arg3[%add3A_203] : memref<320000xi32, #tpu.memory_space<hbm>> -> memref<80xi32, #tpu.memory_space<hbm>>
        %dma_start3A_205 = tpu.memref_slice %arg3[%add3A_203] : memref<320000xi32, #tpu.memory_space<hbm>> -> memref<80xi32, #tpu.memory_space<hbm>>
        tpu.enqueue_dma source(%dma_start3A_205 : memref<80xi32, #tpu.memory_space<hbm>>) target(%arg7 : memref<80xi32, #tpu.memory_space<vmem>>) target_semaphore(%arg23 : memref<!tpu.dma_semaphore, #tpu.memory_space<semaphore_mem>>)
        %mul3A_206 = arith.constant 80 : i32
        %mul3A_207 = arith.muli %add3A_200, %mul3A_206 : i32
        %add3A_208 = arith.addi %mul3A_4, %mul3A_207 : i32
        %dma_start3A_209 = tpu.memref_slice %arg4[%add3A_208] : memref<320000xi32, #tpu.memory_space<hbm>> -> memref<80xi32, #tpu.memory_space<hbm>>
        %dma_start3A_210 = tpu.memref_slice %arg4[%add3A_208] : memref<320000xi32, #tpu.memory_space<hbm>> -> memref<80xi32, #tpu.memory_space<hbm>>
        tpu.enqueue_dma source(%dma_start3A_210 : memref<80xi32, #tpu.memory_space<hbm>>) target(%arg13 : memref<80xi32, #tpu.memory_space<vmem>>) target_semaphore(%arg23 : memref<!tpu.dma_semaphore, #tpu.memory_space<semaphore_mem>>)
      } else {
      }
      %add3A_157 = arith.constant 4 : i32
      %add3A_158 = arith.addi %add3A_72, %add3A_157 : i32
      %lt3A_159 = arith.constant 125 : i32
      %lt3A_160 = arith.cmpi slt, %add3A_158, %lt3A_159 : i32
      %convert_element_type3A_161 = arith.extui %lt3A_160 : i1 to i32
      %cond3A_162 = arith.constant 0 : i32
      %cond3A_163 = arith.cmpi ne, %convert_element_type3A_161, %cond3A_162 : i32
      scf.if %cond3A_163 {
        %dma_wait3A_199 = arith.constant 0 : i32
        %dma_wait3A_200 = arith.constant 0 : i32
        %dma_wait3A_201 = tpu.memref_slice %arg2[%dma_wait3A_199, %dma_wait3A_200] : memref<10000x128xf32, #tpu.memory_space<hbm>> -> memref<10000x128xf32, #tpu.memory_space<hbm>>
        tpu.wait_indirect_dma semaphore(%arg30 : memref<!tpu.dma_semaphore, #tpu.memory_space<semaphore_mem>>) src(%dma_wait3A_201 : memref<10000x128xf32, #tpu.memory_space<hbm>>) dst(%arg20 : memref<80x128xf32, #tpu.memory_space<vmem>>)
        %dma_start3A_202 = arith.constant 0 : i32
        %dma_start3A_203 = arith.constant 0 : i32
        %dma_start3A_204 = tpu.memref_slice %arg22[%dma_start3A_202, %dma_start3A_203] : memref<10000x128xf32, #tpu.memory_space<vmem_shared>> -> memref<10000x128xf32, #tpu.memory_space<vmem_shared>>
        tpu.enqueue_indirect_dma source(%arg20 : memref<80x128xf32, #tpu.memory_space<vmem>>) target(%dma_start3A_204 : memref<10000x128xf32, #tpu.memory_space<vmem_shared>>) offsets(%arg17 : memref<80xi32, #tpu.memory_space<vmem>>) semaphore(%arg33 : memref<!tpu.dma_semaphore, #tpu.memory_space<semaphore_mem>>) {add = true}
      } else {
      }
      %add3A_164 = arith.constant 2 : i32
      %add3A_165 = arith.addi %add3A_158, %add3A_164 : i32
      %lt3A_166 = arith.constant 125 : i32
      %lt3A_167 = arith.cmpi slt, %add3A_165, %lt3A_166 : i32
      %convert_element_type3A_168 = arith.extui %lt3A_167 : i1 to i32
      %cond3A_169 = arith.constant 0 : i32
      %cond3A_170 = arith.cmpi ne, %convert_element_type3A_168, %cond3A_169 : i32
      scf.if %cond3A_170 {
        %ge3A = arith.constant 1 : i32
        %ge3A_199 = arith.cmpi sge, %add3A_158, %ge3A : i32
        %convert_element_type3A_200 = arith.extui %ge3A_199 : i1 to i32
        %cond3A_201 = arith.constant 0 : i32
        %cond3A_202 = arith.cmpi ne, %convert_element_type3A_200, %cond3A_201 : i32
        scf.if %cond3A_202 {
          %dma_wait3A_218 = arith.constant 0 : i32
          %dma_wait3A_219 = arith.constant 0 : i32
          %dma_wait3A_220 = tpu.memref_slice %arg22[%dma_wait3A_218, %dma_wait3A_219] : memref<10000x128xf32, #tpu.memory_space<vmem_shared>> -> memref<10000x128xf32, #tpu.memory_space<vmem_shared>>
          tpu.wait_indirect_dma semaphore(%arg32 : memref<!tpu.dma_semaphore, #tpu.memory_space<semaphore_mem>>) src(%arg19 : memref<80x128xf32, #tpu.memory_space<vmem>>) dst(%dma_wait3A_220 : memref<10000x128xf32, #tpu.memory_space<vmem_shared>>)
        } else {
        }
        %add3A_203 = arith.constant 2 : i32
        %add3A_204 = arith.addi %add3A_158, %add3A_203 : i32
        %mul3A_205 = arith.constant 80 : i32
        %mul3A_206 = arith.muli %add3A_204, %mul3A_205 : i32
        %add3A_207 = arith.addi %mul3A_4, %mul3A_206 : i32
        %dma_wait3A_208 = tpu.memref_slice %arg3[%add3A_207] : memref<320000xi32, #tpu.memory_space<hbm>> -> memref<80xi32, #tpu.memory_space<hbm>>
        %dma_wait3A_209 = tpu.memref_slice %arg3[%add3A_207] : memref<320000xi32, #tpu.memory_space<hbm>> -> memref<80xi32, #tpu.memory_space<hbm>>
        tpu.wait_dma2 semaphore(%arg23 : memref<!tpu.dma_semaphore, #tpu.memory_space<semaphore_mem>>) src(%dma_wait3A_209 : memref<80xi32, #tpu.memory_space<hbm>>) dst(%arg7 : memref<80xi32, #tpu.memory_space<vmem>>)
        %mul3A_210 = arith.constant 80 : i32
        %mul3A_211 = arith.muli %add3A_204, %mul3A_210 : i32
        %add3A_212 = arith.addi %mul3A_4, %mul3A_211 : i32
        %dma_wait3A_213 = tpu.memref_slice %arg4[%add3A_212] : memref<320000xi32, #tpu.memory_space<hbm>> -> memref<80xi32, #tpu.memory_space<hbm>>
        %dma_wait3A_214 = tpu.memref_slice %arg4[%add3A_212] : memref<320000xi32, #tpu.memory_space<hbm>> -> memref<80xi32, #tpu.memory_space<hbm>>
        tpu.wait_dma2 semaphore(%arg23 : memref<!tpu.dma_semaphore, #tpu.memory_space<semaphore_mem>>) src(%dma_wait3A_214 : memref<80xi32, #tpu.memory_space<hbm>>) dst(%arg13 : memref<80xi32, #tpu.memory_space<vmem>>)
        %dma_start3A_215 = arith.constant 0 : i32
        %dma_start3A_216 = arith.constant 0 : i32
        %dma_start3A_217 = tpu.memref_slice %arg2[%dma_start3A_215, %dma_start3A_216] : memref<10000x128xf32, #tpu.memory_space<hbm>> -> memref<10000x128xf32, #tpu.memory_space<hbm>>
        tpu.enqueue_indirect_dma source(%dma_start3A_217 : memref<10000x128xf32, #tpu.memory_space<hbm>>) target(%arg19 : memref<80x128xf32, #tpu.memory_space<vmem>>) offsets(%arg7 : memref<80xi32, #tpu.memory_space<vmem>>) semaphore(%arg29 : memref<!tpu.dma_semaphore, #tpu.memory_space<semaphore_mem>>)
      } else {
      }
      %add3A_171 = arith.constant 3 : i32
      %add3A_172 = arith.addi %add3A_158, %add3A_171 : i32
      %lt3A_173 = arith.constant 125 : i32
      %lt3A_174 = arith.cmpi slt, %add3A_172, %lt3A_173 : i32
      %convert_element_type3A_175 = arith.extui %lt3A_174 : i1 to i32
      %cond3A_176 = arith.constant 0 : i32
      %cond3A_177 = arith.cmpi ne, %convert_element_type3A_175, %cond3A_176 : i32
      scf.if %cond3A_177 {
        %add3A_199 = arith.constant 3 : i32
        %add3A_200 = arith.addi %add3A_158, %add3A_199 : i32
        %mul3A_201 = arith.constant 80 : i32
        %mul3A_202 = arith.muli %add3A_200, %mul3A_201 : i32
        %add3A_203 = arith.addi %mul3A_4, %mul3A_202 : i32
        %dma_start3A_204 = tpu.memref_slice %arg3[%add3A_203] : memref<320000xi32, #tpu.memory_space<hbm>> -> memref<80xi32, #tpu.memory_space<hbm>>
        %dma_start3A_205 = tpu.memref_slice %arg3[%add3A_203] : memref<320000xi32, #tpu.memory_space<hbm>> -> memref<80xi32, #tpu.memory_space<hbm>>
        tpu.enqueue_dma source(%dma_start3A_205 : memref<80xi32, #tpu.memory_space<hbm>>) target(%arg8 : memref<80xi32, #tpu.memory_space<vmem>>) target_semaphore(%arg24 : memref<!tpu.dma_semaphore, #tpu.memory_space<semaphore_mem>>)
        %mul3A_206 = arith.constant 80 : i32
        %mul3A_207 = arith.muli %add3A_200, %mul3A_206 : i32
        %add3A_208 = arith.addi %mul3A_4, %mul3A_207 : i32
        %dma_start3A_209 = tpu.memref_slice %arg4[%add3A_208] : memref<320000xi32, #tpu.memory_space<hbm>> -> memref<80xi32, #tpu.memory_space<hbm>>
        %dma_start3A_210 = tpu.memref_slice %arg4[%add3A_208] : memref<320000xi32, #tpu.memory_space<hbm>> -> memref<80xi32, #tpu.memory_space<hbm>>
        tpu.enqueue_dma source(%dma_start3A_210 : memref<80xi32, #tpu.memory_space<hbm>>) target(%arg14 : memref<80xi32, #tpu.memory_space<vmem>>) target_semaphore(%arg24 : memref<!tpu.dma_semaphore, #tpu.memory_space<semaphore_mem>>)
      } else {
      }
      %add3A_178 = arith.constant 5 : i32
      %add3A_179 = arith.addi %add3A_72, %add3A_178 : i32
      %lt3A_180 = arith.constant 125 : i32
      %lt3A_181 = arith.cmpi slt, %add3A_179, %lt3A_180 : i32
      %convert_element_type3A_182 = arith.extui %lt3A_181 : i1 to i32
      %cond3A_183 = arith.constant 0 : i32
      %cond3A_184 = arith.cmpi ne, %convert_element_type3A_182, %cond3A_183 : i32
      scf.if %cond3A_184 {
        %dma_wait3A_199 = arith.constant 0 : i32
        %dma_wait3A_200 = arith.constant 0 : i32
        %dma_wait3A_201 = tpu.memref_slice %arg2[%dma_wait3A_199, %dma_wait3A_200] : memref<10000x128xf32, #tpu.memory_space<hbm>> -> memref<10000x128xf32, #tpu.memory_space<hbm>>
        tpu.wait_indirect_dma semaphore(%arg31 : memref<!tpu.dma_semaphore, #tpu.memory_space<semaphore_mem>>) src(%dma_wait3A_201 : memref<10000x128xf32, #tpu.memory_space<hbm>>) dst(%arg21 : memref<80x128xf32, #tpu.memory_space<vmem>>)
        %dma_start3A_202 = arith.constant 0 : i32
        %dma_start3A_203 = arith.constant 0 : i32
        %dma_start3A_204 = tpu.memref_slice %arg22[%dma_start3A_202, %dma_start3A_203] : memref<10000x128xf32, #tpu.memory_space<vmem_shared>> -> memref<10000x128xf32, #tpu.memory_space<vmem_shared>>
        tpu.enqueue_indirect_dma source(%arg21 : memref<80x128xf32, #tpu.memory_space<vmem>>) target(%dma_start3A_204 : memref<10000x128xf32, #tpu.memory_space<vmem_shared>>) offsets(%arg18 : memref<80xi32, #tpu.memory_space<vmem>>) semaphore(%arg34 : memref<!tpu.dma_semaphore, #tpu.memory_space<semaphore_mem>>) {add = true}
      } else {
      }
      %add3A_185 = arith.constant 2 : i32
      %add3A_186 = arith.addi %add3A_179, %add3A_185 : i32
      %lt3A_187 = arith.constant 125 : i32
      %lt3A_188 = arith.cmpi slt, %add3A_186, %lt3A_187 : i32
      %convert_element_type3A_189 = arith.extui %lt3A_188 : i1 to i32
      %cond3A_190 = arith.constant 0 : i32
      %cond3A_191 = arith.cmpi ne, %convert_element_type3A_189, %cond3A_190 : i32
      scf.if %cond3A_191 {
        %ge3A = arith.constant 1 : i32
        %ge3A_199 = arith.cmpi sge, %add3A_179, %ge3A : i32
        %convert_element_type3A_200 = arith.extui %ge3A_199 : i1 to i32
        %cond3A_201 = arith.constant 0 : i32
        %cond3A_202 = arith.cmpi ne, %convert_element_type3A_200, %cond3A_201 : i32
        scf.if %cond3A_202 {
          %dma_wait3A_218 = arith.constant 0 : i32
          %dma_wait3A_219 = arith.constant 0 : i32
          %dma_wait3A_220 = tpu.memref_slice %arg22[%dma_wait3A_218, %dma_wait3A_219] : memref<10000x128xf32, #tpu.memory_space<vmem_shared>> -> memref<10000x128xf32, #tpu.memory_space<vmem_shared>>
          tpu.wait_indirect_dma semaphore(%arg33 : memref<!tpu.dma_semaphore, #tpu.memory_space<semaphore_mem>>) src(%arg20 : memref<80x128xf32, #tpu.memory_space<vmem>>) dst(%dma_wait3A_220 : memref<10000x128xf32, #tpu.memory_space<vmem_shared>>)
        } else {
        }
        %add3A_203 = arith.constant 2 : i32
        %add3A_204 = arith.addi %add3A_179, %add3A_203 : i32
        %mul3A_205 = arith.constant 80 : i32
        %mul3A_206 = arith.muli %add3A_204, %mul3A_205 : i32
        %add3A_207 = arith.addi %mul3A_4, %mul3A_206 : i32
        %dma_wait3A_208 = tpu.memref_slice %arg3[%add3A_207] : memref<320000xi32, #tpu.memory_space<hbm>> -> memref<80xi32, #tpu.memory_space<hbm>>
        %dma_wait3A_209 = tpu.memref_slice %arg3[%add3A_207] : memref<320000xi32, #tpu.memory_space<hbm>> -> memref<80xi32, #tpu.memory_space<hbm>>
        tpu.wait_dma2 semaphore(%arg24 : memref<!tpu.dma_semaphore, #tpu.memory_space<semaphore_mem>>) src(%dma_wait3A_209 : memref<80xi32, #tpu.memory_space<hbm>>) dst(%arg8 : memref<80xi32, #tpu.memory_space<vmem>>)
        %mul3A_210 = arith.constant 80 : i32
        %mul3A_211 = arith.muli %add3A_204, %mul3A_210 : i32
        %add3A_212 = arith.addi %mul3A_4, %mul3A_211 : i32
        %dma_wait3A_213 = tpu.memref_slice %arg4[%add3A_212] : memref<320000xi32, #tpu.memory_space<hbm>> -> memref<80xi32, #tpu.memory_space<hbm>>
        %dma_wait3A_214 = tpu.memref_slice %arg4[%add3A_212] : memref<320000xi32, #tpu.memory_space<hbm>> -> memref<80xi32, #tpu.memory_space<hbm>>
        tpu.wait_dma2 semaphore(%arg24 : memref<!tpu.dma_semaphore, #tpu.memory_space<semaphore_mem>>) src(%dma_wait3A_214 : memref<80xi32, #tpu.memory_space<hbm>>) dst(%arg14 : memref<80xi32, #tpu.memory_space<vmem>>)
        %dma_start3A_215 = arith.constant 0 : i32
        %dma_start3A_216 = arith.constant 0 : i32
        %dma_start3A_217 = tpu.memref_slice %arg2[%dma_start3A_215, %dma_start3A_216] : memref<10000x128xf32, #tpu.memory_space<hbm>> -> memref<10000x128xf32, #tpu.memory_space<hbm>>
        tpu.enqueue_indirect_dma source(%dma_start3A_217 : memref<10000x128xf32, #tpu.memory_space<hbm>>) target(%arg20 : memref<80x128xf32, #tpu.memory_space<vmem>>) offsets(%arg8 : memref<80xi32, #tpu.memory_space<vmem>>) semaphore(%arg30 : memref<!tpu.dma_semaphore, #tpu.memory_space<semaphore_mem>>)
      } else {
      }
      %add3A_192 = arith.constant 3 : i32
      %add3A_193 = arith.addi %add3A_179, %add3A_192 : i32
      %lt3A_194 = arith.constant 125 : i32
      %lt3A_195 = arith.cmpi slt, %add3A_193, %lt3A_194 : i32
      %convert_element_type3A_196 = arith.extui %lt3A_195 : i1 to i32
      %cond3A_197 = arith.constant 0 : i32
      %cond3A_198 = arith.cmpi ne, %convert_element_type3A_196, %cond3A_197 : i32
      scf.if %cond3A_198 {
        %add3A_199 = arith.constant 3 : i32
        %add3A_200 = arith.addi %add3A_179, %add3A_199 : i32
        %mul3A_201 = arith.constant 80 : i32
        %mul3A_202 = arith.muli %add3A_200, %mul3A_201 : i32
        %add3A_203 = arith.addi %mul3A_4, %mul3A_202 : i32
        %dma_start3A_204 = tpu.memref_slice %arg3[%add3A_203] : memref<320000xi32, #tpu.memory_space<hbm>> -> memref<80xi32, #tpu.memory_space<hbm>>
        %dma_start3A_205 = tpu.memref_slice %arg3[%add3A_203] : memref<320000xi32, #tpu.memory_space<hbm>> -> memref<80xi32, #tpu.memory_space<hbm>>
        tpu.enqueue_dma source(%dma_start3A_205 : memref<80xi32, #tpu.memory_space<hbm>>) target(%arg9 : memref<80xi32, #tpu.memory_space<vmem>>) target_semaphore(%arg25 : memref<!tpu.dma_semaphore, #tpu.memory_space<semaphore_mem>>)
        %mul3A_206 = arith.constant 80 : i32
        %mul3A_207 = arith.muli %add3A_200, %mul3A_206 : i32
        %add3A_208 = arith.addi %mul3A_4, %mul3A_207 : i32
        %dma_start3A_209 = tpu.memref_slice %arg4[%add3A_208] : memref<320000xi32, #tpu.memory_space<hbm>> -> memref<80xi32, #tpu.memory_space<hbm>>
        %dma_start3A_210 = tpu.memref_slice %arg4[%add3A_208] : memref<320000xi32, #tpu.memory_space<hbm>> -> memref<80xi32, #tpu.memory_space<hbm>>
        tpu.enqueue_dma source(%dma_start3A_210 : memref<80xi32, #tpu.memory_space<hbm>>) target(%arg15 : memref<80xi32, #tpu.memory_space<vmem>>) target_semaphore(%arg25 : memref<!tpu.dma_semaphore, #tpu.memory_space<semaphore_mem>>)
      } else {
      }
    }
    %scan3A_52 = arith.constant 21 : i32
    %dma_wait3A_53 = arith.constant 0 : i32
    %dma_wait3A_54 = arith.constant 0 : i32
    %dma_wait3A_55 = tpu.memref_slice %arg22[%dma_wait3A_53, %dma_wait3A_54] : memref<10000x128xf32, #tpu.memory_space<vmem_shared>> -> memref<10000x128xf32, #tpu.memory_space<vmem_shared>>
    tpu.wait_indirect_dma semaphore(%arg34 : memref<!tpu.dma_semaphore, #tpu.memory_space<semaphore_mem>>) src(%arg21 : memref<80x128xf32, #tpu.memory_space<vmem>>) dst(%dma_wait3A_55 : memref<10000x128xf32, #tpu.memory_space<vmem_shared>>)
    %dma_wait3A_56 = arith.constant 0 : i32
    %dma_wait3A_57 = arith.constant 0 : i32
    %dma_wait3A_58 = tpu.memref_slice %arg22[%dma_wait3A_56, %dma_wait3A_57] : memref<10000x128xf32, #tpu.memory_space<vmem_shared>> -> memref<10000x128xf32, #tpu.memory_space<vmem_shared>>
    tpu.wait_indirect_dma semaphore(%arg32 : memref<!tpu.dma_semaphore, #tpu.memory_space<semaphore_mem>>) src(%arg19 : memref<80x128xf32, #tpu.memory_space<vmem>>) dst(%dma_wait3A_58 : memref<10000x128xf32, #tpu.memory_space<vmem_shared>>)
    %dma_wait3A_59 = arith.constant 0 : i32
    %dma_wait3A_60 = arith.constant 0 : i32
    %dma_wait3A_61 = tpu.memref_slice %arg22[%dma_wait3A_59, %dma_wait3A_60] : memref<10000x128xf32, #tpu.memory_space<vmem_shared>> -> memref<10000x128xf32, #tpu.memory_space<vmem_shared>>
    tpu.wait_indirect_dma semaphore(%arg33 : memref<!tpu.dma_semaphore, #tpu.memory_space<semaphore_mem>>) src(%arg20 : memref<80x128xf32, #tpu.memory_space<vmem>>) dst(%dma_wait3A_61 : memref<10000x128xf32, #tpu.memory_space<vmem_shared>>)
    %barrier3A_62 = arith.constant 0 : index
    tpu.barrier barrier_id(%barrier3A_62)
    %lt3A_63 = arith.constant 10 : i32
    %lt3A_64 = arith.cmpi slt, %arg1, %lt3A_63 : i32
    %convert_element_type3A_65 = arith.extui %lt3A_64 : i1 to i32
    %cond3A_66 = arith.constant 0 : i32
    %cond3A_67 = arith.cmpi ne, %convert_element_type3A_65, %cond3A_66 : i32
    scf.if %cond3A_67 {
      %mul3A_68 = arith.constant 1000 : i32
      %mul3A_69 = arith.muli %arg1, %mul3A_68 : i32
      %mul3A_70 = arith.constant 1000 : i32
      %mul3A_71 = arith.muli %arg1, %mul3A_70 : i32
      "tpu.region"() ({
        %run_scoped3A = tpu.sem_alloc : memref<!tpu.dma_semaphore, #tpu.memory_space<semaphore_mem>>
        %dma_start3A_72 = arith.constant 0 : i32
        %dma_start3A_73 = tpu.memref_slice %arg6[%arg0, %mul3A_71, %dma_start3A_72] : memref<2x10000x128xf32, #tpu.memory_space<hbm>> -> memref<1x1000x128xf32, #tpu.memory_space<hbm>>
        %dma_start3A_74 = tpu.memref_squeeze %dma_start3A_73 : memref<1x1000x128xf32, #tpu.memory_space<hbm>> -> memref<1000x128xf32, #tpu.memory_space<hbm>>
        %dma_start3A_75 = arith.constant 0 : i32
        %dma_start3A_76 = tpu.memref_slice %arg22[%mul3A_69, %dma_start3A_75] : memref<10000x128xf32, #tpu.memory_space<vmem_shared>> -> memref<1000x128xf32, #tpu.memory_space<vmem_shared>>
        tpu.enqueue_dma source(%dma_start3A_76 : memref<1000x128xf32, #tpu.memory_space<vmem_shared>>) target(%dma_start3A_74 : memref<1000x128xf32, #tpu.memory_space<hbm>>) target_semaphore(%run_scoped3A : memref<!tpu.dma_semaphore, #tpu.memory_space<semaphore_mem>>)
        %dma_wait3A_77 = arith.constant 0 : i32
        %dma_wait3A_78 = tpu.memref_slice %arg6[%arg0, %mul3A_71, %dma_wait3A_77] : memref<2x10000x128xf32, #tpu.memory_space<hbm>> -> memref<1x1000x128xf32, #tpu.memory_space<hbm>>
        %dma_wait3A_79 = tpu.memref_squeeze %dma_wait3A_78 : memref<1x1000x128xf32, #tpu.memory_space<hbm>> -> memref<1000x128xf32, #tpu.memory_space<hbm>>
        %dma_wait3A_80 = arith.constant 0 : i32
        %dma_wait3A_81 = tpu.memref_slice %arg22[%mul3A_69, %dma_wait3A_80] : memref<10000x128xf32, #tpu.memory_space<vmem_shared>> -> memref<1000x128xf32, #tpu.memory_space<vmem_shared>>
        tpu.wait_dma2 semaphore(%run_scoped3A : memref<!tpu.dma_semaphore, #tpu.memory_space<semaphore_mem>>) src(%dma_wait3A_81 : memref<1000x128xf32, #tpu.memory_space<vmem_shared>>) dst(%dma_wait3A_79 : memref<1000x128xf32, #tpu.memory_space<hbm>>)
        tpu.yield
      }) : () -> ()
    } else {
    }
    return
  }
}

#map = affine_map<(d0, d1) -> (0, 0)>
#map1 = affine_map<(d0, d1) -> (0)>
#map2 = affine_map<(d0, d1) -> (0, 0, 0)>
module attributes {stable_mosaic.version = 14 : i64} {
  func.func @agg_kernel(%arg0: i32, %arg1: i32, %arg2: memref<10000x128xf32, #tpu.memory_space<hbm>>, %arg3: memref<320000xi32, #tpu.memory_space<hbm>>, %arg4: memref<320000xi32, #tpu.memory_space<hbm>>, %arg5: memref<10000x128xf32, #tpu.memory_space<hbm>>, %arg6: memref<2x10000x128xf32, #tpu.memory_space<hbm>>, %arg7: memref<80xi32, #tpu.memory_space<vmem>>, %arg8: memref<80xi32, #tpu.memory_space<vmem>>, %arg9: memref<80xi32, #tpu.memory_space<vmem>>, %arg10: memref<80xi32, #tpu.memory_space<vmem>>, %arg11: memref<80xi32, #tpu.memory_space<vmem>>, %arg12: memref<80xi32, #tpu.memory_space<vmem>>, %arg13: memref<80xi32, #tpu.memory_space<vmem>>, %arg14: memref<80xi32, #tpu.memory_space<vmem>>, %arg15: memref<80xi32, #tpu.memory_space<vmem>>, %arg16: memref<80xi32, #tpu.memory_space<vmem>>, %arg17: memref<80xi32, #tpu.memory_space<vmem>>, %arg18: memref<80xi32, #tpu.memory_space<vmem>>, %arg19: memref<80x128xf32, #tpu.memory_space<vmem>>, %arg20: memref<80x128xf32, #tpu.memory_space<vmem>>, %arg21: memref<80x128xf32, #tpu.memory_space<vmem>>, %arg22: memref<10000x128xf32, #tpu.memory_space<vmem_shared>>, %arg23: memref<!tpu.dma_semaphore, #tpu.memory_space<semaphore_mem>>, %arg24: memref<!tpu.dma_semaphore, #tpu.memory_space<semaphore_mem>>, %arg25: memref<!tpu.dma_semaphore, #tpu.memory_space<semaphore_mem>>, %arg26: memref<!tpu.dma_semaphore, #tpu.memory_space<semaphore_mem>>, %arg27: memref<!tpu.dma_semaphore, #tpu.memory_space<semaphore_mem>>, %arg28: memref<!tpu.dma_semaphore, #tpu.memory_space<semaphore_mem>>, %arg29: memref<!tpu.dma_semaphore, #tpu.memory_space<semaphore_mem>>, %arg30: memref<!tpu.dma_semaphore, #tpu.memory_space<semaphore_mem>>, %arg31: memref<!tpu.dma_semaphore, #tpu.memory_space<semaphore_mem>>, %arg32: memref<!tpu.dma_semaphore, #tpu.memory_space<semaphore_mem>>, %arg33: memref<!tpu.dma_semaphore, #tpu.memory_space<semaphore_mem>>, %arg34: memref<!tpu.dma_semaphore, #tpu.memory_space<semaphore_mem>>) attributes {dimension_semantics = [#tpu.dimension_semantics<core_parallel>, #tpu.dimension_semantics<subcore_parallel>], iteration_bounds = array<i64: 2, 16>, scalar_prefetch = 0 : i64, scratch_operands = 28 : i64, tpu.core_type = #tpu.core_type<sc_vector_subcore>, window_params = [{transform_indices = #map}, {transform_indices = #map1}, {transform_indices = #map1}, {transform_indices = #map}, {transform_indices = #map2}]} {
    %mul3A = arith.constant 2 : i32
    %mul3A_0 = arith.muli %arg1, %mul3A : i32
    %add3A = arith.addi %mul3A_0, %arg0 : i32
    %lt3A = arith.constant 10 : i32
    %lt3A_1 = arith.cmpi slt, %arg1, %lt3A : i32
    %convert_element_type3A = arith.extui %lt3A_1 : i1 to i32
    %cond3A = arith.constant 0 : i32
    %cond3A_2 = arith.cmpi ne, %convert_element_type3A, %cond3A : i32
    scf.if %cond3A_2 {
      %mul3A_68 = arith.constant 1000 : i32
      %mul3A_69 = arith.muli %arg1, %mul3A_68 : i32
      %mul3A_70 = arith.constant 1000 : i32
      %mul3A_71 = arith.muli %arg1, %mul3A_70 : i32
      "tpu.region"() ({
        %run_scoped3A = tpu.sem_alloc : memref<!tpu.dma_semaphore, #tpu.memory_space<semaphore_mem>>
        %dma_start3A_72 = arith.constant 0 : i32
        %dma_start3A_73 = tpu.memref_slice %arg22[%mul3A_71, %dma_start3A_72] : memref<10000x128xf32, #tpu.memory_space<vmem_shared>> -> memref<1000x128xf32, #tpu.memory_space<vmem_shared>>
        %dma_start3A_74 = arith.constant 0 : i32
        %dma_start3A_75 = tpu.memref_slice %arg5[%mul3A_69, %dma_start3A_74] : memref<10000x128xf32, #tpu.memory_space<hbm>> -> memref<1000x128xf32, #tpu.memory_space<hbm>>
        tpu.enqueue_dma source(%dma_start3A_75 : memref<1000x128xf32, #tpu.memory_space<hbm>>) target(%dma_start3A_73 : memref<1000x128xf32, #tpu.memory_space<vmem_shared>>) target_semaphore(%run_scoped3A : memref<!tpu.dma_semaphore, #tpu.memory_space<semaphore_mem>>)
        %dma_wait3A_76 = arith.constant 0 : i32
        %dma_wait3A_77 = tpu.memref_slice %arg22[%mul3A_71, %dma_wait3A_76] : memref<10000x128xf32, #tpu.memory_space<vmem_shared>> -> memref<1000x128xf32, #tpu.memory_space<vmem_shared>>
        %dma_wait3A_78 = arith.constant 0 : i32
        %dma_wait3A_79 = tpu.memref_slice %arg5[%mul3A_69, %dma_wait3A_78] : memref<10000x128xf32, #tpu.memory_space<hbm>> -> memref<1000x128xf32, #tpu.memory_space<hbm>>
        tpu.wait_dma2 semaphore(%run_scoped3A : memref<!tpu.dma_semaphore, #tpu.memory_space<semaphore_mem>>) src(%dma_wait3A_79 : memref<1000x128xf32, #tpu.memory_space<hbm>>) dst(%dma_wait3A_77 : memref<1000x128xf32, #tpu.memory_space<vmem_shared>>)
        tpu.yield
      }) : () -> ()
    } else {
    }
    %barrier3A = arith.constant 0 : index
    tpu.barrier barrier_id(%barrier3A)
    %mul3A_3 = arith.constant 10000 : i32
    %mul3A_4 = arith.muli %add3A, %mul3A_3 : i32
    %add3A_5 = arith.constant 0 : i32
    %add3A_6 = arith.addi %mul3A_4, %add3A_5 : i32
    %dma_start3A = tpu.memref_slice %arg3[%add3A_6] : memref<320000xi32, #tpu.memory_space<hbm>> -> memref<80xi32, #tpu.memory_space<hbm>>
    %dma_start3A_7 = tpu.memref_slice %arg3[%add3A_6] : memref<320000xi32, #tpu.memory_space<hbm>> -> memref<80xi32, #tpu.memory_space<hbm>>
    tpu.enqueue_dma source(%dma_start3A_7 : memref<80xi32, #tpu.memory_space<hbm>>) target(%arg7 : memref<80xi32, #tpu.memory_space<vmem>>) target_semaphore(%arg23 : memref<!tpu.dma_semaphore, #tpu.memory_space<semaphore_mem>>)
    %add3A_8 = arith.constant 0 : i32
    %add3A_9 = arith.addi %mul3A_4, %add3A_8 : i32
    %dma_start3A_10 = tpu.memref_slice %arg4[%add3A_9] : memref<320000xi32, #tpu.memory_space<hbm>> -> memref<80xi32, #tpu.memory_space<hbm>>
    %dma_start3A_11 = tpu.memref_slice %arg4[%add3A_9] : memref<320000xi32, #tpu.memory_space<hbm>> -> memref<80xi32, #tpu.memory_space<hbm>>
    tpu.enqueue_dma source(%dma_start3A_11 : memref<80xi32, #tpu.memory_space<hbm>>) target(%arg13 : memref<80xi32, #tpu.memory_space<vmem>>) target_semaphore(%arg23 : memref<!tpu.dma_semaphore, #tpu.memory_space<semaphore_mem>>)
    %add3A_12 = arith.constant 80 : i32
    %add3A_13 = arith.addi %mul3A_4, %add3A_12 : i32
    %dma_start3A_14 = tpu.memref_slice %arg3[%add3A_13] : memref<320000xi32, #tpu.memory_space<hbm>> -> memref<80xi32, #tpu.memory_space<hbm>>
    %dma_start3A_15 = tpu.memref_slice %arg3[%add3A_13] : memref<320000xi32, #tpu.memory_space<hbm>> -> memref<80xi32, #tpu.memory_space<hbm>>
    tpu.enqueue_dma source(%dma_start3A_15 : memref<80xi32, #tpu.memory_space<hbm>>) target(%arg8 : memref<80xi32, #tpu.memory_space<vmem>>) target_semaphore(%arg24 : memref<!tpu.dma_semaphore, #tpu.memory_space<semaphore_mem>>)
    %add3A_16 = arith.constant 80 : i32
    %add3A_17 = arith.addi %mul3A_4, %add3A_16 : i32
    %dma_start3A_18 = tpu.memref_slice %arg4[%add3A_17] : memref<320000xi32, #tpu.memory_space<hbm>> -> memref<80xi32, #tpu.memory_space<hbm>>
    %dma_start3A_19 = tpu.memref_slice %arg4[%add3A_17] : memref<320000xi32, #tpu.memory_space<hbm>> -> memref<80xi32, #tpu.memory_space<hbm>>
    tpu.enqueue_dma source(%dma_start3A_19 : memref<80xi32, #tpu.memory_space<hbm>>) target(%arg14 : memref<80xi32, #tpu.memory_space<vmem>>) target_semaphore(%arg24 : memref<!tpu.dma_semaphore, #tpu.memory_space<semaphore_mem>>)
    %add3A_20 = arith.constant 160 : i32
    %add3A_21 = arith.addi %mul3A_4, %add3A_20 : i32
    %dma_start3A_22 = tpu.memref_slice %arg3[%add3A_21] : memref<320000xi32, #tpu.memory_space<hbm>> -> memref<80xi32, #tpu.memory_space<hbm>>
    %dma_start3A_23 = tpu.memref_slice %arg3[%add3A_21] : memref<320000xi32, #tpu.memory_space<hbm>> -> memref<80xi32, #tpu.memory_space<hbm>>
    tpu.enqueue_dma source(%dma_start3A_23 : memref<80xi32, #tpu.memory_space<hbm>>) target(%arg9 : memref<80xi32, #tpu.memory_space<vmem>>) target_semaphore(%arg25 : memref<!tpu.dma_semaphore, #tpu.memory_space<semaphore_mem>>)
    %add3A_24 = arith.constant 160 : i32
    %add3A_25 = arith.addi %mul3A_4, %add3A_24 : i32
    %dma_start3A_26 = tpu.memref_slice %arg4[%add3A_25] : memref<320000xi32, #tpu.memory_space<hbm>> -> memref<80xi32, #tpu.memory_space<hbm>>
    %dma_start3A_27 = tpu.memref_slice %arg4[%add3A_25] : memref<320000xi32, #tpu.memory_space<hbm>> -> memref<80xi32, #tpu.memory_space<hbm>>
    tpu.enqueue_dma source(%dma_start3A_27 : memref<80xi32, #tpu.memory_space<hbm>>) target(%arg15 : memref<80xi32, #tpu.memory_space<vmem>>) target_semaphore(%arg25 : memref<!tpu.dma_semaphore, #tpu.memory_space<semaphore_mem>>)
    %add3A_28 = arith.constant 0 : i32
    %add3A_29 = arith.addi %mul3A_4, %add3A_28 : i32
    %dma_wait3A = tpu.memref_slice %arg3[%add3A_29] : memref<320000xi32, #tpu.memory_space<hbm>> -> memref<80xi32, #tpu.memory_space<hbm>>
    %dma_wait3A_30 = tpu.memref_slice %arg3[%add3A_29] : memref<320000xi32, #tpu.memory_space<hbm>> -> memref<80xi32, #tpu.memory_space<hbm>>
    tpu.wait_dma2 semaphore(%arg23 : memref<!tpu.dma_semaphore, #tpu.memory_space<semaphore_mem>>) src(%dma_wait3A_30 : memref<80xi32, #tpu.memory_space<hbm>>) dst(%arg7 : memref<80xi32, #tpu.memory_space<vmem>>)
    %add3A_31 = arith.constant 0 : i32
    %add3A_32 = arith.addi %mul3A_4, %add3A_31 : i32
    %dma_wait3A_33 = tpu.memref_slice %arg4[%add3A_32] : memref<320000xi32, #tpu.memory_space<hbm>> -> memref<80xi32, #tpu.memory_space<hbm>>
    %dma_wait3A_34 = tpu.memref_slice %arg4[%add3A_32] : memref<320000xi32, #tpu.memory_space<hbm>> -> memref<80xi32, #tpu.memory_space<hbm>>
    tpu.wait_dma2 semaphore(%arg23 : memref<!tpu.dma_semaphore, #tpu.memory_space<semaphore_mem>>) src(%dma_wait3A_34 : memref<80xi32, #tpu.memory_space<hbm>>) dst(%arg13 : memref<80xi32, #tpu.memory_space<vmem>>)
    %dma_start3A_35 = arith.constant 0 : i32
    %dma_start3A_36 = arith.constant 0 : i32
    %dma_start3A_37 = tpu.memref_slice %arg2[%dma_start3A_35, %dma_start3A_36] : memref<10000x128xf32, #tpu.memory_space<hbm>> -> memref<10000x128xf32, #tpu.memory_space<hbm>>
    tpu.enqueue_indirect_dma source(%dma_start3A_37 : memref<10000x128xf32, #tpu.memory_space<hbm>>) target(%arg19 : memref<80x128xf32, #tpu.memory_space<vmem>>) offsets(%arg7 : memref<80xi32, #tpu.memory_space<vmem>>) semaphore(%arg29 : memref<!tpu.dma_semaphore, #tpu.memory_space<semaphore_mem>>)
    %add3A_38 = arith.constant 80 : i32
    %add3A_39 = arith.addi %mul3A_4, %add3A_38 : i32
    %dma_wait3A_40 = tpu.memref_slice %arg3[%add3A_39] : memref<320000xi32, #tpu.memory_space<hbm>> -> memref<80xi32, #tpu.memory_space<hbm>>
    %dma_wait3A_41 = tpu.memref_slice %arg3[%add3A_39] : memref<320000xi32, #tpu.memory_space<hbm>> -> memref<80xi32, #tpu.memory_space<hbm>>
    tpu.wait_dma2 semaphore(%arg24 : memref<!tpu.dma_semaphore, #tpu.memory_space<semaphore_mem>>) src(%dma_wait3A_41 : memref<80xi32, #tpu.memory_space<hbm>>) dst(%arg8 : memref<80xi32, #tpu.memory_space<vmem>>)
    %add3A_42 = arith.constant 80 : i32
    %add3A_43 = arith.addi %mul3A_4, %add3A_42 : i32
    %dma_wait3A_44 = tpu.memref_slice %arg4[%add3A_43] : memref<320000xi32, #tpu.memory_space<hbm>> -> memref<80xi32, #tpu.memory_space<hbm>>
    %dma_wait3A_45 = tpu.memref_slice %arg4[%add3A_43] : memref<320000xi32, #tpu.memory_space<hbm>> -> memref<80xi32, #tpu.memory_space<hbm>>
    tpu.wait_dma2 semaphore(%arg24 : memref<!tpu.dma_semaphore, #tpu.memory_space<semaphore_mem>>) src(%dma_wait3A_45 : memref<80xi32, #tpu.memory_space<hbm>>) dst(%arg14 : memref<80xi32, #tpu.memory_space<vmem>>)
    %dma_start3A_46 = arith.constant 0 : i32
    %dma_start3A_47 = arith.constant 0 : i32
    %dma_start3A_48 = tpu.memref_slice %arg2[%dma_start3A_46, %dma_start3A_47] : memref<10000x128xf32, #tpu.memory_space<hbm>> -> memref<10000x128xf32, #tpu.memory_space<hbm>>
    tpu.enqueue_indirect_dma source(%dma_start3A_48 : memref<10000x128xf32, #tpu.memory_space<hbm>>) target(%arg20 : memref<80x128xf32, #tpu.memory_space<vmem>>) offsets(%arg8 : memref<80xi32, #tpu.memory_space<vmem>>) semaphore(%arg30 : memref<!tpu.dma_semaphore, #tpu.memory_space<semaphore_mem>>)
    %scan3A = arith.constant 0 : i32
    %scan3A_49 = arith.constant 21 : i32
    %scan3A_50 = arith.addi %scan3A, %scan3A_49 : i32
    %scan3A_51 = arith.constant 1 : i32
    scf.for %scan3A_68 = %scan3A to %scan3A_50 step %scan3A_51  : i32 {
      %mul3A_69 = arith.constant 6 : i32
      %mul3A_70 = arith.muli %scan3A_68, %mul3A_69 : i32
      %add3A_71 = arith.constant 0 : i32
      %add3A_72 = arith.addi %add3A_71, %mul3A_70 : i32
      %add3A_73 = arith.constant 0 : i32
      %add3A_74 = arith.addi %add3A_72, %add3A_73 : i32
      %lt3A_75 = arith.constant 125 : i32
      %lt3A_76 = arith.cmpi slt, %add3A_74, %lt3A_75 : i32
      %convert_element_type3A_77 = arith.extui %lt3A_76 : i1 to i32
      %cond3A_78 = arith.constant 0 : i32
      %cond3A_79 = arith.cmpi ne, %convert_element_type3A_77, %cond3A_78 : i32
      scf.if %cond3A_79 {
        %dma_wait3A_199 = arith.constant 0 : i32
        %dma_wait3A_200 = arith.constant 0 : i32
        %dma_wait3A_201 = tpu.memref_slice %arg2[%dma_wait3A_199, %dma_wait3A_200] : memref<10000x128xf32, #tpu.memory_space<hbm>> -> memref<10000x128xf32, #tpu.memory_space<hbm>>
        tpu.wait_indirect_dma semaphore(%arg29 : memref<!tpu.dma_semaphore, #tpu.memory_space<semaphore_mem>>) src(%dma_wait3A_201 : memref<10000x128xf32, #tpu.memory_space<hbm>>) dst(%arg19 : memref<80x128xf32, #tpu.memory_space<vmem>>)
        %dma_start3A_202 = arith.constant 0 : i32
        %dma_start3A_203 = arith.constant 0 : i32
        %dma_start3A_204 = tpu.memref_slice %arg22[%dma_start3A_202, %dma_start3A_203] : memref<10000x128xf32, #tpu.memory_space<vmem_shared>> -> memref<10000x128xf32, #tpu.memory_space<vmem_shared>>
        tpu.enqueue_indirect_dma source(%arg19 : memref<80x128xf32, #tpu.memory_space<vmem>>) target(%dma_start3A_204 : memref<10000x128xf32, #tpu.memory_space<vmem_shared>>) offsets(%arg13 : memref<80xi32, #tpu.memory_space<vmem>>) semaphore(%arg32 : memref<!tpu.dma_semaphore, #tpu.memory_space<semaphore_mem>>) {add = true}
      } else {
      }
      %add3A_80 = arith.constant 2 : i32
      %add3A_81 = arith.addi %add3A_74, %add3A_80 : i32
      %lt3A_82 = arith.constant 125 : i32
      %lt3A_83 = arith.cmpi slt, %add3A_81, %lt3A_82 : i32
      %convert_element_type3A_84 = arith.extui %lt3A_83 : i1 to i32
      %cond3A_85 = arith.constant 0 : i32
      %cond3A_86 = arith.cmpi ne, %convert_element_type3A_84, %cond3A_85 : i32
      scf.if %cond3A_86 {
        %ge3A = arith.constant 1 : i32
        %ge3A_199 = arith.cmpi sge, %add3A_74, %ge3A : i32
        %convert_element_type3A_200 = arith.extui %ge3A_199 : i1 to i32
        %cond3A_201 = arith.constant 0 : i32
        %cond3A_202 = arith.cmpi ne, %convert_element_type3A_200, %cond3A_201 : i32
        scf.if %cond3A_202 {
          %dma_wait3A_218 = arith.constant 0 : i32
          %dma_wait3A_219 = arith.constant 0 : i32
          %dma_wait3A_220 = tpu.memref_slice %arg22[%dma_wait3A_218, %dma_wait3A_219] : memref<10000x128xf32, #tpu.memory_space<vmem_shared>> -> memref<10000x128xf32, #tpu.memory_space<vmem_shared>>
          tpu.wait_indirect_dma semaphore(%arg34 : memref<!tpu.dma_semaphore, #tpu.memory_space<semaphore_mem>>) src(%arg21 : memref<80x128xf32, #tpu.memory_space<vmem>>) dst(%dma_wait3A_220 : memref<10000x128xf32, #tpu.memory_space<vmem_shared>>)
        } else {
        }
        %add3A_203 = arith.constant 2 : i32
        %add3A_204 = arith.addi %add3A_74, %add3A_203 : i32
        %mul3A_205 = arith.constant 80 : i32
        %mul3A_206 = arith.muli %add3A_204, %mul3A_205 : i32
        %add3A_207 = arith.addi %mul3A_4, %mul3A_206 : i32
        %dma_wait3A_208 = tpu.memref_slice %arg3[%add3A_207] : memref<320000xi32, #tpu.memory_space<hbm>> -> memref<80xi32, #tpu.memory_space<hbm>>
        %dma_wait3A_209 = tpu.memref_slice %arg3[%add3A_207] : memref<320000xi32, #tpu.memory_space<hbm>> -> memref<80xi32, #tpu.memory_space<hbm>>
        tpu.wait_dma2 semaphore(%arg25 : memref<!tpu.dma_semaphore, #tpu.memory_space<semaphore_mem>>) src(%dma_wait3A_209 : memref<80xi32, #tpu.memory_space<hbm>>) dst(%arg9 : memref<80xi32, #tpu.memory_space<vmem>>)
        %mul3A_210 = arith.constant 80 : i32
        %mul3A_211 = arith.muli %add3A_204, %mul3A_210 : i32
        %add3A_212 = arith.addi %mul3A_4, %mul3A_211 : i32
        %dma_wait3A_213 = tpu.memref_slice %arg4[%add3A_212] : memref<320000xi32, #tpu.memory_space<hbm>> -> memref<80xi32, #tpu.memory_space<hbm>>
        %dma_wait3A_214 = tpu.memref_slice %arg4[%add3A_212] : memref<320000xi32, #tpu.memory_space<hbm>> -> memref<80xi32, #tpu.memory_space<hbm>>
        tpu.wait_dma2 semaphore(%arg25 : memref<!tpu.dma_semaphore, #tpu.memory_space<semaphore_mem>>) src(%dma_wait3A_214 : memref<80xi32, #tpu.memory_space<hbm>>) dst(%arg15 : memref<80xi32, #tpu.memory_space<vmem>>)
        %dma_start3A_215 = arith.constant 0 : i32
        %dma_start3A_216 = arith.constant 0 : i32
        %dma_start3A_217 = tpu.memref_slice %arg2[%dma_start3A_215, %dma_start3A_216] : memref<10000x128xf32, #tpu.memory_space<hbm>> -> memref<10000x128xf32, #tpu.memory_space<hbm>>
        tpu.enqueue_indirect_dma source(%dma_start3A_217 : memref<10000x128xf32, #tpu.memory_space<hbm>>) target(%arg21 : memref<80x128xf32, #tpu.memory_space<vmem>>) offsets(%arg9 : memref<80xi32, #tpu.memory_space<vmem>>) semaphore(%arg31 : memref<!tpu.dma_semaphore, #tpu.memory_space<semaphore_mem>>)
      } else {
      }
      %add3A_87 = arith.constant 3 : i32
      %add3A_88 = arith.addi %add3A_74, %add3A_87 : i32
      %lt3A_89 = arith.constant 125 : i32
      %lt3A_90 = arith.cmpi slt, %add3A_88, %lt3A_89 : i32
      %convert_element_type3A_91 = arith.extui %lt3A_90 : i1 to i32
      %cond3A_92 = arith.constant 0 : i32
      %cond3A_93 = arith.cmpi ne, %convert_element_type3A_91, %cond3A_92 : i32
      scf.if %cond3A_93 {
        %add3A_199 = arith.constant 3 : i32
        %add3A_200 = arith.addi %add3A_74, %add3A_199 : i32
        %mul3A_201 = arith.constant 80 : i32
        %mul3A_202 = arith.muli %add3A_200, %mul3A_201 : i32
        %add3A_203 = arith.addi %mul3A_4, %mul3A_202 : i32
        %dma_start3A_204 = tpu.memref_slice %arg3[%add3A_203] : memref<320000xi32, #tpu.memory_space<hbm>> -> memref<80xi32, #tpu.memory_space<hbm>>
        %dma_start3A_205 = tpu.memref_slice %arg3[%add3A_203] : memref<320000xi32, #tpu.memory_space<hbm>> -> memref<80xi32, #tpu.memory_space<hbm>>
        tpu.enqueue_dma source(%dma_start3A_205 : memref<80xi32, #tpu.memory_space<hbm>>) target(%arg10 : memref<80xi32, #tpu.memory_space<vmem>>) target_semaphore(%arg26 : memref<!tpu.dma_semaphore, #tpu.memory_space<semaphore_mem>>)
        %mul3A_206 = arith.constant 80 : i32
        %mul3A_207 = arith.muli %add3A_200, %mul3A_206 : i32
        %add3A_208 = arith.addi %mul3A_4, %mul3A_207 : i32
        %dma_start3A_209 = tpu.memref_slice %arg4[%add3A_208] : memref<320000xi32, #tpu.memory_space<hbm>> -> memref<80xi32, #tpu.memory_space<hbm>>
        %dma_start3A_210 = tpu.memref_slice %arg4[%add3A_208] : memref<320000xi32, #tpu.memory_space<hbm>> -> memref<80xi32, #tpu.memory_space<hbm>>
        tpu.enqueue_dma source(%dma_start3A_210 : memref<80xi32, #tpu.memory_space<hbm>>) target(%arg16 : memref<80xi32, #tpu.memory_space<vmem>>) target_semaphore(%arg26 : memref<!tpu.dma_semaphore, #tpu.memory_space<semaphore_mem>>)
      } else {
      }
      %add3A_94 = arith.constant 1 : i32
      %add3A_95 = arith.addi %add3A_72, %add3A_94 : i32
      %lt3A_96 = arith.constant 125 : i32
      %lt3A_97 = arith.cmpi slt, %add3A_95, %lt3A_96 : i32
      %convert_element_type3A_98 = arith.extui %lt3A_97 : i1 to i32
      %cond3A_99 = arith.constant 0 : i32
      %cond3A_100 = arith.cmpi ne, %convert_element_type3A_98, %cond3A_99 : i32
      scf.if %cond3A_100 {
        %dma_wait3A_199 = arith.constant 0 : i32
        %dma_wait3A_200 = arith.constant 0 : i32
        %dma_wait3A_201 = tpu.memref_slice %arg2[%dma_wait3A_199, %dma_wait3A_200] : memref<10000x128xf32, #tpu.memory_space<hbm>> -> memref<10000x128xf32, #tpu.memory_space<hbm>>
        tpu.wait_indirect_dma semaphore(%arg30 : memref<!tpu.dma_semaphore, #tpu.memory_space<semaphore_mem>>) src(%dma_wait3A_201 : memref<10000x128xf32, #tpu.memory_space<hbm>>) dst(%arg20 : memref<80x128xf32, #tpu.memory_space<vmem>>)
        %dma_start3A_202 = arith.constant 0 : i32
        %dma_start3A_203 = arith.constant 0 : i32
        %dma_start3A_204 = tpu.memref_slice %arg22[%dma_start3A_202, %dma_start3A_203] : memref<10000x128xf32, #tpu.memory_space<vmem_shared>> -> memref<10000x128xf32, #tpu.memory_space<vmem_shared>>
        tpu.enqueue_indirect_dma source(%arg20 : memref<80x128xf32, #tpu.memory_space<vmem>>) target(%dma_start3A_204 : memref<10000x128xf32, #tpu.memory_space<vmem_shared>>) offsets(%arg14 : memref<80xi32, #tpu.memory_space<vmem>>) semaphore(%arg33 : memref<!tpu.dma_semaphore, #tpu.memory_space<semaphore_mem>>) {add = true}
      } else {
      }
      %add3A_101 = arith.constant 2 : i32
      %add3A_102 = arith.addi %add3A_95, %add3A_101 : i32
      %lt3A_103 = arith.constant 125 : i32
      %lt3A_104 = arith.cmpi slt, %add3A_102, %lt3A_103 : i32
      %convert_element_type3A_105 = arith.extui %lt3A_104 : i1 to i32
      %cond3A_106 = arith.constant 0 : i32
      %cond3A_107 = arith.cmpi ne, %convert_element_type3A_105, %cond3A_106 : i32
      scf.if %cond3A_107 {
        %ge3A = arith.constant 1 : i32
        %ge3A_199 = arith.cmpi sge, %add3A_95, %ge3A : i32
        %convert_element_type3A_200 = arith.extui %ge3A_199 : i1 to i32
        %cond3A_201 = arith.constant 0 : i32
        %cond3A_202 = arith.cmpi ne, %convert_element_type3A_200, %cond3A_201 : i32
        scf.if %cond3A_202 {
          %dma_wait3A_218 = arith.constant 0 : i32
          %dma_wait3A_219 = arith.constant 0 : i32
          %dma_wait3A_220 = tpu.memref_slice %arg22[%dma_wait3A_218, %dma_wait3A_219] : memref<10000x128xf32, #tpu.memory_space<vmem_shared>> -> memref<10000x128xf32, #tpu.memory_space<vmem_shared>>
          tpu.wait_indirect_dma semaphore(%arg32 : memref<!tpu.dma_semaphore, #tpu.memory_space<semaphore_mem>>) src(%arg19 : memref<80x128xf32, #tpu.memory_space<vmem>>) dst(%dma_wait3A_220 : memref<10000x128xf32, #tpu.memory_space<vmem_shared>>)
        } else {
        }
        %add3A_203 = arith.constant 2 : i32
        %add3A_204 = arith.addi %add3A_95, %add3A_203 : i32
        %mul3A_205 = arith.constant 80 : i32
        %mul3A_206 = arith.muli %add3A_204, %mul3A_205 : i32
        %add3A_207 = arith.addi %mul3A_4, %mul3A_206 : i32
        %dma_wait3A_208 = tpu.memref_slice %arg3[%add3A_207] : memref<320000xi32, #tpu.memory_space<hbm>> -> memref<80xi32, #tpu.memory_space<hbm>>
        %dma_wait3A_209 = tpu.memref_slice %arg3[%add3A_207] : memref<320000xi32, #tpu.memory_space<hbm>> -> memref<80xi32, #tpu.memory_space<hbm>>
        tpu.wait_dma2 semaphore(%arg26 : memref<!tpu.dma_semaphore, #tpu.memory_space<semaphore_mem>>) src(%dma_wait3A_209 : memref<80xi32, #tpu.memory_space<hbm>>) dst(%arg10 : memref<80xi32, #tpu.memory_space<vmem>>)
        %mul3A_210 = arith.constant 80 : i32
        %mul3A_211 = arith.muli %add3A_204, %mul3A_210 : i32
        %add3A_212 = arith.addi %mul3A_4, %mul3A_211 : i32
        %dma_wait3A_213 = tpu.memref_slice %arg4[%add3A_212] : memref<320000xi32, #tpu.memory_space<hbm>> -> memref<80xi32, #tpu.memory_space<hbm>>
        %dma_wait3A_214 = tpu.memref_slice %arg4[%add3A_212] : memref<320000xi32, #tpu.memory_space<hbm>> -> memref<80xi32, #tpu.memory_space<hbm>>
        tpu.wait_dma2 semaphore(%arg26 : memref<!tpu.dma_semaphore, #tpu.memory_space<semaphore_mem>>) src(%dma_wait3A_214 : memref<80xi32, #tpu.memory_space<hbm>>) dst(%arg16 : memref<80xi32, #tpu.memory_space<vmem>>)
        %dma_start3A_215 = arith.constant 0 : i32
        %dma_start3A_216 = arith.constant 0 : i32
        %dma_start3A_217 = tpu.memref_slice %arg2[%dma_start3A_215, %dma_start3A_216] : memref<10000x128xf32, #tpu.memory_space<hbm>> -> memref<10000x128xf32, #tpu.memory_space<hbm>>
        tpu.enqueue_indirect_dma source(%dma_start3A_217 : memref<10000x128xf32, #tpu.memory_space<hbm>>) target(%arg19 : memref<80x128xf32, #tpu.memory_space<vmem>>) offsets(%arg10 : memref<80xi32, #tpu.memory_space<vmem>>) semaphore(%arg29 : memref<!tpu.dma_semaphore, #tpu.memory_space<semaphore_mem>>)
      } else {
      }
      %add3A_108 = arith.constant 3 : i32
      %add3A_109 = arith.addi %add3A_95, %add3A_108 : i32
      %lt3A_110 = arith.constant 125 : i32
      %lt3A_111 = arith.cmpi slt, %add3A_109, %lt3A_110 : i32
      %convert_element_type3A_112 = arith.extui %lt3A_111 : i1 to i32
      %cond3A_113 = arith.constant 0 : i32
      %cond3A_114 = arith.cmpi ne, %convert_element_type3A_112, %cond3A_113 : i32
      scf.if %cond3A_114 {
        %add3A_199 = arith.constant 3 : i32
        %add3A_200 = arith.addi %add3A_95, %add3A_199 : i32
        %mul3A_201 = arith.constant 80 : i32
        %mul3A_202 = arith.muli %add3A_200, %mul3A_201 : i32
        %add3A_203 = arith.addi %mul3A_4, %mul3A_202 : i32
        %dma_start3A_204 = tpu.memref_slice %arg3[%add3A_203] : memref<320000xi32, #tpu.memory_space<hbm>> -> memref<80xi32, #tpu.memory_space<hbm>>
        %dma_start3A_205 = tpu.memref_slice %arg3[%add3A_203] : memref<320000xi32, #tpu.memory_space<hbm>> -> memref<80xi32, #tpu.memory_space<hbm>>
        tpu.enqueue_dma source(%dma_start3A_205 : memref<80xi32, #tpu.memory_space<hbm>>) target(%arg11 : memref<80xi32, #tpu.memory_space<vmem>>) target_semaphore(%arg27 : memref<!tpu.dma_semaphore, #tpu.memory_space<semaphore_mem>>)
        %mul3A_206 = arith.constant 80 : i32
        %mul3A_207 = arith.muli %add3A_200, %mul3A_206 : i32
        %add3A_208 = arith.addi %mul3A_4, %mul3A_207 : i32
        %dma_start3A_209 = tpu.memref_slice %arg4[%add3A_208] : memref<320000xi32, #tpu.memory_space<hbm>> -> memref<80xi32, #tpu.memory_space<hbm>>
        %dma_start3A_210 = tpu.memref_slice %arg4[%add3A_208] : memref<320000xi32, #tpu.memory_space<hbm>> -> memref<80xi32, #tpu.memory_space<hbm>>
        tpu.enqueue_dma source(%dma_start3A_210 : memref<80xi32, #tpu.memory_space<hbm>>) target(%arg17 : memref<80xi32, #tpu.memory_space<vmem>>) target_semaphore(%arg27 : memref<!tpu.dma_semaphore, #tpu.memory_space<semaphore_mem>>)
      } else {
      }
      %add3A_115 = arith.constant 2 : i32
      %add3A_116 = arith.addi %add3A_72, %add3A_115 : i32
      %lt3A_117 = arith.constant 125 : i32
      %lt3A_118 = arith.cmpi slt, %add3A_116, %lt3A_117 : i32
      %convert_element_type3A_119 = arith.extui %lt3A_118 : i1 to i32
      %cond3A_120 = arith.constant 0 : i32
      %cond3A_121 = arith.cmpi ne, %convert_element_type3A_119, %cond3A_120 : i32
      scf.if %cond3A_121 {
        %dma_wait3A_199 = arith.constant 0 : i32
        %dma_wait3A_200 = arith.constant 0 : i32
        %dma_wait3A_201 = tpu.memref_slice %arg2[%dma_wait3A_199, %dma_wait3A_200] : memref<10000x128xf32, #tpu.memory_space<hbm>> -> memref<10000x128xf32, #tpu.memory_space<hbm>>
        tpu.wait_indirect_dma semaphore(%arg31 : memref<!tpu.dma_semaphore, #tpu.memory_space<semaphore_mem>>) src(%dma_wait3A_201 : memref<10000x128xf32, #tpu.memory_space<hbm>>) dst(%arg21 : memref<80x128xf32, #tpu.memory_space<vmem>>)
        %dma_start3A_202 = arith.constant 0 : i32
        %dma_start3A_203 = arith.constant 0 : i32
        %dma_start3A_204 = tpu.memref_slice %arg22[%dma_start3A_202, %dma_start3A_203] : memref<10000x128xf32, #tpu.memory_space<vmem_shared>> -> memref<10000x128xf32, #tpu.memory_space<vmem_shared>>
        tpu.enqueue_indirect_dma source(%arg21 : memref<80x128xf32, #tpu.memory_space<vmem>>) target(%dma_start3A_204 : memref<10000x128xf32, #tpu.memory_space<vmem_shared>>) offsets(%arg15 : memref<80xi32, #tpu.memory_space<vmem>>) semaphore(%arg34 : memref<!tpu.dma_semaphore, #tpu.memory_space<semaphore_mem>>) {add = true}
      } else {
      }
      %add3A_122 = arith.constant 2 : i32
      %add3A_123 = arith.addi %add3A_116, %add3A_122 : i32
      %lt3A_124 = arith.constant 125 : i32
      %lt3A_125 = arith.cmpi slt, %add3A_123, %lt3A_124 : i32
      %convert_element_type3A_126 = arith.extui %lt3A_125 : i1 to i32
      %cond3A_127 = arith.constant 0 : i32
      %cond3A_128 = arith.cmpi ne, %convert_element_type3A_126, %cond3A_127 : i32
      scf.if %cond3A_128 {
        %ge3A = arith.constant 1 : i32
        %ge3A_199 = arith.cmpi sge, %add3A_116, %ge3A : i32
        %convert_element_type3A_200 = arith.extui %ge3A_199 : i1 to i32
        %cond3A_201 = arith.constant 0 : i32
        %cond3A_202 = arith.cmpi ne, %convert_element_type3A_200, %cond3A_201 : i32
        scf.if %cond3A_202 {
          %dma_wait3A_218 = arith.constant 0 : i32
          %dma_wait3A_219 = arith.constant 0 : i32
          %dma_wait3A_220 = tpu.memref_slice %arg22[%dma_wait3A_218, %dma_wait3A_219] : memref<10000x128xf32, #tpu.memory_space<vmem_shared>> -> memref<10000x128xf32, #tpu.memory_space<vmem_shared>>
          tpu.wait_indirect_dma semaphore(%arg33 : memref<!tpu.dma_semaphore, #tpu.memory_space<semaphore_mem>>) src(%arg20 : memref<80x128xf32, #tpu.memory_space<vmem>>) dst(%dma_wait3A_220 : memref<10000x128xf32, #tpu.memory_space<vmem_shared>>)
        } else {
        }
        %add3A_203 = arith.constant 2 : i32
        %add3A_204 = arith.addi %add3A_116, %add3A_203 : i32
        %mul3A_205 = arith.constant 80 : i32
        %mul3A_206 = arith.muli %add3A_204, %mul3A_205 : i32
        %add3A_207 = arith.addi %mul3A_4, %mul3A_206 : i32
        %dma_wait3A_208 = tpu.memref_slice %arg3[%add3A_207] : memref<320000xi32, #tpu.memory_space<hbm>> -> memref<80xi32, #tpu.memory_space<hbm>>
        %dma_wait3A_209 = tpu.memref_slice %arg3[%add3A_207] : memref<320000xi32, #tpu.memory_space<hbm>> -> memref<80xi32, #tpu.memory_space<hbm>>
        tpu.wait_dma2 semaphore(%arg27 : memref<!tpu.dma_semaphore, #tpu.memory_space<semaphore_mem>>) src(%dma_wait3A_209 : memref<80xi32, #tpu.memory_space<hbm>>) dst(%arg11 : memref<80xi32, #tpu.memory_space<vmem>>)
        %mul3A_210 = arith.constant 80 : i32
        %mul3A_211 = arith.muli %add3A_204, %mul3A_210 : i32
        %add3A_212 = arith.addi %mul3A_4, %mul3A_211 : i32
        %dma_wait3A_213 = tpu.memref_slice %arg4[%add3A_212] : memref<320000xi32, #tpu.memory_space<hbm>> -> memref<80xi32, #tpu.memory_space<hbm>>
        %dma_wait3A_214 = tpu.memref_slice %arg4[%add3A_212] : memref<320000xi32, #tpu.memory_space<hbm>> -> memref<80xi32, #tpu.memory_space<hbm>>
        tpu.wait_dma2 semaphore(%arg27 : memref<!tpu.dma_semaphore, #tpu.memory_space<semaphore_mem>>) src(%dma_wait3A_214 : memref<80xi32, #tpu.memory_space<hbm>>) dst(%arg17 : memref<80xi32, #tpu.memory_space<vmem>>)
        %dma_start3A_215 = arith.constant 0 : i32
        %dma_start3A_216 = arith.constant 0 : i32
        %dma_start3A_217 = tpu.memref_slice %arg2[%dma_start3A_215, %dma_start3A_216] : memref<10000x128xf32, #tpu.memory_space<hbm>> -> memref<10000x128xf32, #tpu.memory_space<hbm>>
        tpu.enqueue_indirect_dma source(%dma_start3A_217 : memref<10000x128xf32, #tpu.memory_space<hbm>>) target(%arg20 : memref<80x128xf32, #tpu.memory_space<vmem>>) offsets(%arg11 : memref<80xi32, #tpu.memory_space<vmem>>) semaphore(%arg30 : memref<!tpu.dma_semaphore, #tpu.memory_space<semaphore_mem>>)
      } else {
      }
      %add3A_129 = arith.constant 3 : i32
      %add3A_130 = arith.addi %add3A_116, %add3A_129 : i32
      %lt3A_131 = arith.constant 125 : i32
      %lt3A_132 = arith.cmpi slt, %add3A_130, %lt3A_131 : i32
      %convert_element_type3A_133 = arith.extui %lt3A_132 : i1 to i32
      %cond3A_134 = arith.constant 0 : i32
      %cond3A_135 = arith.cmpi ne, %convert_element_type3A_133, %cond3A_134 : i32
      scf.if %cond3A_135 {
        %add3A_199 = arith.constant 3 : i32
        %add3A_200 = arith.addi %add3A_116, %add3A_199 : i32
        %mul3A_201 = arith.constant 80 : i32
        %mul3A_202 = arith.muli %add3A_200, %mul3A_201 : i32
        %add3A_203 = arith.addi %mul3A_4, %mul3A_202 : i32
        %dma_start3A_204 = tpu.memref_slice %arg3[%add3A_203] : memref<320000xi32, #tpu.memory_space<hbm>> -> memref<80xi32, #tpu.memory_space<hbm>>
        %dma_start3A_205 = tpu.memref_slice %arg3[%add3A_203] : memref<320000xi32, #tpu.memory_space<hbm>> -> memref<80xi32, #tpu.memory_space<hbm>>
        tpu.enqueue_dma source(%dma_start3A_205 : memref<80xi32, #tpu.memory_space<hbm>>) target(%arg12 : memref<80xi32, #tpu.memory_space<vmem>>) target_semaphore(%arg28 : memref<!tpu.dma_semaphore, #tpu.memory_space<semaphore_mem>>)
        %mul3A_206 = arith.constant 80 : i32
        %mul3A_207 = arith.muli %add3A_200, %mul3A_206 : i32
        %add3A_208 = arith.addi %mul3A_4, %mul3A_207 : i32
        %dma_start3A_209 = tpu.memref_slice %arg4[%add3A_208] : memref<320000xi32, #tpu.memory_space<hbm>> -> memref<80xi32, #tpu.memory_space<hbm>>
        %dma_start3A_210 = tpu.memref_slice %arg4[%add3A_208] : memref<320000xi32, #tpu.memory_space<hbm>> -> memref<80xi32, #tpu.memory_space<hbm>>
        tpu.enqueue_dma source(%dma_start3A_210 : memref<80xi32, #tpu.memory_space<hbm>>) target(%arg18 : memref<80xi32, #tpu.memory_space<vmem>>) target_semaphore(%arg28 : memref<!tpu.dma_semaphore, #tpu.memory_space<semaphore_mem>>)
      } else {
      }
      %add3A_136 = arith.constant 3 : i32
      %add3A_137 = arith.addi %add3A_72, %add3A_136 : i32
      %lt3A_138 = arith.constant 125 : i32
      %lt3A_139 = arith.cmpi slt, %add3A_137, %lt3A_138 : i32
      %convert_element_type3A_140 = arith.extui %lt3A_139 : i1 to i32
      %cond3A_141 = arith.constant 0 : i32
      %cond3A_142 = arith.cmpi ne, %convert_element_type3A_140, %cond3A_141 : i32
      scf.if %cond3A_142 {
        %dma_wait3A_199 = arith.constant 0 : i32
        %dma_wait3A_200 = arith.constant 0 : i32
        %dma_wait3A_201 = tpu.memref_slice %arg2[%dma_wait3A_199, %dma_wait3A_200] : memref<10000x128xf32, #tpu.memory_space<hbm>> -> memref<10000x128xf32, #tpu.memory_space<hbm>>
        tpu.wait_indirect_dma semaphore(%arg29 : memref<!tpu.dma_semaphore, #tpu.memory_space<semaphore_mem>>) src(%dma_wait3A_201 : memref<10000x128xf32, #tpu.memory_space<hbm>>) dst(%arg19 : memref<80x128xf32, #tpu.memory_space<vmem>>)
        %dma_start3A_202 = arith.constant 0 : i32
        %dma_start3A_203 = arith.constant 0 : i32
        %dma_start3A_204 = tpu.memref_slice %arg22[%dma_start3A_202, %dma_start3A_203] : memref<10000x128xf32, #tpu.memory_space<vmem_shared>> -> memref<10000x128xf32, #tpu.memory_space<vmem_shared>>
        tpu.enqueue_indirect_dma source(%arg19 : memref<80x128xf32, #tpu.memory_space<vmem>>) target(%dma_start3A_204 : memref<10000x128xf32, #tpu.memory_space<vmem_shared>>) offsets(%arg16 : memref<80xi32, #tpu.memory_space<vmem>>) semaphore(%arg32 : memref<!tpu.dma_semaphore, #tpu.memory_space<semaphore_mem>>) {add = true}
      } else {
      }
      %add3A_143 = arith.constant 2 : i32
      %add3A_144 = arith.addi %add3A_137, %add3A_143 : i32
      %lt3A_145 = arith.constant 125 : i32
      %lt3A_146 = arith.cmpi slt, %add3A_144, %lt3A_145 : i32
      %convert_element_type3A_147 = arith.extui %lt3A_146 : i1 to i32
      %cond3A_148 = arith.constant 0 : i32
      %cond3A_149 = arith.cmpi ne, %convert_element_type3A_147, %cond3A_148 : i32
      scf.if %cond3A_149 {
        %ge3A = arith.constant 1 : i32
        %ge3A_199 = arith.cmpi sge, %add3A_137, %ge3A : i32
        %convert_element_type3A_200 = arith.extui %ge3A_199 : i1 to i32
        %cond3A_201 = arith.constant 0 : i32
        %cond3A_202 = arith.cmpi ne, %convert_element_type3A_200, %cond3A_201 : i32
        scf.if %cond3A_202 {
          %dma_wait3A_218 = arith.constant 0 : i32
          %dma_wait3A_219 = arith.constant 0 : i32
          %dma_wait3A_220 = tpu.memref_slice %arg22[%dma_wait3A_218, %dma_wait3A_219] : memref<10000x128xf32, #tpu.memory_space<vmem_shared>> -> memref<10000x128xf32, #tpu.memory_space<vmem_shared>>
          tpu.wait_indirect_dma semaphore(%arg34 : memref<!tpu.dma_semaphore, #tpu.memory_space<semaphore_mem>>) src(%arg21 : memref<80x128xf32, #tpu.memory_space<vmem>>) dst(%dma_wait3A_220 : memref<10000x128xf32, #tpu.memory_space<vmem_shared>>)
        } else {
        }
        %add3A_203 = arith.constant 2 : i32
        %add3A_204 = arith.addi %add3A_137, %add3A_203 : i32
        %mul3A_205 = arith.constant 80 : i32
        %mul3A_206 = arith.muli %add3A_204, %mul3A_205 : i32
        %add3A_207 = arith.addi %mul3A_4, %mul3A_206 : i32
        %dma_wait3A_208 = tpu.memref_slice %arg3[%add3A_207] : memref<320000xi32, #tpu.memory_space<hbm>> -> memref<80xi32, #tpu.memory_space<hbm>>
        %dma_wait3A_209 = tpu.memref_slice %arg3[%add3A_207] : memref<320000xi32, #tpu.memory_space<hbm>> -> memref<80xi32, #tpu.memory_space<hbm>>
        tpu.wait_dma2 semaphore(%arg28 : memref<!tpu.dma_semaphore, #tpu.memory_space<semaphore_mem>>) src(%dma_wait3A_209 : memref<80xi32, #tpu.memory_space<hbm>>) dst(%arg12 : memref<80xi32, #tpu.memory_space<vmem>>)
        %mul3A_210 = arith.constant 80 : i32
        %mul3A_211 = arith.muli %add3A_204, %mul3A_210 : i32
        %add3A_212 = arith.addi %mul3A_4, %mul3A_211 : i32
        %dma_wait3A_213 = tpu.memref_slice %arg4[%add3A_212] : memref<320000xi32, #tpu.memory_space<hbm>> -> memref<80xi32, #tpu.memory_space<hbm>>
        %dma_wait3A_214 = tpu.memref_slice %arg4[%add3A_212] : memref<320000xi32, #tpu.memory_space<hbm>> -> memref<80xi32, #tpu.memory_space<hbm>>
        tpu.wait_dma2 semaphore(%arg28 : memref<!tpu.dma_semaphore, #tpu.memory_space<semaphore_mem>>) src(%dma_wait3A_214 : memref<80xi32, #tpu.memory_space<hbm>>) dst(%arg18 : memref<80xi32, #tpu.memory_space<vmem>>)
        %dma_start3A_215 = arith.constant 0 : i32
        %dma_start3A_216 = arith.constant 0 : i32
        %dma_start3A_217 = tpu.memref_slice %arg2[%dma_start3A_215, %dma_start3A_216] : memref<10000x128xf32, #tpu.memory_space<hbm>> -> memref<10000x128xf32, #tpu.memory_space<hbm>>
        tpu.enqueue_indirect_dma source(%dma_start3A_217 : memref<10000x128xf32, #tpu.memory_space<hbm>>) target(%arg21 : memref<80x128xf32, #tpu.memory_space<vmem>>) offsets(%arg12 : memref<80xi32, #tpu.memory_space<vmem>>) semaphore(%arg31 : memref<!tpu.dma_semaphore, #tpu.memory_space<semaphore_mem>>)
      } else {
      }
      %add3A_150 = arith.constant 3 : i32
      %add3A_151 = arith.addi %add3A_137, %add3A_150 : i32
      %lt3A_152 = arith.constant 125 : i32
      %lt3A_153 = arith.cmpi slt, %add3A_151, %lt3A_152 : i32
      %convert_element_type3A_154 = arith.extui %lt3A_153 : i1 to i32
      %cond3A_155 = arith.constant 0 : i32
      %cond3A_156 = arith.cmpi ne, %convert_element_type3A_154, %cond3A_155 : i32
      scf.if %cond3A_156 {
        %add3A_199 = arith.constant 3 : i32
        %add3A_200 = arith.addi %add3A_137, %add3A_199 : i32
        %mul3A_201 = arith.constant 80 : i32
        %mul3A_202 = arith.muli %add3A_200, %mul3A_201 : i32
        %add3A_203 = arith.addi %mul3A_4, %mul3A_202 : i32
        %dma_start3A_204 = tpu.memref_slice %arg3[%add3A_203] : memref<320000xi32, #tpu.memory_space<hbm>> -> memref<80xi32, #tpu.memory_space<hbm>>
        %dma_start3A_205 = tpu.memref_slice %arg3[%add3A_203] : memref<320000xi32, #tpu.memory_space<hbm>> -> memref<80xi32, #tpu.memory_space<hbm>>
        tpu.enqueue_dma source(%dma_start3A_205 : memref<80xi32, #tpu.memory_space<hbm>>) target(%arg7 : memref<80xi32, #tpu.memory_space<vmem>>) target_semaphore(%arg23 : memref<!tpu.dma_semaphore, #tpu.memory_space<semaphore_mem>>)
        %mul3A_206 = arith.constant 80 : i32
        %mul3A_207 = arith.muli %add3A_200, %mul3A_206 : i32
        %add3A_208 = arith.addi %mul3A_4, %mul3A_207 : i32
        %dma_start3A_209 = tpu.memref_slice %arg4[%add3A_208] : memref<320000xi32, #tpu.memory_space<hbm>> -> memref<80xi32, #tpu.memory_space<hbm>>
        %dma_start3A_210 = tpu.memref_slice %arg4[%add3A_208] : memref<320000xi32, #tpu.memory_space<hbm>> -> memref<80xi32, #tpu.memory_space<hbm>>
        tpu.enqueue_dma source(%dma_start3A_210 : memref<80xi32, #tpu.memory_space<hbm>>) target(%arg13 : memref<80xi32, #tpu.memory_space<vmem>>) target_semaphore(%arg23 : memref<!tpu.dma_semaphore, #tpu.memory_space<semaphore_mem>>)
      } else {
      }
      %add3A_157 = arith.constant 4 : i32
      %add3A_158 = arith.addi %add3A_72, %add3A_157 : i32
      %lt3A_159 = arith.constant 125 : i32
      %lt3A_160 = arith.cmpi slt, %add3A_158, %lt3A_159 : i32
      %convert_element_type3A_161 = arith.extui %lt3A_160 : i1 to i32
      %cond3A_162 = arith.constant 0 : i32
      %cond3A_163 = arith.cmpi ne, %convert_element_type3A_161, %cond3A_162 : i32
      scf.if %cond3A_163 {
        %dma_wait3A_199 = arith.constant 0 : i32
        %dma_wait3A_200 = arith.constant 0 : i32
        %dma_wait3A_201 = tpu.memref_slice %arg2[%dma_wait3A_199, %dma_wait3A_200] : memref<10000x128xf32, #tpu.memory_space<hbm>> -> memref<10000x128xf32, #tpu.memory_space<hbm>>
        tpu.wait_indirect_dma semaphore(%arg30 : memref<!tpu.dma_semaphore, #tpu.memory_space<semaphore_mem>>) src(%dma_wait3A_201 : memref<10000x128xf32, #tpu.memory_space<hbm>>) dst(%arg20 : memref<80x128xf32, #tpu.memory_space<vmem>>)
        %dma_start3A_202 = arith.constant 0 : i32
        %dma_start3A_203 = arith.constant 0 : i32
        %dma_start3A_204 = tpu.memref_slice %arg22[%dma_start3A_202, %dma_start3A_203] : memref<10000x128xf32, #tpu.memory_space<vmem_shared>> -> memref<10000x128xf32, #tpu.memory_space<vmem_shared>>
        tpu.enqueue_indirect_dma source(%arg20 : memref<80x128xf32, #tpu.memory_space<vmem>>) target(%dma_start3A_204 : memref<10000x128xf32, #tpu.memory_space<vmem_shared>>) offsets(%arg17 : memref<80xi32, #tpu.memory_space<vmem>>) semaphore(%arg33 : memref<!tpu.dma_semaphore, #tpu.memory_space<semaphore_mem>>) {add = true}
      } else {
      }
      %add3A_164 = arith.constant 2 : i32
      %add3A_165 = arith.addi %add3A_158, %add3A_164 : i32
      %lt3A_166 = arith.constant 125 : i32
      %lt3A_167 = arith.cmpi slt, %add3A_165, %lt3A_166 : i32
      %convert_element_type3A_168 = arith.extui %lt3A_167 : i1 to i32
      %cond3A_169 = arith.constant 0 : i32
      %cond3A_170 = arith.cmpi ne, %convert_element_type3A_168, %cond3A_169 : i32
      scf.if %cond3A_170 {
        %ge3A = arith.constant 1 : i32
        %ge3A_199 = arith.cmpi sge, %add3A_158, %ge3A : i32
        %convert_element_type3A_200 = arith.extui %ge3A_199 : i1 to i32
        %cond3A_201 = arith.constant 0 : i32
        %cond3A_202 = arith.cmpi ne, %convert_element_type3A_200, %cond3A_201 : i32
        scf.if %cond3A_202 {
          %dma_wait3A_218 = arith.constant 0 : i32
          %dma_wait3A_219 = arith.constant 0 : i32
          %dma_wait3A_220 = tpu.memref_slice %arg22[%dma_wait3A_218, %dma_wait3A_219] : memref<10000x128xf32, #tpu.memory_space<vmem_shared>> -> memref<10000x128xf32, #tpu.memory_space<vmem_shared>>
          tpu.wait_indirect_dma semaphore(%arg32 : memref<!tpu.dma_semaphore, #tpu.memory_space<semaphore_mem>>) src(%arg19 : memref<80x128xf32, #tpu.memory_space<vmem>>) dst(%dma_wait3A_220 : memref<10000x128xf32, #tpu.memory_space<vmem_shared>>)
        } else {
        }
        %add3A_203 = arith.constant 2 : i32
        %add3A_204 = arith.addi %add3A_158, %add3A_203 : i32
        %mul3A_205 = arith.constant 80 : i32
        %mul3A_206 = arith.muli %add3A_204, %mul3A_205 : i32
        %add3A_207 = arith.addi %mul3A_4, %mul3A_206 : i32
        %dma_wait3A_208 = tpu.memref_slice %arg3[%add3A_207] : memref<320000xi32, #tpu.memory_space<hbm>> -> memref<80xi32, #tpu.memory_space<hbm>>
        %dma_wait3A_209 = tpu.memref_slice %arg3[%add3A_207] : memref<320000xi32, #tpu.memory_space<hbm>> -> memref<80xi32, #tpu.memory_space<hbm>>
        tpu.wait_dma2 semaphore(%arg23 : memref<!tpu.dma_semaphore, #tpu.memory_space<semaphore_mem>>) src(%dma_wait3A_209 : memref<80xi32, #tpu.memory_space<hbm>>) dst(%arg7 : memref<80xi32, #tpu.memory_space<vmem>>)
        %mul3A_210 = arith.constant 80 : i32
        %mul3A_211 = arith.muli %add3A_204, %mul3A_210 : i32
        %add3A_212 = arith.addi %mul3A_4, %mul3A_211 : i32
        %dma_wait3A_213 = tpu.memref_slice %arg4[%add3A_212] : memref<320000xi32, #tpu.memory_space<hbm>> -> memref<80xi32, #tpu.memory_space<hbm>>
        %dma_wait3A_214 = tpu.memref_slice %arg4[%add3A_212] : memref<320000xi32, #tpu.memory_space<hbm>> -> memref<80xi32, #tpu.memory_space<hbm>>
        tpu.wait_dma2 semaphore(%arg23 : memref<!tpu.dma_semaphore, #tpu.memory_space<semaphore_mem>>) src(%dma_wait3A_214 : memref<80xi32, #tpu.memory_space<hbm>>) dst(%arg13 : memref<80xi32, #tpu.memory_space<vmem>>)
        %dma_start3A_215 = arith.constant 0 : i32
        %dma_start3A_216 = arith.constant 0 : i32
        %dma_start3A_217 = tpu.memref_slice %arg2[%dma_start3A_215, %dma_start3A_216] : memref<10000x128xf32, #tpu.memory_space<hbm>> -> memref<10000x128xf32, #tpu.memory_space<hbm>>
        tpu.enqueue_indirect_dma source(%dma_start3A_217 : memref<10000x128xf32, #tpu.memory_space<hbm>>) target(%arg19 : memref<80x128xf32, #tpu.memory_space<vmem>>) offsets(%arg7 : memref<80xi32, #tpu.memory_space<vmem>>) semaphore(%arg29 : memref<!tpu.dma_semaphore, #tpu.memory_space<semaphore_mem>>)
      } else {
      }
      %add3A_171 = arith.constant 3 : i32
      %add3A_172 = arith.addi %add3A_158, %add3A_171 : i32
      %lt3A_173 = arith.constant 125 : i32
      %lt3A_174 = arith.cmpi slt, %add3A_172, %lt3A_173 : i32
      %convert_element_type3A_175 = arith.extui %lt3A_174 : i1 to i32
      %cond3A_176 = arith.constant 0 : i32
      %cond3A_177 = arith.cmpi ne, %convert_element_type3A_175, %cond3A_176 : i32
      scf.if %cond3A_177 {
        %add3A_199 = arith.constant 3 : i32
        %add3A_200 = arith.addi %add3A_158, %add3A_199 : i32
        %mul3A_201 = arith.constant 80 : i32
        %mul3A_202 = arith.muli %add3A_200, %mul3A_201 : i32
        %add3A_203 = arith.addi %mul3A_4, %mul3A_202 : i32
        %dma_start3A_204 = tpu.memref_slice %arg3[%add3A_203] : memref<320000xi32, #tpu.memory_space<hbm>> -> memref<80xi32, #tpu.memory_space<hbm>>
        %dma_start3A_205 = tpu.memref_slice %arg3[%add3A_203] : memref<320000xi32, #tpu.memory_space<hbm>> -> memref<80xi32, #tpu.memory_space<hbm>>
        tpu.enqueue_dma source(%dma_start3A_205 : memref<80xi32, #tpu.memory_space<hbm>>) target(%arg8 : memref<80xi32, #tpu.memory_space<vmem>>) target_semaphore(%arg24 : memref<!tpu.dma_semaphore, #tpu.memory_space<semaphore_mem>>)
        %mul3A_206 = arith.constant 80 : i32
        %mul3A_207 = arith.muli %add3A_200, %mul3A_206 : i32
        %add3A_208 = arith.addi %mul3A_4, %mul3A_207 : i32
        %dma_start3A_209 = tpu.memref_slice %arg4[%add3A_208] : memref<320000xi32, #tpu.memory_space<hbm>> -> memref<80xi32, #tpu.memory_space<hbm>>
        %dma_start3A_210 = tpu.memref_slice %arg4[%add3A_208] : memref<320000xi32, #tpu.memory_space<hbm>> -> memref<80xi32, #tpu.memory_space<hbm>>
        tpu.enqueue_dma source(%dma_start3A_210 : memref<80xi32, #tpu.memory_space<hbm>>) target(%arg14 : memref<80xi32, #tpu.memory_space<vmem>>) target_semaphore(%arg24 : memref<!tpu.dma_semaphore, #tpu.memory_space<semaphore_mem>>)
      } else {
      }
      %add3A_178 = arith.constant 5 : i32
      %add3A_179 = arith.addi %add3A_72, %add3A_178 : i32
      %lt3A_180 = arith.constant 125 : i32
      %lt3A_181 = arith.cmpi slt, %add3A_179, %lt3A_180 : i32
      %convert_element_type3A_182 = arith.extui %lt3A_181 : i1 to i32
      %cond3A_183 = arith.constant 0 : i32
      %cond3A_184 = arith.cmpi ne, %convert_element_type3A_182, %cond3A_183 : i32
      scf.if %cond3A_184 {
        %dma_wait3A_199 = arith.constant 0 : i32
        %dma_wait3A_200 = arith.constant 0 : i32
        %dma_wait3A_201 = tpu.memref_slice %arg2[%dma_wait3A_199, %dma_wait3A_200] : memref<10000x128xf32, #tpu.memory_space<hbm>> -> memref<10000x128xf32, #tpu.memory_space<hbm>>
        tpu.wait_indirect_dma semaphore(%arg31 : memref<!tpu.dma_semaphore, #tpu.memory_space<semaphore_mem>>) src(%dma_wait3A_201 : memref<10000x128xf32, #tpu.memory_space<hbm>>) dst(%arg21 : memref<80x128xf32, #tpu.memory_space<vmem>>)
        %dma_start3A_202 = arith.constant 0 : i32
        %dma_start3A_203 = arith.constant 0 : i32
        %dma_start3A_204 = tpu.memref_slice %arg22[%dma_start3A_202, %dma_start3A_203] : memref<10000x128xf32, #tpu.memory_space<vmem_shared>> -> memref<10000x128xf32, #tpu.memory_space<vmem_shared>>
        tpu.enqueue_indirect_dma source(%arg21 : memref<80x128xf32, #tpu.memory_space<vmem>>) target(%dma_start3A_204 : memref<10000x128xf32, #tpu.memory_space<vmem_shared>>) offsets(%arg18 : memref<80xi32, #tpu.memory_space<vmem>>) semaphore(%arg34 : memref<!tpu.dma_semaphore, #tpu.memory_space<semaphore_mem>>) {add = true}
      } else {
      }
      %add3A_185 = arith.constant 2 : i32
      %add3A_186 = arith.addi %add3A_179, %add3A_185 : i32
      %lt3A_187 = arith.constant 125 : i32
      %lt3A_188 = arith.cmpi slt, %add3A_186, %lt3A_187 : i32
      %convert_element_type3A_189 = arith.extui %lt3A_188 : i1 to i32
      %cond3A_190 = arith.constant 0 : i32
      %cond3A_191 = arith.cmpi ne, %convert_element_type3A_189, %cond3A_190 : i32
      scf.if %cond3A_191 {
        %ge3A = arith.constant 1 : i32
        %ge3A_199 = arith.cmpi sge, %add3A_179, %ge3A : i32
        %convert_element_type3A_200 = arith.extui %ge3A_199 : i1 to i32
        %cond3A_201 = arith.constant 0 : i32
        %cond3A_202 = arith.cmpi ne, %convert_element_type3A_200, %cond3A_201 : i32
        scf.if %cond3A_202 {
          %dma_wait3A_218 = arith.constant 0 : i32
          %dma_wait3A_219 = arith.constant 0 : i32
          %dma_wait3A_220 = tpu.memref_slice %arg22[%dma_wait3A_218, %dma_wait3A_219] : memref<10000x128xf32, #tpu.memory_space<vmem_shared>> -> memref<10000x128xf32, #tpu.memory_space<vmem_shared>>
          tpu.wait_indirect_dma semaphore(%arg33 : memref<!tpu.dma_semaphore, #tpu.memory_space<semaphore_mem>>) src(%arg20 : memref<80x128xf32, #tpu.memory_space<vmem>>) dst(%dma_wait3A_220 : memref<10000x128xf32, #tpu.memory_space<vmem_shared>>)
        } else {
        }
        %add3A_203 = arith.constant 2 : i32
        %add3A_204 = arith.addi %add3A_179, %add3A_203 : i32
        %mul3A_205 = arith.constant 80 : i32
        %mul3A_206 = arith.muli %add3A_204, %mul3A_205 : i32
        %add3A_207 = arith.addi %mul3A_4, %mul3A_206 : i32
        %dma_wait3A_208 = tpu.memref_slice %arg3[%add3A_207] : memref<320000xi32, #tpu.memory_space<hbm>> -> memref<80xi32, #tpu.memory_space<hbm>>
        %dma_wait3A_209 = tpu.memref_slice %arg3[%add3A_207] : memref<320000xi32, #tpu.memory_space<hbm>> -> memref<80xi32, #tpu.memory_space<hbm>>
        tpu.wait_dma2 semaphore(%arg24 : memref<!tpu.dma_semaphore, #tpu.memory_space<semaphore_mem>>) src(%dma_wait3A_209 : memref<80xi32, #tpu.memory_space<hbm>>) dst(%arg8 : memref<80xi32, #tpu.memory_space<vmem>>)
        %mul3A_210 = arith.constant 80 : i32
        %mul3A_211 = arith.muli %add3A_204, %mul3A_210 : i32
        %add3A_212 = arith.addi %mul3A_4, %mul3A_211 : i32
        %dma_wait3A_213 = tpu.memref_slice %arg4[%add3A_212] : memref<320000xi32, #tpu.memory_space<hbm>> -> memref<80xi32, #tpu.memory_space<hbm>>
        %dma_wait3A_214 = tpu.memref_slice %arg4[%add3A_212] : memref<320000xi32, #tpu.memory_space<hbm>> -> memref<80xi32, #tpu.memory_space<hbm>>
        tpu.wait_dma2 semaphore(%arg24 : memref<!tpu.dma_semaphore, #tpu.memory_space<semaphore_mem>>) src(%dma_wait3A_214 : memref<80xi32, #tpu.memory_space<hbm>>) dst(%arg14 : memref<80xi32, #tpu.memory_space<vmem>>)
        %dma_start3A_215 = arith.constant 0 : i32
        %dma_start3A_216 = arith.constant 0 : i32
        %dma_start3A_217 = tpu.memref_slice %arg2[%dma_start3A_215, %dma_start3A_216] : memref<10000x128xf32, #tpu.memory_space<hbm>> -> memref<10000x128xf32, #tpu.memory_space<hbm>>
        tpu.enqueue_indirect_dma source(%dma_start3A_217 : memref<10000x128xf32, #tpu.memory_space<hbm>>) target(%arg20 : memref<80x128xf32, #tpu.memory_space<vmem>>) offsets(%arg8 : memref<80xi32, #tpu.memory_space<vmem>>) semaphore(%arg30 : memref<!tpu.dma_semaphore, #tpu.memory_space<semaphore_mem>>)
      } else {
      }
      %add3A_192 = arith.constant 3 : i32
      %add3A_193 = arith.addi %add3A_179, %add3A_192 : i32
      %lt3A_194 = arith.constant 125 : i32
      %lt3A_195 = arith.cmpi slt, %add3A_193, %lt3A_194 : i32
      %convert_element_type3A_196 = arith.extui %lt3A_195 : i1 to i32
      %cond3A_197 = arith.constant 0 : i32
      %cond3A_198 = arith.cmpi ne, %convert_element_type3A_196, %cond3A_197 : i32
      scf.if %cond3A_198 {
        %add3A_199 = arith.constant 3 : i32
        %add3A_200 = arith.addi %add3A_179, %add3A_199 : i32
        %mul3A_201 = arith.constant 80 : i32
        %mul3A_202 = arith.muli %add3A_200, %mul3A_201 : i32
        %add3A_203 = arith.addi %mul3A_4, %mul3A_202 : i32
        %dma_start3A_204 = tpu.memref_slice %arg3[%add3A_203] : memref<320000xi32, #tpu.memory_space<hbm>> -> memref<80xi32, #tpu.memory_space<hbm>>
        %dma_start3A_205 = tpu.memref_slice %arg3[%add3A_203] : memref<320000xi32, #tpu.memory_space<hbm>> -> memref<80xi32, #tpu.memory_space<hbm>>
        tpu.enqueue_dma source(%dma_start3A_205 : memref<80xi32, #tpu.memory_space<hbm>>) target(%arg9 : memref<80xi32, #tpu.memory_space<vmem>>) target_semaphore(%arg25 : memref<!tpu.dma_semaphore, #tpu.memory_space<semaphore_mem>>)
        %mul3A_206 = arith.constant 80 : i32
        %mul3A_207 = arith.muli %add3A_200, %mul3A_206 : i32
        %add3A_208 = arith.addi %mul3A_4, %mul3A_207 : i32
        %dma_start3A_209 = tpu.memref_slice %arg4[%add3A_208] : memref<320000xi32, #tpu.memory_space<hbm>> -> memref<80xi32, #tpu.memory_space<hbm>>
        %dma_start3A_210 = tpu.memref_slice %arg4[%add3A_208] : memref<320000xi32, #tpu.memory_space<hbm>> -> memref<80xi32, #tpu.memory_space<hbm>>
        tpu.enqueue_dma source(%dma_start3A_210 : memref<80xi32, #tpu.memory_space<hbm>>) target(%arg15 : memref<80xi32, #tpu.memory_space<vmem>>) target_semaphore(%arg25 : memref<!tpu.dma_semaphore, #tpu.memory_space<semaphore_mem>>)
      } else {
      }
    }
    %scan3A_52 = arith.constant 21 : i32
    %dma_wait3A_53 = arith.constant 0 : i32
    %dma_wait3A_54 = arith.constant 0 : i32
    %dma_wait3A_55 = tpu.memref_slice %arg22[%dma_wait3A_53, %dma_wait3A_54] : memref<10000x128xf32, #tpu.memory_space<vmem_shared>> -> memref<10000x128xf32, #tpu.memory_space<vmem_shared>>
    tpu.wait_indirect_dma semaphore(%arg34 : memref<!tpu.dma_semaphore, #tpu.memory_space<semaphore_mem>>) src(%arg21 : memref<80x128xf32, #tpu.memory_space<vmem>>) dst(%dma_wait3A_55 : memref<10000x128xf32, #tpu.memory_space<vmem_shared>>)
    %dma_wait3A_56 = arith.constant 0 : i32
    %dma_wait3A_57 = arith.constant 0 : i32
    %dma_wait3A_58 = tpu.memref_slice %arg22[%dma_wait3A_56, %dma_wait3A_57] : memref<10000x128xf32, #tpu.memory_space<vmem_shared>> -> memref<10000x128xf32, #tpu.memory_space<vmem_shared>>
    tpu.wait_indirect_dma semaphore(%arg32 : memref<!tpu.dma_semaphore, #tpu.memory_space<semaphore_mem>>) src(%arg19 : memref<80x128xf32, #tpu.memory_space<vmem>>) dst(%dma_wait3A_58 : memref<10000x128xf32, #tpu.memory_space<vmem_shared>>)
    %dma_wait3A_59 = arith.constant 0 : i32
    %dma_wait3A_60 = arith.constant 0 : i32
    %dma_wait3A_61 = tpu.memref_slice %arg22[%dma_wait3A_59, %dma_wait3A_60] : memref<10000x128xf32, #tpu.memory_space<vmem_shared>> -> memref<10000x128xf32, #tpu.memory_space<vmem_shared>>
    tpu.wait_indirect_dma semaphore(%arg33 : memref<!tpu.dma_semaphore, #tpu.memory_space<semaphore_mem>>) src(%arg20 : memref<80x128xf32, #tpu.memory_space<vmem>>) dst(%dma_wait3A_61 : memref<10000x128xf32, #tpu.memory_space<vmem_shared>>)
    %barrier3A_62 = arith.constant 0 : index
    tpu.barrier barrier_id(%barrier3A_62)
    %lt3A_63 = arith.constant 10 : i32
    %lt3A_64 = arith.cmpi slt, %arg1, %lt3A_63 : i32
    %convert_element_type3A_65 = arith.extui %lt3A_64 : i1 to i32
    %cond3A_66 = arith.constant 0 : i32
    %cond3A_67 = arith.cmpi ne, %convert_element_type3A_65, %cond3A_66 : i32
    scf.if %cond3A_67 {
      %mul3A_68 = arith.constant 1000 : i32
      %mul3A_69 = arith.muli %arg1, %mul3A_68 : i32
      %mul3A_70 = arith.constant 1000 : i32
      %mul3A_71 = arith.muli %arg1, %mul3A_70 : i32
      "tpu.region"() ({
        %run_scoped3A = tpu.sem_alloc : memref<!tpu.dma_semaphore, #tpu.memory_space<semaphore_mem>>
        %dma_start3A_72 = arith.constant 0 : i32
        %dma_start3A_73 = tpu.memref_slice %arg6[%arg0, %mul3A_71, %dma_start3A_72] : memref<2x10000x128xf32, #tpu.memory_space<hbm>> -> memref<1x1000x128xf32, #tpu.memory_space<hbm>>
        %dma_start3A_74 = tpu.memref_squeeze %dma_start3A_73 : memref<1x1000x128xf32, #tpu.memory_space<hbm>> -> memref<1000x128xf32, #tpu.memory_space<hbm>>
        %dma_start3A_75 = arith.constant 0 : i32
        %dma_start3A_76 = tpu.memref_slice %arg22[%mul3A_69, %dma_start3A_75] : memref<10000x128xf32, #tpu.memory_space<vmem_shared>> -> memref<1000x128xf32, #tpu.memory_space<vmem_shared>>
        tpu.enqueue_dma source(%dma_start3A_76 : memref<1000x128xf32, #tpu.memory_space<vmem_shared>>) target(%dma_start3A_74 : memref<1000x128xf32, #tpu.memory_space<hbm>>) target_semaphore(%run_scoped3A : memref<!tpu.dma_semaphore, #tpu.memory_space<semaphore_mem>>)
        %dma_wait3A_77 = arith.constant 0 : i32
        %dma_wait3A_78 = tpu.memref_slice %arg6[%arg0, %mul3A_71, %dma_wait3A_77] : memref<2x10000x128xf32, #tpu.memory_space<hbm>> -> memref<1x1000x128xf32, #tpu.memory_space<hbm>>
        %dma_wait3A_79 = tpu.memref_squeeze %dma_wait3A_78 : memref<1x1000x128xf32, #tpu.memory_space<hbm>> -> memref<1000x128xf32, #tpu.memory_space<hbm>>
        %dma_wait3A_80 = arith.constant 0 : i32
        %dma_wait3A_81 = tpu.memref_slice %arg22[%mul3A_69, %dma_wait3A_80] : memref<10000x128xf32, #tpu.memory_space<vmem_shared>> -> memref<1000x128xf32, #tpu.memory_space<vmem_shared>>
        tpu.wait_dma2 semaphore(%run_scoped3A : memref<!tpu.dma_semaphore, #tpu.memory_space<semaphore_mem>>) src(%dma_wait3A_81 : memref<1000x128xf32, #tpu.memory_space<vmem_shared>>) dst(%dma_wait3A_79 : memref<1000x128xf32, #tpu.memory_space<hbm>>)
        tpu.yield
      }) : () -> ()
    } else {
    }
    return
  }
}

module attributes {stable_mosaic.version = 14 : i64} {
  func.func @body(%arg0: i32, %arg1: memref<1000x128xf32, #tpu.memory_space<vmem>>, %arg2: memref<128x128xf32, #tpu.memory_space<vmem>>, %arg3: memref<1x128xf32, #tpu.memory_space<vmem>>, %arg4: memref<128x128xf32, #tpu.memory_space<vmem>>, %arg5: memref<1x128xf32, #tpu.memory_space<vmem>>, %arg6: memref<128x128xf32, #tpu.memory_space<vmem>>, %arg7: memref<1000x128xf32, #tpu.memory_space<vmem>>) attributes {dimension_semantics = [#tpu.dimension_semantics<parallel>], iteration_bounds = array<i64: 10>, scalar_prefetch = 0 : i64, scratch_operands = 0 : i64, tpu.core_type = #tpu.core_type<tc>, window_params = [{transform_indices = @transform_0, window_bounds = array<i64: 1000, 128>}, {pipeline_mode = #tpu.pipeline_mode<synchronous>, transform_indices = @transform_1, window_bounds = array<i64: 128, 128>}, {pipeline_mode = #tpu.pipeline_mode<synchronous>, transform_indices = @transform_2, window_bounds = array<i64: 1, 128>}, {pipeline_mode = #tpu.pipeline_mode<synchronous>, transform_indices = @transform_3, window_bounds = array<i64: 128, 128>}, {pipeline_mode = #tpu.pipeline_mode<synchronous>, transform_indices = @transform_4, window_bounds = array<i64: 1, 128>}, {pipeline_mode = #tpu.pipeline_mode<synchronous>, transform_indices = @transform_5, window_bounds = array<i64: 128, 128>}, {transform_indices = @transform_6, window_bounds = array<i64: 1000, 128>}]} {
    %get3A = arith.constant 0 : index
    %get3A_0 = arith.constant 0 : index
    %get3A_1 = vector.load %arg1[%get3A, %get3A_0] : memref<1000x128xf32, #tpu.memory_space<vmem>>, vector<1000x128xf32>
    %get3A_2 = arith.constant 0 : index
    %get3A_3 = arith.constant 0 : index
    %get3A_4 = vector.load %arg2[%get3A_2, %get3A_3] : memref<128x128xf32, #tpu.memory_space<vmem>>, vector<128x128xf32>
    %dot_general3A = arith.constant dense<0.000000e+00> : vector<1000x128xf32>
    %dot_general3A_5 = tpu.matmul %get3A_1, %get3A_4, %dot_general3A {dimension_numbers = #tpu.dot_dimension_numbers<[1], [0], [0], [1], [0, 0, 1, 1], [], []>, transpose_lhs_hint = false} : vector<1000x128xf32>, vector<128x128xf32>, vector<1000x128xf32> -> vector<1000x128xf32>
    %get3A_6 = arith.constant 0 : index
    %get3A_7 = arith.constant 0 : index
    %get3A_8 = vector.load %arg3[%get3A_6, %get3A_7] : memref<1x128xf32, #tpu.memory_space<vmem>>, vector<1x128xf32>
    %add3A = vector.broadcast %get3A_8 : vector<1x128xf32> to vector<1000x128xf32>
    %add3A_9 = arith.addf %dot_general3A_5, %add3A : vector<1000x128xf32>
    %max3A = arith.constant 0.000000e+00 : f32
    %max3A_10 = vector.broadcast %max3A : f32 to vector<1000x128xf32>
    %max3A_11 = arith.maximumf %add3A_9, %max3A_10 : vector<1000x128xf32>
    %get3A_12 = arith.constant 0 : index
    %get3A_13 = arith.constant 0 : index
    %get3A_14 = vector.load %arg4[%get3A_12, %get3A_13] : memref<128x128xf32, #tpu.memory_space<vmem>>, vector<128x128xf32>
    %dot_general3A_15 = arith.constant dense<0.000000e+00> : vector<1000x128xf32>
    %dot_general3A_16 = tpu.matmul %max3A_11, %get3A_14, %dot_general3A_15 {dimension_numbers = #tpu.dot_dimension_numbers<[1], [0], [0], [1], [0, 0, 1, 1], [], []>, transpose_lhs_hint = false} : vector<1000x128xf32>, vector<128x128xf32>, vector<1000x128xf32> -> vector<1000x128xf32>
    %get3A_17 = arith.constant 0 : index
    %get3A_18 = arith.constant 0 : index
    %get3A_19 = vector.load %arg5[%get3A_17, %get3A_18] : memref<1x128xf32, #tpu.memory_space<vmem>>, vector<1x128xf32>
    %add3A_20 = vector.broadcast %get3A_19 : vector<1x128xf32> to vector<1000x128xf32>
    %add3A_21 = arith.addf %dot_general3A_16, %add3A_20 : vector<1000x128xf32>
    %get3A_22 = arith.constant 0 : index
    %get3A_23 = arith.constant 0 : index
    %get3A_24 = vector.load %arg6[%get3A_22, %get3A_23] : memref<128x128xf32, #tpu.memory_space<vmem>>, vector<128x128xf32>
    %dot_general3A_25 = arith.constant dense<0.000000e+00> : vector<1000x128xf32>
    %dot_general3A_26 = tpu.matmul %add3A_21, %get3A_24, %dot_general3A_25 {dimension_numbers = #tpu.dot_dimension_numbers<[1], [0], [0], [1], [0, 0, 1, 1], [], []>, transpose_lhs_hint = false} : vector<1000x128xf32>, vector<128x128xf32>, vector<1000x128xf32> -> vector<1000x128xf32>
    %swap3A = arith.constant 0 : index
    %swap3A_27 = arith.constant 0 : index
    %swap3A_28 = vector.load %arg7[%swap3A, %swap3A_27] : memref<1000x128xf32, #tpu.memory_space<vmem>>, vector<1000x128xf32>
    tpu.vector_store %arg7[%swap3A, %swap3A_27], %dot_general3A_26 {strides = array<i32>} : memref<1000x128xf32, #tpu.memory_space<vmem>>, vector<1000x128xf32>,
    return
  }
  func.func @transform_0(%arg0: i32) -> (i32, i32) {
    %c0_i32 = arith.constant 0 : i32
    %c0_i32_0 = arith.constant 0 : i32
    return %arg0, %c0_i32 : i32, i32
  }
  func.func @transform_1(%arg0: i32) -> (i32, i32) {
    %c0_i32 = arith.constant 0 : i32
    %c0_i32_0 = arith.constant 0 : i32
    %c0_i32_1 = arith.constant 0 : i32
    return %c0_i32, %c0_i32_0 : i32, i32
  }
  func.func @transform_2(%arg0: i32) -> (i32, i32) {
    %c0_i32 = arith.constant 0 : i32
    %c0_i32_0 = arith.constant 0 : i32
    %c0_i32_1 = arith.constant 0 : i32
    return %c0_i32, %c0_i32_0 : i32, i32
  }
  func.func @transform_3(%arg0: i32) -> (i32, i32) {
    %c0_i32 = arith.constant 0 : i32
    %c0_i32_0 = arith.constant 0 : i32
    %c0_i32_1 = arith.constant 0 : i32
    return %c0_i32, %c0_i32_0 : i32, i32
  }
  func.func @transform_4(%arg0: i32) -> (i32, i32) {
    %c0_i32 = arith.constant 0 : i32
    %c0_i32_0 = arith.constant 0 : i32
    %c0_i32_1 = arith.constant 0 : i32
    return %c0_i32, %c0_i32_0 : i32, i32
  }
  func.func @transform_5(%arg0: i32) -> (i32, i32) {
    %c0_i32 = arith.constant 0 : i32
    %c0_i32_0 = arith.constant 0 : i32
    %c0_i32_1 = arith.constant 0 : i32
    return %c0_i32, %c0_i32_0 : i32, i32
  }
  func.func @transform_6(%arg0: i32) -> (i32, i32) {
    %c0_i32 = arith.constant 0 : i32
    %c0_i32_0 = arith.constant 0 : i32
    return %arg0, %c0_i32 : i32, i32
  }
}

module attributes {stable_mosaic.version = 14 : i64} {
  func.func @body(%arg0: i32, %arg1: memref<1000x128xf32, #tpu.memory_space<vmem>>, %arg2: memref<1000x128xf32, #tpu.memory_space<vmem>>, %arg3: memref<1000x128xf32, #tpu.memory_space<vmem>>, %arg4: memref<1000x128xf32, #tpu.memory_space<vmem>>) attributes {dimension_semantics = [#tpu.dimension_semantics<parallel>], iteration_bounds = array<i64: 10>, scalar_prefetch = 0 : i64, scratch_operands = 0 : i64, tpu.core_type = #tpu.core_type<tc>, window_params = [{transform_indices = @transform_0, window_bounds = array<i64: 1000, 128>}, {transform_indices = @transform_1, window_bounds = array<i64: 1000, 128>}, {transform_indices = @transform_2, window_bounds = array<i64: 1000, 128>}, {transform_indices = @transform_3, window_bounds = array<i64: 1000, 128>}]} {
    %get3A = arith.constant 0 : index
    %get3A_0 = arith.constant 0 : index
    %get3A_1 = vector.load %arg2[%get3A, %get3A_0] : memref<1000x128xf32, #tpu.memory_space<vmem>>, vector<1000x128xf32>
    %get3A_2 = arith.constant 0 : index
    %get3A_3 = arith.constant 0 : index
    %get3A_4 = vector.load %arg3[%get3A_2, %get3A_3] : memref<1000x128xf32, #tpu.memory_space<vmem>>, vector<1000x128xf32>
    %slice3A = vector.extract_strided_slice %get3A_1 {offsets = [0, 0], sizes = [1000, 1], strides = [1, 1]} : vector<1000x128xf32> to vector<1000x1xf32>
    %add3A = arith.constant 1.000000e+00 : f32
    %add3A_5 = vector.broadcast %add3A : f32 to vector<1000x1xf32>
    %add3A_6 = arith.addf %add3A_5, %slice3A : vector<1000x1xf32>
    %slice3A_7 = vector.extract_strided_slice %get3A_4 {offsets = [0, 0], sizes = [1000, 1], strides = [1, 1]} : vector<1000x128xf32> to vector<1000x1xf32>
    %add3A_8 = arith.addf %add3A_6, %slice3A_7 : vector<1000x1xf32>
    %rsqrt3A = math.rsqrt %add3A_8 : vector<1000x1xf32>
    %get3A_9 = arith.constant 0 : index
    %get3A_10 = arith.constant 0 : index
    %get3A_11 = vector.load %arg1[%get3A_9, %get3A_10] : memref<1000x128xf32, #tpu.memory_space<vmem>>, vector<1000x128xf32>
    %mul3A = vector.broadcast %rsqrt3A : vector<1000x1xf32> to vector<1000x128xf32>
    %mul3A_12 = arith.mulf %mul3A, %get3A_11 : vector<1000x128xf32>
    %swap3A = arith.constant 0 : index
    %swap3A_13 = arith.constant 0 : index
    %swap3A_14 = vector.load %arg4[%swap3A, %swap3A_13] : memref<1000x128xf32, #tpu.memory_space<vmem>>, vector<1000x128xf32>
    tpu.vector_store %arg4[%swap3A, %swap3A_13], %mul3A_12 {strides = array<i32>} : memref<1000x128xf32, #tpu.memory_space<vmem>>, vector<1000x128xf32>,
    return
  }
  func.func @transform_0(%arg0: i32) -> (i32, i32) {
    %c0_i32 = arith.constant 0 : i32
    %c0_i32_0 = arith.constant 0 : i32
    return %arg0, %c0_i32 : i32, i32
  }
  func.func @transform_1(%arg0: i32) -> (i32, i32) {
    %c0_i32 = arith.constant 0 : i32
    %c0_i32_0 = arith.constant 0 : i32
    return %arg0, %c0_i32 : i32, i32
  }
  func.func @transform_2(%arg0: i32) -> (i32, i32) {
    %c0_i32 = arith.constant 0 : i32
    %c0_i32_0 = arith.constant 0 : i32
    return %arg0, %c0_i32 : i32, i32
  }
  func.func @transform_3(%arg0: i32) -> (i32, i32) {
    %c0_i32 = arith.constant 0 : i32
    %c0_i32_0 = arith.constant 0 : i32
    return %arg0, %c0_i32 : i32, i32
  }
}

module attributes {stable_mosaic.version = 14 : i64} {
  func.func @body(%arg0: i32, %arg1: memref<1000x128xf32, #tpu.memory_space<vmem>>, %arg2: memref<1000x128xf32, #tpu.memory_space<vmem>>, %arg3: memref<1000x128xf32, #tpu.memory_space<vmem>>, %arg4: memref<1x128xf32, #tpu.memory_space<vmem>>, %arg5: memref<128x128xf32, #tpu.memory_space<vmem>>, %arg6: memref<1000x128xf32, #tpu.memory_space<vmem>>, %arg7: memref<1000x128xf32, #tpu.memory_space<vmem>>, %arg8: memref<1000x128xf32, #tpu.memory_space<vmem>>) attributes {dimension_semantics = [#tpu.dimension_semantics<parallel>], iteration_bounds = array<i64: 10>, scalar_prefetch = 0 : i64, scratch_operands = 0 : i64, tpu.core_type = #tpu.core_type<tc>, window_params = [{transform_indices = @transform_0, window_bounds = array<i64: 1000, 128>}, {transform_indices = @transform_1, window_bounds = array<i64: 1000, 128>}, {transform_indices = @transform_2, window_bounds = array<i64: 1000, 128>}, {pipeline_mode = #tpu.pipeline_mode<synchronous>, transform_indices = @transform_3, window_bounds = array<i64: 1, 128>}, {pipeline_mode = #tpu.pipeline_mode<synchronous>, transform_indices = @transform_4, window_bounds = array<i64: 128, 128>}, {transform_indices = @transform_5, window_bounds = array<i64: 1000, 128>}, {transform_indices = @transform_6, window_bounds = array<i64: 1000, 128>}, {transform_indices = @transform_7, window_bounds = array<i64: 1000, 128>}]} {
    %get3A = arith.constant 0 : index
    %get3A_0 = arith.constant 0 : index
    %get3A_1 = vector.load %arg6[%get3A, %get3A_0] : memref<1000x128xf32, #tpu.memory_space<vmem>>, vector<1000x128xf32>
    %get3A_2 = arith.constant 0 : index
    %get3A_3 = arith.constant 0 : index
    %get3A_4 = vector.load %arg7[%get3A_2, %get3A_3] : memref<1000x128xf32, #tpu.memory_space<vmem>>, vector<1000x128xf32>
    %slice3A = vector.extract_strided_slice %get3A_1 {offsets = [0, 0], sizes = [1000, 1], strides = [1, 1]} : vector<1000x128xf32> to vector<1000x1xf32>
    %add3A = arith.constant 1.000000e+00 : f32
    %add3A_5 = vector.broadcast %add3A : f32 to vector<1000x1xf32>
    %add3A_6 = arith.addf %add3A_5, %slice3A : vector<1000x1xf32>
    %slice3A_7 = vector.extract_strided_slice %get3A_4 {offsets = [0, 0], sizes = [1000, 1], strides = [1, 1]} : vector<1000x128xf32> to vector<1000x1xf32>
    %add3A_8 = arith.addf %add3A_6, %slice3A_7 : vector<1000x1xf32>
    %rsqrt3A = math.rsqrt %add3A_8 : vector<1000x1xf32>
    %get3A_9 = arith.constant 0 : index
    %get3A_10 = arith.constant 0 : index
    %get3A_11 = vector.load %arg1[%get3A_9, %get3A_10] : memref<1000x128xf32, #tpu.memory_space<vmem>>, vector<1000x128xf32>
    %get3A_12 = arith.constant 0 : index
    %get3A_13 = arith.constant 0 : index
    %get3A_14 = vector.load %arg2[%get3A_12, %get3A_13] : memref<1000x128xf32, #tpu.memory_space<vmem>>, vector<1000x128xf32>
    %add3A_15 = arith.addf %get3A_11, %get3A_14 : vector<1000x128xf32>
    %get3A_16 = arith.constant 0 : index
    %get3A_17 = arith.constant 0 : index
    %get3A_18 = vector.load %arg3[%get3A_16, %get3A_17] : memref<1000x128xf32, #tpu.memory_space<vmem>>, vector<1000x128xf32>
    %add3A_19 = arith.addf %add3A_15, %get3A_18 : vector<1000x128xf32>
    %mul3A = vector.broadcast %rsqrt3A : vector<1000x1xf32> to vector<1000x128xf32>
    %mul3A_20 = arith.mulf %mul3A, %add3A_19 : vector<1000x128xf32>
    %get3A_21 = arith.constant 0 : index
    %get3A_22 = arith.constant 0 : index
    %get3A_23 = vector.load %arg4[%get3A_21, %get3A_22] : memref<1x128xf32, #tpu.memory_space<vmem>>, vector<1x128xf32>
    %add3A_24 = vector.broadcast %get3A_23 : vector<1x128xf32> to vector<1000x128xf32>
    %add3A_25 = arith.addf %mul3A_20, %add3A_24 : vector<1000x128xf32>
    %max3A = arith.constant 0.000000e+00 : f32
    %max3A_26 = vector.broadcast %max3A : f32 to vector<1000x128xf32>
    %max3A_27 = arith.maximumf %add3A_25, %max3A_26 : vector<1000x128xf32>
    %get3A_28 = arith.constant 0 : index
    %get3A_29 = arith.constant 0 : index
    %get3A_30 = vector.load %arg5[%get3A_28, %get3A_29] : memref<128x128xf32, #tpu.memory_space<vmem>>, vector<128x128xf32>
    %dot_general3A = arith.constant dense<0.000000e+00> : vector<1000x128xf32>
    %dot_general3A_31 = tpu.matmul %max3A_27, %get3A_30, %dot_general3A {dimension_numbers = #tpu.dot_dimension_numbers<[1], [0], [0], [1], [0, 0, 1, 1], [], []>, transpose_lhs_hint = false} : vector<1000x128xf32>, vector<128x128xf32>, vector<1000x128xf32> -> vector<1000x128xf32>
    %mul3A_32 = vector.broadcast %rsqrt3A : vector<1000x1xf32> to vector<1000x128xf32>
    %mul3A_33 = arith.mulf %mul3A_32, %dot_general3A_31 : vector<1000x128xf32>
    %swap3A = arith.constant 0 : index
    %swap3A_34 = arith.constant 0 : index
    %swap3A_35 = vector.load %arg8[%swap3A, %swap3A_34] : memref<1000x128xf32, #tpu.memory_space<vmem>>, vector<1000x128xf32>
    tpu.vector_store %arg8[%swap3A, %swap3A_34], %mul3A_33 {strides = array<i32>} : memref<1000x128xf32, #tpu.memory_space<vmem>>, vector<1000x128xf32>,
    return
  }
  func.func @transform_0(%arg0: i32) -> (i32, i32) {
    %c0_i32 = arith.constant 0 : i32
    %c0_i32_0 = arith.constant 0 : i32
    return %arg0, %c0_i32 : i32, i32
  }
  func.func @transform_1(%arg0: i32) -> (i32, i32) {
    %c0_i32 = arith.constant 0 : i32
    %c0_i32_0 = arith.constant 0 : i32
    return %arg0, %c0_i32 : i32, i32
  }
  func.func @transform_2(%arg0: i32) -> (i32, i32) {
    %c0_i32 = arith.constant 0 : i32
    %c0_i32_0 = arith.constant 0 : i32
    return %arg0, %c0_i32 : i32, i32
  }
  func.func @transform_3(%arg0: i32) -> (i32, i32) {
    %c0_i32 = arith.constant 0 : i32
    %c0_i32_0 = arith.constant 0 : i32
    %c0_i32_1 = arith.constant 0 : i32
    return %c0_i32, %c0_i32_0 : i32, i32
  }
  func.func @transform_4(%arg0: i32) -> (i32, i32) {
    %c0_i32 = arith.constant 0 : i32
    %c0_i32_0 = arith.constant 0 : i32
    %c0_i32_1 = arith.constant 0 : i32
    return %c0_i32, %c0_i32_0 : i32, i32
  }
  func.func @transform_5(%arg0: i32) -> (i32, i32) {
    %c0_i32 = arith.constant 0 : i32
    %c0_i32_0 = arith.constant 0 : i32
    return %arg0, %c0_i32 : i32, i32
  }
  func.func @transform_6(%arg0: i32) -> (i32, i32) {
    %c0_i32 = arith.constant 0 : i32
    %c0_i32_0 = arith.constant 0 : i32
    return %arg0, %c0_i32 : i32, i32
  }
  func.func @transform_7(%arg0: i32) -> (i32, i32) {
    %c0_i32 = arith.constant 0 : i32
    %c0_i32_0 = arith.constant 0 : i32
    return %arg0, %c0_i32 : i32, i32
  }
}

module attributes {stable_mosaic.version = 14 : i64} {
  func.func @body(%arg0: i32, %arg1: memref<1000x128xf32, #tpu.memory_space<vmem>>, %arg2: memref<1000x128xf32, #tpu.memory_space<vmem>>, %arg3: memref<1000x128xf32, #tpu.memory_space<vmem>>, %arg4: memref<1x128xf32, #tpu.memory_space<vmem>>, %arg5: memref<1000x128xf32, #tpu.memory_space<vmem>>, %arg6: memref<1000x128xf32, #tpu.memory_space<vmem>>, %arg7: memref<128x64xf32, #tpu.memory_space<vmem>>, %arg8: memref<1x64xf32, #tpu.memory_space<vmem>>, %arg9: memref<1x64xf32, #tpu.memory_space<vmem>>, %arg10: memref<1x1xf32, #tpu.memory_space<vmem>>, %arg11: memref<1x1x1000xi32, #tpu.memory_space<vmem>>, %arg12: memref<64x128xf32, #tpu.memory_space<vmem>>) attributes {dimension_semantics = [#tpu.dimension_semantics<arbitrary>], iteration_bounds = array<i64: 10>, scalar_prefetch = 0 : i64, scratch_operands = 0 : i64, tpu.core_type = #tpu.core_type<tc>, window_params = [{transform_indices = @transform_0, window_bounds = array<i64: 1000, 128>}, {transform_indices = @transform_1, window_bounds = array<i64: 1000, 128>}, {transform_indices = @transform_2, window_bounds = array<i64: 1000, 128>}, {pipeline_mode = #tpu.pipeline_mode<synchronous>, transform_indices = @transform_3, window_bounds = array<i64: 1, 128>}, {transform_indices = @transform_4, window_bounds = array<i64: 1000, 128>}, {transform_indices = @transform_5, window_bounds = array<i64: 1000, 128>}, {pipeline_mode = #tpu.pipeline_mode<synchronous>, transform_indices = @transform_6, window_bounds = array<i64: 128, 64>}, {pipeline_mode = #tpu.pipeline_mode<synchronous>, transform_indices = @transform_7, window_bounds = array<i64: 1, 64>}, {pipeline_mode = #tpu.pipeline_mode<synchronous>, transform_indices = @transform_8, window_bounds = array<i64: 1, 64>}, {pipeline_mode = #tpu.pipeline_mode<synchronous>, transform_indices = @transform_9, window_bounds = array<i64: 1, 1>}, {transform_indices = @transform_10, window_bounds = array<i64: 1, 1, 1000>}, {pipeline_mode = #tpu.pipeline_mode<synchronous>, transform_indices = @transform_11, window_bounds = array<i64: 64, 128>}]} {
    %get3A = arith.constant 0 : index
    %get3A_0 = arith.constant 0 : index
    %get3A_1 = vector.load %arg5[%get3A, %get3A_0] : memref<1000x128xf32, #tpu.memory_space<vmem>>, vector<1000x128xf32>
    %get3A_2 = arith.constant 0 : index
    %get3A_3 = arith.constant 0 : index
    %get3A_4 = vector.load %arg6[%get3A_2, %get3A_3] : memref<1000x128xf32, #tpu.memory_space<vmem>>, vector<1000x128xf32>
    %slice3A = vector.extract_strided_slice %get3A_1 {offsets = [0, 0], sizes = [1000, 1], strides = [1, 1]} : vector<1000x128xf32> to vector<1000x1xf32>
    %add3A = arith.constant 1.000000e+00 : f32
    %add3A_5 = vector.broadcast %add3A : f32 to vector<1000x1xf32>
    %add3A_6 = arith.addf %add3A_5, %slice3A : vector<1000x1xf32>
    %slice3A_7 = vector.extract_strided_slice %get3A_4 {offsets = [0, 0], sizes = [1000, 1], strides = [1, 1]} : vector<1000x128xf32> to vector<1000x1xf32>
    %add3A_8 = arith.addf %add3A_6, %slice3A_7 : vector<1000x1xf32>
    %rsqrt3A = math.rsqrt %add3A_8 : vector<1000x1xf32>
    %get3A_9 = arith.constant 0 : index
    %get3A_10 = arith.constant 0 : index
    %get3A_11 = vector.load %arg1[%get3A_9, %get3A_10] : memref<1000x128xf32, #tpu.memory_space<vmem>>, vector<1000x128xf32>
    %get3A_12 = arith.constant 0 : index
    %get3A_13 = arith.constant 0 : index
    %get3A_14 = vector.load %arg2[%get3A_12, %get3A_13] : memref<1000x128xf32, #tpu.memory_space<vmem>>, vector<1000x128xf32>
    %add3A_15 = arith.addf %get3A_11, %get3A_14 : vector<1000x128xf32>
    %get3A_16 = arith.constant 0 : index
    %get3A_17 = arith.constant 0 : index
    %get3A_18 = vector.load %arg3[%get3A_16, %get3A_17] : memref<1000x128xf32, #tpu.memory_space<vmem>>, vector<1000x128xf32>
    %add3A_19 = arith.addf %add3A_15, %get3A_18 : vector<1000x128xf32>
    %mul3A = vector.broadcast %rsqrt3A : vector<1000x1xf32> to vector<1000x128xf32>
    %mul3A_20 = arith.mulf %mul3A, %add3A_19 : vector<1000x128xf32>
    %get3A_21 = arith.constant 0 : index
    %get3A_22 = arith.constant 0 : index
    %get3A_23 = vector.load %arg4[%get3A_21, %get3A_22] : memref<1x128xf32, #tpu.memory_space<vmem>>, vector<1x128xf32>
    %add3A_24 = vector.broadcast %get3A_23 : vector<1x128xf32> to vector<1000x128xf32>
    %add3A_25 = arith.addf %mul3A_20, %add3A_24 : vector<1000x128xf32>
    %max3A = arith.constant 0.000000e+00 : f32
    %max3A_26 = vector.broadcast %max3A : f32 to vector<1000x128xf32>
    %max3A_27 = arith.maximumf %add3A_25, %max3A_26 : vector<1000x128xf32>
    %get3A_28 = arith.constant 0 : index
    %get3A_29 = arith.constant 0 : index
    %get3A_30 = vector.load %arg7[%get3A_28, %get3A_29] : memref<128x64xf32, #tpu.memory_space<vmem>>, vector<128x64xf32>
    %dot_general3A = arith.constant dense<0.000000e+00> : vector<1000x64xf32>
    %dot_general3A_31 = tpu.matmul %max3A_27, %get3A_30, %dot_general3A {dimension_numbers = #tpu.dot_dimension_numbers<[1], [0], [0], [1], [0, 0, 1, 1], [], []>, transpose_lhs_hint = false} : vector<1000x128xf32>, vector<128x64xf32>, vector<1000x64xf32> -> vector<1000x64xf32>
    %get3A_32 = arith.constant 0 : index
    %get3A_33 = arith.constant 0 : index
    %get3A_34 = vector.load %arg8[%get3A_32, %get3A_33] : memref<1x64xf32, #tpu.memory_space<vmem>>, vector<1x64xf32>
    %add3A_35 = vector.broadcast %get3A_34 : vector<1x64xf32> to vector<1000x64xf32>
    %add3A_36 = arith.addf %dot_general3A_31, %add3A_35 : vector<1000x64xf32>
    %max3A_37 = arith.constant 0.000000e+00 : f32
    %max3A_38 = vector.broadcast %max3A_37 : f32 to vector<1000x64xf32>
    %max3A_39 = arith.maximumf %add3A_36, %max3A_38 : vector<1000x64xf32>
    %get3A_40 = arith.constant 0 : index
    %get3A_41 = arith.constant 0 : index
    %get3A_42 = vector.load %arg9[%get3A_40, %get3A_41] : memref<1x64xf32, #tpu.memory_space<vmem>>, vector<1x64xf32>
    %mul3A_43 = vector.broadcast %get3A_42 : vector<1x64xf32> to vector<1000x64xf32>
    %mul3A_44 = arith.mulf %max3A_39, %mul3A_43 : vector<1000x64xf32>
    %reduce_sum3A = arith.constant dense<0.000000e+00> : vector<1000xf32>
    %reduce_sum3A_45 = vector.multi_reduction <add>, %mul3A_44, %reduce_sum3A [1] : vector<1000x64xf32> to vector<1000xf32>
    %get3A_46 = arith.constant 0 : index
    %get3A_47 = arith.constant 0 : index
    %get3A_48 = vector.load %arg10[%get3A_46, %get3A_47] : memref<1x1xf32, #tpu.memory_space<vmem>>, vector<1x1xf32>
    %get3A_49 = vector.extract %get3A_48[0, 0] : f32 from vector<1x1xf32>
    %add3A_50 = vector.broadcast %get3A_49 : f32 to vector<1000xf32>
    %add3A_51 = arith.addf %reduce_sum3A_45, %add3A_50 : vector<1000xf32>
    %get3A_52 = arith.constant 0 : index
    %get3A_53 = arith.constant 0 : index
    %get3A_54 = arith.constant 0 : index
    %get3A_55 = vector.load %arg11[%get3A_52, %get3A_53, %get3A_54] : memref<1x1x1000xi32, #tpu.memory_space<vmem>>, vector<1x1x1000xi32>
    %get3A_56 = vector.shape_cast %get3A_55 : vector<1x1x1000xi32> to vector<1000xi32>
    %iota3A = tpu.iota {dimensions = array<i32: 0>} : vector<64x1000xi32>
    %broadcast_in_dim3A = vector.shape_cast %get3A_56 : vector<1000xi32> to vector<1x1000xi32>
    %eq3A = vector.broadcast %broadcast_in_dim3A : vector<1x1000xi32> to vector<64x1000xi32>
    %eq3A_57 = arith.cmpi eq, %iota3A, %eq3A : vector<64x1000xi32>
    %convert_element_type3A = arith.extui %eq3A_57 : vector<64x1000xi1> to vector<64x1000xi32>
    %convert_element_type3A_58 = arith.sitofp %convert_element_type3A : vector<64x1000xi32> to vector<64x1000xf32>
    %broadcast_in_dim3A_59 = vector.shape_cast %add3A_51 : vector<1000xf32> to vector<1x1000xf32>
    %mul3A_60 = vector.broadcast %broadcast_in_dim3A_59 : vector<1x1000xf32> to vector<64x1000xf32>
    %mul3A_61 = arith.mulf %convert_element_type3A_58, %mul3A_60 : vector<64x1000xf32>
    %reduce_sum3A_62 = arith.constant dense<0.000000e+00> : vector<64xf32>
    %reduce_sum3A_63 = vector.multi_reduction <add>, %mul3A_61, %reduce_sum3A_62 [1] : vector<64x1000xf32> to vector<64xf32>
    %eq3A_64 = arith.constant 0 : i32
    %eq3A_65 = arith.cmpi eq, %arg0, %eq3A_64 : i32
    %convert_element_type3A_66 = arith.extui %eq3A_65 : i1 to i32
    %cond3A = arith.constant 0 : i32
    %cond3A_67 = arith.cmpi ne, %convert_element_type3A_66, %cond3A : i32
    scf.if %cond3A_67 {
      %broadcast_in_dim3A_76 = arith.constant 0.000000e+00 : f32
      %broadcast_in_dim3A_77 = vector.broadcast %broadcast_in_dim3A_76 : f32 to vector<64x128xf32>
      %swap3A_78 = arith.constant 0 : index
      %swap3A_79 = arith.constant 0 : index
      %swap3A_80 = vector.load %arg12[%swap3A_78, %swap3A_79] : memref<64x128xf32, #tpu.memory_space<vmem>>, vector<64x128xf32>
      tpu.vector_store %arg12[%swap3A_78, %swap3A_79], %broadcast_in_dim3A_77 {strides = array<i32>} : memref<64x128xf32, #tpu.memory_space<vmem>>, vector<64x128xf32>,
    } else {
    }
    %get3A_68 = arith.constant 0 : index
    %get3A_69 = arith.constant 0 : index
    %get3A_70 = vector.load %arg12[%get3A_68, %get3A_69] : memref<64x128xf32, #tpu.memory_space<vmem>>, vector<64x128xf32>
    %broadcast_in_dim3A_71 = vector.shape_cast %reduce_sum3A_63 : vector<64xf32> to vector<64x1xf32>
    %add3A_72 = vector.broadcast %broadcast_in_dim3A_71 : vector<64x1xf32> to vector<64x128xf32>
    %add3A_73 = arith.addf %get3A_70, %add3A_72 : vector<64x128xf32>
    %swap3A = arith.constant 0 : index
    %swap3A_74 = arith.constant 0 : index
    %swap3A_75 = vector.load %arg12[%swap3A, %swap3A_74] : memref<64x128xf32, #tpu.memory_space<vmem>>, vector<64x128xf32>
    tpu.vector_store %arg12[%swap3A, %swap3A_74], %add3A_73 {strides = array<i32>} : memref<64x128xf32, #tpu.memory_space<vmem>>, vector<64x128xf32>,
    return
  }
  func.func @transform_0(%arg0: i32) -> (i32, i32) {
    %c0_i32 = arith.constant 0 : i32
    %c0_i32_0 = arith.constant 0 : i32
    return %arg0, %c0_i32 : i32, i32
  }
  func.func @transform_1(%arg0: i32) -> (i32, i32) {
    %c0_i32 = arith.constant 0 : i32
    %c0_i32_0 = arith.constant 0 : i32
    return %arg0, %c0_i32 : i32, i32
  }
  func.func @transform_2(%arg0: i32) -> (i32, i32) {
    %c0_i32 = arith.constant 0 : i32
    %c0_i32_0 = arith.constant 0 : i32
    return %arg0, %c0_i32 : i32, i32
  }
  func.func @transform_3(%arg0: i32) -> (i32, i32) {
    %c0_i32 = arith.constant 0 : i32
    %c0_i32_0 = arith.constant 0 : i32
    %c0_i32_1 = arith.constant 0 : i32
    return %c0_i32, %c0_i32_0 : i32, i32
  }
  func.func @transform_4(%arg0: i32) -> (i32, i32) {
    %c0_i32 = arith.constant 0 : i32
    %c0_i32_0 = arith.constant 0 : i32
    return %arg0, %c0_i32 : i32, i32
  }
  func.func @transform_5(%arg0: i32) -> (i32, i32) {
    %c0_i32 = arith.constant 0 : i32
    %c0_i32_0 = arith.constant 0 : i32
    return %arg0, %c0_i32 : i32, i32
  }
  func.func @transform_6(%arg0: i32) -> (i32, i32) {
    %c0_i32 = arith.constant 0 : i32
    %c0_i32_0 = arith.constant 0 : i32
    %c0_i32_1 = arith.constant 0 : i32
    return %c0_i32, %c0_i32_0 : i32, i32
  }
  func.func @transform_7(%arg0: i32) -> (i32, i32) {
    %c0_i32 = arith.constant 0 : i32
    %c0_i32_0 = arith.constant 0 : i32
    %c0_i32_1 = arith.constant 0 : i32
    return %c0_i32, %c0_i32_0 : i32, i32
  }
  func.func @transform_8(%arg0: i32) -> (i32, i32) {
    %c0_i32 = arith.constant 0 : i32
    %c0_i32_0 = arith.constant 0 : i32
    %c0_i32_1 = arith.constant 0 : i32
    return %c0_i32, %c0_i32_0 : i32, i32
  }
  func.func @transform_9(%arg0: i32) -> (i32, i32) {
    %c0_i32 = arith.constant 0 : i32
    %c0_i32_0 = arith.constant 0 : i32
    %c0_i32_1 = arith.constant 0 : i32
    return %c0_i32, %c0_i32_0 : i32, i32
  }
  func.func @transform_10(%arg0: i32) -> (i32, i32, i32) {
    %c0_i32 = arith.constant 0 : i32
    %c0_i32_0 = arith.constant 0 : i32
    %c0_i32_1 = arith.constant 0 : i32
    return %arg0, %c0_i32, %c0_i32_0 : i32, i32, i32
  }
  func.func @transform_11(%arg0: i32) -> (i32, i32) {
    %c0_i32 = arith.constant 0 : i32
    %c0_i32_0 = arith.constant 0 : i32
    %c0_i32_1 = arith.constant 0 : i32
    return %c0_i32, %c0_i32_0 : i32, i32
  }
}

</mosaic_0001>

<sc_bundles>
// kernel: kernel.11.cloned.1.call-start
scs
__scs_entry_jumppad:
0x0: {  	(pc) =	sbr.rel $0x88, $3  }
0x1: {  	(tag) =	ssettag $0x0;
	lr =	simm.s32 $0x1  }
0x2: {  	[smem:$0x3F90] =	sst lr;
	_ =	strace $0xD0000000  }
0x3: {  	_ = 	snop  }
0x4: {  	_ = 	snop  }
0x5: {  	_ = 	snop  }
0x6: {  	_ = 	snop  }
0x7: {  	_ = 	snop  }
__scs_overlays_trampoline_lowered:
0x8: {  	[smem:$0x3F9F] =	sst s0  }
0x9: {  	[smem:$0x3FA0] =	sst s1  }
0xa: {  	[smem:$0x3FA1] =	sst s2  }
0xb: {  	[smem:$0x3FA2] =	sst s3  }
0xc: {  	[smem:$0x3FA3] =	sst s4  }
0xd: {  	[smem:$0x3FA4] =	sst s5  }
0xe: {  	[smem:$0x3FA5] =	sst s6  }
0xf: {  	[smem:$0x3FA6] =	sst s7  }
0x10: {  	[smem:$0x3FA7] =	sst s8  }
0x11: {  	[smem:$0x3FA8] =	sst s9;
	s0 =	simm.s32 @!p0 $0x0  }
0x12: {  	s1 =	sld [smem:$0x3F8E];
	s0 =	simm.s32 @p0 $0x1  }
0x13: {  	[smem:$0x3FA9] =	sst s0;
	s0 =	simm.s32 @!p1 $0x0  }
0x14: {  	s2 =	sld [smem:$0x3F8D];
	s0 =	simm.s32 @p1 $0x1  }
0x15: {  	[smem:$0x3FAA] =	sst s0;
	s0 =	simm.s32 @!p2 $0x0  }
0x16: {  	s3 =	sld [smem:$0x3FDB];
	s0 =	simm.s32 @p2 $0x1  }
0x17: {  	s4 =	simm.s32 $0x1BF5;
	[smem:$0x3FAC] =	sst s0  }
0x18: {  	s0 =	sld [smem:$0x3F8F];
	_ =	swait.ge [sflag:s4], $0x0  }
0x19: {  	s7 =	sld [smem:$0x3F90]  }
0x1a: {  	s8 =	sadd.s32 $0xFFFFE003, lr  }
0x1b: {  	s9 =	sadd.s32 $0xFFFFFEF7, lr;
	s5 =	simm.s32 $0xFFFFFFFF;
	p2 =	slt.u32 s8, $0xFFFFF086  }
0x1c: {  	p1 =	slt.u32 s9, $0xF7A;
	s5 =	simm.s32 @!p2 $0x0  }
0x1d: {  	s5 =	simm.s32 @p1 $0x1;
	p0 =	seq.s32 s7, s2  }
0x1e: {  	s7 =	smul.u32 @!p0 $0xF7A, s2;
	p2 =	seq.s32 @!p0 s5, $0x0  }
0x1f: {  	s9 =	smul.u32 $0xF7A, s1;
	s8 =	simm.s32 @!p0 $0x1BF5;
	p2 =	por !p2, p0  }
0x20: {  	[sflag:s8] =	ssyncset.s32 @!p0 $0xFFFFF086;
	s6 =	sadd.s32 @!p0 s3, s7;
	s7 =	simm.s32 @!p0 $0x108  }
0x21: {  	s3 =	sadd.s32 s3, s9;
	s6 =	sadd.s32 @!p0 $0x88, s6;
	s7 =	simm.s32 @p2 $0x1082  }
0x22: {  	[simem:s7], [sflag:s8] =	dma.local @!p0 [hbm:s6], $0xF7A  }
0x23: {  	s9 =	sor.u32 $0xD0000000, s2;
	s6 =	simm.s32 $0x108;
	_ =	swait.ge @!p0 [sflag:s8], $0x0  }
0x24: {  	s3 =	sadd.s32 $0x88, s3;
	s6 =	simm.s32 @!p1 $0x1082;
	[sflag:s4] =	ssyncset.s32 $0xFFFFF086  }
0x25: {  	[simem:s6], [sflag:s4] =	dma.local [hbm:s3], $0xF7A  }
0x26: {  	[smem:$0x3F90] =	sst s1;
	(tag) =	ssettag s2;
	_ =	strace s9  }
0x27: {  	s1 =	sld [smem:$0x3FA0]  }
0x28: {  	s2 =	sld [smem:$0x3FA1]  }
0x29: {  	s4 =	sld [smem:$0x3FA3]  }
0x2a: {  	p0 =	seq.s32 s5, $0x0;
	s5 =	sld [smem:$0x3FA4]  }
0x2b: {  	s6 =	sld [smem:$0x3FA5]  }
0x2c: {  	s7 =	sld [smem:$0x3FA6]  }
0x2d: {  	s3 =	simm.s32 $0x108;
	s8 =	sld [smem:$0x3FA7]  }
0x2e: {  	s3 =	simm.s32 @!p0 $0x1082;
	s9 =	sld [smem:$0x3FA8]  }
0x2f: {  	lr =	sadd.s32 s0, s3;
	s0 =	sld [smem:$0x3F9F]  }
0x30: {  	s3 =	sld [smem:$0x3FA2]  }
0x31: {  	[smem:$0x3FAB] =	sst s10  }
0x32: {  	s10 =	sld [smem:$0x3FA9];
	_ =	sdelay $0x3  }
0x33: {  	p0 =	seq.s32 s10, $0x1;
	s10 =	sld [smem:$0x3FAB];
	_ =	sdelay $0x3  }
0x34: {  	[smem:$0x3FAB] =	sst s10  }
0x35: {  	s10 =	sld [smem:$0x3FAA];
	_ =	sdelay $0x3  }
0x36: {  	p1 =	seq.s32 s10, $0x1;
	s10 =	sld [smem:$0x3FAB];
	_ =	sdelay $0x3  }
0x37: {  	[smem:$0x3FAB] =	sst s10  }
0x38: {  	s10 =	sld [smem:$0x3FAC]  }
0x39: {  	_ = 	snop;
	(pc) =	sbr.ind lr, $3  }
0x3a: {  	_ = 	snop  }
0x3b: {  	_ = 	snop  }
0x3c: {  	p2 =	seq.s32 s10, $0x1;
	s10 =	sld [smem:$0x3FAB]  }
0x3d: {  	_ =	shalt  }
0x3e: {  	_ =	shalt  }
0x3f: {  	_ =	shalt  }
0x40: {  	_ =	shalt  }
0x41: {  	_ =	shalt  }
0x42: {  	_ =	shalt  }
0x43: {  	_ =	shalt  }
0x44: {  	_ =	shalt  }
0x45: {  	_ =	shalt  }
0x46: {  	_ =	shalt  }
0x47: {  	_ =	shalt  }
0x48: {  	_ =	shalt  }
0x49: {  	_ =	shalt  }
0x4a: {  	_ =	shalt  }
0x4b: {  	_ =	shalt  }
0x4c: {  	_ =	shalt  }
0x4d: {  	_ =	shalt  }
0x4e: {  	_ =	shalt  }
0x4f: {  	_ =	shalt  }
0x50: {  	_ =	shalt  }
0x51: {  	_ =	shalt  }
0x52: {  	_ =	shalt  }
0x53: {  	_ =	shalt  }
0x54: {  	_ =	shalt  }
0x55: {  	_ =	shalt  }
0x56: {  	_ =	shalt  }
0x57: {  	_ =	shalt  }
0x58: {  	_ =	shalt  }
0x59: {  	_ =	shalt  }
0x5a: {  	_ =	shalt  }
0x5b: {  	_ =	shalt  }
0x5c: {  	_ =	shalt  }
0x5d: {  	_ =	shalt  }
0x5e: {  	_ =	shalt  }
0x5f: {  	_ =	shalt  }
0x60: {  	_ =	shalt  }
0x61: {  	_ =	shalt  }
0x62: {  	_ =	shalt  }
0x63: {  	_ =	shalt  }
0x64: {  	_ =	shalt  }
0x65: {  	_ =	shalt  }
0x66: {  	_ =	shalt  }
0x67: {  	_ =	shalt  }
0x68: {  	_ =	shalt  }
0x69: {  	_ =	shalt  }
0x6a: {  	_ =	shalt  }
0x6b: {  	_ =	shalt  }
0x6c: {  	_ =	shalt  }
0x6d: {  	_ =	shalt  }
0x6e: {  	_ =	shalt  }
0x6f: {  	_ =	shalt  }
0x70: {  	_ =	shalt  }
0x71: {  	_ =	shalt  }
0x72: {  	_ =	shalt  }
0x73: {  	_ =	shalt  }
0x74: {  	_ =	shalt  }
0x75: {  	_ =	shalt  }
0x76: {  	_ =	shalt  }
0x77: {  	_ =	shalt  }
0x78: {  	_ =	shalt  }
0x79: {  	_ =	shalt  }
0x7a: {  	_ =	shalt  }
0x7b: {  	_ =	shalt  }
0x7c: {  	_ =	shalt  }
0x7d: {  	_ =	shalt  }
0x7e: {  	_ =	shalt  }
0x7f: {  	_ =	shalt  }
0x80: {  	_ =	shalt  }
0x81: {  	_ =	shalt  }
0x82: {  	_ =	shalt  }
0x83: {  	_ =	shalt  }
0x84: {  	_ =	shalt  }
0x85: {  	_ =	shalt  }
0x86: {  	_ =	shalt  }
0x87: {  	_ =	shalt  }
.Lfunc_end0:
.L_simem_size_0:
called_computation_lowered:
.L_overlay_start_0:
0x88: {  	s2 =	sld [smem:$0x3FD9]  }
0x89: {  	s3 =	sld [smem:$0x3FFE];
	_ =	sdelay $0x1  }
0x8a: {  	s1 =	srdreg.scid  }
0x8b: {  	s0 =	sand.u32 $0x1, s1  }
0x8c: {  	s16 =	sshll.u32 s0, $0xA;
	s2 =	sadd.s32 s3, s2  }
0x8d: {  	s2 =	sadd.s32 s2, s16  }
0x8e: {  	[smem:$0x3FB7] =	sst s2  }
0x8f: {  	_ = 	snop  }
0x90: {  	(tm) =	ssettm $0x1  }
0x91: {  	s17 =	sld [smem:$0x3FFB];
	_ =	sdelay $0x3  }
0x92: {  	_ =	strace s17  }
0x93: {  	s2 =	sld [smem:$0x3FFC];
	_ =	sdelay $0x3  }
0x94: {  	_ =	strace s2  }
0x95: {  	s2 =	sld [smem:$0x3FFD];
	_ =	sdelay $0x3  }
0x96: {  	_ =	strace s2  }
0x97: {  	_ =	strace $0x8FFFFFFF  }
0x98: {  	s18 =	sld [smem:$0x3FDB];
	_ =	sdelay $0x1  }
0x99: {  	s19 =	simm.s32 $_scs_section_size  }
0x9a: {  	s4 =	simm.s32 $_size__tile_overlayer_lowered;
	s5 =	simm.s32 $_tile_overlayer_lowered  }
0x9b: {  	s22 =	simm.s32 $0x1BFF;
	s21 =	sshll.u32 s5, $0x1;
	s2 =	sadd.s32 s19, s18  }
0x9c: {  	s6 =	simm.s32 $0x0;
	s20 =	sshll.u32 s4, $0x1;
	s4 =	sadd.s32 s21, s2  }
0x9d: {  	[timem:s6], [sflag:s22] =	dma.local [hbm:s4], s20  }
0x9e: {  	_ =	swait.ge [sflag:s22], s20  }
0x9f: {  	s3 =	ssub.s32 $0x0, s20;
	[sflag:s22] =	ssyncset.done $0x0  }
0xa0: {  	[sflag:s22] =	ssyncadd.s32 s3;
	_ =	sdelay $0x1  }
0xa1: {  	s23 =	simm.s32 $0x1B8B  }
0xa2: {  	_ =	swait.ge [sflag:s23], $0x1  }
0xa3: {  	[sflag:s23] =	ssyncset.done $0x0  }
0xa4: {  	s25 =	simm.s32 $0x1B8E;
	s24 =	sld [smem:$0x3FFE];
	[sflag:s23] =	ssyncadd.s32 $0xFFFFFFFF  }
0xa5: {  	s26 =	simm.s32 $execute0_lowered;
	[smem:$0x3FD2] =	sst s25  }
0xa6: {  	s4 =	sshll.u32 s26, $0x1;
	_ =	strace $0x80000046;
	[dreg:$0x1] =	wrdreg $0xFFFFFFFF  }
0xa7: {  	s28 =	simm.s32 $_size_execute0_lowered;
	s2 =	sadd.s32 s2, s4;
	[dreg:$0x0] =	wrdreg $0x0  }
0xa8: {  	s4 =	sshll.u32 s28, $0x1;
	[dreg:$0x2] =	wrdreg s2  }
0xa9: {  	[dreg:$0x3] =	wrdreg s4  }
0xaa: {  	[dreg:$0x4] =	wrdreg $0xC0  }
0xab: {  	_ =	task [dreg:s6], $0x5FFFF  }
0xac: {  	[dreg:$0x1] =	wrdreg $0xFFFFFFFF  }
0xad: {  	[dreg:$0x0] =	wrdreg $0x60  }
0xae: {  	[dreg:$0x2] =	wrdreg s24  }
0xaf: {  	[dreg:$0x3] =	wrdreg $0x6A000  }
0xb0: {  	[dreg:$0x4] =	wrdreg $0x9  }
0xb1: {  	_ =	task.clear_ibuf [dreg:s6], $0x5FFFF;
	_ =	strace $0x90000046  }
0xb2: {  	s29 =	simm.s32 $0x9;
	_ =	strace $0x80000048  }
0xb3: {  	_ =	swait.ge [sflag:s29], $0x1  }
0xb4: {  	[sflag:s29] =	ssyncadd.s32 $0xFFFFFFFF  }
0xb5: {  	_ =	strace $0x90000048  }
0xb6: {  	_ =	sfence  }
0xb7: {  	s30 =	sld [smem:$0x0];
	_ =	sdelay $0x2  }
0xb8: {  	s31 =	sshll.u32 s1, $0xD;
	s1 =	sshrl.u32 s1, $0x2  }
0xb9: {  	s3 =	sand.u32 $0x4000, s31;
	s1 =	sadd.s32 s1, s30  }
0xba: {  	s0 =	sor.u32 s3, s0;
	s1 =	sshll.u32 s1, $0x11  }
0xbb: {  	s0 =	sor.u32 s1, s0  }
0xbc: {  	s0 =	sadd.s32 $0x8F2B, s0  }
0xbd: {  	[sflag:s0] =	ssyncadd.remote.s32 $0x1  }
0xbe: {  	_ =	sfence.sel $0xFFFF  }
0xbf: {  	[dreg:$0x0] =	wrdreg $0xFFFFFFFF;
	(pc) =	sbr.abs _section_cstart, $3  }
0xc0: {  	[dreg:$0x1] =	wrdreg $0xFFFFFFFF  }
0xc1: {  	_ =	task.clear_ibuf [dreg:s6], $0x2FFFF;
	_ =	strace $0x9FFFFFFF  }
0xc2: {  	(tm) =	ssettm $0x7FFFFFFF  }
0xc3: {  	_ =	shalt  }
tec
execute0_lowered:
.L_overlay_start_1:
0x0: {  	(tag) =	ssettag $0x1  }
0x1: {  	s0 =	rddreg [dreg:$0x0];
	s11 =	stileid.u32  }
0x2: {  	s1 =	srdreg.scid;
	s2 =	rddreg [dreg:$0x1];
	s3 =	simm.s32 $0x0  }
0x3: {  	s29 =	simm.s32 $0x1;
	s30 =	simm.s32 $0xC8;
	s5 =	smul.u32 $0x3E80, s11  }
0x4: {  	s31 =	simm.s32 $0x500;
	s28 =	simm.s32 $0x3;
	s7 =	smul.u32 $0x1F400, s11  }
0x5: {  	s1 =	sand.u32 $0x1, s1;
	[smem:$0x7FF] =	sst s3;
	s9 =	smul.u32 $0x7D000, s11  }
0x6: {  	s4 =	sadd.s32 $0xFC00, s0;
	s8 =	sadd.s32 $0x40C00, s0;
	s14 =	smul.u32 $0x4E20, s11  }
0x7: {  	s24 =	sshll.u32 s11, $0x1;
	p0 =	sgt.u32 s11, $0x9;
	s6 =	smul.u32 $0x138800, s1  }
0x8: {  	_ =	strace $0x80000047;
	[dreg:$0x3] =	wrdreg s8;
	s25 =	ssub.s32 $0x2, s1  }
0x9: {  	s5 =	sadd.s32 s5, s0;
	s10 =	sshrl.u32 s25, $0x1;
	s9 =	sshrl.u32 s9, $0x2  }
0xa: {  	s6 =	sadd.s32 s7, s6;
	s7 =	sor.u32 s1, s24;
	s26 =	ssub.s32 s25, s10  }
0xb: {  	s8 =	sadd.s32 s9, s2;
	s5 =	sadd.s32 $0x19A00, s5;
	s1 =	smul.u32 $0x2710, s1  }
0xc: {  	s6 =	sshrl.u32 s6, $0x3;
	s7 =	smul.u32 $0x2710, s7;
	[dreg:$0x4] =	wrdreg s5  }
0xd: {  	s18 =	smax.u32 s26, $0x1;
	s0 =	sadd.s32 s6, s0;
	s1 =	sadd.s32 s1, s14  }
0xe: {  	[dreg:$0xb] =	wrdreg s18;
	s6 =	simm.s32 $0x4;
	s10 =	sshrl.u32 s7, $0x3  }
0xf: {  	s13 =	sadd.s32 $0xC8, s7;
	s7 =	sadd.s32 $0x258, s7;
	s0 =	sadd.s32 $0x41A00, s0  }
0x10: {  	s19 =	sadd.s32 $0x7D0, s1;
	s20 =	sadd.s32 $0x708, s1;
	s21 =	sadd.s32 $0x640, s1  }
0x11: {  	s24 =	sadd.s32 $0x578, s1;
	s25 =	sadd.s32 $0x4B0, s1;
	s1 =	sadd.s32 $0x3E8, s1  }
0x12: {  	s12 =	sadd.s32 s4, s10;
	s5 =	sshrl.u32 s13, $0x3;
	s16 =	sshrl.u32 s7, $0x3  }
0x13: {  	[dreg:$0xa] =	wrdreg s0;
	s0 =	sshrl.u32 s19, $0x3;
	s22 =	sshrl.u32 s20, $0x3  }
0x14: {  	s23 =	sshrl.u32 s21, $0x3;
	[dreg:$0xc] =	wrdreg s25;
	s26 =	sshrl.u32 s1, $0x3  }
0x15: {  	s20 =	simm.s32 $0x600;
	s13 =	sshrl.u32 @!p0 s8, $0x3;
	s25 =	simm.s32 $0x200  }
0x16: {  	s1 =	simm.s32 $0x2;
	s8 =	simm.s32 $0x6;
	s7 =	simm.s32 $0x0  }
0x17: {  	s5 =	sadd.s32 s4, s5;
	s15 =	sadd.s32 $0x32, s12;
	[dreg:$0x5] =	wrdreg s12  }
0x18: {  	s17 =	sadd.s32 $0x64, s12;
	s14 =	sadd.s32 s0, s4;
	s0 =	sshrl.u32 s24, $0x3  }
0x19: {  	s19 =	sadd.s32 s26, s4;
	s24 =	simm.s32 $0x100;
	[dreg:$0xd] =	wrdreg s13  }
.Ltmp0:
0x1a: {  	s26 =	simm.s32 $0x300;
	[dreg:$0x6] =	wrdreg s5;
	(pc) =	sbr.rel .LBB2_1-.Ltmp0, $4  }
0x1b: {  	s12 =	simm.s32 $0xC;
	[dreg:$0x7] =	wrdreg s15;
	s5 =	sadd.s32 s4, s16  }
0x1c: {  	[dreg:$0x9] =	wrdreg s17;
	s15 =	sadd.s32 s22, s4;
	s16 =	sadd.s32 s23, s4  }
0x1d: {  	s18 =	sadd.s32 s0, s4;
	s0 =	sshll.u32 @!p0 s11, $0x6;
	[dreg:$0x8] =	wrdreg s5  }
0x1e: {  	s11 =	sor.u32 @!p0 $0x1C0D, s0;
	s0 =	simm.s32 $0x7;
	s5 =	simm.s32 $0x8  }
.LBB2_8:
0x1f: {  	_ =	swait.ge [sflag:s1], $0xC8  }
0x20: {  	[sflag:s1] =	ssyncset.done $0x0  }
0x21: {  	[sflag:s1] =	ssyncadd.s32 $0xFFFFFF38  }
0x22: {  	[spmem:s2] =	stream.indirect.scatter.add.f32 [tilespmem:s20], [sflag:$0x8], $0x80, s24, s30, $0xb8;
	[tilespmem:$0x1A280] =	vst v63  }
.LBB2_6:
0x23: {  	s9 =	simm.s32 $0x9  }
0x24: {  	_ =	swait.ge [sflag:s9], $0x6400  }
0x25: {  	[sflag:s9] =	ssyncset.done $0x0  }
0x26: {  	s21 =	simm.s32 $0xA;
	[sflag:s9] =	ssyncadd.s32 $0xFFFF9C00  }
0x27: {  	_ =	swait.ge [sflag:s21], $0x6400  }
0x28: {  	[sflag:s21] =	ssyncset.done $0x0  }
0x29: {  	s22 =	simm.s32 $0xB;
	[sflag:s21] =	ssyncadd.s32 $0xFFFF9C00  }
0x2a: {  	_ =	swait.ge [sflag:s22], $0x6400  }
0x2b: {  	[sflag:s22] =	ssyncset.done $0x0  }
0x2c: {  	[sflag:s22] =	ssyncadd.s32 $0xFFFF9C00  }
0x2d: {  	_ =	swait.ge [sflag:s12], $0x6400  }
0x2e: {  	[sflag:s12] =	ssyncset.done $0x0  }
0x2f: {  	[sflag:s12] =	ssyncadd.s32 $0xFFFF9C00  }
0x30: {  	_ =	swait.ge [sflag:s0], $0x6400  }
0x31: {  	[sflag:s0] =	ssyncset.done $0x0  }
0x32: {  	[sflag:s0] =	ssyncadd.s32 $0xFFFF9C00  }
0x33: {  	_ =	swait.ge [sflag:s5], $0x6400  }
0x34: {  	[sflag:s5] =	ssyncset.done $0x0  }
0x35: {  	[sflag:s5] =	ssyncadd.s32 $0xFFFF9C00  }
0x36: {  	[bflag:$0x0] =	sbarrier.arrive $0xFFFF  }
0x37: {  	s9 =	rddreg [dreg:$0xa]  }
0x38: {  	s13 =	rddreg [dreg:$0xd]  }
0x39: {  	[hbm:s9], [sflag:s23] =	dma.local @!p0 [spmem:s13], $0x3E80  }
0x3a: {  	s9 =	simm.s32 @!p0 $0xD  }
0x3b: {  	_ =	swait.ge @!p0 [sflag:s9], $0x3E80  }
0x3c: {  	s7 =	sadd.s32 $0x1, s7;
	s10 =	rddreg [dreg:$0xb]  }
0x3d: {  	p1 =	sne.s32 s7, s10  }
.Ltmp1:
0x3e: {  	_ = 	snop;
	(pc) =	sbr.rel @!p1 .LBB2_7-.Ltmp1, $3  }
0x3f: {  	_ =	sdelay $0x1  }
0x40: {  	[sflag:s9] =	ssyncset.done @!p0 $0x0  }
0x41: {  	s11 =	smov.u32 s23;
	[sflag:s9] =	ssyncadd.s32 @!p0 $0xFFFFC180  }
.LBB2_1:
0x42: {  	s9 =	rddreg [dreg:$0x3];
	s10 =	simm.s32 $0xD  }
0x43: {  	[tilespmem:s20], [sflag:$0xD] =	stream.linear.gather [hbm4b:s9+s3], $0x6400, $0x38;
	[tilespmem:$0x1A280] =	vst v63  }
0x44: {  	_ =	swait.ge [sflag:s10], $0x6400  }
0x45: {  	[sflag:s10] =	ssyncset.done $0x0  }
0x46: {  	s9 =	rddreg [dreg:$0x4];
	[sflag:s10] =	ssyncadd.s32 $0xFFFF9C00  }
0x47: {  	[spmem:s13], [sflag:s11] =	dma.local @!p0 [hbm:s9], $0x3E80  }
0x48: {  	s13 =	simm.s32 @!p0 $0xD  }
0x49: {  	_ =	swait.ge @!p0 [sflag:s13], $0x3E80  }
0x4a: {  	[sflag:s13] =	ssyncset.done @!p0 $0x0  }
0x4b: {  	[sflag:s13] =	ssyncadd.s32 @!p0 $0xFFFFC180  }
0x4c: {  	[bflag:$0x0] =	sbarrier.arrive $0xFFFF  }
0x4d: {  	s23 =	smov.u32 s11;
	s11 =	rddreg [dreg:$0x5]  }
0x4e: {  	[tilespmem:s3], [sflag:$0x1] =	stream.linear.gather [hbm4b:s11+s3], $0xC8, $0x38;
	[tilespmem:$0x1A280] =	vst v63  }
0x4f: {  	s13 =	rddreg [dreg:$0x6]  }
0x50: {  	[tilespmem:s24], [sflag:$0x2] =	stream.linear.gather [hbm4b:s13+s3], $0xC8, $0x38;
	[tilespmem:$0x1A280] =	vst v63  }
0x51: {  	s17 =	rddreg [dreg:$0x7]  }
0x52: {  	[tilespmem:s25], [sflag:$0x3] =	stream.linear.gather [hbm4b:s17+s3], $0xC8, $0x38;
	[tilespmem:$0x1A280] =	vst v63  }
.Ltmp2:
0x53: {  	s21 =	rddreg [dreg:$0x8];
	(pc) =	sbr.rel .LBB2_2-.Ltmp2, $4  }
0x54: {  	s10 =	simm.s32 $0x400;
	s22 =	rddreg [dreg:$0x9]  }
0x55: {  	[tilespmem:s26], [sflag:$0x4] =	stream.linear.gather [hbm4b:s21+s3], $0xC8, $0x38;
	[tilespmem:$0x1A280] =	vst v63  }
0x56: {  	s13 =	simm.s32 $0x0;
	s17 =	rddreg [dreg:$0xc];
	s21 =	simm.s32 $0x0  }
0x57: {  	[tilespmem:s10], [sflag:$0x5] =	stream.linear.gather [hbm4b:s22+s3], $0xC8, $0x38;
	[tilespmem:$0x1A280] =	vst v63  }
.LBB2_5:
0x58: {  	s9 =	sadd.s32 s13, s19  }
0x59: {  	[tilespmem:s31], [sflag:$0x6] =	stream.linear.gather [hbm4b:s9+s3], $0xC8, $0x38;
	[tilespmem:$0x1A280] =	vst v63  }
0x5a: {  	_ =	swait.ge [sflag:s1], $0xC8  }
0x5b: {  	[sflag:s1] =	ssyncset.done $0x0  }
0x5c: {  	[sflag:s1] =	ssyncadd.s32 $0xFFFFFF38  }
0x5d: {  	[spmem:s2] =	stream.indirect.scatter.add.f32 [tilespmem:s20], [sflag:$0x8], $0x80, s24, s30, $0xb8;
	[tilespmem:$0x1A280] =	vst v63  }
0x5e: {  	_ =	swait.ge [sflag:s0], $0x6400  }
0x5f: {  	s11 =	sshrl.u32 s17, $0x3;
	[sflag:s0] =	ssyncset.done $0x0  }
0x60: {  	s9 =	sadd.s32 s4, s11;
	[sflag:s0] =	ssyncadd.s32 $0xFFFF9C00  }
0x61: {  	[tilespmem:s3], [sflag:$0x1] =	stream.linear.gather [hbm4b:s9+s3], $0xC8, $0x38;
	[tilespmem:$0x1A280] =	vst v63  }
0x62: {  	_ =	swait.ge [sflag:s28], $0xC8  }
0x63: {  	[sflag:s28] =	ssyncset.done $0x0  }
0x64: {  	[sflag:s28] =	ssyncadd.s32 $0xFFFFFF38  }
0x65: {  	[spmem:s2] =	stream.indirect.scatter.add.f32 [tilespmem:s20], [sflag:$0x9], $0x80, s25, s30, $0xb8;
	[tilespmem:$0x1A280] =	vst v63  }
0x66: {  	_ =	swait.ge [sflag:s5], $0x6400  }
0x67: {  	[sflag:s5] =	ssyncset.done $0x0  }
0x68: {  	s22 =	sadd.s32 s13, s18;
	[sflag:s5] =	ssyncadd.s32 $0xFFFF9C00  }
0x69: {  	[tilespmem:s24], [sflag:$0x2] =	stream.linear.gather [hbm4b:s22+s3], $0xC8, $0x38;
	[tilespmem:$0x1A280] =	vst v63  }
0x6a: {  	_ =	swait.ge [sflag:s6], $0xC8  }
0x6b: {  	p1 =	sgt.u32 s21, $0x6;
	[sflag:s6] =	ssyncset.done $0x0  }
0x6c: {  	s9 =	simm.s32 @p1 $0x5;
	[sflag:s6] =	ssyncadd.s32 $0xFFFFFF38  }
0x6d: {  	[spmem:s2] =	stream.indirect.scatter.add.f32 [tilespmem:s20], [sflag:$0xA], $0x80, s26, s30, $0xb8;
	[tilespmem:$0x1A280] =	vst v63  }
0x6e: {  	_ =	swait.ge @p1 [sflag:s9], $0xC8  }
0x6f: {  	s10 =	simm.s32 @p1 $0x400;
	[sflag:s9] =	ssyncset.done @p1 $0x0  }
0x70: {  	s11 =	simm.s32 @p1 $0x600;
	[sflag:s9] =	ssyncadd.s32 @p1 $0xFFFFFF38;
	s9 =	simm.s32 @p1 $0xC8  }
0x71: {  	[spmem:s2] =	stream.indirect.scatter.add.f32 @p1 [tilespmem:s11], [sflag:$0xB], $0x80, s10, s9, $0xb8;
	[tilespmem:$0x1A280] =	vst v63  }
0x72: {  	s9 =	simm.s32 @!p1 $0x9  }
0x73: {  	_ =	swait.ge @!p1 [sflag:s9], $0x6400  }
0x74: {  	s10 =	simm.s32 @!p1 $0x0;
	[sflag:s9] =	ssyncset.done @!p1 $0x0  }
0x75: {  	s11 =	simm.s32 @!p1 $0x200;
	[sflag:s9] =	ssyncadd.s32 @!p1 $0xFFFF9C00;
	s9 =	sadd.s32 @!p1 s13, s16  }
0x76: {  	[tilespmem:s11], [sflag:$0x3] =	stream.linear.gather @!p1 [hbm4b:s9+s10], $0xC8, $0x38;
	[tilespmem:$0x1A280] =	vst v63  }
0x77: {  	s9 =	simm.s32 @!p1 $0x5  }
0x78: {  	_ =	swait.ge @!p1 [sflag:s9], $0xC8  }
0x79: {  	s22 =	simm.s32 @!p1 $0x600;
	[sflag:s9] =	ssyncset.done @!p1 $0x0  }
0x7a: {  	s11 =	simm.s32 @!p1 $0x400;
	[sflag:s9] =	ssyncadd.s32 @!p1 $0xFFFFFF38;
	s9 =	simm.s32 @!p1 $0xC8  }
0x7b: {  	[spmem:s2] =	stream.indirect.scatter.add.f32 @!p1 [tilespmem:s22], [sflag:$0xB], $0x80, s11, s9, $0xb8;
	[tilespmem:$0x1A280] =	vst v63  }
0x7c: {  	s9 =	simm.s32 @!p1 $0xA  }
0x7d: {  	_ =	swait.ge @!p1 [sflag:s9], $0x6400  }
0x7e: {  	[sflag:s9] =	ssyncset.done @!p1 $0x0  }
0x7f: {  	s22 =	simm.s32 @!p1 $0x300;
	[sflag:s9] =	ssyncadd.s32 @!p1 $0xFFFF9C00;
	s9 =	sadd.s32 @!p1 s13, s15  }
0x80: {  	[tilespmem:s22], [sflag:$0x4] =	stream.linear.gather @!p1 [hbm4b:s9+s10], $0xC8, $0x38;
	[tilespmem:$0x1A280] =	vst v63  }
0x81: {  	_ =	swait.ge [sflag:s8], $0xC8  }
0x82: {  	[sflag:s8] =	ssyncset.done $0x0  }
0x83: {  	s9 =	simm.s32 @!p1 $0xB;
	[sflag:s8] =	ssyncadd.s32 $0xFFFFFF38  }
0x84: {  	[spmem:s2] =	stream.indirect.scatter.add.f32 [tilespmem:s20], [sflag:$0xC], $0x80, s31, s30, $0xb8;
	[tilespmem:$0x1A280] =	vst v63  }
0x85: {  	_ =	swait.ge @!p1 [sflag:s9], $0x6400  }
0x86: {  	[sflag:s9] =	ssyncset.done @!p1 $0x0  }
0x87: {  	[sflag:s9] =	ssyncadd.s32 @!p1 $0xFFFF9C00;
	s9 =	sadd.s32 @!p1 s13, s14;
	s13 =	sadd.s32 $0x96, s13  }
0x88: {  	[tilespmem:s11], [sflag:$0x5] =	stream.linear.gather @!p1 [hbm4b:s9+s10], $0xC8, $0x38;
	[tilespmem:$0x1A280] =	vst v63  }
0x89: {  	p1 =	sne.s32 s13, $0x546  }
.Ltmp3:
0x8a: {  	_ = 	snop;
	(pc) =	sbr.rel @!p1 .LBB2_6-.Ltmp3, $2  }
0x8b: {  	_ =	sdelay $0x2  }
0x8c: {  	s21 =	sadd.s32 $0x1, s21;
	s17 =	sadd.s32 $0x4B0, s17  }
.LBB2_2:
0x8d: {  	p1 =	seq.s32 s21, $0x0  }
.Ltmp4:
0x8e: {  	_ = 	snop;
	(pc) =	sbr.rel @p1 .LBB2_5-.Ltmp4, $4  }
0x8f: {  	_ =	swait.ge [sflag:s29], $0xC8  }
0x90: {  	[sflag:s29] =	ssyncset.done $0x0  }
0x91: {  	[sflag:s29] =	ssyncadd.s32 $0xFFFFFF38  }
0x92: {  	[spmem:s2] =	stream.indirect.scatter.add.f32 [tilespmem:s20], [sflag:$0x7], $0x80, s3, s30, $0xb8;
	[tilespmem:$0x1A280] =	vst v63  }
0x93: {  	p1 =	seq.s32 s21, $0x8  }
.Ltmp5:
0x94: {  	_ = 	snop;
	(pc) =	sbr.rel @p1 .LBB2_8-.Ltmp5, $1  }
0x95: {  	_ =	sdelay $0x3  }
.Ltmp6:
0x96: {  	(pc) =	sbr.rel .LBB2_5-.Ltmp6, $4  }
0x97: {  	_ = 	snop  }
0x98: {  	_ =	swait.ge [sflag:s12], $0x6400  }
0x99: {  	[sflag:s12] =	ssyncset.done $0x0  }
0x9a: {  	[sflag:s12] =	ssyncadd.s32 $0xFFFF9C00  }
.LBB2_7:
0x9b: {  	_ =	sfence.sel $0x180000  }
0x9c: {  	[bflag:$0x0] =	sbarrier.arrive $0xFFFF  }
0x9d: {  	_ =	strace $0x90000047  }
0x9e: {  	s0 =	stileid.u32;
	[bflag:$0x2] =	sbarrier.arrive $0xFFFF  }
0x9f: {  	p0 =	sne.s32 s0, $0x0;
	s0 =	rddreg [dreg:$0x2]  }
0xa0: {  	s0 =	sadd.s32 @!p0 $0x100000, s0  }
0xa1: {  	[sflag:s0] =	ssyncadd.tile.s32 @!p0 $0x1;
	_ =	shalt  }
.Lfunc_end2:
_tile_overlayer_lowered:
.L_overlay_start_2:
0xa2: {  	(tag) =	ssettag $0x2  }
0xa3: {  	s0 =	rddreg [dreg:$0x0];
	s2 =	stileid.u32  }
0xa4: {  	s1 =	rddreg [dreg:$0x1];
	p0 =	sne.s32 s2, $0x0  }
0xa5: {  	s3 =	rddreg [dreg:$0x2];
	[bflag:$0x3] =	sbarrier.arrive $0xFFFF;
	s2 =	simm.s32 @!p0 $0x1C0D  }
0xa6: {  	[timem:s3], [sflag:s2] =	dma.local @!p0 [hbm:s0], s1  }
0xa7: {  	s0 =	simm.s32 @!p0 $0xD  }
0xa8: {  	_ =	swait.ge @!p0 [sflag:s0], s1  }
0xa9: {  	s1 =	ssub.s32 @!p0 $0x0, s1;
	[sflag:s0] =	ssyncset.done @!p0 $0x0  }
0xaa: {  	[sflag:s0] =	ssyncadd.s32 @!p0 s1  }
0xab: {  	[bflag:$0x3] =	sbarrier.arrive $0xFFFF  }
0xac: {  	_ =	shalt  }

// kernel: kernel.14.cloned.1.call-start
scs
__scs_entry_jumppad:
0x0: {  	(pc) =	sbr.rel $0x88, $3  }
0x1: {  	(tag) =	ssettag $0x0;
	lr =	simm.s32 $0x1  }
0x2: {  	[smem:$0x3F90] =	sst lr;
	_ =	strace $0xD0000000  }
0x3: {  	_ = 	snop  }
0x4: {  	_ = 	snop  }
0x5: {  	_ = 	snop  }
0x6: {  	_ = 	snop  }
0x7: {  	_ = 	snop  }
__scs_overlays_trampoline_lowered:
0x8: {  	[smem:$0x3F9F] =	sst s0  }
0x9: {  	[smem:$0x3FA0] =	sst s1  }
0xa: {  	[smem:$0x3FA1] =	sst s2  }
0xb: {  	[smem:$0x3FA2] =	sst s3  }
0xc: {  	[smem:$0x3FA3] =	sst s4  }
0xd: {  	[smem:$0x3FA4] =	sst s5  }
0xe: {  	[smem:$0x3FA5] =	sst s6  }
0xf: {  	[smem:$0x3FA6] =	sst s7  }
0x10: {  	[smem:$0x3FA7] =	sst s8  }
0x11: {  	[smem:$0x3FA8] =	sst s9;
	s0 =	simm.s32 @!p0 $0x0  }
0x12: {  	s1 =	sld [smem:$0x3F8E];
	s0 =	simm.s32 @p0 $0x1  }
0x13: {  	[smem:$0x3FA9] =	sst s0;
	s0 =	simm.s32 @!p1 $0x0  }
0x14: {  	s2 =	sld [smem:$0x3F8D];
	s0 =	simm.s32 @p1 $0x1  }
0x15: {  	[smem:$0x3FAA] =	sst s0;
	s0 =	simm.s32 @!p2 $0x0  }
0x16: {  	s3 =	sld [smem:$0x3FDB];
	s0 =	simm.s32 @p2 $0x1  }
0x17: {  	s4 =	simm.s32 $0x1BF5;
	[smem:$0x3FAC] =	sst s0  }
0x18: {  	s0 =	sld [smem:$0x3F8F];
	_ =	swait.ge [sflag:s4], $0x0  }
0x19: {  	s7 =	sld [smem:$0x3F90]  }
0x1a: {  	s8 =	sadd.s32 $0xFFFFE003, lr  }
0x1b: {  	s9 =	sadd.s32 $0xFFFFFEF7, lr;
	s5 =	simm.s32 $0xFFFFFFFF;
	p2 =	slt.u32 s8, $0xFFFFF086  }
0x1c: {  	p1 =	slt.u32 s9, $0xF7A;
	s5 =	simm.s32 @!p2 $0x0  }
0x1d: {  	s5 =	simm.s32 @p1 $0x1;
	p0 =	seq.s32 s7, s2  }
0x1e: {  	s7 =	smul.u32 @!p0 $0xF7A, s2;
	p2 =	seq.s32 @!p0 s5, $0x0  }
0x1f: {  	s9 =	smul.u32 $0xF7A, s1;
	s8 =	simm.s32 @!p0 $0x1BF5;
	p2 =	por !p2, p0  }
0x20: {  	[sflag:s8] =	ssyncset.s32 @!p0 $0xFFFFF086;
	s6 =	sadd.s32 @!p0 s3, s7;
	s7 =	simm.s32 @!p0 $0x108  }
0x21: {  	s3 =	sadd.s32 s3, s9;
	s6 =	sadd.s32 @!p0 $0x88, s6;
	s7 =	simm.s32 @p2 $0x1082  }
0x22: {  	[simem:s7], [sflag:s8] =	dma.local @!p0 [hbm:s6], $0xF7A  }
0x23: {  	s9 =	sor.u32 $0xD0000000, s2;
	s6 =	simm.s32 $0x108;
	_ =	swait.ge @!p0 [sflag:s8], $0x0  }
0x24: {  	s3 =	sadd.s32 $0x88, s3;
	s6 =	simm.s32 @!p1 $0x1082;
	[sflag:s4] =	ssyncset.s32 $0xFFFFF086  }
0x25: {  	[simem:s6], [sflag:s4] =	dma.local [hbm:s3], $0xF7A  }
0x26: {  	[smem:$0x3F90] =	sst s1;
	(tag) =	ssettag s2;
	_ =	strace s9  }
0x27: {  	s1 =	sld [smem:$0x3FA0]  }
0x28: {  	s2 =	sld [smem:$0x3FA1]  }
0x29: {  	s4 =	sld [smem:$0x3FA3]  }
0x2a: {  	p0 =	seq.s32 s5, $0x0;
	s5 =	sld [smem:$0x3FA4]  }
0x2b: {  	s6 =	sld [smem:$0x3FA5]  }
0x2c: {  	s7 =	sld [smem:$0x3FA6]  }
0x2d: {  	s3 =	simm.s32 $0x108;
	s8 =	sld [smem:$0x3FA7]  }
0x2e: {  	s3 =	simm.s32 @!p0 $0x1082;
	s9 =	sld [smem:$0x3FA8]  }
0x2f: {  	lr =	sadd.s32 s0, s3;
	s0 =	sld [smem:$0x3F9F]  }
0x30: {  	s3 =	sld [smem:$0x3FA2]  }
0x31: {  	[smem:$0x3FAB] =	sst s10  }
0x32: {  	s10 =	sld [smem:$0x3FA9];
	_ =	sdelay $0x3  }
0x33: {  	p0 =	seq.s32 s10, $0x1;
	s10 =	sld [smem:$0x3FAB];
	_ =	sdelay $0x3  }
0x34: {  	[smem:$0x3FAB] =	sst s10  }
0x35: {  	s10 =	sld [smem:$0x3FAA];
	_ =	sdelay $0x3  }
0x36: {  	p1 =	seq.s32 s10, $0x1;
	s10 =	sld [smem:$0x3FAB];
	_ =	sdelay $0x3  }
0x37: {  	[smem:$0x3FAB] =	sst s10  }
0x38: {  	s10 =	sld [smem:$0x3FAC]  }
0x39: {  	_ = 	snop;
	(pc) =	sbr.ind lr, $3  }
0x3a: {  	_ = 	snop  }
0x3b: {  	_ = 	snop  }
0x3c: {  	p2 =	seq.s32 s10, $0x1;
	s10 =	sld [smem:$0x3FAB]  }
0x3d: {  	_ =	shalt  }
0x3e: {  	_ =	shalt  }
0x3f: {  	_ =	shalt  }
0x40: {  	_ =	shalt  }
0x41: {  	_ =	shalt  }
0x42: {  	_ =	shalt  }
0x43: {  	_ =	shalt  }
0x44: {  	_ =	shalt  }
0x45: {  	_ =	shalt  }
0x46: {  	_ =	shalt  }
0x47: {  	_ =	shalt  }
0x48: {  	_ =	shalt  }
0x49: {  	_ =	shalt  }
0x4a: {  	_ =	shalt  }
0x4b: {  	_ =	shalt  }
0x4c: {  	_ =	shalt  }
0x4d: {  	_ =	shalt  }
0x4e: {  	_ =	shalt  }
0x4f: {  	_ =	shalt  }
0x50: {  	_ =	shalt  }
0x51: {  	_ =	shalt  }
0x52: {  	_ =	shalt  }
0x53: {  	_ =	shalt  }
0x54: {  	_ =	shalt  }
0x55: {  	_ =	shalt  }
0x56: {  	_ =	shalt  }
0x57: {  	_ =	shalt  }
0x58: {  	_ =	shalt  }
0x59: {  	_ =	shalt  }
0x5a: {  	_ =	shalt  }
0x5b: {  	_ =	shalt  }
0x5c: {  	_ =	shalt  }
0x5d: {  	_ =	shalt  }
0x5e: {  	_ =	shalt  }
0x5f: {  	_ =	shalt  }
0x60: {  	_ =	shalt  }
0x61: {  	_ =	shalt  }
0x62: {  	_ =	shalt  }
0x63: {  	_ =	shalt  }
0x64: {  	_ =	shalt  }
0x65: {  	_ =	shalt  }
0x66: {  	_ =	shalt  }
0x67: {  	_ =	shalt  }
0x68: {  	_ =	shalt  }
0x69: {  	_ =	shalt  }
0x6a: {  	_ =	shalt  }
0x6b: {  	_ =	shalt  }
0x6c: {  	_ =	shalt  }
0x6d: {  	_ =	shalt  }
0x6e: {  	_ =	shalt  }
0x6f: {  	_ =	shalt  }
0x70: {  	_ =	shalt  }
0x71: {  	_ =	shalt  }
0x72: {  	_ =	shalt  }
0x73: {  	_ =	shalt  }
0x74: {  	_ =	shalt  }
0x75: {  	_ =	shalt  }
0x76: {  	_ =	shalt  }
0x77: {  	_ =	shalt  }
0x78: {  	_ =	shalt  }
0x79: {  	_ =	shalt  }
0x7a: {  	_ =	shalt  }
0x7b: {  	_ =	shalt  }
0x7c: {  	_ =	shalt  }
0x7d: {  	_ =	shalt  }
0x7e: {  	_ =	shalt  }
0x7f: {  	_ =	shalt  }
0x80: {  	_ =	shalt  }
0x81: {  	_ =	shalt  }
0x82: {  	_ =	shalt  }
0x83: {  	_ =	shalt  }
0x84: {  	_ =	shalt  }
0x85: {  	_ =	shalt  }
0x86: {  	_ =	shalt  }
0x87: {  	_ =	shalt  }
.Lfunc_end0:
.L_simem_size_0:
called_computation.1_lowered:
.L_overlay_start_0:
0x88: {  	s2 =	sld [smem:$0x3FD9]  }
0x89: {  	s3 =	sld [smem:$0x3FFE];
	_ =	sdelay $0x1  }
0x8a: {  	s1 =	srdreg.scid  }
0x8b: {  	s0 =	sand.u32 $0x1, s1  }
0x8c: {  	s16 =	sshll.u32 s0, $0xA;
	s2 =	sadd.s32 s3, s2  }
0x8d: {  	s2 =	sadd.s32 s2, s16  }
0x8e: {  	[smem:$0x3FB7] =	sst s2  }
0x8f: {  	_ = 	snop  }
0x90: {  	(tm) =	ssettm $0x1  }
0x91: {  	s17 =	sld [smem:$0x3FFB];
	_ =	sdelay $0x3  }
0x92: {  	_ =	strace s17  }
0x93: {  	s2 =	sld [smem:$0x3FFC];
	_ =	sdelay $0x3  }
0x94: {  	_ =	strace s2  }
0x95: {  	s2 =	sld [smem:$0x3FFD];
	_ =	sdelay $0x3  }
0x96: {  	_ =	strace s2  }
0x97: {  	_ =	strace $0x8FFFFFFF  }
0x98: {  	s18 =	sld [smem:$0x3FDB];
	_ =	sdelay $0x1  }
0x99: {  	s19 =	simm.s32 $_scs_section_size  }
0x9a: {  	s4 =	simm.s32 $_size__tile_overlayer_lowered;
	s5 =	simm.s32 $_tile_overlayer_lowered  }
0x9b: {  	s22 =	simm.s32 $0x1BFF;
	s21 =	sshll.u32 s5, $0x1;
	s2 =	sadd.s32 s19, s18  }
0x9c: {  	s6 =	simm.s32 $0x0;
	s20 =	sshll.u32 s4, $0x1;
	s4 =	sadd.s32 s21, s2  }
0x9d: {  	[timem:s6], [sflag:s22] =	dma.local [hbm:s4], s20  }
0x9e: {  	_ =	swait.ge [sflag:s22], s20  }
0x9f: {  	s3 =	ssub.s32 $0x0, s20;
	[sflag:s22] =	ssyncset.done $0x0  }
0xa0: {  	[sflag:s22] =	ssyncadd.s32 s3;
	_ =	sdelay $0x1  }
0xa1: {  	s23 =	simm.s32 $0x1B8B  }
0xa2: {  	_ =	swait.ge [sflag:s23], $0x1  }
0xa3: {  	[sflag:s23] =	ssyncset.done $0x0  }
0xa4: {  	s25 =	simm.s32 $0x1B8E;
	s24 =	sld [smem:$0x3FFE];
	[sflag:s23] =	ssyncadd.s32 $0xFFFFFFFF  }
0xa5: {  	s26 =	simm.s32 $execute0_lowered;
	[smem:$0x3FD2] =	sst s25  }
0xa6: {  	s4 =	sshll.u32 s26, $0x1;
	_ =	strace $0x80000049;
	[dreg:$0x1] =	wrdreg $0xFFFFFFFF  }
0xa7: {  	s28 =	simm.s32 $_size_execute0_lowered;
	s2 =	sadd.s32 s2, s4;
	[dreg:$0x0] =	wrdreg $0x0  }
0xa8: {  	s4 =	sshll.u32 s28, $0x1;
	[dreg:$0x2] =	wrdreg s2  }
0xa9: {  	[dreg:$0x3] =	wrdreg s4  }
0xaa: {  	[dreg:$0x4] =	wrdreg $0xC0  }
0xab: {  	_ =	task [dreg:s6], $0x5FFFF  }
0xac: {  	[dreg:$0x1] =	wrdreg $0xFFFFFFFF  }
0xad: {  	[dreg:$0x0] =	wrdreg $0x60  }
0xae: {  	[dreg:$0x2] =	wrdreg s24  }
0xaf: {  	[dreg:$0x3] =	wrdreg $0x7E000  }
0xb0: {  	[dreg:$0x4] =	wrdreg $0x9  }
0xb1: {  	_ =	task.clear_ibuf [dreg:s6], $0x5FFFF;
	_ =	strace $0x90000049  }
0xb2: {  	s29 =	simm.s32 $0x9;
	_ =	strace $0x8000004B  }
0xb3: {  	_ =	swait.ge [sflag:s29], $0x1  }
0xb4: {  	[sflag:s29] =	ssyncadd.s32 $0xFFFFFFFF  }
0xb5: {  	_ =	strace $0x9000004B  }
0xb6: {  	_ =	sfence  }
0xb7: {  	s30 =	sld [smem:$0x0];
	_ =	sdelay $0x2  }
0xb8: {  	s31 =	sshll.u32 s1, $0xD;
	s1 =	sshrl.u32 s1, $0x2  }
0xb9: {  	s3 =	sand.u32 $0x4000, s31;
	s1 =	sadd.s32 s1, s30  }
0xba: {  	s0 =	sor.u32 s3, s0;
	s1 =	sshll.u32 s1, $0x11  }
0xbb: {  	s0 =	sor.u32 s1, s0  }
0xbc: {  	s0 =	sadd.s32 $0x8F2B, s0  }
0xbd: {  	[sflag:s0] =	ssyncadd.remote.s32 $0x1  }
0xbe: {  	_ =	sfence.sel $0xFFFF  }
0xbf: {  	[dreg:$0x0] =	wrdreg $0xFFFFFFFF;
	(pc) =	sbr.abs _section_cstart, $3  }
0xc0: {  	[dreg:$0x1] =	wrdreg $0xFFFFFFFF  }
0xc1: {  	_ =	task.clear_ibuf [dreg:s6], $0x2FFFF;
	_ =	strace $0x9FFFFFFF  }
0xc2: {  	(tm) =	ssettm $0x7FFFFFFF  }
0xc3: {  	_ =	shalt  }
tec
execute0_lowered:
.L_overlay_start_1:
0x0: {  	(tag) =	ssettag $0x1  }
0x1: {  	s0 =	rddreg [dreg:$0x0]  }
0x2: {  	s2 =	rddreg [dreg:$0x1]  }
0x3: {  	s11 =	stileid.u32;
	s1 =	srdreg.scid  }
0x4: {  	s3 =	simm.s32 $0x0;
	s31 =	simm.s32 $0x300;
	s5 =	smul.u32 $0x3E80, s11  }
0x5: {  	s1 =	sand.u32 $0x1, s1;
	[smem:$0x7FF] =	sst s3;
	s7 =	smul.u32 $0x1F400, s11  }
0x6: {  	s4 =	sadd.s32 $0x8F000, s0;
	s12 =	sadd.s32 $0x5E00, s0;
	s9 =	smul.u32 $0x7D000, s11  }
0x7: {  	s13 =	sadd.s32 $0xFC00, s0;
	s26 =	sshll.u32 s11, $0x1;
	s30 =	smul.u32 $0x4E20, s11  }
0x8: {  	p0 =	sgt.u32 s11, $0x9;
	s11 =	simm.s32 $0x2E00;
	s6 =	smul.u32 $0x138800, s1  }
0x9: {  	_ =	strace $0x8000004A;
	s8 =	ssub.s32 $0x2, s1;
	[dreg:$0x4] =	wrdreg s13  }
0xa: {  	[dreg:$0x3] =	wrdreg s12;
	s5 =	sadd.s32 s5, s0;
	s10 =	sshrl.u32 s8, $0x1  }
0xb: {  	s29 =	sshrl.u32 s9, $0x2;
	s9 =	simm.s32 $0x600;
	s6 =	sadd.s32 s7, s6  }
0xc: {  	s7 =	sor.u32 s1, s26;
	s28 =	ssub.s32 s8, s10;
	s8 =	sadd.s32 s29, s2  }
0xd: {  	s5 =	sadd.s32 $0x19A00, s5;
	s1 =	smul.u32 $0x2710, s1;
	[dreg:$0x5] =	wrdreg s8  }
0xe: {  	s6 =	sshrl.u32 s6, $0x3;
	s7 =	smul.u32 $0x2710, s7;
	[dreg:$0x6] =	wrdreg s5  }
0xf: {  	s8 =	simm.s32 $0x50;
	s0 =	sadd.s32 s6, s0;
	s1 =	sadd.s32 s1, s30  }
0x10: {  	s6 =	smax.u32 s28, $0x1;
	s7 =	sshrl.u32 s7, $0x3;
	s18 =	sadd.s32 $0x280, s1  }
0x11: {  	s0 =	sadd.s32 $0xB6200, s0;
	s20 =	sadd.s32 $0x230, s1;
	[dreg:$0xe] =	wrdreg s6  }
0x12: {  	s23 =	sadd.s32 $0x190, s1;
	s24 =	sadd.s32 $0x1E0, s1;
	s26 =	sadd.s32 $0x140, s1  }
0x13: {  	s1 =	sadd.s32 $0xF0, s1;
	s6 =	simm.s32 $0x4;
	s10 =	sadd.s32 $0xA, s7  }
0x14: {  	s14 =	sadd.s32 s12, s7;
	s15 =	sadd.s32 s13, s7;
	[dreg:$0xd] =	wrdreg s0  }
0x15: {  	s17 =	sadd.s32 $0x14, s7;
	s19 =	sshrl.u32 s18, $0x3;
	[dreg:$0x13] =	wrdreg s24  }
0x16: {  	s28 =	sshrl.u32 s26, $0x3;
	s1 =	sshrl.u32 s1, $0x3;
	[dreg:$0x7] =	wrdreg s14  }
0x17: {  	s18 =	simm.s32 $0x500;
	[dreg:$0x8] =	wrdreg s15;
	s16 =	sadd.s32 s12, s10  }
0x18: {  	s26 =	simm.s32 $0x6;
	s5 =	sadd.s32 s13, s10;
	[dreg:$0x9] =	wrdreg s16  }
0x19: {  	s7 =	sadd.s32 s12, s17;
	s21 =	sadd.s32 s19, s13;
	[dreg:$0xa] =	wrdreg s5  }
0x1a: {  	s0 =	sadd.s32 s19, s12;
	s29 =	sadd.s32 s1, s13;
	[dreg:$0xb] =	wrdreg s7  }
0x1b: {  	s30 =	sadd.s32 s1, s12;
	s1 =	simm.s32 $0x100;
	[dreg:$0xf] =	wrdreg s21  }
0x1c: {  	s15 =	simm.s32 $0x400;
	s10 =	simm.s32 $0x2;
	[dreg:$0x10] =	wrdreg s0  }
0x1d: {  	s14 =	simm.s32 $0x5600;
	s19 =	simm.s32 $0x9;
	[dreg:$0x18] =	wrdreg s29  }
0x1e: {  	s5 =	sadd.s32 s13, s17;
	s0 =	sshrl.u32 s23, $0x3;
	[dreg:$0x19] =	wrdreg s30  }
0x1f: {  	s7 =	simm.s32 $0x1;
	s21 =	simm.s32 $0x8;
	s17 =	simm.s32 $0x200  }
0x20: {  	s23 =	simm.s32 $0xC;
	s16 =	simm.s32 $0x0;
	[dreg:$0xc] =	wrdreg s5  }
0x21: {  	s5 =	sshrl.u32 s20, $0x3;
	s25 =	sadd.s32 s0, s13;
	s0 =	sadd.s32 s0, s12  }
0x22: {  	s20 =	simm.s32 $0xB;
	s22 =	sadd.s32 s5, s13;
	[dreg:$0x14] =	wrdreg s25  }
.Ltmp0:
0x23: {  	s5 =	sadd.s32 s5, s12;
	[dreg:$0x15] =	wrdreg s0;
	(pc) =	sbr.rel .LBB2_1-.Ltmp0, $4  }
0x24: {  	s0 =	sadd.s32 s28, s12;
	s12 =	simm.s32 $0x7;
	[dreg:$0x11] =	wrdreg s22  }
0x25: {  	s25 =	simm.s32 $0x580;
	[dreg:$0x12] =	wrdreg s5;
	s5 =	sadd.s32 s28, s13  }
0x26: {  	[dreg:$0x17] =	wrdreg s0;
	s0 =	simm.s32 $0x380;
	s13 =	simm.s32 $0x3  }
0x27: {  	s22 =	simm.s32 $0x5;
	[dreg:$0x16] =	wrdreg s5;
	s5 =	simm.s32 $0xA  }
.LBB2_4:
0x28: {  	_ =	swait.ge [sflag:s12], $0x2800  }
0x29: {  	[sflag:s12] =	ssyncset.done $0x0  }
0x2a: {  	[sflag:s12] =	ssyncadd.s32 $0xFFFFD800  }
0x2b: {  	[spmem:s2] =	stream.indirect.scatter.add.f32 [tilespmem:s9], [sflag:$0xA], $0x80, s24, s8, $0xb8;
	[tilespmem:$0x1B680] =	vst v63  }
0x2c: {  	_ =	swait.ge [sflag:s21], $0x2800  }
0x2d: {  	[sflag:s21] =	ssyncset.done $0x0  }
0x2e: {  	[sflag:s21] =	ssyncadd.s32 $0xFFFFD800  }
0x2f: {  	[spmem:s2] =	stream.indirect.scatter.add.f32 [tilespmem:s11], [sflag:$0xB], $0x80, s18, s8, $0xb8;
	[tilespmem:$0x1B680] =	vst v63  }
0x30: {  	_ =	swait.ge [sflag:s23], $0x2800  }
0x31: {  	[sflag:s23] =	ssyncset.done $0x0  }
0x32: {  	[sflag:s23] =	ssyncadd.s32 $0xFFFFD800  }
0x33: {  	_ =	swait.ge [sflag:s5], $0x2800  }
0x34: {  	[sflag:s5] =	ssyncset.done $0x0  }
0x35: {  	[sflag:s5] =	ssyncadd.s32 $0xFFFFD800  }
0x36: {  	_ =	swait.ge [sflag:s20], $0x2800  }
0x37: {  	[sflag:s20] =	ssyncset.done $0x0  }
0x38: {  	[sflag:s20] =	ssyncadd.s32 $0xFFFFD800  }
0x39: {  	[bflag:$0x0] =	sbarrier.arrive $0xFFFF  }
0x3a: {  	s28 =	rddreg [dreg:$0xd]  }
0x3b: {  	s16 =	rddreg [dreg:$0x1b]  }
0x3c: {  	s24 =	rddreg [dreg:$0x1c]  }
0x3d: {  	[hbm:s28], [sflag:s16] =	dma.local @!p0 [spmem:s24], $0x3E80  }
0x3e: {  	s28 =	simm.s32 @!p0 $0xD  }
0x3f: {  	_ =	swait.ge @!p0 [sflag:s28], $0x3E80  }
0x40: {  	s30 =	rddreg [dreg:$0x1a]  }
0x41: {  	s29 =	rddreg [dreg:$0xe];
	s16 =	sadd.s32 $0x1, s30  }
0x42: {  	p1 =	sne.s32 s16, s29  }
.Ltmp1:
0x43: {  	_ = 	snop;
	(pc) =	sbr.rel @!p1 .LBB2_5-.Ltmp1, $3  }
0x44: {  	_ =	sdelay $0x1  }
0x45: {  	[sflag:s28] =	ssyncset.done @!p0 $0x0  }
0x46: {  	[sflag:s28] =	ssyncadd.s32 @!p0 $0xFFFFC180  }
.LBB2_1:
0x47: {  	s28 =	stileid.u32  }
0x48: {  	[dreg:$0x1a] =	wrdreg s16;
	s28 =	sshll.u32 @!p0 s28, $0x6  }
0x49: {  	s16 =	sor.u32 @!p0 $0x1C0D, s28;
	s28 =	rddreg [dreg:$0x5]  }
0x4a: {  	s24 =	sshrl.u32 @!p0 s28, $0x3;
	s28 =	rddreg [dreg:$0x6]  }
0x4b: {  	[dreg:$0x1b] =	wrdreg s16  }
0x4c: {  	[dreg:$0x1c] =	wrdreg s24  }
0x4d: {  	[spmem:s24], [sflag:s16] =	dma.local @!p0 [hbm:s28], $0x3E80  }
0x4e: {  	s28 =	simm.s32 @!p0 $0xD  }
0x4f: {  	_ =	swait.ge @!p0 [sflag:s28], $0x3E80  }
0x50: {  	[sflag:s28] =	ssyncset.done @!p0 $0x0  }
0x51: {  	[sflag:s28] =	ssyncadd.s32 @!p0 $0xFFFFC180  }
0x52: {  	[bflag:$0x0] =	sbarrier.arrive $0xFFFF  }
0x53: {  	s28 =	rddreg [dreg:$0x7]  }
0x54: {  	[tilespmem:s3], [sflag:$0x1] =	stream.linear.gather [hbm4b:s28+s3], $0x50, $0x38;
	[tilespmem:$0x1B680] =	vst v63  }
0x55: {  	s28 =	rddreg [dreg:$0x8]  }
0x56: {  	[tilespmem:s31], [sflag:$0x1] =	stream.linear.gather [hbm4b:s28+s3], $0x50, $0x38;
	[tilespmem:$0x1B680] =	vst v63  }
0x57: {  	s29 =	simm.s32 $0x80;
	s28 =	rddreg [dreg:$0x9]  }
0x58: {  	[tilespmem:s29], [sflag:$0x2] =	stream.linear.gather [hbm4b:s28+s3], $0x50, $0x38;
	[tilespmem:$0x1B680] =	vst v63  }
0x59: {  	s28 =	rddreg [dreg:$0xa]  }
0x5a: {  	[tilespmem:s0], [sflag:$0x2] =	stream.linear.gather [hbm4b:s28+s3], $0x50, $0x38;
	[tilespmem:$0x1B680] =	vst v63  }
0x5b: {  	s28 =	rddreg [dreg:$0xb]  }
0x5c: {  	[tilespmem:s1], [sflag:$0x3] =	stream.linear.gather [hbm4b:s28+s3], $0x50, $0x38;
	[tilespmem:$0x1B680] =	vst v63  }
0x5d: {  	s28 =	rddreg [dreg:$0xc]  }
0x5e: {  	[tilespmem:s15], [sflag:$0x3] =	stream.linear.gather [hbm4b:s28+s3], $0x50, $0x38;
	[tilespmem:$0x1B680] =	vst v63  }
0x5f: {  	_ =	swait.ge [sflag:s7], $0x50  }
0x60: {  	[sflag:s7] =	ssyncset.done $0x0  }
0x61: {  	[sflag:s7] =	ssyncadd.s32 $0xFFFFFFB0  }
0x62: {  	_ =	swait.ge [sflag:s7], $0x50  }
0x63: {  	[sflag:s7] =	ssyncset.done $0x0  }
0x64: {  	[sflag:s7] =	ssyncadd.s32 $0xFFFFFFB0  }
0x65: {  	[tilespmem:s9], [sflag:$0x7] =	stream.indirect.gather [hbm4b:s4+s8], $0x80, s3, s8, $0xb8;
	[tilespmem:$0x1B680] =	vst v63  }
0x66: {  	_ =	swait.ge [sflag:s10], $0x50  }
0x67: {  	[sflag:s10] =	ssyncset.done $0x0  }
0x68: {  	[sflag:s10] =	ssyncadd.s32 $0xFFFFFFB0  }
0x69: {  	_ =	swait.ge [sflag:s10], $0x50  }
0x6a: {  	[sflag:s10] =	ssyncset.done $0x0  }
0x6b: {  	s24 =	simm.s32 $0x480;
	[sflag:s10] =	ssyncadd.s32 $0xFFFFFFB0  }
0x6c: {  	[tilespmem:s11], [sflag:$0x8] =	stream.indirect.gather [hbm4b:s4+s8], $0x80, s29, s8, $0xb8;
	[tilespmem:$0x1B680] =	vst v63  }
0x6d: {  	s15 =	simm.s32 $0x400;
	s28 =	rddreg [dreg:$0x13];
	s29 =	simm.s32 $0x0  }
.LBB2_2:
0x6e: {  	_ =	swait.ge [sflag:s12], $0x2800  }
0x6f: {  	p1 =	seq.s32 s29, $0x0;
	[sflag:s12] =	ssyncset.done $0x0  }
0x70: {  	s30 =	simm.s32 @!p1 $0xC;
	[sflag:s12] =	ssyncadd.s32 $0xFFFFD800  }
0x71: {  	[spmem:s2] =	stream.indirect.scatter.add.f32 [tilespmem:s9], [sflag:$0xA], $0x80, s31, s8, $0xb8;
	[tilespmem:$0x1B680] =	vst v63  }
0x72: {  	_ =	swait.ge @!p1 [sflag:s30], $0x2800  }
0x73: {  	[sflag:s30] =	ssyncset.done @!p1 $0x0  }
0x74: {  	[sflag:s30] =	ssyncadd.s32 @!p1 $0xFFFFD800  }
0x75: {  	_ =	swait.ge [sflag:s13], $0x50  }
0x76: {  	[sflag:s13] =	ssyncset.done $0x0  }
0x77: {  	[sflag:s13] =	ssyncadd.s32 $0xFFFFFFB0  }
0x78: {  	_ =	swait.ge [sflag:s13], $0x50  }
0x79: {  	[sflag:s13] =	ssyncset.done $0x0  }
0x7a: {  	s16 =	rddreg [dreg:$0x19];
	[sflag:s13] =	ssyncadd.s32 $0xFFFFFFB0  }
0x7b: {  	[tilespmem:s14], [sflag:$0x9] =	stream.indirect.gather [hbm4b:s4+s8], $0x80, s1, s8, $0xb8;
	[tilespmem:$0x1B680] =	vst v63  }
0x7c: {  	s30 =	sadd.s32 s29, s16;
	s16 =	simm.s32 $0x180  }
0x7d: {  	[tilespmem:s16], [sflag:$0x4] =	stream.linear.gather [hbm4b:s30+s3], $0x50, $0x38;
	[tilespmem:$0x1B680] =	vst v63  }
0x7e: {  	s30 =	rddreg [dreg:$0x18]  }
0x7f: {  	s30 =	sadd.s32 s29, s30  }
0x80: {  	[tilespmem:s24], [sflag:$0x4] =	stream.linear.gather [hbm4b:s30+s3], $0x50, $0x38;
	[tilespmem:$0x1B680] =	vst v63  }
0x81: {  	_ =	swait.ge [sflag:s21], $0x2800  }
0x82: {  	[sflag:s21] =	ssyncset.done $0x0  }
0x83: {  	[sflag:s21] =	ssyncadd.s32 $0xFFFFD800  }
0x84: {  	[spmem:s2] =	stream.indirect.scatter.add.f32 [tilespmem:s11], [sflag:$0xB], $0x80, s0, s8, $0xb8;
	[tilespmem:$0x1B680] =	vst v63  }
0x85: {  	_ =	swait.ge [sflag:s5], $0x2800  }
0x86: {  	[sflag:s5] =	ssyncset.done $0x0  }
0x87: {  	[sflag:s5] =	ssyncadd.s32 $0xFFFFD800  }
0x88: {  	_ =	swait.ge [sflag:s6], $0x50  }
0x89: {  	[sflag:s6] =	ssyncset.done $0x0  }
0x8a: {  	[sflag:s6] =	ssyncadd.s32 $0xFFFFFFB0  }
0x8b: {  	_ =	swait.ge [sflag:s6], $0x50  }
0x8c: {  	[sflag:s6] =	ssyncset.done $0x0  }
0x8d: {  	[sflag:s6] =	ssyncadd.s32 $0xFFFFFFB0  }
0x8e: {  	[tilespmem:s9], [sflag:$0x7] =	stream.indirect.gather [hbm4b:s4+s8], $0x80, s16, s8, $0xb8;
	[tilespmem:$0x1B680] =	vst v63  }
0x8f: {  	s16 =	rddreg [dreg:$0x17]  }
0x90: {  	s30 =	sadd.s32 s29, s16;
	s16 =	rddreg [dreg:$0x16]  }
0x91: {  	[tilespmem:s17], [sflag:$0x5] =	stream.linear.gather [hbm4b:s30+s3], $0x50, $0x38;
	[tilespmem:$0x1B680] =	vst v63  }
0x92: {  	s30 =	sadd.s32 s29, s16  }
0x93: {  	[tilespmem:s18], [sflag:$0x5] =	stream.linear.gather [hbm4b:s30+s3], $0x50, $0x38;
	[tilespmem:$0x1B680] =	vst v63  }
0x94: {  	_ =	swait.ge [sflag:s19], $0x2800  }
0x95: {  	[sflag:s19] =	ssyncset.done $0x0  }
0x96: {  	[sflag:s19] =	ssyncadd.s32 $0xFFFFD800  }
0x97: {  	[spmem:s2] =	stream.indirect.scatter.add.f32 [tilespmem:s14], [sflag:$0xC], $0x80, s15, s8, $0xb8;
	[tilespmem:$0x1B680] =	vst v63  }
0x98: {  	_ =	swait.ge [sflag:s20], $0x2800  }
0x99: {  	[sflag:s20] =	ssyncset.done $0x0  }
0x9a: {  	[sflag:s20] =	ssyncadd.s32 $0xFFFFD800  }
0x9b: {  	_ =	swait.ge [sflag:s22], $0x50  }
0x9c: {  	p1 =	seq.s32 s29, $0x4B0;
	[sflag:s22] =	ssyncset.done $0x0  }
.Ltmp2:
0x9d: {  	[sflag:s22] =	ssyncadd.s32 $0xFFFFFFB0;
	(pc) =	sbr.rel @p1 .LBB2_4-.Ltmp2, $4  }
0x9e: {  	_ =	swait.ge [sflag:s22], $0x50  }
0x9f: {  	[sflag:s22] =	ssyncset.done $0x0  }
0xa0: {  	s15 =	simm.s32 $0x400;
	[sflag:s22] =	ssyncadd.s32 $0xFFFFFFB0  }
0xa1: {  	[tilespmem:s11], [sflag:$0x8] =	stream.indirect.gather [hbm4b:s4+s8], $0x80, s17, s8, $0xb8;
	[tilespmem:$0x1B680] =	vst v63  }
0xa2: {  	s30 =	rddreg [dreg:$0x15]  }
0xa3: {  	s0 =	simm.s32 $0x280;
	s16 =	rddreg [dreg:$0x14];
	s30 =	sadd.s32 s29, s30  }
0xa4: {  	[tilespmem:s0], [sflag:$0x6] =	stream.linear.gather [hbm4b:s30+s3], $0x50, $0x38;
	[tilespmem:$0x1B680] =	vst v63  }
0xa5: {  	s30 =	sadd.s32 s29, s16  }
0xa6: {  	[tilespmem:s25], [sflag:$0x6] =	stream.linear.gather [hbm4b:s30+s3], $0x50, $0x38;
	[tilespmem:$0x1B680] =	vst v63  }
0xa7: {  	_ =	swait.ge [sflag:s12], $0x2800  }
0xa8: {  	[sflag:s12] =	ssyncset.done $0x0  }
0xa9: {  	[sflag:s12] =	ssyncadd.s32 $0xFFFFD800  }
0xaa: {  	[spmem:s2] =	stream.indirect.scatter.add.f32 [tilespmem:s9], [sflag:$0xA], $0x80, s24, s8, $0xb8;
	[tilespmem:$0x1B680] =	vst v63  }
0xab: {  	_ =	swait.ge [sflag:s23], $0x2800  }
0xac: {  	[sflag:s23] =	ssyncset.done $0x0  }
0xad: {  	[sflag:s23] =	ssyncadd.s32 $0xFFFFD800  }
0xae: {  	_ =	swait.ge [sflag:s26], $0x50  }
0xaf: {  	[sflag:s26] =	ssyncset.done $0x0  }
0xb0: {  	[sflag:s26] =	ssyncadd.s32 $0xFFFFFFB0  }
0xb1: {  	_ =	swait.ge [sflag:s26], $0x50  }
0xb2: {  	[sflag:s26] =	ssyncset.done $0x0  }
0xb3: {  	[sflag:s26] =	ssyncadd.s32 $0xFFFFFFB0  }
0xb4: {  	[tilespmem:s14], [sflag:$0x9] =	stream.indirect.gather [hbm4b:s4+s8], $0x80, s0, s8, $0xb8;
	[tilespmem:$0x1B680] =	vst v63  }
0xb5: {  	s31 =	rddreg [dreg:$0x3];
	s0 =	sshrl.u32 s28, $0x3  }
0xb6: {  	s31 =	sadd.s32 s31, s0  }
0xb7: {  	[tilespmem:s3], [sflag:$0x1] =	stream.linear.gather [hbm4b:s31+s3], $0x50, $0x38;
	[tilespmem:$0x1B680] =	vst v63  }
0xb8: {  	s31 =	rddreg [dreg:$0x4]  }
0xb9: {  	s30 =	sadd.s32 s31, s0;
	s31 =	simm.s32 $0x300  }
0xba: {  	[tilespmem:s31], [sflag:$0x1] =	stream.linear.gather [hbm4b:s30+s3], $0x50, $0x38;
	[tilespmem:$0x1B680] =	vst v63  }
0xbb: {  	_ =	swait.ge [sflag:s21], $0x2800  }
0xbc: {  	[sflag:s21] =	ssyncset.done $0x0  }
0xbd: {  	[sflag:s21] =	ssyncadd.s32 $0xFFFFD800  }
0xbe: {  	[spmem:s2] =	stream.indirect.scatter.add.f32 [tilespmem:s11], [sflag:$0xB], $0x80, s18, s8, $0xb8;
	[tilespmem:$0x1B680] =	vst v63  }
0xbf: {  	_ =	swait.ge [sflag:s5], $0x2800  }
0xc0: {  	[sflag:s5] =	ssyncset.done $0x0  }
0xc1: {  	[sflag:s5] =	ssyncadd.s32 $0xFFFFD800  }
0xc2: {  	_ =	swait.ge [sflag:s7], $0x50  }
0xc3: {  	[sflag:s7] =	ssyncset.done $0x0  }
0xc4: {  	[sflag:s7] =	ssyncadd.s32 $0xFFFFFFB0  }
0xc5: {  	_ =	swait.ge [sflag:s7], $0x50  }
0xc6: {  	[sflag:s7] =	ssyncset.done $0x0  }
0xc7: {  	s1 =	rddreg [dreg:$0x12];
	[sflag:s7] =	ssyncadd.s32 $0xFFFFFFB0  }
0xc8: {  	[tilespmem:s9], [sflag:$0x7] =	stream.indirect.gather [hbm4b:s4+s8], $0x80, s3, s8, $0xb8;
	[tilespmem:$0x1B680] =	vst v63  }
0xc9: {  	s0 =	simm.s32 $0x80;
	s16 =	rddreg [dreg:$0x11];
	s30 =	sadd.s32 s29, s1  }
0xca: {  	[tilespmem:s0], [sflag:$0x2] =	stream.linear.gather [hbm4b:s30+s3], $0x50, $0x38;
	[tilespmem:$0x1B680] =	vst v63  }
0xcb: {  	s1 =	simm.s32 $0x380;
	s30 =	sadd.s32 s29, s16  }
0xcc: {  	[tilespmem:s1], [sflag:$0x2] =	stream.linear.gather [hbm4b:s30+s3], $0x50, $0x38;
	[tilespmem:$0x1B680] =	vst v63  }
0xcd: {  	_ =	swait.ge [sflag:s19], $0x2800  }
0xce: {  	[sflag:s19] =	ssyncset.done $0x0  }
0xcf: {  	[sflag:s19] =	ssyncadd.s32 $0xFFFFD800  }
0xd0: {  	[spmem:s2] =	stream.indirect.scatter.add.f32 [tilespmem:s14], [sflag:$0xC], $0x80, s25, s8, $0xb8;
	[tilespmem:$0x1B680] =	vst v63  }
0xd1: {  	_ =	swait.ge [sflag:s20], $0x2800  }
0xd2: {  	[sflag:s20] =	ssyncset.done $0x0  }
0xd3: {  	[sflag:s20] =	ssyncadd.s32 $0xFFFFD800  }
0xd4: {  	_ =	swait.ge [sflag:s10], $0x50  }
0xd5: {  	[sflag:s10] =	ssyncset.done $0x0  }
0xd6: {  	[sflag:s10] =	ssyncadd.s32 $0xFFFFFFB0  }
0xd7: {  	_ =	swait.ge [sflag:s10], $0x50  }
0xd8: {  	[sflag:s10] =	ssyncset.done $0x0  }
0xd9: {  	s15 =	simm.s32 $0x400;
	[sflag:s10] =	ssyncadd.s32 $0xFFFFFFB0  }
0xda: {  	[tilespmem:s11], [sflag:$0x8] =	stream.indirect.gather [hbm4b:s4+s8], $0x80, s0, s8, $0xb8;
	[tilespmem:$0x1B680] =	vst v63  }
.Ltmp3:
0xdb: {  	s28 =	sadd.s32 $0x1E0, s28;
	s16 =	rddreg [dreg:$0x10];
	(pc) =	sbr.rel .LBB2_2-.Ltmp3, $4  }
0xdc: {  	s1 =	simm.s32 $0x100;
	s30 =	sadd.s32 s29, s16;
	s16 =	rddreg [dreg:$0xf]  }
0xdd: {  	[tilespmem:s1], [sflag:$0x3] =	stream.linear.gather [hbm4b:s30+s3], $0x50, $0x38;
	[tilespmem:$0x1B680] =	vst v63  }
0xde: {  	s0 =	simm.s32 $0x380;
	s30 =	sadd.s32 s29, s16;
	s29 =	sadd.s32 $0x3C, s29  }
0xdf: {  	[tilespmem:s15], [sflag:$0x3] =	stream.linear.gather [hbm4b:s30+s3], $0x50, $0x38;
	[tilespmem:$0x1B680] =	vst v63  }
.LBB2_5:
0xe0: {  	_ =	sfence.sel $0x180000  }
0xe1: {  	[bflag:$0x0] =	sbarrier.arrive $0xFFFF  }
0xe2: {  	_ =	strace $0x9000004A  }
0xe3: {  	s0 =	stileid.u32;
	[bflag:$0x2] =	sbarrier.arrive $0xFFFF  }
0xe4: {  	p0 =	sne.s32 s0, $0x0;
	s0 =	rddreg [dreg:$0x2]  }
0xe5: {  	s0 =	sadd.s32 @!p0 $0x100000, s0  }
0xe6: {  	[sflag:s0] =	ssyncadd.tile.s32 @!p0 $0x1;
	_ =	shalt  }
.Lfunc_end2:
_tile_overlayer_lowered:
.L_overlay_start_2:
0xe7: {  	(tag) =	ssettag $0x2  }
0xe8: {  	s0 =	rddreg [dreg:$0x0];
	s2 =	stileid.u32  }
0xe9: {  	s1 =	rddreg [dreg:$0x1];
	p0 =	sne.s32 s2, $0x0  }
0xea: {  	s3 =	rddreg [dreg:$0x2];
	[bflag:$0x3] =	sbarrier.arrive $0xFFFF;
	s2 =	simm.s32 @!p0 $0x1C0D  }
0xeb: {  	[timem:s3], [sflag:s2] =	dma.local @!p0 [hbm:s0], s1  }
0xec: {  	s0 =	simm.s32 @!p0 $0xD  }
0xed: {  	_ =	swait.ge @!p0 [sflag:s0], s1  }
0xee: {  	s1 =	ssub.s32 @!p0 $0x0, s1;
	[sflag:s0] =	ssyncset.done @!p0 $0x0  }
0xef: {  	[sflag:s0] =	ssyncadd.s32 @!p0 s1  }
0xf0: {  	[bflag:$0x3] =	sbarrier.arrive $0xFFFF  }
0xf1: {  	_ =	shalt  }

// kernel: kernel.17.cloned.1.call-start
scs
__scs_entry_jumppad:
0x0: {  	(pc) =	sbr.rel $0x88, $3  }
0x1: {  	(tag) =	ssettag $0x0;
	lr =	simm.s32 $0x1  }
0x2: {  	[smem:$0x3F90] =	sst lr;
	_ =	strace $0xD0000000  }
0x3: {  	_ = 	snop  }
0x4: {  	_ = 	snop  }
0x5: {  	_ = 	snop  }
0x6: {  	_ = 	snop  }
0x7: {  	_ = 	snop  }
__scs_overlays_trampoline_lowered:
0x8: {  	[smem:$0x3F9F] =	sst s0  }
0x9: {  	[smem:$0x3FA0] =	sst s1  }
0xa: {  	[smem:$0x3FA1] =	sst s2  }
0xb: {  	[smem:$0x3FA2] =	sst s3  }
0xc: {  	[smem:$0x3FA3] =	sst s4  }
0xd: {  	[smem:$0x3FA4] =	sst s5  }
0xe: {  	[smem:$0x3FA5] =	sst s6  }
0xf: {  	[smem:$0x3FA6] =	sst s7  }
0x10: {  	[smem:$0x3FA7] =	sst s8  }
0x11: {  	[smem:$0x3FA8] =	sst s9;
	s0 =	simm.s32 @!p0 $0x0  }
0x12: {  	s1 =	sld [smem:$0x3F8E];
	s0 =	simm.s32 @p0 $0x1  }
0x13: {  	[smem:$0x3FA9] =	sst s0;
	s0 =	simm.s32 @!p1 $0x0  }
0x14: {  	s2 =	sld [smem:$0x3F8D];
	s0 =	simm.s32 @p1 $0x1  }
0x15: {  	[smem:$0x3FAA] =	sst s0;
	s0 =	simm.s32 @!p2 $0x0  }
0x16: {  	s3 =	sld [smem:$0x3FDB];
	s0 =	simm.s32 @p2 $0x1  }
0x17: {  	s4 =	simm.s32 $0x1BF5;
	[smem:$0x3FAC] =	sst s0  }
0x18: {  	s0 =	sld [smem:$0x3F8F];
	_ =	swait.ge [sflag:s4], $0x0  }
0x19: {  	s7 =	sld [smem:$0x3F90]  }
0x1a: {  	s8 =	sadd.s32 $0xFFFFE003, lr  }
0x1b: {  	s9 =	sadd.s32 $0xFFFFFEF7, lr;
	s5 =	simm.s32 $0xFFFFFFFF;
	p2 =	slt.u32 s8, $0xFFFFF086  }
0x1c: {  	p1 =	slt.u32 s9, $0xF7A;
	s5 =	simm.s32 @!p2 $0x0  }
0x1d: {  	s5 =	simm.s32 @p1 $0x1;
	p0 =	seq.s32 s7, s2  }
0x1e: {  	s7 =	smul.u32 @!p0 $0xF7A, s2;
	p2 =	seq.s32 @!p0 s5, $0x0  }
0x1f: {  	s9 =	smul.u32 $0xF7A, s1;
	s8 =	simm.s32 @!p0 $0x1BF5;
	p2 =	por !p2, p0  }
0x20: {  	[sflag:s8] =	ssyncset.s32 @!p0 $0xFFFFF086;
	s6 =	sadd.s32 @!p0 s3, s7;
	s7 =	simm.s32 @!p0 $0x108  }
0x21: {  	s3 =	sadd.s32 s3, s9;
	s6 =	sadd.s32 @!p0 $0x88, s6;
	s7 =	simm.s32 @p2 $0x1082  }
0x22: {  	[simem:s7], [sflag:s8] =	dma.local @!p0 [hbm:s6], $0xF7A  }
0x23: {  	s9 =	sor.u32 $0xD0000000, s2;
	s6 =	simm.s32 $0x108;
	_ =	swait.ge @!p0 [sflag:s8], $0x0  }
0x24: {  	s3 =	sadd.s32 $0x88, s3;
	s6 =	simm.s32 @!p1 $0x1082;
	[sflag:s4] =	ssyncset.s32 $0xFFFFF086  }
0x25: {  	[simem:s6], [sflag:s4] =	dma.local [hbm:s3], $0xF7A  }
0x26: {  	[smem:$0x3F90] =	sst s1;
	(tag) =	ssettag s2;
	_ =	strace s9  }
0x27: {  	s1 =	sld [smem:$0x3FA0]  }
0x28: {  	s2 =	sld [smem:$0x3FA1]  }
0x29: {  	s4 =	sld [smem:$0x3FA3]  }
0x2a: {  	p0 =	seq.s32 s5, $0x0;
	s5 =	sld [smem:$0x3FA4]  }
0x2b: {  	s6 =	sld [smem:$0x3FA5]  }
0x2c: {  	s7 =	sld [smem:$0x3FA6]  }
0x2d: {  	s3 =	simm.s32 $0x108;
	s8 =	sld [smem:$0x3FA7]  }
0x2e: {  	s3 =	simm.s32 @!p0 $0x1082;
	s9 =	sld [smem:$0x3FA8]  }
0x2f: {  	lr =	sadd.s32 s0, s3;
	s0 =	sld [smem:$0x3F9F]  }
0x30: {  	s3 =	sld [smem:$0x3FA2]  }
0x31: {  	[smem:$0x3FAB] =	sst s10  }
0x32: {  	s10 =	sld [smem:$0x3FA9];
	_ =	sdelay $0x3  }
0x33: {  	p0 =	seq.s32 s10, $0x1;
	s10 =	sld [smem:$0x3FAB];
	_ =	sdelay $0x3  }
0x34: {  	[smem:$0x3FAB] =	sst s10  }
0x35: {  	s10 =	sld [smem:$0x3FAA];
	_ =	sdelay $0x3  }
0x36: {  	p1 =	seq.s32 s10, $0x1;
	s10 =	sld [smem:$0x3FAB];
	_ =	sdelay $0x3  }
0x37: {  	[smem:$0x3FAB] =	sst s10  }
0x38: {  	s10 =	sld [smem:$0x3FAC]  }
0x39: {  	_ = 	snop;
	(pc) =	sbr.ind lr, $3  }
0x3a: {  	_ = 	snop  }
0x3b: {  	_ = 	snop  }
0x3c: {  	p2 =	seq.s32 s10, $0x1;
	s10 =	sld [smem:$0x3FAB]  }
0x3d: {  	_ =	shalt  }
0x3e: {  	_ =	shalt  }
0x3f: {  	_ =	shalt  }
0x40: {  	_ =	shalt  }
0x41: {  	_ =	shalt  }
0x42: {  	_ =	shalt  }
0x43: {  	_ =	shalt  }
0x44: {  	_ =	shalt  }
0x45: {  	_ =	shalt  }
0x46: {  	_ =	shalt  }
0x47: {  	_ =	shalt  }
0x48: {  	_ =	shalt  }
0x49: {  	_ =	shalt  }
0x4a: {  	_ =	shalt  }
0x4b: {  	_ =	shalt  }
0x4c: {  	_ =	shalt  }
0x4d: {  	_ =	shalt  }
0x4e: {  	_ =	shalt  }
0x4f: {  	_ =	shalt  }
0x50: {  	_ =	shalt  }
0x51: {  	_ =	shalt  }
0x52: {  	_ =	shalt  }
0x53: {  	_ =	shalt  }
0x54: {  	_ =	shalt  }
0x55: {  	_ =	shalt  }
0x56: {  	_ =	shalt  }
0x57: {  	_ =	shalt  }
0x58: {  	_ =	shalt  }
0x59: {  	_ =	shalt  }
0x5a: {  	_ =	shalt  }
0x5b: {  	_ =	shalt  }
0x5c: {  	_ =	shalt  }
0x5d: {  	_ =	shalt  }
0x5e: {  	_ =	shalt  }
0x5f: {  	_ =	shalt  }
0x60: {  	_ =	shalt  }
0x61: {  	_ =	shalt  }
0x62: {  	_ =	shalt  }
0x63: {  	_ =	shalt  }
0x64: {  	_ =	shalt  }
0x65: {  	_ =	shalt  }
0x66: {  	_ =	shalt  }
0x67: {  	_ =	shalt  }
0x68: {  	_ =	shalt  }
0x69: {  	_ =	shalt  }
0x6a: {  	_ =	shalt  }
0x6b: {  	_ =	shalt  }
0x6c: {  	_ =	shalt  }
0x6d: {  	_ =	shalt  }
0x6e: {  	_ =	shalt  }
0x6f: {  	_ =	shalt  }
0x70: {  	_ =	shalt  }
0x71: {  	_ =	shalt  }
0x72: {  	_ =	shalt  }
0x73: {  	_ =	shalt  }
0x74: {  	_ =	shalt  }
0x75: {  	_ =	shalt  }
0x76: {  	_ =	shalt  }
0x77: {  	_ =	shalt  }
0x78: {  	_ =	shalt  }
0x79: {  	_ =	shalt  }
0x7a: {  	_ =	shalt  }
0x7b: {  	_ =	shalt  }
0x7c: {  	_ =	shalt  }
0x7d: {  	_ =	shalt  }
0x7e: {  	_ =	shalt  }
0x7f: {  	_ =	shalt  }
0x80: {  	_ =	shalt  }
0x81: {  	_ =	shalt  }
0x82: {  	_ =	shalt  }
0x83: {  	_ =	shalt  }
0x84: {  	_ =	shalt  }
0x85: {  	_ =	shalt  }
0x86: {  	_ =	shalt  }
0x87: {  	_ =	shalt  }
.Lfunc_end0:
.L_simem_size_0:
called_computation.2_lowered:
.L_overlay_start_0:
0x88: {  	s2 =	sld [smem:$0x3FD9]  }
0x89: {  	s3 =	sld [smem:$0x3FFE];
	_ =	sdelay $0x1  }
0x8a: {  	s1 =	srdreg.scid  }
0x8b: {  	s0 =	sand.u32 $0x1, s1  }
0x8c: {  	s16 =	sshll.u32 s0, $0xA;
	s2 =	sadd.s32 s3, s2  }
0x8d: {  	s2 =	sadd.s32 s2, s16  }
0x8e: {  	[smem:$0x3FB7] =	sst s2  }
0x8f: {  	_ = 	snop  }
0x90: {  	(tm) =	ssettm $0x1  }
0x91: {  	s17 =	sld [smem:$0x3FFB];
	_ =	sdelay $0x3  }
0x92: {  	_ =	strace s17  }
0x93: {  	s2 =	sld [smem:$0x3FFC];
	_ =	sdelay $0x3  }
0x94: {  	_ =	strace s2  }
0x95: {  	s2 =	sld [smem:$0x3FFD];
	_ =	sdelay $0x3  }
0x96: {  	_ =	strace s2  }
0x97: {  	_ =	strace $0x8FFFFFFF  }
0x98: {  	s18 =	sld [smem:$0x3FDB];
	_ =	sdelay $0x1  }
0x99: {  	s19 =	simm.s32 $_scs_section_size  }
0x9a: {  	s4 =	simm.s32 $_size__tile_overlayer_lowered;
	s5 =	simm.s32 $_tile_overlayer_lowered  }
0x9b: {  	s22 =	simm.s32 $0x1BFF;
	s21 =	sshll.u32 s5, $0x1;
	s2 =	sadd.s32 s19, s18  }
0x9c: {  	s6 =	simm.s32 $0x0;
	s20 =	sshll.u32 s4, $0x1;
	s4 =	sadd.s32 s21, s2  }
0x9d: {  	[timem:s6], [sflag:s22] =	dma.local [hbm:s4], s20  }
0x9e: {  	_ =	swait.ge [sflag:s22], s20  }
0x9f: {  	s3 =	ssub.s32 $0x0, s20;
	[sflag:s22] =	ssyncset.done $0x0  }
0xa0: {  	[sflag:s22] =	ssyncadd.s32 s3;
	_ =	sdelay $0x1  }
0xa1: {  	s23 =	simm.s32 $0x1B8B  }
0xa2: {  	_ =	swait.ge [sflag:s23], $0x1  }
0xa3: {  	[sflag:s23] =	ssyncset.done $0x0  }
0xa4: {  	s25 =	simm.s32 $0x1B8E;
	s24 =	sld [smem:$0x3FFE];
	[sflag:s23] =	ssyncadd.s32 $0xFFFFFFFF  }
0xa5: {  	s26 =	simm.s32 $execute0_lowered;
	[smem:$0x3FD2] =	sst s25  }
0xa6: {  	s4 =	sshll.u32 s26, $0x1;
	_ =	strace $0x8000004C;
	[dreg:$0x1] =	wrdreg $0xFFFFFFFF  }
0xa7: {  	s28 =	simm.s32 $_size_execute0_lowered;
	s2 =	sadd.s32 s2, s4;
	[dreg:$0x0] =	wrdreg $0x0  }
0xa8: {  	s4 =	sshll.u32 s28, $0x1;
	[dreg:$0x2] =	wrdreg s2  }
0xa9: {  	[dreg:$0x3] =	wrdreg s4  }
0xaa: {  	[dreg:$0x4] =	wrdreg $0xC0  }
0xab: {  	_ =	task [dreg:s6], $0x5FFFF  }
0xac: {  	[dreg:$0x1] =	wrdreg $0xFFFFFFFF  }
0xad: {  	[dreg:$0x0] =	wrdreg $0x60  }
0xae: {  	[dreg:$0x2] =	wrdreg s24  }
0xaf: {  	[dreg:$0x3] =	wrdreg $0x7E000  }
0xb0: {  	[dreg:$0x4] =	wrdreg $0x9  }
0xb1: {  	_ =	task.clear_ibuf [dreg:s6], $0x5FFFF;
	_ =	strace $0x9000004C  }
0xb2: {  	s29 =	simm.s32 $0x9;
	_ =	strace $0x8000004E  }
0xb3: {  	_ =	swait.ge [sflag:s29], $0x1  }
0xb4: {  	[sflag:s29] =	ssyncadd.s32 $0xFFFFFFFF  }
0xb5: {  	_ =	strace $0x9000004E  }
0xb6: {  	_ =	sfence  }
0xb7: {  	s30 =	sld [smem:$0x0];
	_ =	sdelay $0x2  }
0xb8: {  	s31 =	sshll.u32 s1, $0xD;
	s1 =	sshrl.u32 s1, $0x2  }
0xb9: {  	s3 =	sand.u32 $0x4000, s31;
	s1 =	sadd.s32 s1, s30  }
0xba: {  	s0 =	sor.u32 s3, s0;
	s1 =	sshll.u32 s1, $0x11  }
0xbb: {  	s0 =	sor.u32 s1, s0  }
0xbc: {  	s0 =	sadd.s32 $0x8F2B, s0  }
0xbd: {  	[sflag:s0] =	ssyncadd.remote.s32 $0x1  }
0xbe: {  	_ =	sfence.sel $0xFFFF  }
0xbf: {  	[dreg:$0x0] =	wrdreg $0xFFFFFFFF;
	(pc) =	sbr.abs _section_cstart, $3  }
0xc0: {  	[dreg:$0x1] =	wrdreg $0xFFFFFFFF  }
0xc1: {  	_ =	task.clear_ibuf [dreg:s6], $0x2FFFF;
	_ =	strace $0x9FFFFFFF  }
0xc2: {  	(tm) =	ssettm $0x7FFFFFFF  }
0xc3: {  	_ =	shalt  }
tec
execute0_lowered:
.L_overlay_start_1:
0x0: {  	(tag) =	ssettag $0x1  }
0x1: {  	s0 =	rddreg [dreg:$0x0]  }
0x2: {  	s2 =	rddreg [dreg:$0x1]  }
0x3: {  	s11 =	stileid.u32;
	s1 =	srdreg.scid  }
0x4: {  	s3 =	simm.s32 $0x0;
	s31 =	simm.s32 $0x300;
	s5 =	smul.u32 $0x3E80, s11  }
0x5: {  	s1 =	sand.u32 $0x1, s1;
	[smem:$0x7FF] =	sst s3;
	s7 =	smul.u32 $0x1F400, s11  }
0x6: {  	s4 =	sadd.s32 $0x8F000, s0;
	s12 =	sadd.s32 $0x5E00, s0;
	s9 =	smul.u32 $0x7D000, s11  }
0x7: {  	s13 =	sadd.s32 $0xFC00, s0;
	s26 =	sshll.u32 s11, $0x1;
	s30 =	smul.u32 $0x4E20, s11  }
0x8: {  	p0 =	sgt.u32 s11, $0x9;
	s11 =	simm.s32 $0x2E00;
	s6 =	smul.u32 $0x138800, s1  }
0x9: {  	_ =	strace $0x8000004D;
	s8 =	ssub.s32 $0x2, s1;
	[dreg:$0x4] =	wrdreg s13  }
0xa: {  	[dreg:$0x3] =	wrdreg s12;
	s5 =	sadd.s32 s5, s0;
	s10 =	sshrl.u32 s8, $0x1  }
0xb: {  	s29 =	sshrl.u32 s9, $0x2;
	s9 =	simm.s32 $0x600;
	s6 =	sadd.s32 s7, s6  }
0xc: {  	s7 =	sor.u32 s1, s26;
	s28 =	ssub.s32 s8, s10;
	s8 =	sadd.s32 s29, s2  }
0xd: {  	s5 =	sadd.s32 $0x19A00, s5;
	s1 =	smul.u32 $0x2710, s1;
	[dreg:$0x5] =	wrdreg s8  }
0xe: {  	s6 =	sshrl.u32 s6, $0x3;
	s7 =	smul.u32 $0x2710, s7;
	[dreg:$0x6] =	wrdreg s5  }
0xf: {  	s8 =	simm.s32 $0x50;
	s0 =	sadd.s32 s6, s0;
	s1 =	sadd.s32 s1, s30  }
0x10: {  	s6 =	smax.u32 s28, $0x1;
	s7 =	sshrl.u32 s7, $0x3;
	s18 =	sadd.s32 $0x280, s1  }
0x11: {  	s0 =	sadd.s32 $0xB6200, s0;
	s20 =	sadd.s32 $0x230, s1;
	[dreg:$0xe] =	wrdreg s6  }
0x12: {  	s23 =	sadd.s32 $0x190, s1;
	s24 =	sadd.s32 $0x1E0, s1;
	s26 =	sadd.s32 $0x140, s1  }
0x13: {  	s1 =	sadd.s32 $0xF0, s1;
	s6 =	simm.s32 $0x4;
	s10 =	sadd.s32 $0xA, s7  }
0x14: {  	s14 =	sadd.s32 s12, s7;
	s15 =	sadd.s32 s13, s7;
	[dreg:$0xd] =	wrdreg s0  }
0x15: {  	s17 =	sadd.s32 $0x14, s7;
	s19 =	sshrl.u32 s18, $0x3;
	[dreg:$0x13] =	wrdreg s24  }
0x16: {  	s28 =	sshrl.u32 s26, $0x3;
	s1 =	sshrl.u32 s1, $0x3;
	[dreg:$0x7] =	wrdreg s14  }
0x17: {  	s18 =	simm.s32 $0x500;
	[dreg:$0x8] =	wrdreg s15;
	s16 =	sadd.s32 s12, s10  }
0x18: {  	s26 =	simm.s32 $0x6;
	s5 =	sadd.s32 s13, s10;
	[dreg:$0x9] =	wrdreg s16  }
0x19: {  	s7 =	sadd.s32 s12, s17;
	s21 =	sadd.s32 s19, s13;
	[dreg:$0xa] =	wrdreg s5  }
0x1a: {  	s0 =	sadd.s32 s19, s12;
	s29 =	sadd.s32 s1, s13;
	[dreg:$0xb] =	wrdreg s7  }
0x1b: {  	s30 =	sadd.s32 s1, s12;
	s1 =	simm.s32 $0x100;
	[dreg:$0xf] =	wrdreg s21  }
0x1c: {  	s15 =	simm.s32 $0x400;
	s10 =	simm.s32 $0x2;
	[dreg:$0x10] =	wrdreg s0  }
0x1d: {  	s14 =	simm.s32 $0x5600;
	s19 =	simm.s32 $0x9;
	[dreg:$0x18] =	wrdreg s29  }
0x1e: {  	s5 =	sadd.s32 s13, s17;
	s0 =	sshrl.u32 s23, $0x3;
	[dreg:$0x19] =	wrdreg s30  }
0x1f: {  	s7 =	simm.s32 $0x1;
	s21 =	simm.s32 $0x8;
	s17 =	simm.s32 $0x200  }
0x20: {  	s23 =	simm.s32 $0xC;
	s16 =	simm.s32 $0x0;
	[dreg:$0xc] =	wrdreg s5  }
0x21: {  	s5 =	sshrl.u32 s20, $0x3;
	s25 =	sadd.s32 s0, s13;
	s0 =	sadd.s32 s0, s12  }
0x22: {  	s20 =	simm.s32 $0xB;
	s22 =	sadd.s32 s5, s13;
	[dreg:$0x14] =	wrdreg s25  }
.Ltmp0:
0x23: {  	s5 =	sadd.s32 s5, s12;
	[dreg:$0x15] =	wrdreg s0;
	(pc) =	sbr.rel .LBB2_1-.Ltmp0, $4  }
0x24: {  	s0 =	sadd.s32 s28, s12;
	s12 =	simm.s32 $0x7;
	[dreg:$0x11] =	wrdreg s22  }
0x25: {  	s25 =	simm.s32 $0x580;
	[dreg:$0x12] =	wrdreg s5;
	s5 =	sadd.s32 s28, s13  }
0x26: {  	[dreg:$0x17] =	wrdreg s0;
	s0 =	simm.s32 $0x380;
	s13 =	simm.s32 $0x3  }
0x27: {  	s22 =	simm.s32 $0x5;
	[dreg:$0x16] =	wrdreg s5;
	s5 =	simm.s32 $0xA  }
.LBB2_4:
0x28: {  	_ =	swait.ge [sflag:s12], $0x2800  }
0x29: {  	[sflag:s12] =	ssyncset.done $0x0  }
0x2a: {  	[sflag:s12] =	ssyncadd.s32 $0xFFFFD800  }
0x2b: {  	[spmem:s2] =	stream.indirect.scatter.add.f32 [tilespmem:s9], [sflag:$0xA], $0x80, s24, s8, $0xb8;
	[tilespmem:$0x1B680] =	vst v63  }
0x2c: {  	_ =	swait.ge [sflag:s21], $0x2800  }
0x2d: {  	[sflag:s21] =	ssyncset.done $0x0  }
0x2e: {  	[sflag:s21] =	ssyncadd.s32 $0xFFFFD800  }
0x2f: {  	[spmem:s2] =	stream.indirect.scatter.add.f32 [tilespmem:s11], [sflag:$0xB], $0x80, s18, s8, $0xb8;
	[tilespmem:$0x1B680] =	vst v63  }
0x30: {  	_ =	swait.ge [sflag:s23], $0x2800  }
0x31: {  	[sflag:s23] =	ssyncset.done $0x0  }
0x32: {  	[sflag:s23] =	ssyncadd.s32 $0xFFFFD800  }
0x33: {  	_ =	swait.ge [sflag:s5], $0x2800  }
0x34: {  	[sflag:s5] =	ssyncset.done $0x0  }
0x35: {  	[sflag:s5] =	ssyncadd.s32 $0xFFFFD800  }
0x36: {  	_ =	swait.ge [sflag:s20], $0x2800  }
0x37: {  	[sflag:s20] =	ssyncset.done $0x0  }
0x38: {  	[sflag:s20] =	ssyncadd.s32 $0xFFFFD800  }
0x39: {  	[bflag:$0x0] =	sbarrier.arrive $0xFFFF  }
0x3a: {  	s28 =	rddreg [dreg:$0xd]  }
0x3b: {  	s16 =	rddreg [dreg:$0x1b]  }
0x3c: {  	s24 =	rddreg [dreg:$0x1c]  }
0x3d: {  	[hbm:s28], [sflag:s16] =	dma.local @!p0 [spmem:s24], $0x3E80  }
0x3e: {  	s28 =	simm.s32 @!p0 $0xD  }
0x3f: {  	_ =	swait.ge @!p0 [sflag:s28], $0x3E80  }
0x40: {  	s30 =	rddreg [dreg:$0x1a]  }
0x41: {  	s29 =	rddreg [dreg:$0xe];
	s16 =	sadd.s32 $0x1, s30  }
0x42: {  	p1 =	sne.s32 s16, s29  }
.Ltmp1:
0x43: {  	_ = 	snop;
	(pc) =	sbr.rel @!p1 .LBB2_5-.Ltmp1, $3  }
0x44: {  	_ =	sdelay $0x1  }
0x45: {  	[sflag:s28] =	ssyncset.done @!p0 $0x0  }
0x46: {  	[sflag:s28] =	ssyncadd.s32 @!p0 $0xFFFFC180  }
.LBB2_1:
0x47: {  	s28 =	stileid.u32  }
0x48: {  	[dreg:$0x1a] =	wrdreg s16;
	s28 =	sshll.u32 @!p0 s28, $0x6  }
0x49: {  	s16 =	sor.u32 @!p0 $0x1C0D, s28;
	s28 =	rddreg [dreg:$0x5]  }
0x4a: {  	s24 =	sshrl.u32 @!p0 s28, $0x3;
	s28 =	rddreg [dreg:$0x6]  }
0x4b: {  	[dreg:$0x1b] =	wrdreg s16  }
0x4c: {  	[dreg:$0x1c] =	wrdreg s24  }
0x4d: {  	[spmem:s24], [sflag:s16] =	dma.local @!p0 [hbm:s28], $0x3E80  }
0x4e: {  	s28 =	simm.s32 @!p0 $0xD  }
0x4f: {  	_ =	swait.ge @!p0 [sflag:s28], $0x3E80  }
0x50: {  	[sflag:s28] =	ssyncset.done @!p0 $0x0  }
0x51: {  	[sflag:s28] =	ssyncadd.s32 @!p0 $0xFFFFC180  }
0x52: {  	[bflag:$0x0] =	sbarrier.arrive $0xFFFF  }
0x53: {  	s28 =	rddreg [dreg:$0x7]  }
0x54: {  	[tilespmem:s3], [sflag:$0x1] =	stream.linear.gather [hbm4b:s28+s3], $0x50, $0x38;
	[tilespmem:$0x1B680] =	vst v63  }
0x55: {  	s28 =	rddreg [dreg:$0x8]  }
0x56: {  	[tilespmem:s31], [sflag:$0x1] =	stream.linear.gather [hbm4b:s28+s3], $0x50, $0x38;
	[tilespmem:$0x1B680] =	vst v63  }
0x57: {  	s29 =	simm.s32 $0x80;
	s28 =	rddreg [dreg:$0x9]  }
0x58: {  	[tilespmem:s29], [sflag:$0x2] =	stream.linear.gather [hbm4b:s28+s3], $0x50, $0x38;
	[tilespmem:$0x1B680] =	vst v63  }
0x59: {  	s28 =	rddreg [dreg:$0xa]  }
0x5a: {  	[tilespmem:s0], [sflag:$0x2] =	stream.linear.gather [hbm4b:s28+s3], $0x50, $0x38;
	[tilespmem:$0x1B680] =	vst v63  }
0x5b: {  	s28 =	rddreg [dreg:$0xb]  }
0x5c: {  	[tilespmem:s1], [sflag:$0x3] =	stream.linear.gather [hbm4b:s28+s3], $0x50, $0x38;
	[tilespmem:$0x1B680] =	vst v63  }
0x5d: {  	s28 =	rddreg [dreg:$0xc]  }
0x5e: {  	[tilespmem:s15], [sflag:$0x3] =	stream.linear.gather [hbm4b:s28+s3], $0x50, $0x38;
	[tilespmem:$0x1B680] =	vst v63  }
0x5f: {  	_ =	swait.ge [sflag:s7], $0x50  }
0x60: {  	[sflag:s7] =	ssyncset.done $0x0  }
0x61: {  	[sflag:s7] =	ssyncadd.s32 $0xFFFFFFB0  }
0x62: {  	_ =	swait.ge [sflag:s7], $0x50  }
0x63: {  	[sflag:s7] =	ssyncset.done $0x0  }
0x64: {  	[sflag:s7] =	ssyncadd.s32 $0xFFFFFFB0  }
0x65: {  	[tilespmem:s9], [sflag:$0x7] =	stream.indirect.gather [hbm4b:s4+s8], $0x80, s3, s8, $0xb8;
	[tilespmem:$0x1B680] =	vst v63  }
0x66: {  	_ =	swait.ge [sflag:s10], $0x50  }
0x67: {  	[sflag:s10] =	ssyncset.done $0x0  }
0x68: {  	[sflag:s10] =	ssyncadd.s32 $0xFFFFFFB0  }
0x69: {  	_ =	swait.ge [sflag:s10], $0x50  }
0x6a: {  	[sflag:s10] =	ssyncset.done $0x0  }
0x6b: {  	s24 =	simm.s32 $0x480;
	[sflag:s10] =	ssyncadd.s32 $0xFFFFFFB0  }
0x6c: {  	[tilespmem:s11], [sflag:$0x8] =	stream.indirect.gather [hbm4b:s4+s8], $0x80, s29, s8, $0xb8;
	[tilespmem:$0x1B680] =	vst v63  }
0x6d: {  	s15 =	simm.s32 $0x400;
	s28 =	rddreg [dreg:$0x13];
	s29 =	simm.s32 $0x0  }
.LBB2_2:
0x6e: {  	_ =	swait.ge [sflag:s12], $0x2800  }
0x6f: {  	p1 =	seq.s32 s29, $0x0;
	[sflag:s12] =	ssyncset.done $0x0  }
0x70: {  	s30 =	simm.s32 @!p1 $0xC;
	[sflag:s12] =	ssyncadd.s32 $0xFFFFD800  }
0x71: {  	[spmem:s2] =	stream.indirect.scatter.add.f32 [tilespmem:s9], [sflag:$0xA], $0x80, s31, s8, $0xb8;
	[tilespmem:$0x1B680] =	vst v63  }
0x72: {  	_ =	swait.ge @!p1 [sflag:s30], $0x2800  }
0x73: {  	[sflag:s30] =	ssyncset.done @!p1 $0x0  }
0x74: {  	[sflag:s30] =	ssyncadd.s32 @!p1 $0xFFFFD800  }
0x75: {  	_ =	swait.ge [sflag:s13], $0x50  }
0x76: {  	[sflag:s13] =	ssyncset.done $0x0  }
0x77: {  	[sflag:s13] =	ssyncadd.s32 $0xFFFFFFB0  }
0x78: {  	_ =	swait.ge [sflag:s13], $0x50  }
0x79: {  	[sflag:s13] =	ssyncset.done $0x0  }
0x7a: {  	s16 =	rddreg [dreg:$0x19];
	[sflag:s13] =	ssyncadd.s32 $0xFFFFFFB0  }
0x7b: {  	[tilespmem:s14], [sflag:$0x9] =	stream.indirect.gather [hbm4b:s4+s8], $0x80, s1, s8, $0xb8;
	[tilespmem:$0x1B680] =	vst v63  }
0x7c: {  	s30 =	sadd.s32 s29, s16;
	s16 =	simm.s32 $0x180  }
0x7d: {  	[tilespmem:s16], [sflag:$0x4] =	stream.linear.gather [hbm4b:s30+s3], $0x50, $0x38;
	[tilespmem:$0x1B680] =	vst v63  }
0x7e: {  	s30 =	rddreg [dreg:$0x18]  }
0x7f: {  	s30 =	sadd.s32 s29, s30  }
0x80: {  	[tilespmem:s24], [sflag:$0x4] =	stream.linear.gather [hbm4b:s30+s3], $0x50, $0x38;
	[tilespmem:$0x1B680] =	vst v63  }
0x81: {  	_ =	swait.ge [sflag:s21], $0x2800  }
0x82: {  	[sflag:s21] =	ssyncset.done $0x0  }
0x83: {  	[sflag:s21] =	ssyncadd.s32 $0xFFFFD800  }
0x84: {  	[spmem:s2] =	stream.indirect.scatter.add.f32 [tilespmem:s11], [sflag:$0xB], $0x80, s0, s8, $0xb8;
	[tilespmem:$0x1B680] =	vst v63  }
0x85: {  	_ =	swait.ge [sflag:s5], $0x2800  }
0x86: {  	[sflag:s5] =	ssyncset.done $0x0  }
0x87: {  	[sflag:s5] =	ssyncadd.s32 $0xFFFFD800  }
0x88: {  	_ =	swait.ge [sflag:s6], $0x50  }
0x89: {  	[sflag:s6] =	ssyncset.done $0x0  }
0x8a: {  	[sflag:s6] =	ssyncadd.s32 $0xFFFFFFB0  }
0x8b: {  	_ =	swait.ge [sflag:s6], $0x50  }
0x8c: {  	[sflag:s6] =	ssyncset.done $0x0  }
0x8d: {  	[sflag:s6] =	ssyncadd.s32 $0xFFFFFFB0  }
0x8e: {  	[tilespmem:s9], [sflag:$0x7] =	stream.indirect.gather [hbm4b:s4+s8], $0x80, s16, s8, $0xb8;
	[tilespmem:$0x1B680] =	vst v63  }
0x8f: {  	s16 =	rddreg [dreg:$0x17]  }
0x90: {  	s30 =	sadd.s32 s29, s16;
	s16 =	rddreg [dreg:$0x16]  }
0x91: {  	[tilespmem:s17], [sflag:$0x5] =	stream.linear.gather [hbm4b:s30+s3], $0x50, $0x38;
	[tilespmem:$0x1B680] =	vst v63  }
0x92: {  	s30 =	sadd.s32 s29, s16  }
0x93: {  	[tilespmem:s18], [sflag:$0x5] =	stream.linear.gather [hbm4b:s30+s3], $0x50, $0x38;
	[tilespmem:$0x1B680] =	vst v63  }
0x94: {  	_ =	swait.ge [sflag:s19], $0x2800  }
0x95: {  	[sflag:s19] =	ssyncset.done $0x0  }
0x96: {  	[sflag:s19] =	ssyncadd.s32 $0xFFFFD800  }
0x97: {  	[spmem:s2] =	stream.indirect.scatter.add.f32 [tilespmem:s14], [sflag:$0xC], $0x80, s15, s8, $0xb8;
	[tilespmem:$0x1B680] =	vst v63  }
0x98: {  	_ =	swait.ge [sflag:s20], $0x2800  }
0x99: {  	[sflag:s20] =	ssyncset.done $0x0  }
0x9a: {  	[sflag:s20] =	ssyncadd.s32 $0xFFFFD800  }
0x9b: {  	_ =	swait.ge [sflag:s22], $0x50  }
0x9c: {  	p1 =	seq.s32 s29, $0x4B0;
	[sflag:s22] =	ssyncset.done $0x0  }
.Ltmp2:
0x9d: {  	[sflag:s22] =	ssyncadd.s32 $0xFFFFFFB0;
	(pc) =	sbr.rel @p1 .LBB2_4-.Ltmp2, $4  }
0x9e: {  	_ =	swait.ge [sflag:s22], $0x50  }
0x9f: {  	[sflag:s22] =	ssyncset.done $0x0  }
0xa0: {  	s15 =	simm.s32 $0x400;
	[sflag:s22] =	ssyncadd.s32 $0xFFFFFFB0  }
0xa1: {  	[tilespmem:s11], [sflag:$0x8] =	stream.indirect.gather [hbm4b:s4+s8], $0x80, s17, s8, $0xb8;
	[tilespmem:$0x1B680] =	vst v63  }
0xa2: {  	s30 =	rddreg [dreg:$0x15]  }
0xa3: {  	s0 =	simm.s32 $0x280;
	s16 =	rddreg [dreg:$0x14];
	s30 =	sadd.s32 s29, s30  }
0xa4: {  	[tilespmem:s0], [sflag:$0x6] =	stream.linear.gather [hbm4b:s30+s3], $0x50, $0x38;
	[tilespmem:$0x1B680] =	vst v63  }
0xa5: {  	s30 =	sadd.s32 s29, s16  }
0xa6: {  	[tilespmem:s25], [sflag:$0x6] =	stream.linear.gather [hbm4b:s30+s3], $0x50, $0x38;
	[tilespmem:$0x1B680] =	vst v63  }
0xa7: {  	_ =	swait.ge [sflag:s12], $0x2800  }
0xa8: {  	[sflag:s12] =	ssyncset.done $0x0  }
0xa9: {  	[sflag:s12] =	ssyncadd.s32 $0xFFFFD800  }
0xaa: {  	[spmem:s2] =	stream.indirect.scatter.add.f32 [tilespmem:s9], [sflag:$0xA], $0x80, s24, s8, $0xb8;
	[tilespmem:$0x1B680] =	vst v63  }
0xab: {  	_ =	swait.ge [sflag:s23], $0x2800  }
0xac: {  	[sflag:s23] =	ssyncset.done $0x0  }
0xad: {  	[sflag:s23] =	ssyncadd.s32 $0xFFFFD800  }
0xae: {  	_ =	swait.ge [sflag:s26], $0x50  }
0xaf: {  	[sflag:s26] =	ssyncset.done $0x0  }
0xb0: {  	[sflag:s26] =	ssyncadd.s32 $0xFFFFFFB0  }
0xb1: {  	_ =	swait.ge [sflag:s26], $0x50  }
0xb2: {  	[sflag:s26] =	ssyncset.done $0x0  }
0xb3: {  	[sflag:s26] =	ssyncadd.s32 $0xFFFFFFB0  }
0xb4: {  	[tilespmem:s14], [sflag:$0x9] =	stream.indirect.gather [hbm4b:s4+s8], $0x80, s0, s8, $0xb8;
	[tilespmem:$0x1B680] =	vst v63  }
0xb5: {  	s31 =	rddreg [dreg:$0x3];
	s0 =	sshrl.u32 s28, $0x3  }
0xb6: {  	s31 =	sadd.s32 s31, s0  }
0xb7: {  	[tilespmem:s3], [sflag:$0x1] =	stream.linear.gather [hbm4b:s31+s3], $0x50, $0x38;
	[tilespmem:$0x1B680] =	vst v63  }
0xb8: {  	s31 =	rddreg [dreg:$0x4]  }
0xb9: {  	s30 =	sadd.s32 s31, s0;
	s31 =	simm.s32 $0x300  }
0xba: {  	[tilespmem:s31], [sflag:$0x1] =	stream.linear.gather [hbm4b:s30+s3], $0x50, $0x38;
	[tilespmem:$0x1B680] =	vst v63  }
0xbb: {  	_ =	swait.ge [sflag:s21], $0x2800  }
0xbc: {  	[sflag:s21] =	ssyncset.done $0x0  }
0xbd: {  	[sflag:s21] =	ssyncadd.s32 $0xFFFFD800  }
0xbe: {  	[spmem:s2] =	stream.indirect.scatter.add.f32 [tilespmem:s11], [sflag:$0xB], $0x80, s18, s8, $0xb8;
	[tilespmem:$0x1B680] =	vst v63  }
0xbf: {  	_ =	swait.ge [sflag:s5], $0x2800  }
0xc0: {  	[sflag:s5] =	ssyncset.done $0x0  }
0xc1: {  	[sflag:s5] =	ssyncadd.s32 $0xFFFFD800  }
0xc2: {  	_ =	swait.ge [sflag:s7], $0x50  }
0xc3: {  	[sflag:s7] =	ssyncset.done $0x0  }
0xc4: {  	[sflag:s7] =	ssyncadd.s32 $0xFFFFFFB0  }
0xc5: {  	_ =	swait.ge [sflag:s7], $0x50  }
0xc6: {  	[sflag:s7] =	ssyncset.done $0x0  }
0xc7: {  	s1 =	rddreg [dreg:$0x12];
	[sflag:s7] =	ssyncadd.s32 $0xFFFFFFB0  }
0xc8: {  	[tilespmem:s9], [sflag:$0x7] =	stream.indirect.gather [hbm4b:s4+s8], $0x80, s3, s8, $0xb8;
	[tilespmem:$0x1B680] =	vst v63  }
0xc9: {  	s0 =	simm.s32 $0x80;
	s16 =	rddreg [dreg:$0x11];
	s30 =	sadd.s32 s29, s1  }
0xca: {  	[tilespmem:s0], [sflag:$0x2] =	stream.linear.gather [hbm4b:s30+s3], $0x50, $0x38;
	[tilespmem:$0x1B680] =	vst v63  }
0xcb: {  	s1 =	simm.s32 $0x380;
	s30 =	sadd.s32 s29, s16  }
0xcc: {  	[tilespmem:s1], [sflag:$0x2] =	stream.linear.gather [hbm4b:s30+s3], $0x50, $0x38;
	[tilespmem:$0x1B680] =	vst v63  }
0xcd: {  	_ =	swait.ge [sflag:s19], $0x2800  }
0xce: {  	[sflag:s19] =	ssyncset.done $0x0  }
0xcf: {  	[sflag:s19] =	ssyncadd.s32 $0xFFFFD800  }
0xd0: {  	[spmem:s2] =	stream.indirect.scatter.add.f32 [tilespmem:s14], [sflag:$0xC], $0x80, s25, s8, $0xb8;
	[tilespmem:$0x1B680] =	vst v63  }
0xd1: {  	_ =	swait.ge [sflag:s20], $0x2800  }
0xd2: {  	[sflag:s20] =	ssyncset.done $0x0  }
0xd3: {  	[sflag:s20] =	ssyncadd.s32 $0xFFFFD800  }
0xd4: {  	_ =	swait.ge [sflag:s10], $0x50  }
0xd5: {  	[sflag:s10] =	ssyncset.done $0x0  }
0xd6: {  	[sflag:s10] =	ssyncadd.s32 $0xFFFFFFB0  }
0xd7: {  	_ =	swait.ge [sflag:s10], $0x50  }
0xd8: {  	[sflag:s10] =	ssyncset.done $0x0  }
0xd9: {  	s15 =	simm.s32 $0x400;
	[sflag:s10] =	ssyncadd.s32 $0xFFFFFFB0  }
0xda: {  	[tilespmem:s11], [sflag:$0x8] =	stream.indirect.gather [hbm4b:s4+s8], $0x80, s0, s8, $0xb8;
	[tilespmem:$0x1B680] =	vst v63  }
.Ltmp3:
0xdb: {  	s28 =	sadd.s32 $0x1E0, s28;
	s16 =	rddreg [dreg:$0x10];
	(pc) =	sbr.rel .LBB2_2-.Ltmp3, $4  }
0xdc: {  	s1 =	simm.s32 $0x100;
	s30 =	sadd.s32 s29, s16;
	s16 =	rddreg [dreg:$0xf]  }
0xdd: {  	[tilespmem:s1], [sflag:$0x3] =	stream.linear.gather [hbm4b:s30+s3], $0x50, $0x38;
	[tilespmem:$0x1B680] =	vst v63  }
0xde: {  	s0 =	simm.s32 $0x380;
	s30 =	sadd.s32 s29, s16;
	s29 =	sadd.s32 $0x3C, s29  }
0xdf: {  	[tilespmem:s15], [sflag:$0x3] =	stream.linear.gather [hbm4b:s30+s3], $0x50, $0x38;
	[tilespmem:$0x1B680] =	vst v63  }
.LBB2_5:
0xe0: {  	_ =	sfence.sel $0x180000  }
0xe1: {  	[bflag:$0x0] =	sbarrier.arrive $0xFFFF  }
0xe2: {  	_ =	strace $0x9000004D  }
0xe3: {  	s0 =	stileid.u32;
	[bflag:$0x2] =	sbarrier.arrive $0xFFFF  }
0xe4: {  	p0 =	sne.s32 s0, $0x0;
	s0 =	rddreg [dreg:$0x2]  }
0xe5: {  	s0 =	sadd.s32 @!p0 $0x100000, s0  }
0xe6: {  	[sflag:s0] =	ssyncadd.tile.s32 @!p0 $0x1;
	_ =	shalt  }
.Lfunc_end2:
_tile_overlayer_lowered:
.L_overlay_start_2:
0xe7: {  	(tag) =	ssettag $0x2  }
0xe8: {  	s0 =	rddreg [dreg:$0x0];
	s2 =	stileid.u32  }
0xe9: {  	s1 =	rddreg [dreg:$0x1];
	p0 =	sne.s32 s2, $0x0  }
0xea: {  	s3 =	rddreg [dreg:$0x2];
	[bflag:$0x3] =	sbarrier.arrive $0xFFFF;
	s2 =	simm.s32 @!p0 $0x1C0D  }
0xeb: {  	[timem:s3], [sflag:s2] =	dma.local @!p0 [hbm:s0], s1  }
0xec: {  	s0 =	simm.s32 @!p0 $0xD  }
0xed: {  	_ =	swait.ge @!p0 [sflag:s0], s1  }
0xee: {  	s1 =	ssub.s32 @!p0 $0x0, s1;
	[sflag:s0] =	ssyncset.done @!p0 $0x0  }
0xef: {  	[sflag:s0] =	ssyncadd.s32 @!p0 s1  }
0xf0: {  	[bflag:$0x3] =	sbarrier.arrive $0xFFFF  }
0xf1: {  	_ =	shalt  }

// kernel: kernel.20.cloned.1.call-start
scs
__scs_entry_jumppad:
0x0: {  	(pc) =	sbr.rel $0x88, $3  }
0x1: {  	(tag) =	ssettag $0x0;
	lr =	simm.s32 $0x1  }
0x2: {  	[smem:$0x3F90] =	sst lr;
	_ =	strace $0xD0000000  }
0x3: {  	_ = 	snop  }
0x4: {  	_ = 	snop  }
0x5: {  	_ = 	snop  }
0x6: {  	_ = 	snop  }
0x7: {  	_ = 	snop  }
__scs_overlays_trampoline_lowered:
0x8: {  	[smem:$0x3F9F] =	sst s0  }
0x9: {  	[smem:$0x3FA0] =	sst s1  }
0xa: {  	[smem:$0x3FA1] =	sst s2  }
0xb: {  	[smem:$0x3FA2] =	sst s3  }
0xc: {  	[smem:$0x3FA3] =	sst s4  }
0xd: {  	[smem:$0x3FA4] =	sst s5  }
0xe: {  	[smem:$0x3FA5] =	sst s6  }
0xf: {  	[smem:$0x3FA6] =	sst s7  }
0x10: {  	[smem:$0x3FA7] =	sst s8  }
0x11: {  	[smem:$0x3FA8] =	sst s9;
	s0 =	simm.s32 @!p0 $0x0  }
0x12: {  	s1 =	sld [smem:$0x3F8E];
	s0 =	simm.s32 @p0 $0x1  }
0x13: {  	[smem:$0x3FA9] =	sst s0;
	s0 =	simm.s32 @!p1 $0x0  }
0x14: {  	s2 =	sld [smem:$0x3F8D];
	s0 =	simm.s32 @p1 $0x1  }
0x15: {  	[smem:$0x3FAA] =	sst s0;
	s0 =	simm.s32 @!p2 $0x0  }
0x16: {  	s3 =	sld [smem:$0x3FDB];
	s0 =	simm.s32 @p2 $0x1  }
0x17: {  	s4 =	simm.s32 $0x1BF5;
	[smem:$0x3FAC] =	sst s0  }
0x18: {  	s0 =	sld [smem:$0x3F8F];
	_ =	swait.ge [sflag:s4], $0x0  }
0x19: {  	s7 =	sld [smem:$0x3F90]  }
0x1a: {  	s8 =	sadd.s32 $0xFFFFE003, lr  }
0x1b: {  	s9 =	sadd.s32 $0xFFFFFEF7, lr;
	s5 =	simm.s32 $0xFFFFFFFF;
	p2 =	slt.u32 s8, $0xFFFFF086  }
0x1c: {  	p1 =	slt.u32 s9, $0xF7A;
	s5 =	simm.s32 @!p2 $0x0  }
0x1d: {  	s5 =	simm.s32 @p1 $0x1;
	p0 =	seq.s32 s7, s2  }
0x1e: {  	s7 =	smul.u32 @!p0 $0xF7A, s2;
	p2 =	seq.s32 @!p0 s5, $0x0  }
0x1f: {  	s9 =	smul.u32 $0xF7A, s1;
	s8 =	simm.s32 @!p0 $0x1BF5;
	p2 =	por !p2, p0  }
0x20: {  	[sflag:s8] =	ssyncset.s32 @!p0 $0xFFFFF086;
	s6 =	sadd.s32 @!p0 s3, s7;
	s7 =	simm.s32 @!p0 $0x108  }
0x21: {  	s3 =	sadd.s32 s3, s9;
	s6 =	sadd.s32 @!p0 $0x88, s6;
	s7 =	simm.s32 @p2 $0x1082  }
0x22: {  	[simem:s7], [sflag:s8] =	dma.local @!p0 [hbm:s6], $0xF7A  }
0x23: {  	s9 =	sor.u32 $0xD0000000, s2;
	s6 =	simm.s32 $0x108;
	_ =	swait.ge @!p0 [sflag:s8], $0x0  }
0x24: {  	s3 =	sadd.s32 $0x88, s3;
	s6 =	simm.s32 @!p1 $0x1082;
	[sflag:s4] =	ssyncset.s32 $0xFFFFF086  }
0x25: {  	[simem:s6], [sflag:s4] =	dma.local [hbm:s3], $0xF7A  }
0x26: {  	[smem:$0x3F90] =	sst s1;
	(tag) =	ssettag s2;
	_ =	strace s9  }
0x27: {  	s1 =	sld [smem:$0x3FA0]  }
0x28: {  	s2 =	sld [smem:$0x3FA1]  }
0x29: {  	s4 =	sld [smem:$0x3FA3]  }
0x2a: {  	p0 =	seq.s32 s5, $0x0;
	s5 =	sld [smem:$0x3FA4]  }
0x2b: {  	s6 =	sld [smem:$0x3FA5]  }
0x2c: {  	s7 =	sld [smem:$0x3FA6]  }
0x2d: {  	s3 =	simm.s32 $0x108;
	s8 =	sld [smem:$0x3FA7]  }
0x2e: {  	s3 =	simm.s32 @!p0 $0x1082;
	s9 =	sld [smem:$0x3FA8]  }
0x2f: {  	lr =	sadd.s32 s0, s3;
	s0 =	sld [smem:$0x3F9F]  }
0x30: {  	s3 =	sld [smem:$0x3FA2]  }
0x31: {  	[smem:$0x3FAB] =	sst s10  }
0x32: {  	s10 =	sld [smem:$0x3FA9];
	_ =	sdelay $0x3  }
0x33: {  	p0 =	seq.s32 s10, $0x1;
	s10 =	sld [smem:$0x3FAB];
	_ =	sdelay $0x3  }
0x34: {  	[smem:$0x3FAB] =	sst s10  }
0x35: {  	s10 =	sld [smem:$0x3FAA];
	_ =	sdelay $0x3  }
0x36: {  	p1 =	seq.s32 s10, $0x1;
	s10 =	sld [smem:$0x3FAB];
	_ =	sdelay $0x3  }
0x37: {  	[smem:$0x3FAB] =	sst s10  }
0x38: {  	s10 =	sld [smem:$0x3FAC]  }
0x39: {  	_ = 	snop;
	(pc) =	sbr.ind lr, $3  }
0x3a: {  	_ = 	snop  }
0x3b: {  	_ = 	snop  }
0x3c: {  	p2 =	seq.s32 s10, $0x1;
	s10 =	sld [smem:$0x3FAB]  }
0x3d: {  	_ =	shalt  }
0x3e: {  	_ =	shalt  }
0x3f: {  	_ =	shalt  }
0x40: {  	_ =	shalt  }
0x41: {  	_ =	shalt  }
0x42: {  	_ =	shalt  }
0x43: {  	_ =	shalt  }
0x44: {  	_ =	shalt  }
0x45: {  	_ =	shalt  }
0x46: {  	_ =	shalt  }
0x47: {  	_ =	shalt  }
0x48: {  	_ =	shalt  }
0x49: {  	_ =	shalt  }
0x4a: {  	_ =	shalt  }
0x4b: {  	_ =	shalt  }
0x4c: {  	_ =	shalt  }
0x4d: {  	_ =	shalt  }
0x4e: {  	_ =	shalt  }
0x4f: {  	_ =	shalt  }
0x50: {  	_ =	shalt  }
0x51: {  	_ =	shalt  }
0x52: {  	_ =	shalt  }
0x53: {  	_ =	shalt  }
0x54: {  	_ =	shalt  }
0x55: {  	_ =	shalt  }
0x56: {  	_ =	shalt  }
0x57: {  	_ =	shalt  }
0x58: {  	_ =	shalt  }
0x59: {  	_ =	shalt  }
0x5a: {  	_ =	shalt  }
0x5b: {  	_ =	shalt  }
0x5c: {  	_ =	shalt  }
0x5d: {  	_ =	shalt  }
0x5e: {  	_ =	shalt  }
0x5f: {  	_ =	shalt  }
0x60: {  	_ =	shalt  }
0x61: {  	_ =	shalt  }
0x62: {  	_ =	shalt  }
0x63: {  	_ =	shalt  }
0x64: {  	_ =	shalt  }
0x65: {  	_ =	shalt  }
0x66: {  	_ =	shalt  }
0x67: {  	_ =	shalt  }
0x68: {  	_ =	shalt  }
0x69: {  	_ =	shalt  }
0x6a: {  	_ =	shalt  }
0x6b: {  	_ =	shalt  }
0x6c: {  	_ =	shalt  }
0x6d: {  	_ =	shalt  }
0x6e: {  	_ =	shalt  }
0x6f: {  	_ =	shalt  }
0x70: {  	_ =	shalt  }
0x71: {  	_ =	shalt  }
0x72: {  	_ =	shalt  }
0x73: {  	_ =	shalt  }
0x74: {  	_ =	shalt  }
0x75: {  	_ =	shalt  }
0x76: {  	_ =	shalt  }
0x77: {  	_ =	shalt  }
0x78: {  	_ =	shalt  }
0x79: {  	_ =	shalt  }
0x7a: {  	_ =	shalt  }
0x7b: {  	_ =	shalt  }
0x7c: {  	_ =	shalt  }
0x7d: {  	_ =	shalt  }
0x7e: {  	_ =	shalt  }
0x7f: {  	_ =	shalt  }
0x80: {  	_ =	shalt  }
0x81: {  	_ =	shalt  }
0x82: {  	_ =	shalt  }
0x83: {  	_ =	shalt  }
0x84: {  	_ =	shalt  }
0x85: {  	_ =	shalt  }
0x86: {  	_ =	shalt  }
0x87: {  	_ =	shalt  }
.Lfunc_end0:
.L_simem_size_0:
called_computation.3_lowered:
.L_overlay_start_0:
0x88: {  	s2 =	sld [smem:$0x3FD9]  }
0x89: {  	s3 =	sld [smem:$0x3FFE];
	_ =	sdelay $0x1  }
0x8a: {  	s1 =	srdreg.scid  }
0x8b: {  	s0 =	sand.u32 $0x1, s1  }
0x8c: {  	s16 =	sshll.u32 s0, $0xA;
	s2 =	sadd.s32 s3, s2  }
0x8d: {  	s2 =	sadd.s32 s2, s16  }
0x8e: {  	[smem:$0x3FB7] =	sst s2  }
0x8f: {  	_ = 	snop  }
0x90: {  	(tm) =	ssettm $0x1  }
0x91: {  	s17 =	sld [smem:$0x3FFB];
	_ =	sdelay $0x3  }
0x92: {  	_ =	strace s17  }
0x93: {  	s2 =	sld [smem:$0x3FFC];
	_ =	sdelay $0x3  }
0x94: {  	_ =	strace s2  }
0x95: {  	s2 =	sld [smem:$0x3FFD];
	_ =	sdelay $0x3  }
0x96: {  	_ =	strace s2  }
0x97: {  	_ =	strace $0x8FFFFFFF  }
0x98: {  	s18 =	sld [smem:$0x3FDB];
	_ =	sdelay $0x1  }
0x99: {  	s19 =	simm.s32 $_scs_section_size  }
0x9a: {  	s4 =	simm.s32 $_size__tile_overlayer_lowered;
	s5 =	simm.s32 $_tile_overlayer_lowered  }
0x9b: {  	s22 =	simm.s32 $0x1BFF;
	s21 =	sshll.u32 s5, $0x1;
	s2 =	sadd.s32 s19, s18  }
0x9c: {  	s6 =	simm.s32 $0x0;
	s20 =	sshll.u32 s4, $0x1;
	s4 =	sadd.s32 s21, s2  }
0x9d: {  	[timem:s6], [sflag:s22] =	dma.local [hbm:s4], s20  }
0x9e: {  	_ =	swait.ge [sflag:s22], s20  }
0x9f: {  	s3 =	ssub.s32 $0x0, s20;
	[sflag:s22] =	ssyncset.done $0x0  }
0xa0: {  	[sflag:s22] =	ssyncadd.s32 s3;
	_ =	sdelay $0x1  }
0xa1: {  	s23 =	simm.s32 $0x1B8B  }
0xa2: {  	_ =	swait.ge [sflag:s23], $0x1  }
0xa3: {  	[sflag:s23] =	ssyncset.done $0x0  }
0xa4: {  	s25 =	simm.s32 $0x1B8E;
	s24 =	sld [smem:$0x3FFE];
	[sflag:s23] =	ssyncadd.s32 $0xFFFFFFFF  }
0xa5: {  	s26 =	simm.s32 $execute0_lowered;
	[smem:$0x3FD2] =	sst s25  }
0xa6: {  	s4 =	sshll.u32 s26, $0x1;
	_ =	strace $0x8000004F;
	[dreg:$0x1] =	wrdreg $0xFFFFFFFF  }
0xa7: {  	s28 =	simm.s32 $_size_execute0_lowered;
	s2 =	sadd.s32 s2, s4;
	[dreg:$0x0] =	wrdreg $0x0  }
0xa8: {  	s4 =	sshll.u32 s28, $0x1;
	[dreg:$0x2] =	wrdreg s2  }
0xa9: {  	[dreg:$0x3] =	wrdreg s4  }
0xaa: {  	[dreg:$0x4] =	wrdreg $0xC0  }
0xab: {  	_ =	task [dreg:s6], $0x5FFFF  }
0xac: {  	[dreg:$0x1] =	wrdreg $0xFFFFFFFF  }
0xad: {  	[dreg:$0x0] =	wrdreg $0x60  }
0xae: {  	[dreg:$0x2] =	wrdreg s24  }
0xaf: {  	[dreg:$0x3] =	wrdreg $0x7E000  }
0xb0: {  	[dreg:$0x4] =	wrdreg $0x9  }
0xb1: {  	_ =	task.clear_ibuf [dreg:s6], $0x5FFFF;
	_ =	strace $0x9000004F  }
0xb2: {  	s29 =	simm.s32 $0x9;
	_ =	strace $0x80000051  }
0xb3: {  	_ =	swait.ge [sflag:s29], $0x1  }
0xb4: {  	[sflag:s29] =	ssyncadd.s32 $0xFFFFFFFF  }
0xb5: {  	_ =	strace $0x90000051  }
0xb6: {  	_ =	sfence  }
0xb7: {  	s30 =	sld [smem:$0x0];
	_ =	sdelay $0x2  }
0xb8: {  	s31 =	sshll.u32 s1, $0xD;
	s1 =	sshrl.u32 s1, $0x2  }
0xb9: {  	s3 =	sand.u32 $0x4000, s31;
	s1 =	sadd.s32 s1, s30  }
0xba: {  	s0 =	sor.u32 s3, s0;
	s1 =	sshll.u32 s1, $0x11  }
0xbb: {  	s0 =	sor.u32 s1, s0  }
0xbc: {  	s0 =	sadd.s32 $0x8F2B, s0  }
0xbd: {  	[sflag:s0] =	ssyncadd.remote.s32 $0x1  }
0xbe: {  	_ =	sfence.sel $0xFFFF  }
0xbf: {  	[dreg:$0x0] =	wrdreg $0xFFFFFFFF;
	(pc) =	sbr.abs _section_cstart, $3  }
0xc0: {  	[dreg:$0x1] =	wrdreg $0xFFFFFFFF  }
0xc1: {  	_ =	task.clear_ibuf [dreg:s6], $0x2FFFF;
	_ =	strace $0x9FFFFFFF  }
0xc2: {  	(tm) =	ssettm $0x7FFFFFFF  }
0xc3: {  	_ =	shalt  }
tec
execute0_lowered:
.L_overlay_start_1:
0x0: {  	(tag) =	ssettag $0x1  }
0x1: {  	s0 =	rddreg [dreg:$0x0]  }
0x2: {  	s2 =	rddreg [dreg:$0x1]  }
0x3: {  	s11 =	stileid.u32;
	s1 =	srdreg.scid  }
0x4: {  	s3 =	simm.s32 $0x0;
	s31 =	simm.s32 $0x300;
	s5 =	smul.u32 $0x3E80, s11  }
0x5: {  	s1 =	sand.u32 $0x1, s1;
	[smem:$0x7FF] =	sst s3;
	s7 =	smul.u32 $0x1F400, s11  }
0x6: {  	s4 =	sadd.s32 $0x8F000, s0;
	s12 =	sadd.s32 $0x5E00, s0;
	s9 =	smul.u32 $0x7D000, s11  }
0x7: {  	s13 =	sadd.s32 $0xFC00, s0;
	s26 =	sshll.u32 s11, $0x1;
	s30 =	smul.u32 $0x4E20, s11  }
0x8: {  	p0 =	sgt.u32 s11, $0x9;
	s11 =	simm.s32 $0x2E00;
	s6 =	smul.u32 $0x138800, s1  }
0x9: {  	_ =	strace $0x80000050;
	s8 =	ssub.s32 $0x2, s1;
	[dreg:$0x4] =	wrdreg s13  }
0xa: {  	[dreg:$0x3] =	wrdreg s12;
	s5 =	sadd.s32 s5, s0;
	s10 =	sshrl.u32 s8, $0x1  }
0xb: {  	s29 =	sshrl.u32 s9, $0x2;
	s9 =	simm.s32 $0x600;
	s6 =	sadd.s32 s7, s6  }
0xc: {  	s7 =	sor.u32 s1, s26;
	s28 =	ssub.s32 s8, s10;
	s8 =	sadd.s32 s29, s2  }
0xd: {  	s5 =	sadd.s32 $0x19A00, s5;
	s1 =	smul.u32 $0x2710, s1;
	[dreg:$0x5] =	wrdreg s8  }
0xe: {  	s6 =	sshrl.u32 s6, $0x3;
	s7 =	smul.u32 $0x2710, s7;
	[dreg:$0x6] =	wrdreg s5  }
0xf: {  	s8 =	simm.s32 $0x50;
	s0 =	sadd.s32 s6, s0;
	s1 =	sadd.s32 s1, s30  }
0x10: {  	s6 =	smax.u32 s28, $0x1;
	s7 =	sshrl.u32 s7, $0x3;
	s18 =	sadd.s32 $0x280, s1  }
0x11: {  	s0 =	sadd.s32 $0xB6200, s0;
	s20 =	sadd.s32 $0x230, s1;
	[dreg:$0xe] =	wrdreg s6  }
0x12: {  	s23 =	sadd.s32 $0x190, s1;
	s24 =	sadd.s32 $0x1E0, s1;
	s26 =	sadd.s32 $0x140, s1  }
0x13: {  	s1 =	sadd.s32 $0xF0, s1;
	s6 =	simm.s32 $0x4;
	s10 =	sadd.s32 $0xA, s7  }
0x14: {  	s14 =	sadd.s32 s12, s7;
	s15 =	sadd.s32 s13, s7;
	[dreg:$0xd] =	wrdreg s0  }
0x15: {  	s17 =	sadd.s32 $0x14, s7;
	s19 =	sshrl.u32 s18, $0x3;
	[dreg:$0x13] =	wrdreg s24  }
0x16: {  	s28 =	sshrl.u32 s26, $0x3;
	s1 =	sshrl.u32 s1, $0x3;
	[dreg:$0x7] =	wrdreg s14  }
0x17: {  	s18 =	simm.s32 $0x500;
	[dreg:$0x8] =	wrdreg s15;
	s16 =	sadd.s32 s12, s10  }
0x18: {  	s26 =	simm.s32 $0x6;
	s5 =	sadd.s32 s13, s10;
	[dreg:$0x9] =	wrdreg s16  }
0x19: {  	s7 =	sadd.s32 s12, s17;
	s21 =	sadd.s32 s19, s13;
	[dreg:$0xa] =	wrdreg s5  }
0x1a: {  	s0 =	sadd.s32 s19, s12;
	s29 =	sadd.s32 s1, s13;
	[dreg:$0xb] =	wrdreg s7  }
0x1b: {  	s30 =	sadd.s32 s1, s12;
	s1 =	simm.s32 $0x100;
	[dreg:$0xf] =	wrdreg s21  }
0x1c: {  	s15 =	simm.s32 $0x400;
	s10 =	simm.s32 $0x2;
	[dreg:$0x10] =	wrdreg s0  }
0x1d: {  	s14 =	simm.s32 $0x5600;
	s19 =	simm.s32 $0x9;
	[dreg:$0x18] =	wrdreg s29  }
0x1e: {  	s5 =	sadd.s32 s13, s17;
	s0 =	sshrl.u32 s23, $0x3;
	[dreg:$0x19] =	wrdreg s30  }
0x1f: {  	s7 =	simm.s32 $0x1;
	s21 =	simm.s32 $0x8;
	s17 =	simm.s32 $0x200  }
0x20: {  	s23 =	simm.s32 $0xC;
	s16 =	simm.s32 $0x0;
	[dreg:$0xc] =	wrdreg s5  }
0x21: {  	s5 =	sshrl.u32 s20, $0x3;
	s25 =	sadd.s32 s0, s13;
	s0 =	sadd.s32 s0, s12  }
0x22: {  	s20 =	simm.s32 $0xB;
	s22 =	sadd.s32 s5, s13;
	[dreg:$0x14] =	wrdreg s25  }
.Ltmp0:
0x23: {  	s5 =	sadd.s32 s5, s12;
	[dreg:$0x15] =	wrdreg s0;
	(pc) =	sbr.rel .LBB2_1-.Ltmp0, $4  }
0x24: {  	s0 =	sadd.s32 s28, s12;
	s12 =	simm.s32 $0x7;
	[dreg:$0x11] =	wrdreg s22  }
0x25: {  	s25 =	simm.s32 $0x580;
	[dreg:$0x12] =	wrdreg s5;
	s5 =	sadd.s32 s28, s13  }
0x26: {  	[dreg:$0x17] =	wrdreg s0;
	s0 =	simm.s32 $0x380;
	s13 =	simm.s32 $0x3  }
0x27: {  	s22 =	simm.s32 $0x5;
	[dreg:$0x16] =	wrdreg s5;
	s5 =	simm.s32 $0xA  }
.LBB2_4:
0x28: {  	_ =	swait.ge [sflag:s12], $0x2800  }
0x29: {  	[sflag:s12] =	ssyncset.done $0x0  }
0x2a: {  	[sflag:s12] =	ssyncadd.s32 $0xFFFFD800  }
0x2b: {  	[spmem:s2] =	stream.indirect.scatter.add.f32 [tilespmem:s9], [sflag:$0xA], $0x80, s24, s8, $0xb8;
	[tilespmem:$0x1B680] =	vst v63  }
0x2c: {  	_ =	swait.ge [sflag:s21], $0x2800  }
0x2d: {  	[sflag:s21] =	ssyncset.done $0x0  }
0x2e: {  	[sflag:s21] =	ssyncadd.s32 $0xFFFFD800  }
0x2f: {  	[spmem:s2] =	stream.indirect.scatter.add.f32 [tilespmem:s11], [sflag:$0xB], $0x80, s18, s8, $0xb8;
	[tilespmem:$0x1B680] =	vst v63  }
0x30: {  	_ =	swait.ge [sflag:s23], $0x2800  }
0x31: {  	[sflag:s23] =	ssyncset.done $0x0  }
0x32: {  	[sflag:s23] =	ssyncadd.s32 $0xFFFFD800  }
0x33: {  	_ =	swait.ge [sflag:s5], $0x2800  }
0x34: {  	[sflag:s5] =	ssyncset.done $0x0  }
0x35: {  	[sflag:s5] =	ssyncadd.s32 $0xFFFFD800  }
0x36: {  	_ =	swait.ge [sflag:s20], $0x2800  }
0x37: {  	[sflag:s20] =	ssyncset.done $0x0  }
0x38: {  	[sflag:s20] =	ssyncadd.s32 $0xFFFFD800  }
0x39: {  	[bflag:$0x0] =	sbarrier.arrive $0xFFFF  }
0x3a: {  	s28 =	rddreg [dreg:$0xd]  }
0x3b: {  	s16 =	rddreg [dreg:$0x1b]  }
0x3c: {  	s24 =	rddreg [dreg:$0x1c]  }
0x3d: {  	[hbm:s28], [sflag:s16] =	dma.local @!p0 [spmem:s24], $0x3E80  }
0x3e: {  	s28 =	simm.s32 @!p0 $0xD  }
0x3f: {  	_ =	swait.ge @!p0 [sflag:s28], $0x3E80  }
0x40: {  	s30 =	rddreg [dreg:$0x1a]  }
0x41: {  	s29 =	rddreg [dreg:$0xe];
	s16 =	sadd.s32 $0x1, s30  }
0x42: {  	p1 =	sne.s32 s16, s29  }
.Ltmp1:
0x43: {  	_ = 	snop;
	(pc) =	sbr.rel @!p1 .LBB2_5-.Ltmp1, $3  }
0x44: {  	_ =	sdelay $0x1  }
0x45: {  	[sflag:s28] =	ssyncset.done @!p0 $0x0  }
0x46: {  	[sflag:s28] =	ssyncadd.s32 @!p0 $0xFFFFC180  }
.LBB2_1:
0x47: {  	s28 =	stileid.u32  }
0x48: {  	[dreg:$0x1a] =	wrdreg s16;
	s28 =	sshll.u32 @!p0 s28, $0x6  }
0x49: {  	s16 =	sor.u32 @!p0 $0x1C0D, s28;
	s28 =	rddreg [dreg:$0x5]  }
0x4a: {  	s24 =	sshrl.u32 @!p0 s28, $0x3;
	s28 =	rddreg [dreg:$0x6]  }
0x4b: {  	[dreg:$0x1b] =	wrdreg s16  }
0x4c: {  	[dreg:$0x1c] =	wrdreg s24  }
0x4d: {  	[spmem:s24], [sflag:s16] =	dma.local @!p0 [hbm:s28], $0x3E80  }
0x4e: {  	s28 =	simm.s32 @!p0 $0xD  }
0x4f: {  	_ =	swait.ge @!p0 [sflag:s28], $0x3E80  }
0x50: {  	[sflag:s28] =	ssyncset.done @!p0 $0x0  }
0x51: {  	[sflag:s28] =	ssyncadd.s32 @!p0 $0xFFFFC180  }
0x52: {  	[bflag:$0x0] =	sbarrier.arrive $0xFFFF  }
0x53: {  	s28 =	rddreg [dreg:$0x7]  }
0x54: {  	[tilespmem:s3], [sflag:$0x1] =	stream.linear.gather [hbm4b:s28+s3], $0x50, $0x38;
	[tilespmem:$0x1B680] =	vst v63  }
0x55: {  	s28 =	rddreg [dreg:$0x8]  }
0x56: {  	[tilespmem:s31], [sflag:$0x1] =	stream.linear.gather [hbm4b:s28+s3], $0x50, $0x38;
	[tilespmem:$0x1B680] =	vst v63  }
0x57: {  	s29 =	simm.s32 $0x80;
	s28 =	rddreg [dreg:$0x9]  }
0x58: {  	[tilespmem:s29], [sflag:$0x2] =	stream.linear.gather [hbm4b:s28+s3], $0x50, $0x38;
	[tilespmem:$0x1B680] =	vst v63  }
0x59: {  	s28 =	rddreg [dreg:$0xa]  }
0x5a: {  	[tilespmem:s0], [sflag:$0x2] =	stream.linear.gather [hbm4b:s28+s3], $0x50, $0x38;
	[tilespmem:$0x1B680] =	vst v63  }
0x5b: {  	s28 =	rddreg [dreg:$0xb]  }
0x5c: {  	[tilespmem:s1], [sflag:$0x3] =	stream.linear.gather [hbm4b:s28+s3], $0x50, $0x38;
	[tilespmem:$0x1B680] =	vst v63  }
0x5d: {  	s28 =	rddreg [dreg:$0xc]  }
0x5e: {  	[tilespmem:s15], [sflag:$0x3] =	stream.linear.gather [hbm4b:s28+s3], $0x50, $0x38;
	[tilespmem:$0x1B680] =	vst v63  }
0x5f: {  	_ =	swait.ge [sflag:s7], $0x50  }
0x60: {  	[sflag:s7] =	ssyncset.done $0x0  }
0x61: {  	[sflag:s7] =	ssyncadd.s32 $0xFFFFFFB0  }
0x62: {  	_ =	swait.ge [sflag:s7], $0x50  }
0x63: {  	[sflag:s7] =	ssyncset.done $0x0  }
0x64: {  	[sflag:s7] =	ssyncadd.s32 $0xFFFFFFB0  }
0x65: {  	[tilespmem:s9], [sflag:$0x7] =	stream.indirect.gather [hbm4b:s4+s8], $0x80, s3, s8, $0xb8;
	[tilespmem:$0x1B680] =	vst v63  }
0x66: {  	_ =	swait.ge [sflag:s10], $0x50  }
0x67: {  	[sflag:s10] =	ssyncset.done $0x0  }
0x68: {  	[sflag:s10] =	ssyncadd.s32 $0xFFFFFFB0  }
0x69: {  	_ =	swait.ge [sflag:s10], $0x50  }
0x6a: {  	[sflag:s10] =	ssyncset.done $0x0  }
0x6b: {  	s24 =	simm.s32 $0x480;
	[sflag:s10] =	ssyncadd.s32 $0xFFFFFFB0  }
0x6c: {  	[tilespmem:s11], [sflag:$0x8] =	stream.indirect.gather [hbm4b:s4+s8], $0x80, s29, s8, $0xb8;
	[tilespmem:$0x1B680] =	vst v63  }
0x6d: {  	s15 =	simm.s32 $0x400;
	s28 =	rddreg [dreg:$0x13];
	s29 =	simm.s32 $0x0  }
.LBB2_2:
0x6e: {  	_ =	swait.ge [sflag:s12], $0x2800  }
0x6f: {  	p1 =	seq.s32 s29, $0x0;
	[sflag:s12] =	ssyncset.done $0x0  }
0x70: {  	s30 =	simm.s32 @!p1 $0xC;
	[sflag:s12] =	ssyncadd.s32 $0xFFFFD800  }
0x71: {  	[spmem:s2] =	stream.indirect.scatter.add.f32 [tilespmem:s9], [sflag:$0xA], $0x80, s31, s8, $0xb8;
	[tilespmem:$0x1B680] =	vst v63  }
0x72: {  	_ =	swait.ge @!p1 [sflag:s30], $0x2800  }
0x73: {  	[sflag:s30] =	ssyncset.done @!p1 $0x0  }
0x74: {  	[sflag:s30] =	ssyncadd.s32 @!p1 $0xFFFFD800  }
0x75: {  	_ =	swait.ge [sflag:s13], $0x50  }
0x76: {  	[sflag:s13] =	ssyncset.done $0x0  }
0x77: {  	[sflag:s13] =	ssyncadd.s32 $0xFFFFFFB0  }
0x78: {  	_ =	swait.ge [sflag:s13], $0x50  }
0x79: {  	[sflag:s13] =	ssyncset.done $0x0  }
0x7a: {  	s16 =	rddreg [dreg:$0x19];
	[sflag:s13] =	ssyncadd.s32 $0xFFFFFFB0  }
0x7b: {  	[tilespmem:s14], [sflag:$0x9] =	stream.indirect.gather [hbm4b:s4+s8], $0x80, s1, s8, $0xb8;
	[tilespmem:$0x1B680] =	vst v63  }
0x7c: {  	s30 =	sadd.s32 s29, s16;
	s16 =	simm.s32 $0x180  }
0x7d: {  	[tilespmem:s16], [sflag:$0x4] =	stream.linear.gather [hbm4b:s30+s3], $0x50, $0x38;
	[tilespmem:$0x1B680] =	vst v63  }
0x7e: {  	s30 =	rddreg [dreg:$0x18]  }
0x7f: {  	s30 =	sadd.s32 s29, s30  }
0x80: {  	[tilespmem:s24], [sflag:$0x4] =	stream.linear.gather [hbm4b:s30+s3], $0x50, $0x38;
	[tilespmem:$0x1B680] =	vst v63  }
0x81: {  	_ =	swait.ge [sflag:s21], $0x2800  }
0x82: {  	[sflag:s21] =	ssyncset.done $0x0  }
0x83: {  	[sflag:s21] =	ssyncadd.s32 $0xFFFFD800  }
0x84: {  	[spmem:s2] =	stream.indirect.scatter.add.f32 [tilespmem:s11], [sflag:$0xB], $0x80, s0, s8, $0xb8;
	[tilespmem:$0x1B680] =	vst v63  }
0x85: {  	_ =	swait.ge [sflag:s5], $0x2800  }
0x86: {  	[sflag:s5] =	ssyncset.done $0x0  }
0x87: {  	[sflag:s5] =	ssyncadd.s32 $0xFFFFD800  }
0x88: {  	_ =	swait.ge [sflag:s6], $0x50  }
0x89: {  	[sflag:s6] =	ssyncset.done $0x0  }
0x8a: {  	[sflag:s6] =	ssyncadd.s32 $0xFFFFFFB0  }
0x8b: {  	_ =	swait.ge [sflag:s6], $0x50  }
0x8c: {  	[sflag:s6] =	ssyncset.done $0x0  }
0x8d: {  	[sflag:s6] =	ssyncadd.s32 $0xFFFFFFB0  }
0x8e: {  	[tilespmem:s9], [sflag:$0x7] =	stream.indirect.gather [hbm4b:s4+s8], $0x80, s16, s8, $0xb8;
	[tilespmem:$0x1B680] =	vst v63  }
0x8f: {  	s16 =	rddreg [dreg:$0x17]  }
0x90: {  	s30 =	sadd.s32 s29, s16;
	s16 =	rddreg [dreg:$0x16]  }
0x91: {  	[tilespmem:s17], [sflag:$0x5] =	stream.linear.gather [hbm4b:s30+s3], $0x50, $0x38;
	[tilespmem:$0x1B680] =	vst v63  }
0x92: {  	s30 =	sadd.s32 s29, s16  }
0x93: {  	[tilespmem:s18], [sflag:$0x5] =	stream.linear.gather [hbm4b:s30+s3], $0x50, $0x38;
	[tilespmem:$0x1B680] =	vst v63  }
0x94: {  	_ =	swait.ge [sflag:s19], $0x2800  }
0x95: {  	[sflag:s19] =	ssyncset.done $0x0  }
0x96: {  	[sflag:s19] =	ssyncadd.s32 $0xFFFFD800  }
0x97: {  	[spmem:s2] =	stream.indirect.scatter.add.f32 [tilespmem:s14], [sflag:$0xC], $0x80, s15, s8, $0xb8;
	[tilespmem:$0x1B680] =	vst v63  }
0x98: {  	_ =	swait.ge [sflag:s20], $0x2800  }
0x99: {  	[sflag:s20] =	ssyncset.done $0x0  }
0x9a: {  	[sflag:s20] =	ssyncadd.s32 $0xFFFFD800  }
0x9b: {  	_ =	swait.ge [sflag:s22], $0x50  }
0x9c: {  	p1 =	seq.s32 s29, $0x4B0;
	[sflag:s22] =	ssyncset.done $0x0  }
.Ltmp2:
0x9d: {  	[sflag:s22] =	ssyncadd.s32 $0xFFFFFFB0;
	(pc) =	sbr.rel @p1 .LBB2_4-.Ltmp2, $4  }
0x9e: {  	_ =	swait.ge [sflag:s22], $0x50  }
0x9f: {  	[sflag:s22] =	ssyncset.done $0x0  }
0xa0: {  	s15 =	simm.s32 $0x400;
	[sflag:s22] =	ssyncadd.s32 $0xFFFFFFB0  }
0xa1: {  	[tilespmem:s11], [sflag:$0x8] =	stream.indirect.gather [hbm4b:s4+s8], $0x80, s17, s8, $0xb8;
	[tilespmem:$0x1B680] =	vst v63  }
0xa2: {  	s30 =	rddreg [dreg:$0x15]  }
0xa3: {  	s0 =	simm.s32 $0x280;
	s16 =	rddreg [dreg:$0x14];
	s30 =	sadd.s32 s29, s30  }
0xa4: {  	[tilespmem:s0], [sflag:$0x6] =	stream.linear.gather [hbm4b:s30+s3], $0x50, $0x38;
	[tilespmem:$0x1B680] =	vst v63  }
0xa5: {  	s30 =	sadd.s32 s29, s16  }
0xa6: {  	[tilespmem:s25], [sflag:$0x6] =	stream.linear.gather [hbm4b:s30+s3], $0x50, $0x38;
	[tilespmem:$0x1B680] =	vst v63  }
0xa7: {  	_ =	swait.ge [sflag:s12], $0x2800  }
0xa8: {  	[sflag:s12] =	ssyncset.done $0x0  }
0xa9: {  	[sflag:s12] =	ssyncadd.s32 $0xFFFFD800  }
0xaa: {  	[spmem:s2] =	stream.indirect.scatter.add.f32 [tilespmem:s9], [sflag:$0xA], $0x80, s24, s8, $0xb8;
	[tilespmem:$0x1B680] =	vst v63  }
0xab: {  	_ =	swait.ge [sflag:s23], $0x2800  }
0xac: {  	[sflag:s23] =	ssyncset.done $0x0  }
0xad: {  	[sflag:s23] =	ssyncadd.s32 $0xFFFFD800  }
0xae: {  	_ =	swait.ge [sflag:s26], $0x50  }
0xaf: {  	[sflag:s26] =	ssyncset.done $0x0  }
0xb0: {  	[sflag:s26] =	ssyncadd.s32 $0xFFFFFFB0  }
0xb1: {  	_ =	swait.ge [sflag:s26], $0x50  }
0xb2: {  	[sflag:s26] =	ssyncset.done $0x0  }
0xb3: {  	[sflag:s26] =	ssyncadd.s32 $0xFFFFFFB0  }
0xb4: {  	[tilespmem:s14], [sflag:$0x9] =	stream.indirect.gather [hbm4b:s4+s8], $0x80, s0, s8, $0xb8;
	[tilespmem:$0x1B680] =	vst v63  }
0xb5: {  	s31 =	rddreg [dreg:$0x3];
	s0 =	sshrl.u32 s28, $0x3  }
0xb6: {  	s31 =	sadd.s32 s31, s0  }
0xb7: {  	[tilespmem:s3], [sflag:$0x1] =	stream.linear.gather [hbm4b:s31+s3], $0x50, $0x38;
	[tilespmem:$0x1B680] =	vst v63  }
0xb8: {  	s31 =	rddreg [dreg:$0x4]  }
0xb9: {  	s30 =	sadd.s32 s31, s0;
	s31 =	simm.s32 $0x300  }
0xba: {  	[tilespmem:s31], [sflag:$0x1] =	stream.linear.gather [hbm4b:s30+s3], $0x50, $0x38;
	[tilespmem:$0x1B680] =	vst v63  }
0xbb: {  	_ =	swait.ge [sflag:s21], $0x2800  }
0xbc: {  	[sflag:s21] =	ssyncset.done $0x0  }
0xbd: {  	[sflag:s21] =	ssyncadd.s32 $0xFFFFD800  }
0xbe: {  	[spmem:s2] =	stream.indirect.scatter.add.f32 [tilespmem:s11], [sflag:$0xB], $0x80, s18, s8, $0xb8;
	[tilespmem:$0x1B680] =	vst v63  }
0xbf: {  	_ =	swait.ge [sflag:s5], $0x2800  }
0xc0: {  	[sflag:s5] =	ssyncset.done $0x0  }
0xc1: {  	[sflag:s5] =	ssyncadd.s32 $0xFFFFD800  }
0xc2: {  	_ =	swait.ge [sflag:s7], $0x50  }
0xc3: {  	[sflag:s7] =	ssyncset.done $0x0  }
0xc4: {  	[sflag:s7] =	ssyncadd.s32 $0xFFFFFFB0  }
0xc5: {  	_ =	swait.ge [sflag:s7], $0x50  }
0xc6: {  	[sflag:s7] =	ssyncset.done $0x0  }
0xc7: {  	s1 =	rddreg [dreg:$0x12];
	[sflag:s7] =	ssyncadd.s32 $0xFFFFFFB0  }
0xc8: {  	[tilespmem:s9], [sflag:$0x7] =	stream.indirect.gather [hbm4b:s4+s8], $0x80, s3, s8, $0xb8;
	[tilespmem:$0x1B680] =	vst v63  }
0xc9: {  	s0 =	simm.s32 $0x80;
	s16 =	rddreg [dreg:$0x11];
	s30 =	sadd.s32 s29, s1  }
0xca: {  	[tilespmem:s0], [sflag:$0x2] =	stream.linear.gather [hbm4b:s30+s3], $0x50, $0x38;
	[tilespmem:$0x1B680] =	vst v63  }
0xcb: {  	s1 =	simm.s32 $0x380;
	s30 =	sadd.s32 s29, s16  }
0xcc: {  	[tilespmem:s1], [sflag:$0x2] =	stream.linear.gather [hbm4b:s30+s3], $0x50, $0x38;
	[tilespmem:$0x1B680] =	vst v63  }
0xcd: {  	_ =	swait.ge [sflag:s19], $0x2800  }
0xce: {  	[sflag:s19] =	ssyncset.done $0x0  }
0xcf: {  	[sflag:s19] =	ssyncadd.s32 $0xFFFFD800  }
0xd0: {  	[spmem:s2] =	stream.indirect.scatter.add.f32 [tilespmem:s14], [sflag:$0xC], $0x80, s25, s8, $0xb8;
	[tilespmem:$0x1B680] =	vst v63  }
0xd1: {  	_ =	swait.ge [sflag:s20], $0x2800  }
0xd2: {  	[sflag:s20] =	ssyncset.done $0x0  }
0xd3: {  	[sflag:s20] =	ssyncadd.s32 $0xFFFFD800  }
0xd4: {  	_ =	swait.ge [sflag:s10], $0x50  }
0xd5: {  	[sflag:s10] =	ssyncset.done $0x0  }
0xd6: {  	[sflag:s10] =	ssyncadd.s32 $0xFFFFFFB0  }
0xd7: {  	_ =	swait.ge [sflag:s10], $0x50  }
0xd8: {  	[sflag:s10] =	ssyncset.done $0x0  }
0xd9: {  	s15 =	simm.s32 $0x400;
	[sflag:s10] =	ssyncadd.s32 $0xFFFFFFB0  }
0xda: {  	[tilespmem:s11], [sflag:$0x8] =	stream.indirect.gather [hbm4b:s4+s8], $0x80, s0, s8, $0xb8;
	[tilespmem:$0x1B680] =	vst v63  }
.Ltmp3:
0xdb: {  	s28 =	sadd.s32 $0x1E0, s28;
	s16 =	rddreg [dreg:$0x10];
	(pc) =	sbr.rel .LBB2_2-.Ltmp3, $4  }
0xdc: {  	s1 =	simm.s32 $0x100;
	s30 =	sadd.s32 s29, s16;
	s16 =	rddreg [dreg:$0xf]  }
0xdd: {  	[tilespmem:s1], [sflag:$0x3] =	stream.linear.gather [hbm4b:s30+s3], $0x50, $0x38;
	[tilespmem:$0x1B680] =	vst v63  }
0xde: {  	s0 =	simm.s32 $0x380;
	s30 =	sadd.s32 s29, s16;
	s29 =	sadd.s32 $0x3C, s29  }
0xdf: {  	[tilespmem:s15], [sflag:$0x3] =	stream.linear.gather [hbm4b:s30+s3], $0x50, $0x38;
	[tilespmem:$0x1B680] =	vst v63  }
.LBB2_5:
0xe0: {  	_ =	sfence.sel $0x180000  }
0xe1: {  	[bflag:$0x0] =	sbarrier.arrive $0xFFFF  }
0xe2: {  	_ =	strace $0x90000050  }
0xe3: {  	s0 =	stileid.u32;
	[bflag:$0x2] =	sbarrier.arrive $0xFFFF  }
0xe4: {  	p0 =	sne.s32 s0, $0x0;
	s0 =	rddreg [dreg:$0x2]  }
0xe5: {  	s0 =	sadd.s32 @!p0 $0x100000, s0  }
0xe6: {  	[sflag:s0] =	ssyncadd.tile.s32 @!p0 $0x1;
	_ =	shalt  }
.Lfunc_end2:
_tile_overlayer_lowered:
.L_overlay_start_2:
0xe7: {  	(tag) =	ssettag $0x2  }
0xe8: {  	s0 =	rddreg [dreg:$0x0];
	s2 =	stileid.u32  }
0xe9: {  	s1 =	rddreg [dreg:$0x1];
	p0 =	sne.s32 s2, $0x0  }
0xea: {  	s3 =	rddreg [dreg:$0x2];
	[bflag:$0x3] =	sbarrier.arrive $0xFFFF;
	s2 =	simm.s32 @!p0 $0x1C0D  }
0xeb: {  	[timem:s3], [sflag:s2] =	dma.local @!p0 [hbm:s0], s1  }
0xec: {  	s0 =	simm.s32 @!p0 $0xD  }
0xed: {  	_ =	swait.ge @!p0 [sflag:s0], s1  }
0xee: {  	s1 =	ssub.s32 @!p0 $0x0, s1;
	[sflag:s0] =	ssyncset.done @!p0 $0x0  }
0xef: {  	[sflag:s0] =	ssyncadd.s32 @!p0 s1  }
0xf0: {  	[bflag:$0x3] =	sbarrier.arrive $0xFFFF  }
0xf1: {  	_ =	shalt  }

</sc_bundles>
